<compile_context>
chip_gen: v7x
topology: tpu7x:2x2x1
jax: 0.10.2.dev20260603
libtpu: 0.0.44.dev20260713+nightly
codegen_flags: <defaults>
</compile_context>

<pallas_src>
import jax
import jax.numpy as jnp
import numpy as np
from jax import lax
from jax.experimental import pallas as pl
from jax.experimental.pallas import tpu as pltpu
from jax.experimental.pallas import tpu_sc as plsc

V = 50000
P = 100000
D = 128
NV = 4
NC = 32
EPS = 1e-5

NW = 32
CHUNK = 128
TREAL = (P + CHUNK - 1) // CHUNK
TAIL = TREAL - 1
TAILN = P - TAIL * CHUNK
T0 = 32
T1 = 18
IDXROWS = TREAL * 4
TW = 48
BN = NC
TCOL = NC + 8

NB = 10
VB = V // NB


def _group_avg_matrix(C, G, Vn):
    gid = np.arange(C) // (C // G)
    A = (gid[:, None] == gid[None, :]).astype(np.float32) / (Vn * (C // G))
    return jnp.asarray(A)


def _matmul_t(x, W):
    return lax.dot_general(x, W, (((1,), (1,)), ((), ())),
                           preferred_element_type=jnp.float32)


def _finalize_stats(acc, A):
    meanb = jnp.dot(acc[0:1, :], A, preferred_element_type=jnp.float32)
    ex2b = jnp.dot(acc[1:2, :], A, preferred_element_type=jnp.float32)
    rstd = lax.rsqrt(ex2b - meanb * meanb + EPS)
    return jnp.concatenate([meanb, rstd], axis=0)


def _accum_stats(acc_ref, y):
    i = pl.program_id(0)

    @pl.when(i == 0)
    def _():
        acc_ref[...] = jnp.zeros_like(acc_ref)

    acc_ref[...] += jnp.concatenate(
        [jnp.sum(y, axis=0, keepdims=True),
         jnp.sum(y * y, axis=0, keepdims=True)], axis=0)


def _gn_apply(x, st_ref, g_ref, b_ref):
    xn = (x - st_ref[0:1, :]) * st_ref[1:2, :]
    return jnp.maximum(xn * g_ref[...] + b_ref[...], 0.0)


def _tc_stats0(lv_ref, A_ref, st_ref, acc):
    _accum_stats(acc, lv_ref[...])

    @pl.when(pl.program_id(0) == NB - 1)
    def _():
        st_ref[...] = _finalize_stats(acc[...], A_ref[...])


def _tc_stage0(lv_ref, st_ref, g_ref, b_ref, W_ref, cls_W_ref, A_ref,
               x0_ref, lvcls_ref, st1_ref, acc):
    lv = lv_ref[...]
    lvcls_ref[...] = _matmul_t(lv, cls_W_ref[...])
    y = _matmul_t(_gn_apply(lv, st_ref, g_ref, b_ref), W_ref[...])
    x0_ref[...] = y
    _accum_stats(acc, y)

    @pl.when(pl.program_id(0) == NB - 1)
    def _():
        st1_ref[...] = _finalize_stats(acc[...], A_ref[...])


def _tc_stage1(x0_ref, st_ref, g_ref, b_ref, W_ref, A_ref,
               x1_ref, st2_ref, acc):
    y = _matmul_t(_gn_apply(x0_ref[...], st_ref, g_ref, b_ref), W_ref[...])
    x1_ref[...] = y
    _accum_stats(acc, y)

    @pl.when(pl.program_id(0) == NB - 1)
    def _():
        st2_ref[...] = _finalize_stats(acc[...], A_ref[...])


def _tc_stage2(x1_ref, lvcls_ref, st_ref, g_ref, b_ref, W_ref, tab_ref):
    big16 = _matmul_t(_gn_apply(x1_ref[...], st_ref, g_ref, b_ref), W_ref[...])
    tab_ref[:, 0:NC] = lvcls_ref[...]
    tab_ref[:, NC:TW] = big16


def _sc_body(tab_hbm, idx_hbm, bary_hbm, scal_hbm, clsb_hbm,
             out_hbm,
             idx_v0, idx_v1, bary_v0, bary_v1, tab_v0, tab_v1,
             w_v, out_v0, out_v1, scal_v, clsb_v,
             sem_g0, sem_g1, sem_i0, sem_i1, sem_o0, sem_o1):
    cidx = lax.axis_index("c")
    sidx = lax.axis_index("s")
    chunk0 = jnp.where(cidx == 0, T0 * sidx, 16 * T0 + T1 * sidx)
    nloc = jnp.where(cidx == 0, T0,
                     jnp.maximum(0, jnp.minimum(T1, TREAL - chunk0)))
    idx_v = [idx_v0, idx_v1]
    bary_v = [bary_v0, bary_v1]
    tab_v = [tab_v0, tab_v1]
    out_v = [out_v0, out_v1]
    sem_g = [sem_g0, sem_g1]
    sem_i = [sem_i0, sem_i1]
    sem_o = [sem_o0, sem_o1]

    pltpu.sync_copy(scal_hbm, scal_v)
    pltpu.sync_copy(clsb_hbm, clsb_v)
    sv = scal_v[...]
    lanes = lax.iota(jnp.int32, 16)

    def lane(k):
        return jnp.sum(jnp.where(lanes == k, sv, 0.0))

    u = [lane(j) for j in range(8)]
    u8 = lane(8)
    c0 = lane(9)
    one8 = lane(10)
    cb0 = clsb_v[pl.ds(0, 16)]
    cb1 = clsb_v[pl.ds(16, 16)]

    def flat_start(g):
        t = chunk0 + g
        return jnp.where(t == TAIL, 512 * TAIL - (512 - 4 * TAILN), 512 * t)

    def idx_copy(g, b):
        return pltpu.make_async_copy(
            idx_hbm.at[pl.ds(flat_start(g), 512)], idx_v[b], sem_i[b])

    def gather_copies(g, b):
        cps = [pltpu.make_async_copy(
            tab_hbm.at[idx_v[b].at[pl.ds(k * 128, 128)]],
            tab_v[b].at[pl.ds(k * 128, 128)], sem_g[b]) for k in range(4)]
        cps.append(pltpu.make_async_copy(
            bary_hbm.at[pl.ds(flat_start(g), 512)], bary_v[b], sem_g[b]))
        return cps

    def out_full(g, b):
        return pltpu.make_async_copy(
            out_v[b], out_hbm.at[pl.ds((chunk0 + g) * CHUNK, CHUNK)],
            sem_o[b])

    def out_tail(b):
        return pltpu.make_async_copy(
            out_v[b].at[pl.ds(CHUNK - TAILN, TAILN)],
            out_hbm.at[pl.ds(P - TAILN, TAILN)], sem_o[b])

    def out_start(g, b):
        @pl.when(chunk0 + g != TAIL)
        def _():
            out_full(g, b).start()

        @pl.when(chunk0 + g == TAIL)
        def _():
            out_tail(b).start()

    def out_wait(g, b):
        @pl.when(chunk0 + g != TAIL)
        def _():
            out_full(g, b).wait()

        @pl.when(chunk0 + g == TAIL)
        def _():
            out_tail(b).wait()

    @pl.when(nloc > 0)
    def _():
        idx_copy(0, 0).start()
        idx_copy(0, 0).wait()
        for cp in gather_copies(0, 0):
            cp.start()
        idx_copy(1, 1).start()

    def compute(g, b):
        tabv = tab_v[b]
        barv = bary_v[b]
        outv = out_v[b]

        def groupA(gg, _):
            pos16 = gg * 16 + lanes
            rows = 4 * pos16
            bvec = [plsc.load_gather(barv, [rows + i]) for i in range(4)]
            mb = jnp.maximum(jnp.maximum(bvec[0], bvec[1]),
                             jnp.maximum(bvec[2], bvec[3]))
            tvec = []
            mj = [None] * 8
            for i in range(4):
                ri = rows + i
                tvec.append(plsc.load_gather(
                    tabv, [ri, jnp.full((16,), TCOL, jnp.int32)]))
                for j in range(8):
                    vij = plsc.load_gather(
                        tabv, [ri, jnp.full((16,), BN + j, jnp.int32)])
                    mj[j] = vij if i == 0 else jnp.maximum(mj[j], vij)
            s = u[0] * mj[0]
            for j in range(1, 8):
                s = s + u[j] * mj[j]
            Cp = c0 - s - u8 * mb
            for i in range(4):
                w_v[i, pl.ds(gg * 16, 16)] = one8 * bvec[i] + tvec[i] + Cp
            return 0

        lax.fori_loop(0, CHUNK // 16, groupA, 0, unroll=2)

        def posB(c, _):
            acc0 = cb0
            acc1 = cb1
            for i in range(4):
                fi = 4 * c + i
                wv = plsc.load_gather(
                    w_v, [jnp.full((16,), i, jnp.int32),
                          jnp.full((16,), c, jnp.int32)])
                acc0 = acc0 + wv * tabv[fi, pl.ds(0, 16)]
                acc1 = acc1 + wv * tabv[fi, pl.ds(16, 16)]
            outv[c, pl.ds(0, 16)] = acc0
            outv[c, pl.ds(16, 16)] = acc1
            return 0

        lax.fori_loop(0, CHUNK, posB, 0, unroll=4)

    def process(g, b):
        @pl.when(g + 1 < nloc)
        def _():
            idx_copy(g + 1, 1 - b).wait()
            for cp in gather_copies(g + 1, 1 - b):
                cp.start()

        @pl.when(g >= 2)
        def _():
            out_wait(g - 2, b)

        for cp in gather_copies(g, b):
            cp.wait()
        compute(g, b)

        @pl.when(g + 2 < nloc)
        def _():
            idx_copy(g + 2, b).start()

        out_start(g, b)

    def pair(gp, _):
        for par in range(2):
            g2 = 2 * gp + par

            @pl.when(g2 < nloc)
            def _():
                process(g2, par)
        return 0

    lax.fori_loop(0, T0 // 2, pair, 0)

    @pl.when(nloc > 0)
    def _():
        out_wait(nloc - 2, 0)
        out_wait(nloc - 1, 1)


def kernel(lv, splat_indices, barycentric, positions,
           gn0_gamma, gn0_beta, lin0_W,
           gn1_gamma, gn1_beta, lin1_W,
           gnb_gamma, gnb_beta, linb_W,
           gamma, beta, dW_W, dW_b, cls_W, cls_b):
    A0 = _group_avg_matrix(D, 32, V)
    A2 = _group_avg_matrix(D // 2, 32, V)
    Wbig = jnp.concatenate(
        [linb_W, (dW_W[0, :8] @ linb_W)[None, :],
         jnp.zeros((7, D // 2), jnp.float32)], axis=0)
    u = dW_W[0, :] * gamma
    c0 = dW_b[0] - jnp.dot(dW_W[0, :], beta)
    one8 = 1.0 + dW_W[0, 8]
    scal16 = jnp.concatenate(
        [u, c0[None], one8[None], jnp.zeros((5,), jnp.float32)])


    def row(c):
        return pl.BlockSpec((VB, c), lambda i: (i, 0))

    def full(r, c):
        return pl.BlockSpec((r, c), lambda i: (0, 0))

    f32 = jnp.float32
    idx1d = splat_indices.reshape(-1)
    bary1d = barycentric.reshape(-1)

    st0 = pl.pallas_call(
        _tc_stats0, grid=(NB,),
        in_specs=[row(D), full(D, D)],
        out_specs=full(2, D),
        out_shape=jax.ShapeDtypeStruct((2, D), f32),
        scratch_shapes=[pltpu.VMEM((2, D), f32)],
    )(lv, A0)

    x0, lvcls, st1 = pl.pallas_call(
        _tc_stage0, grid=(NB,),
        in_specs=[row(D), full(2, D), full(1, D), full(1, D),
                  full(D, D), full(NC, D), full(D, D)],
        out_specs=(row(D), row(NC), full(2, D)),
        out_shape=(jax.ShapeDtypeStruct((V, D), f32),
                   jax.ShapeDtypeStruct((V, NC), f32),
                   jax.ShapeDtypeStruct((2, D), f32)),
        scratch_shapes=[pltpu.VMEM((2, D), f32)],
    )(lv, st0, gn0_gamma.reshape(1, D), gn0_beta.reshape(1, D),
      lin0_W, cls_W, A0)

    x1, st2 = pl.pallas_call(
        _tc_stage1, grid=(NB,),
        in_specs=[row(D), full(2, D), full(1, D), full(1, D),
                  full(D // 2, D), full(D // 2, D // 2)],
        out_specs=(row(D // 2), full(2, D // 2)),
        out_shape=(jax.ShapeDtypeStruct((V, D // 2), f32),
                   jax.ShapeDtypeStruct((2, D // 2), f32)),
        scratch_shapes=[pltpu.VMEM((2, D // 2), f32)],
    )(x0, st1, gn1_gamma.reshape(1, D), gn1_beta.reshape(1, D),
      lin1_W, A2)

    tab128 = pl.pallas_call(
        _tc_stage2, grid=(NB,),
        in_specs=[row(D // 2), row(NC), full(2, D // 2), full(1, D // 2),
                  full(1, D // 2), full(16, D // 2)],
        out_specs=row(TW),
        out_shape=jax.ShapeDtypeStruct((V, TW), f32),
    )(x1, lvcls, st2, gnb_gamma.reshape(1, D // 2),
      gnb_beta.reshape(1, D // 2), Wbig)
    tab = tab128

    mesh = plsc.VectorSubcoreMesh(core_axis_name="c", subcore_axis_name="s")
    sc = pl.kernel(
        _sc_body, mesh=mesh,
        compiler_params=pltpu.CompilerParams(needs_layout_passes=False,
                                             use_tc_tiling_on_sc=False),
        out_type=jax.ShapeDtypeStruct((P, NC), jnp.float32),
        scratch_types=[
            pltpu.VMEM((512,), jnp.int32),
            pltpu.VMEM((512,), jnp.int32),
            pltpu.VMEM((512,), jnp.float32),
            pltpu.VMEM((512,), jnp.float32),
            pltpu.VMEM((4 * CHUNK, TW), jnp.float32),
            pltpu.VMEM((4 * CHUNK, TW), jnp.float32),
            pltpu.VMEM((4, CHUNK), jnp.float32),
            pltpu.VMEM((CHUNK, NC), jnp.float32),
            pltpu.VMEM((CHUNK, NC), jnp.float32),
            pltpu.VMEM((16,), jnp.float32),
            pltpu.VMEM((NC,), jnp.float32),
            pltpu.SemaphoreType.DMA,
            pltpu.SemaphoreType.DMA,
            pltpu.SemaphoreType.DMA,
            pltpu.SemaphoreType.DMA,
            pltpu.SemaphoreType.DMA,
            pltpu.SemaphoreType.DMA,
        ])
    return sc(tab, idx1d, bary1d, scal16, cls_b)

# --- scband reference (transcript-rebuilt; emitter-appended) ---
"""Pipeline reference for scband-slice-fast-cudalattice-module-25400436588645 (READ-ONLY COPY).

The authoritative reference and input builder live on the scoring server;
editing this copy changes nothing except your own understanding.
"""

import jax, jax.numpy as jnp
import numpy as np

V = 50000      # nr lattice vertices
P = 100000     # nr positions
D = 128        # val_dim
PD = 3         # pos_dim
NV = PD + 1    # vertices per simplex
BOT = 8        # bottleneck size
NC = 32        # nr_classes
EPS = 1e-5


def _group_norm(x, gamma, beta, num_groups=32):
    # Faithful to torch GroupNorm applied on [1, C, V]: normalize per group
    # over all vertices and channels within the group.
    Vn, C = x.shape
    G = num_groups
    xr = x.reshape(Vn, G, C // G)
    mean = xr.mean(axis=(0, 2), keepdims=True)
    var = xr.var(axis=(0, 2), keepdims=True)
    xn = (xr - mean) / jnp.sqrt(var + EPS)
    xn = xn.reshape(Vn, C)
    return xn * gamma + beta


def _gn_relu_1x1(x, g, b, W):
    x = _group_norm(x, g, b, 32)
    x = jax.nn.relu(x)
    return x @ W.T


def setup_inputs(seed: int = 0) -> dict:
    key = jax.random.key(seed)
    ks = jax.random.split(key, 12)
    lv = jax.random.normal(ks[0], (V, D), dtype=jnp.float32)
    splat_indices = jax.random.randint(ks[1], (P, NV), 0, V, dtype=jnp.int32)
    barycentric = jax.random.uniform(ks[2], (P, NV), dtype=jnp.float32)
    positions = jax.random.normal(ks[3], (P, PD), dtype=jnp.float32)
    # stepdown[0]: GnRelu1x1(D, bias=False)
    gn0_gamma = jnp.ones((D,), jnp.float32)
    gn0_beta = jnp.zeros((D,), jnp.float32)
    lin0_W = jax.random.normal(ks[4], (D, D), dtype=jnp.float32) * np.sqrt(2.0 / D)
    # stepdown[1]: GnRelu1x1(D//2, bias=False)
    gn1_gamma = jnp.ones((D,), jnp.float32)
    gn1_beta = jnp.zeros((D,), jnp.float32)
    lin1_W = jax.random.normal(ks[5], (D // 2, D), dtype=jnp.float32) * np.sqrt(2.0 / D)
    # bottleneck: GnRelu1x1(8, bias=False)
    gnb_gamma = jnp.ones((D // 2,), jnp.float32)
    gnb_beta = jnp.zeros((D // 2,), jnp.float32)
    linb_W = jax.random.normal(ks[6], (BOT, D // 2), dtype=jnp.float32) * np.sqrt(2.0 / (D // 2))
    # learned max-subtraction params (val_dim_of_each_vertex = BOT + 1)
    gamma = jnp.ones((BOT + 1,), jnp.float32)
    beta = jnp.zeros((BOT + 1,), jnp.float32)
    # linear_deltaW: (BOT+1) -> 1, kaiming uniform * 0.1, zero bias
    dW_W = jax.random.normal(ks[7], (1, BOT + 1), dtype=jnp.float32) * (np.sqrt(2.0 / (BOT + 1)) * 0.1)
    dW_b = jnp.zeros((1,), jnp.float32)
    # linear_clasify: D -> NC
    cls_W = jax.random.normal(ks[8], (NC, D), dtype=jnp.float32) * (1.0 / np.sqrt(D))
    cls_b = jnp.zeros((NC,), jnp.float32)
    return {
        'lv': lv, 'splat_indices': splat_indices, 'barycentric': barycentric,
        'positions': positions,
        'gn0_gamma': gn0_gamma, 'gn0_beta': gn0_beta, 'lin0_W': lin0_W,
        'gn1_gamma': gn1_gamma, 'gn1_beta': gn1_beta, 'lin1_W': lin1_W,
        'gnb_gamma': gnb_gamma, 'gnb_beta': gnb_beta, 'linb_W': linb_W,
        'gamma': gamma, 'beta': beta, 'dW_W': dW_W, 'dW_b': dW_b,
        'cls_W': cls_W, 'cls_b': cls_b,
    }


def reference(lv, splat_indices, barycentric, positions,
              gn0_gamma, gn0_beta, lin0_W,
              gn1_gamma, gn1_beta, lin1_W,
              gnb_gamma, gnb_beta, linb_W,
              gamma, beta, dW_W, dW_b, cls_W, cls_b):
    nr_positions = positions.shape[0]
    # stepdown (2x GnRelu1x1) then bottleneck -> [V, 8]
    x = _gn_relu_1x1(lv, gn0_gamma, gn0_beta, lin0_W)        # [V, D]
    x = _gn_relu_1x1(x, gn1_gamma, gn1_beta, lin1_W)          # [V, D/2]
    lv_bottleneck = _gn_relu_1x1(x, gnb_gamma, gnb_beta, linb_W)  # [V, 8]
    # GatherLattice: per position, per simplex vertex -> [vertex values, barycentric]
    gathered = lv_bottleneck[splat_indices]                   # [P, 4, 8]
    rowified = jnp.concatenate([gathered, barycentric[..., None]], axis=-1)  # [P, 4, 9]
    max_vals = rowified.max(axis=1, keepdims=True)            # [P, 1, 9]
    rowified = rowified - (gamma * max_vals + beta)
    delta_weights = (rowified @ dW_W.T + dW_b).reshape(nr_positions, NV)  # [P, 4]
    # SliceClassifyLattice: weighted slice with deformed barycentric weights + classify
    w = barycentric + delta_weights                           # [P, 4]
    gathered_full = lv[splat_indices]                         # [P, 4, D]
    sliced = (gathered_full * w[..., None]).sum(axis=1)       # [P, D]
    classes_logits = sliced @ cls_W.T + cls_b                 # [P, NC]
    return classes_logits

if __name__ == "__main__":
    import jax
    _d = setup_inputs()
    print(jax.jit(kernel)(*tuple(_d.values())))

</pallas_src>

<mosaic_0001>
#map = affine_map<(d0, d1) -> (0, 0)>
#map1 = affine_map<(d0, d1) -> (0)>
module attributes {stable_mosaic.version = 14 : i64} {
  func.func @_sc_body(%arg0: i32, %arg1: i32, %arg2: memref<50000x48xf32, #tpu.memory_space<hbm>>, %arg3: memref<400000xi32, #tpu.memory_space<hbm>>, %arg4: memref<400000xf32, #tpu.memory_space<hbm>>, %arg5: memref<16xf32, #tpu.memory_space<hbm>>, %arg6: memref<32xf32, #tpu.memory_space<hbm>>, %arg7: memref<100000x32xf32, #tpu.memory_space<hbm>>, %arg8: memref<512xi32, #tpu.memory_space<vmem>>, %arg9: memref<512xi32, #tpu.memory_space<vmem>>, %arg10: memref<512xf32, #tpu.memory_space<vmem>>, %arg11: memref<512xf32, #tpu.memory_space<vmem>>, %arg12: memref<512x48xf32, #tpu.memory_space<vmem>>, %arg13: memref<512x48xf32, #tpu.memory_space<vmem>>, %arg14: memref<4x128xf32, #tpu.memory_space<vmem>>, %arg15: memref<128x32xf32, #tpu.memory_space<vmem>>, %arg16: memref<128x32xf32, #tpu.memory_space<vmem>>, %arg17: memref<16xf32, #tpu.memory_space<vmem>>, %arg18: memref<32xf32, #tpu.memory_space<vmem>>, %arg19: memref<!tpu.dma_semaphore, #tpu.memory_space<semaphore_mem>>, %arg20: memref<!tpu.dma_semaphore, #tpu.memory_space<semaphore_mem>>, %arg21: memref<!tpu.dma_semaphore, #tpu.memory_space<semaphore_mem>>, %arg22: memref<!tpu.dma_semaphore, #tpu.memory_space<semaphore_mem>>, %arg23: memref<!tpu.dma_semaphore, #tpu.memory_space<semaphore_mem>>, %arg24: memref<!tpu.dma_semaphore, #tpu.memory_space<semaphore_mem>>) attributes {dimension_semantics = [#tpu.dimension_semantics<core_parallel>, #tpu.dimension_semantics<subcore_parallel>], iteration_bounds = array<i64: 2, 16>, scalar_prefetch = 0 : i64, scratch_operands = 17 : i64, tpu.core_type = #tpu.core_type<sc_vector_subcore>, window_params = [{transform_indices = #map}, {transform_indices = #map1}, {transform_indices = #map1}, {transform_indices = #map1}, {transform_indices = #map1}, {transform_indices = #map}]} {
    %eq3A = arith.constant 0 : i32
    %eq3A_0 = arith.cmpi eq, %arg0, %eq3A : i32
    %mul3A = arith.constant 32 : i32
    %mul3A_1 = arith.muli %mul3A, %arg1 : i32
    %mul3A_2 = arith.constant 18 : i32
    %mul3A_3 = arith.muli %mul3A_2, %arg1 : i32
    %add3A = arith.constant 512 : i32
    %add3A_4 = arith.addi %add3A, %mul3A_3 : i32
    %select_n3A = arith.select %eq3A_0, %mul3A_1, %add3A_4 : i32
    %eq3A_5 = arith.constant 0 : i32
    %eq3A_6 = arith.cmpi eq, %arg0, %eq3A_5 : i32
    %sub3A = arith.constant 782 : i32
    %sub3A_7 = arith.subi %sub3A, %select_n3A : i32
    %min3A = arith.constant 18 : i32
    %min3A_8 = arith.minsi %min3A, %sub3A_7 : i32
    %max3A = arith.constant 0 : i32
    %max3A_9 = arith.maxsi %max3A, %min3A_8 : i32
    %jit3A = arith.constant 32 : i32
    %select_n3A_10 = arith.select %eq3A_6, %jit3A, %max3A_9 : i32
    "tpu.region"() ({
      %run_scoped3A = tpu.sem_alloc : memref<!tpu.dma_semaphore, #tpu.memory_space<semaphore_mem>>
      tpu.enqueue_dma source(%arg5 : memref<16xf32, #tpu.memory_space<hbm>>) target(%arg17 : memref<16xf32, #tpu.memory_space<vmem>>) target_semaphore(%run_scoped3A : memref<!tpu.dma_semaphore, #tpu.memory_space<semaphore_mem>>)
      tpu.wait_dma2 semaphore(%run_scoped3A : memref<!tpu.dma_semaphore, #tpu.memory_space<semaphore_mem>>) src(%arg5 : memref<16xf32, #tpu.memory_space<hbm>>) dst(%arg17 : memref<16xf32, #tpu.memory_space<vmem>>)
      tpu.yield
    }) : () -> ()
    "tpu.region"() ({
      %run_scoped3A = tpu.sem_alloc : memref<!tpu.dma_semaphore, #tpu.memory_space<semaphore_mem>>
      tpu.enqueue_dma source(%arg6 : memref<32xf32, #tpu.memory_space<hbm>>) target(%arg18 : memref<32xf32, #tpu.memory_space<vmem>>) target_semaphore(%run_scoped3A : memref<!tpu.dma_semaphore, #tpu.memory_space<semaphore_mem>>)
      tpu.wait_dma2 semaphore(%run_scoped3A : memref<!tpu.dma_semaphore, #tpu.memory_space<semaphore_mem>>) src(%arg6 : memref<32xf32, #tpu.memory_space<hbm>>) dst(%arg18 : memref<32xf32, #tpu.memory_space<vmem>>)
      tpu.yield
    }) : () -> ()
    %get3A = arith.constant 0 : index
    %get3A_11 = tpu.vector_load %arg17[%get3A] {strides = array<i32>} : memref<16xf32, #tpu.memory_space<vmem>>, vector<16xf32>,
    %iota3A = tpu.iota {dimensions = array<i32: 0>} : vector<16xi32>
    %eq3A_12 = arith.constant 0 : i32
    %eq3A_13 = vector.broadcast %eq3A_12 : i32 to vector<16xi32>
    %eq3A_14 = arith.cmpi eq, %iota3A, %eq3A_13 : vector<16xi32>
    %jit3A_15 = arith.constant 0.000000e+00 : f32
    %broadcast_in_dim3A = vector.broadcast %jit3A_15 : f32 to vector<16xf32>
    %select_n3A_16 = arith.select %eq3A_14, %get3A_11, %broadcast_in_dim3A : vector<16xi1>, vector<16xf32>
    %reduce_sum3A = arith.constant true
    %reduce_sum3A_17 = vector.broadcast %reduce_sum3A : i1 to vector<16xi1>
    %reduce_sum3A_18 = tpu.scan <sum>, %select_n3A_16 masked %reduce_sum3A_17 : vector<16xf32>, vector<16xi1> -> vector<16xf32>
    %reduce_sum3A_19 = vector.extract %reduce_sum3A_18[15] : f32 from vector<16xf32>
    %eq3A_20 = arith.constant 1 : i32
    %eq3A_21 = vector.broadcast %eq3A_20 : i32 to vector<16xi32>
    %eq3A_22 = arith.cmpi eq, %iota3A, %eq3A_21 : vector<16xi32>
    %jit3A_23 = arith.constant 0.000000e+00 : f32
    %broadcast_in_dim3A_24 = vector.broadcast %jit3A_23 : f32 to vector<16xf32>
    %select_n3A_25 = arith.select %eq3A_22, %get3A_11, %broadcast_in_dim3A_24 : vector<16xi1>, vector<16xf32>
    %reduce_sum3A_26 = arith.constant true
    %reduce_sum3A_27 = vector.broadcast %reduce_sum3A_26 : i1 to vector<16xi1>
    %reduce_sum3A_28 = tpu.scan <sum>, %select_n3A_25 masked %reduce_sum3A_27 : vector<16xf32>, vector<16xi1> -> vector<16xf32>
    %reduce_sum3A_29 = vector.extract %reduce_sum3A_28[15] : f32 from vector<16xf32>
    %eq3A_30 = arith.constant 2 : i32
    %eq3A_31 = vector.broadcast %eq3A_30 : i32 to vector<16xi32>
    %eq3A_32 = arith.cmpi eq, %iota3A, %eq3A_31 : vector<16xi32>
    %jit3A_33 = arith.constant 0.000000e+00 : f32
    %broadcast_in_dim3A_34 = vector.broadcast %jit3A_33 : f32 to vector<16xf32>
    %select_n3A_35 = arith.select %eq3A_32, %get3A_11, %broadcast_in_dim3A_34 : vector<16xi1>, vector<16xf32>
    %reduce_sum3A_36 = arith.constant true
    %reduce_sum3A_37 = vector.broadcast %reduce_sum3A_36 : i1 to vector<16xi1>
    %reduce_sum3A_38 = tpu.scan <sum>, %select_n3A_35 masked %reduce_sum3A_37 : vector<16xf32>, vector<16xi1> -> vector<16xf32>
    %reduce_sum3A_39 = vector.extract %reduce_sum3A_38[15] : f32 from vector<16xf32>
    %eq3A_40 = arith.constant 3 : i32
    %eq3A_41 = vector.broadcast %eq3A_40 : i32 to vector<16xi32>
    %eq3A_42 = arith.cmpi eq, %iota3A, %eq3A_41 : vector<16xi32>
    %jit3A_43 = arith.constant 0.000000e+00 : f32
    %broadcast_in_dim3A_44 = vector.broadcast %jit3A_43 : f32 to vector<16xf32>
    %select_n3A_45 = arith.select %eq3A_42, %get3A_11, %broadcast_in_dim3A_44 : vector<16xi1>, vector<16xf32>
    %reduce_sum3A_46 = arith.constant true
    %reduce_sum3A_47 = vector.broadcast %reduce_sum3A_46 : i1 to vector<16xi1>
    %reduce_sum3A_48 = tpu.scan <sum>, %select_n3A_45 masked %reduce_sum3A_47 : vector<16xf32>, vector<16xi1> -> vector<16xf32>
    %reduce_sum3A_49 = vector.extract %reduce_sum3A_48[15] : f32 from vector<16xf32>
    %eq3A_50 = arith.constant 4 : i32
    %eq3A_51 = vector.broadcast %eq3A_50 : i32 to vector<16xi32>
    %eq3A_52 = arith.cmpi eq, %iota3A, %eq3A_51 : vector<16xi32>
    %jit3A_53 = arith.constant 0.000000e+00 : f32
    %broadcast_in_dim3A_54 = vector.broadcast %jit3A_53 : f32 to vector<16xf32>
    %select_n3A_55 = arith.select %eq3A_52, %get3A_11, %broadcast_in_dim3A_54 : vector<16xi1>, vector<16xf32>
    %reduce_sum3A_56 = arith.constant true
    %reduce_sum3A_57 = vector.broadcast %reduce_sum3A_56 : i1 to vector<16xi1>
    %reduce_sum3A_58 = tpu.scan <sum>, %select_n3A_55 masked %reduce_sum3A_57 : vector<16xf32>, vector<16xi1> -> vector<16xf32>
    %reduce_sum3A_59 = vector.extract %reduce_sum3A_58[15] : f32 from vector<16xf32>
    %eq3A_60 = arith.constant 5 : i32
    %eq3A_61 = vector.broadcast %eq3A_60 : i32 to vector<16xi32>
    %eq3A_62 = arith.cmpi eq, %iota3A, %eq3A_61 : vector<16xi32>
    %jit3A_63 = arith.constant 0.000000e+00 : f32
    %broadcast_in_dim3A_64 = vector.broadcast %jit3A_63 : f32 to vector<16xf32>
    %select_n3A_65 = arith.select %eq3A_62, %get3A_11, %broadcast_in_dim3A_64 : vector<16xi1>, vector<16xf32>
    %reduce_sum3A_66 = arith.constant true
    %reduce_sum3A_67 = vector.broadcast %reduce_sum3A_66 : i1 to vector<16xi1>
    %reduce_sum3A_68 = tpu.scan <sum>, %select_n3A_65 masked %reduce_sum3A_67 : vector<16xf32>, vector<16xi1> -> vector<16xf32>
    %reduce_sum3A_69 = vector.extract %reduce_sum3A_68[15] : f32 from vector<16xf32>
    %eq3A_70 = arith.constant 6 : i32
    %eq3A_71 = vector.broadcast %eq3A_70 : i32 to vector<16xi32>
    %eq3A_72 = arith.cmpi eq, %iota3A, %eq3A_71 : vector<16xi32>
    %jit3A_73 = arith.constant 0.000000e+00 : f32
    %broadcast_in_dim3A_74 = vector.broadcast %jit3A_73 : f32 to vector<16xf32>
    %select_n3A_75 = arith.select %eq3A_72, %get3A_11, %broadcast_in_dim3A_74 : vector<16xi1>, vector<16xf32>
    %reduce_sum3A_76 = arith.constant true
    %reduce_sum3A_77 = vector.broadcast %reduce_sum3A_76 : i1 to vector<16xi1>
    %reduce_sum3A_78 = tpu.scan <sum>, %select_n3A_75 masked %reduce_sum3A_77 : vector<16xf32>, vector<16xi1> -> vector<16xf32>
    %reduce_sum3A_79 = vector.extract %reduce_sum3A_78[15] : f32 from vector<16xf32>
    %eq3A_80 = arith.constant 7 : i32
    %eq3A_81 = vector.broadcast %eq3A_80 : i32 to vector<16xi32>
    %eq3A_82 = arith.cmpi eq, %iota3A, %eq3A_81 : vector<16xi32>
    %jit3A_83 = arith.constant 0.000000e+00 : f32
    %broadcast_in_dim3A_84 = vector.broadcast %jit3A_83 : f32 to vector<16xf32>
    %select_n3A_85 = arith.select %eq3A_82, %get3A_11, %broadcast_in_dim3A_84 : vector<16xi1>, vector<16xf32>
    %reduce_sum3A_86 = arith.constant true
    %reduce_sum3A_87 = vector.broadcast %reduce_sum3A_86 : i1 to vector<16xi1>
    %reduce_sum3A_88 = tpu.scan <sum>, %select_n3A_85 masked %reduce_sum3A_87 : vector<16xf32>, vector<16xi1> -> vector<16xf32>
    %reduce_sum3A_89 = vector.extract %reduce_sum3A_88[15] : f32 from vector<16xf32>
    %eq3A_90 = arith.constant 8 : i32
    %eq3A_91 = vector.broadcast %eq3A_90 : i32 to vector<16xi32>
    %eq3A_92 = arith.cmpi eq, %iota3A, %eq3A_91 : vector<16xi32>
    %jit3A_93 = arith.constant 0.000000e+00 : f32
    %broadcast_in_dim3A_94 = vector.broadcast %jit3A_93 : f32 to vector<16xf32>
    %select_n3A_95 = arith.select %eq3A_92, %get3A_11, %broadcast_in_dim3A_94 : vector<16xi1>, vector<16xf32>
    %reduce_sum3A_96 = arith.constant true
    %reduce_sum3A_97 = vector.broadcast %reduce_sum3A_96 : i1 to vector<16xi1>
    %reduce_sum3A_98 = tpu.scan <sum>, %select_n3A_95 masked %reduce_sum3A_97 : vector<16xf32>, vector<16xi1> -> vector<16xf32>
    %reduce_sum3A_99 = vector.extract %reduce_sum3A_98[15] : f32 from vector<16xf32>
    %eq3A_100 = arith.constant 9 : i32
    %eq3A_101 = vector.broadcast %eq3A_100 : i32 to vector<16xi32>
    %eq3A_102 = arith.cmpi eq, %iota3A, %eq3A_101 : vector<16xi32>
    %jit3A_103 = arith.constant 0.000000e+00 : f32
    %broadcast_in_dim3A_104 = vector.broadcast %jit3A_103 : f32 to vector<16xf32>
    %select_n3A_105 = arith.select %eq3A_102, %get3A_11, %broadcast_in_dim3A_104 : vector<16xi1>, vector<16xf32>
    %reduce_sum3A_106 = arith.constant true
    %reduce_sum3A_107 = vector.broadcast %reduce_sum3A_106 : i1 to vector<16xi1>
    %reduce_sum3A_108 = tpu.scan <sum>, %select_n3A_105 masked %reduce_sum3A_107 : vector<16xf32>, vector<16xi1> -> vector<16xf32>
    %reduce_sum3A_109 = vector.extract %reduce_sum3A_108[15] : f32 from vector<16xf32>
    %eq3A_110 = arith.constant 10 : i32
    %eq3A_111 = vector.broadcast %eq3A_110 : i32 to vector<16xi32>
    %eq3A_112 = arith.cmpi eq, %iota3A, %eq3A_111 : vector<16xi32>
    %jit3A_113 = arith.constant 0.000000e+00 : f32
    %broadcast_in_dim3A_114 = vector.broadcast %jit3A_113 : f32 to vector<16xf32>
    %select_n3A_115 = arith.select %eq3A_112, %get3A_11, %broadcast_in_dim3A_114 : vector<16xi1>, vector<16xf32>
    %reduce_sum3A_116 = arith.constant true
    %reduce_sum3A_117 = vector.broadcast %reduce_sum3A_116 : i1 to vector<16xi1>
    %reduce_sum3A_118 = tpu.scan <sum>, %select_n3A_115 masked %reduce_sum3A_117 : vector<16xf32>, vector<16xi1> -> vector<16xf32>
    %reduce_sum3A_119 = vector.extract %reduce_sum3A_118[15] : f32 from vector<16xf32>
    %get3A_120 = arith.constant 0 : index
    %get3A_121 = tpu.vector_load %arg18[%get3A_120] {strides = array<i32>} : memref<32xf32, #tpu.memory_space<vmem>>, vector<16xf32>,
    %get3A_122 = arith.constant 16 : index
    %get3A_123 = tpu.vector_load %arg18[%get3A_122] {strides = array<i32>} : memref<32xf32, #tpu.memory_space<vmem>>, vector<16xf32>,
    %gt3A = arith.constant 0 : i32
    %gt3A_124 = arith.cmpi sgt, %select_n3A_10, %gt3A : i32
    %convert_element_type3A = arith.extui %gt3A_124 : i1 to i32
    %cond3A = arith.constant 0 : i32
    %cond3A_125 = arith.cmpi ne, %convert_element_type3A, %cond3A : i32
    scf.if %cond3A_125 {
      %add3A_137 = arith.constant 0 : i32
      %add3A_138 = arith.addi %select_n3A, %add3A_137 : i32
      %eq3A_139 = arith.constant 781 : i32
      %eq3A_140 = arith.cmpi eq, %add3A_138, %eq3A_139 : i32
      %mul3A_141 = arith.constant 512 : i32
      %mul3A_142 = arith.muli %mul3A_141, %add3A_138 : i32
      %jit3A_143 = arith.constant 399488 : i32
      %select_n3A_144 = arith.select %eq3A_140, %jit3A_143, %mul3A_142 : i32
      %dma_start3A = tpu.memref_slice %arg3[%select_n3A_144] : memref<400000xi32, #tpu.memory_space<hbm>> -> memref<512xi32, #tpu.memory_space<hbm>>
      %dma_start3A_145 = tpu.memref_slice %arg3[%select_n3A_144] : memref<400000xi32, #tpu.memory_space<hbm>> -> memref<512xi32, #tpu.memory_space<hbm>>
      tpu.enqueue_dma source(%dma_start3A_145 : memref<512xi32, #tpu.memory_space<hbm>>) target(%arg8 : memref<512xi32, #tpu.memory_space<vmem>>) target_semaphore(%arg21 : memref<!tpu.dma_semaphore, #tpu.memory_space<semaphore_mem>>)
      %add3A_146 = arith.constant 0 : i32
      %add3A_147 = arith.addi %select_n3A, %add3A_146 : i32
      %eq3A_148 = arith.constant 781 : i32
      %eq3A_149 = arith.cmpi eq, %add3A_147, %eq3A_148 : i32
      %mul3A_150 = arith.constant 512 : i32
      %mul3A_151 = arith.muli %mul3A_150, %add3A_147 : i32
      %jit3A_152 = arith.constant 399488 : i32
      %select_n3A_153 = arith.select %eq3A_149, %jit3A_152, %mul3A_151 : i32
      %dma_wait3A = tpu.memref_slice %arg3[%select_n3A_153] : memref<400000xi32, #tpu.memory_space<hbm>> -> memref<512xi32, #tpu.memory_space<hbm>>
      %dma_wait3A_154 = tpu.memref_slice %arg3[%select_n3A_153] : memref<400000xi32, #tpu.memory_space<hbm>> -> memref<512xi32, #tpu.memory_space<hbm>>
      tpu.wait_dma2 semaphore(%arg21 : memref<!tpu.dma_semaphore, #tpu.memory_space<semaphore_mem>>) src(%dma_wait3A_154 : memref<512xi32, #tpu.memory_space<hbm>>) dst(%arg8 : memref<512xi32, #tpu.memory_space<vmem>>)
      %add3A_155 = arith.constant 0 : i32
      %add3A_156 = arith.addi %select_n3A, %add3A_155 : i32
      %eq3A_157 = arith.constant 781 : i32
      %eq3A_158 = arith.cmpi eq, %add3A_156, %eq3A_157 : i32
      %mul3A_159 = arith.constant 512 : i32
      %mul3A_160 = arith.muli %mul3A_159, %add3A_156 : i32
      %jit3A_161 = arith.constant 399488 : i32
      %select_n3A_162 = arith.select %eq3A_158, %jit3A_161, %mul3A_160 : i32
      %dma_start3A_163 = arith.constant 0 : i32
      %dma_start3A_164 = arith.constant 0 : i32
      %dma_start3A_165 = tpu.memref_slice %arg12[%dma_start3A_163, %dma_start3A_164] : memref<512x48xf32, #tpu.memory_space<vmem>> -> memref<128x48xf32, #tpu.memory_space<vmem>>
      %dma_start3A_166 = arith.constant 0 : i32
      %dma_start3A_167 = tpu.memref_slice %arg8[%dma_start3A_166] : memref<512xi32, #tpu.memory_space<vmem>> -> memref<128xi32, #tpu.memory_space<vmem>>
      %dma_start3A_168 = arith.constant 0 : i32
      %dma_start3A_169 = arith.constant 0 : i32
      %dma_start3A_170 = tpu.memref_slice %arg2[%dma_start3A_168, %dma_start3A_169] : memref<50000x48xf32, #tpu.memory_space<hbm>> -> memref<50000x48xf32, #tpu.memory_space<hbm>>
      tpu.enqueue_indirect_dma source(%dma_start3A_170 : memref<50000x48xf32, #tpu.memory_space<hbm>>) target(%dma_start3A_165 : memref<128x48xf32, #tpu.memory_space<vmem>>) offsets(%dma_start3A_167 : memref<128xi32, #tpu.memory_space<vmem>>) semaphore(%arg19 : memref<!tpu.dma_semaphore, #tpu.memory_space<semaphore_mem>>)
      %dma_start3A_171 = arith.constant 128 : i32
      %dma_start3A_172 = arith.constant 0 : i32
      %dma_start3A_173 = tpu.memref_slice %arg12[%dma_start3A_171, %dma_start3A_172] : memref<512x48xf32, #tpu.memory_space<vmem>> -> memref<128x48xf32, #tpu.memory_space<vmem>>
      %dma_start3A_174 = arith.constant 128 : i32
      %dma_start3A_175 = tpu.memref_slice %arg8[%dma_start3A_174] : memref<512xi32, #tpu.memory_space<vmem>> -> memref<128xi32, #tpu.memory_space<vmem>>
      %dma_start3A_176 = arith.constant 0 : i32
      %dma_start3A_177 = arith.constant 0 : i32
      %dma_start3A_178 = tpu.memref_slice %arg2[%dma_start3A_176, %dma_start3A_177] : memref<50000x48xf32, #tpu.memory_space<hbm>> -> memref<50000x48xf32, #tpu.memory_space<hbm>>
      tpu.enqueue_indirect_dma source(%dma_start3A_178 : memref<50000x48xf32, #tpu.memory_space<hbm>>) target(%dma_start3A_173 : memref<128x48xf32, #tpu.memory_space<vmem>>) offsets(%dma_start3A_175 : memref<128xi32, #tpu.memory_space<vmem>>) semaphore(%arg19 : memref<!tpu.dma_semaphore, #tpu.memory_space<semaphore_mem>>)
      %dma_start3A_179 = arith.constant 256 : i32
      %dma_start3A_180 = arith.constant 0 : i32
      %dma_start3A_181 = tpu.memref_slice %arg12[%dma_start3A_179, %dma_start3A_180] : memref<512x48xf32, #tpu.memory_space<vmem>> -> memref<128x48xf32, #tpu.memory_space<vmem>>
      %dma_start3A_182 = arith.constant 256 : i32
      %dma_start3A_183 = tpu.memref_slice %arg8[%dma_start3A_182] : memref<512xi32, #tpu.memory_space<vmem>> -> memref<128xi32, #tpu.memory_space<vmem>>
      %dma_start3A_184 = arith.constant 0 : i32
      %dma_start3A_185 = arith.constant 0 : i32
      %dma_start3A_186 = tpu.memref_slice %arg2[%dma_start3A_184, %dma_start3A_185] : memref<50000x48xf32, #tpu.memory_space<hbm>> -> memref<50000x48xf32, #tpu.memory_space<hbm>>
      tpu.enqueue_indirect_dma source(%dma_start3A_186 : memref<50000x48xf32, #tpu.memory_space<hbm>>) target(%dma_start3A_181 : memref<128x48xf32, #tpu.memory_space<vmem>>) offsets(%dma_start3A_183 : memref<128xi32, #tpu.memory_space<vmem>>) semaphore(%arg19 : memref<!tpu.dma_semaphore, #tpu.memory_space<semaphore_mem>>)
      %dma_start3A_187 = arith.constant 384 : i32
      %dma_start3A_188 = arith.constant 0 : i32
      %dma_start3A_189 = tpu.memref_slice %arg12[%dma_start3A_187, %dma_start3A_188] : memref<512x48xf32, #tpu.memory_space<vmem>> -> memref<128x48xf32, #tpu.memory_space<vmem>>
      %dma_start3A_190 = arith.constant 384 : i32
      %dma_start3A_191 = tpu.memref_slice %arg8[%dma_start3A_190] : memref<512xi32, #tpu.memory_space<vmem>> -> memref<128xi32, #tpu.memory_space<vmem>>
      %dma_start3A_192 = arith.constant 0 : i32
      %dma_start3A_193 = arith.constant 0 : i32
      %dma_start3A_194 = tpu.memref_slice %arg2[%dma_start3A_192, %dma_start3A_193] : memref<50000x48xf32, #tpu.memory_space<hbm>> -> memref<50000x48xf32, #tpu.memory_space<hbm>>
      tpu.enqueue_indirect_dma source(%dma_start3A_194 : memref<50000x48xf32, #tpu.memory_space<hbm>>) target(%dma_start3A_189 : memref<128x48xf32, #tpu.memory_space<vmem>>) offsets(%dma_start3A_191 : memref<128xi32, #tpu.memory_space<vmem>>) semaphore(%arg19 : memref<!tpu.dma_semaphore, #tpu.memory_space<semaphore_mem>>)
      %dma_start3A_195 = tpu.memref_slice %arg4[%select_n3A_162] : memref<400000xf32, #tpu.memory_space<hbm>> -> memref<512xf32, #tpu.memory_space<hbm>>
      %dma_start3A_196 = tpu.memref_slice %arg4[%select_n3A_162] : memref<400000xf32, #tpu.memory_space<hbm>> -> memref<512xf32, #tpu.memory_space<hbm>>
      tpu.enqueue_dma source(%dma_start3A_196 : memref<512xf32, #tpu.memory_space<hbm>>) target(%arg10 : memref<512xf32, #tpu.memory_space<vmem>>) target_semaphore(%arg19 : memref<!tpu.dma_semaphore, #tpu.memory_space<semaphore_mem>>)
      %add3A_197 = arith.constant 1 : i32
      %add3A_198 = arith.addi %select_n3A, %add3A_197 : i32
      %eq3A_199 = arith.constant 781 : i32
      %eq3A_200 = arith.cmpi eq, %add3A_198, %eq3A_199 : i32
      %mul3A_201 = arith.constant 512 : i32
      %mul3A_202 = arith.muli %mul3A_201, %add3A_198 : i32
      %jit3A_203 = arith.constant 399488 : i32
      %select_n3A_204 = arith.select %eq3A_200, %jit3A_203, %mul3A_202 : i32
      %dma_start3A_205 = tpu.memref_slice %arg3[%select_n3A_204] : memref<400000xi32, #tpu.memory_space<hbm>> -> memref<512xi32, #tpu.memory_space<hbm>>
      %dma_start3A_206 = tpu.memref_slice %arg3[%select_n3A_204] : memref<400000xi32, #tpu.memory_space<hbm>> -> memref<512xi32, #tpu.memory_space<hbm>>
      tpu.enqueue_dma source(%dma_start3A_206 : memref<512xi32, #tpu.memory_space<hbm>>) target(%arg9 : memref<512xi32, #tpu.memory_space<vmem>>) target_semaphore(%arg22 : memref<!tpu.dma_semaphore, #tpu.memory_space<semaphore_mem>>)
    } else {
    }
    %scan3A = arith.constant 0 : i32
    %scan3A_126 = arith.constant 0 : i32
    %scan3A_127 = arith.constant 16 : i32
    %scan3A_128 = arith.addi %scan3A_126, %scan3A_127 : i32
    %scan3A_129 = arith.constant 1 : i32
    %scan3A_130 = scf.for %scan3A_137 = %scan3A_126 to %scan3A_128 step %scan3A_129 iter_args(%scan3A_138 = %scan3A) -> (i32)  : i32 {
      %mul3A_139 = arith.constant 2 : i32
      %mul3A_140 = arith.muli %mul3A_139, %scan3A_137 : i32
      %add3A_141 = arith.constant 0 : i32
      %add3A_142 = arith.addi %mul3A_140, %add3A_141 : i32
      %lt3A = arith.cmpi slt, %add3A_142, %select_n3A_10 : i32
      %convert_element_type3A_143 = arith.extui %lt3A : i1 to i32
      %cond3A_144 = arith.constant 0 : i32
      %cond3A_145 = arith.cmpi ne, %convert_element_type3A_143, %cond3A_144 : i32
      scf.if %cond3A_145 {
        %add3A_155 = arith.constant 1 : i32
        %add3A_156 = arith.addi %add3A_142, %add3A_155 : i32
        %lt3A_157 = arith.cmpi slt, %add3A_156, %select_n3A_10 : i32
        %convert_element_type3A_158 = arith.extui %lt3A_157 : i1 to i32
        %cond3A_159 = arith.constant 0 : i32
        %cond3A_160 = arith.cmpi ne, %convert_element_type3A_158, %cond3A_159 : i32
        scf.if %cond3A_160 {
          %add3A_236 = arith.constant 1 : i32
          %add3A_237 = arith.addi %add3A_142, %add3A_236 : i32
          %add3A_238 = arith.addi %select_n3A, %add3A_237 : i32
          %eq3A_239 = arith.constant 781 : i32
          %eq3A_240 = arith.cmpi eq, %add3A_238, %eq3A_239 : i32
          %mul3A_241 = arith.constant 512 : i32
          %mul3A_242 = arith.muli %mul3A_241, %add3A_238 : i32
          %jit3A_243 = arith.constant 399488 : i32
          %select_n3A_244 = arith.select %eq3A_240, %jit3A_243, %mul3A_242 : i32
          %dma_wait3A_245 = tpu.memref_slice %arg3[%select_n3A_244] : memref<400000xi32, #tpu.memory_space<hbm>> -> memref<512xi32, #tpu.memory_space<hbm>>
          %dma_wait3A_246 = tpu.memref_slice %arg3[%select_n3A_244] : memref<400000xi32, #tpu.memory_space<hbm>> -> memref<512xi32, #tpu.memory_space<hbm>>
          tpu.wait_dma2 semaphore(%arg22 : memref<!tpu.dma_semaphore, #tpu.memory_space<semaphore_mem>>) src(%dma_wait3A_246 : memref<512xi32, #tpu.memory_space<hbm>>) dst(%arg9 : memref<512xi32, #tpu.memory_space<vmem>>)
          %add3A_247 = arith.constant 1 : i32
          %add3A_248 = arith.addi %add3A_142, %add3A_247 : i32
          %add3A_249 = arith.addi %select_n3A, %add3A_248 : i32
          %eq3A_250 = arith.constant 781 : i32
          %eq3A_251 = arith.cmpi eq, %add3A_249, %eq3A_250 : i32
          %mul3A_252 = arith.constant 512 : i32
          %mul3A_253 = arith.muli %mul3A_252, %add3A_249 : i32
          %jit3A_254 = arith.constant 399488 : i32
          %select_n3A_255 = arith.select %eq3A_251, %jit3A_254, %mul3A_253 : i32
          %dma_start3A = arith.constant 0 : i32
          %dma_start3A_256 = arith.constant 0 : i32
          %dma_start3A_257 = tpu.memref_slice %arg13[%dma_start3A, %dma_start3A_256] : memref<512x48xf32, #tpu.memory_space<vmem>> -> memref<128x48xf32, #tpu.memory_space<vmem>>
          %dma_start3A_258 = arith.constant 0 : i32
          %dma_start3A_259 = tpu.memref_slice %arg9[%dma_start3A_258] : memref<512xi32, #tpu.memory_space<vmem>> -> memref<128xi32, #tpu.memory_space<vmem>>
          %dma_start3A_260 = arith.constant 0 : i32
          %dma_start3A_261 = arith.constant 0 : i32
          %dma_start3A_262 = tpu.memref_slice %arg2[%dma_start3A_260, %dma_start3A_261] : memref<50000x48xf32, #tpu.memory_space<hbm>> -> memref<50000x48xf32, #tpu.memory_space<hbm>>
          tpu.enqueue_indirect_dma source(%dma_start3A_262 : memref<50000x48xf32, #tpu.memory_space<hbm>>) target(%dma_start3A_257 : memref<128x48xf32, #tpu.memory_space<vmem>>) offsets(%dma_start3A_259 : memref<128xi32, #tpu.memory_space<vmem>>) semaphore(%arg20 : memref<!tpu.dma_semaphore, #tpu.memory_space<semaphore_mem>>)
          %dma_start3A_263 = arith.constant 128 : i32
          %dma_start3A_264 = arith.constant 0 : i32
          %dma_start3A_265 = tpu.memref_slice %arg13[%dma_start3A_263, %dma_start3A_264] : memref<512x48xf32, #tpu.memory_space<vmem>> -> memref<128x48xf32, #tpu.memory_space<vmem>>
          %dma_start3A_266 = arith.constant 128 : i32
          %dma_start3A_267 = tpu.memref_slice %arg9[%dma_start3A_266] : memref<512xi32, #tpu.memory_space<vmem>> -> memref<128xi32, #tpu.memory_space<vmem>>
          %dma_start3A_268 = arith.constant 0 : i32
          %dma_start3A_269 = arith.constant 0 : i32
          %dma_start3A_270 = tpu.memref_slice %arg2[%dma_start3A_268, %dma_start3A_269] : memref<50000x48xf32, #tpu.memory_space<hbm>> -> memref<50000x48xf32, #tpu.memory_space<hbm>>
          tpu.enqueue_indirect_dma source(%dma_start3A_270 : memref<50000x48xf32, #tpu.memory_space<hbm>>) target(%dma_start3A_265 : memref<128x48xf32, #tpu.memory_space<vmem>>) offsets(%dma_start3A_267 : memref<128xi32, #tpu.memory_space<vmem>>) semaphore(%arg20 : memref<!tpu.dma_semaphore, #tpu.memory_space<semaphore_mem>>)
          %dma_start3A_271 = arith.constant 256 : i32
          %dma_start3A_272 = arith.constant 0 : i32
          %dma_start3A_273 = tpu.memref_slice %arg13[%dma_start3A_271, %dma_start3A_272] : memref<512x48xf32, #tpu.memory_space<vmem>> -> memref<128x48xf32, #tpu.memory_space<vmem>>
          %dma_start3A_274 = arith.constant 256 : i32
          %dma_start3A_275 = tpu.memref_slice %arg9[%dma_start3A_274] : memref<512xi32, #tpu.memory_space<vmem>> -> memref<128xi32, #tpu.memory_space<vmem>>
          %dma_start3A_276 = arith.constant 0 : i32
          %dma_start3A_277 = arith.constant 0 : i32
          %dma_start3A_278 = tpu.memref_slice %arg2[%dma_start3A_276, %dma_start3A_277] : memref<50000x48xf32, #tpu.memory_space<hbm>> -> memref<50000x48xf32, #tpu.memory_space<hbm>>
          tpu.enqueue_indirect_dma source(%dma_start3A_278 : memref<50000x48xf32, #tpu.memory_space<hbm>>) target(%dma_start3A_273 : memref<128x48xf32, #tpu.memory_space<vmem>>) offsets(%dma_start3A_275 : memref<128xi32, #tpu.memory_space<vmem>>) semaphore(%arg20 : memref<!tpu.dma_semaphore, #tpu.memory_space<semaphore_mem>>)
          %dma_start3A_279 = arith.constant 384 : i32
          %dma_start3A_280 = arith.constant 0 : i32
          %dma_start3A_281 = tpu.memref_slice %arg13[%dma_start3A_279, %dma_start3A_280] : memref<512x48xf32, #tpu.memory_space<vmem>> -> memref<128x48xf32, #tpu.memory_space<vmem>>
          %dma_start3A_282 = arith.constant 384 : i32
          %dma_start3A_283 = tpu.memref_slice %arg9[%dma_start3A_282] : memref<512xi32, #tpu.memory_space<vmem>> -> memref<128xi32, #tpu.memory_space<vmem>>
          %dma_start3A_284 = arith.constant 0 : i32
          %dma_start3A_285 = arith.constant 0 : i32
          %dma_start3A_286 = tpu.memref_slice %arg2[%dma_start3A_284, %dma_start3A_285] : memref<50000x48xf32, #tpu.memory_space<hbm>> -> memref<50000x48xf32, #tpu.memory_space<hbm>>
          tpu.enqueue_indirect_dma source(%dma_start3A_286 : memref<50000x48xf32, #tpu.memory_space<hbm>>) target(%dma_start3A_281 : memref<128x48xf32, #tpu.memory_space<vmem>>) offsets(%dma_start3A_283 : memref<128xi32, #tpu.memory_space<vmem>>) semaphore(%arg20 : memref<!tpu.dma_semaphore, #tpu.memory_space<semaphore_mem>>)
          %dma_start3A_287 = tpu.memref_slice %arg4[%select_n3A_255] : memref<400000xf32, #tpu.memory_space<hbm>> -> memref<512xf32, #tpu.memory_space<hbm>>
          %dma_start3A_288 = tpu.memref_slice %arg4[%select_n3A_255] : memref<400000xf32, #tpu.memory_space<hbm>> -> memref<512xf32, #tpu.memory_space<hbm>>
          tpu.enqueue_dma source(%dma_start3A_288 : memref<512xf32, #tpu.memory_space<hbm>>) target(%arg11 : memref<512xf32, #tpu.memory_space<vmem>>) target_semaphore(%arg20 : memref<!tpu.dma_semaphore, #tpu.memory_space<semaphore_mem>>)
        } else {
        }
        %ge3A = arith.constant 2 : i32
        %ge3A_161 = arith.cmpi sge, %add3A_142, %ge3A : i32
        %convert_element_type3A_162 = arith.extui %ge3A_161 : i1 to i32
        %cond3A_163 = arith.constant 0 : i32
        %cond3A_164 = arith.cmpi ne, %convert_element_type3A_162, %cond3A_163 : i32
        scf.if %cond3A_164 {
          %sub3A_236 = arith.constant 2 : i32
          %sub3A_237 = arith.subi %add3A_142, %sub3A_236 : i32
          %add3A_238 = arith.addi %select_n3A, %sub3A_237 : i32
          %ne3A_239 = arith.constant 781 : i32
          %ne3A_240 = arith.cmpi ne, %add3A_238, %ne3A_239 : i32
          %convert_element_type3A_241 = arith.extui %ne3A_240 : i1 to i32
          %cond3A_242 = arith.constant 0 : i32
          %cond3A_243 = arith.cmpi ne, %convert_element_type3A_241, %cond3A_242 : i32
          scf.if %cond3A_243 {
            %add3A_250 = arith.addi %select_n3A, %sub3A_237 : i32
            %mul3A_251 = arith.constant 128 : i32
            %mul3A_252 = arith.muli %add3A_250, %mul3A_251 : i32
            %dma_wait3A_253 = arith.constant 0 : i32
            %dma_wait3A_254 = tpu.memref_slice %arg7[%mul3A_252, %dma_wait3A_253] : memref<100000x32xf32, #tpu.memory_space<hbm>> -> memref<128x32xf32, #tpu.memory_space<hbm>>
            %dma_wait3A_255 = arith.constant 0 : i32
            %dma_wait3A_256 = tpu.memref_slice %arg7[%mul3A_252, %dma_wait3A_255] : memref<100000x32xf32, #tpu.memory_space<hbm>> -> memref<128x32xf32, #tpu.memory_space<hbm>>
            tpu.wait_dma2 semaphore(%arg23 : memref<!tpu.dma_semaphore, #tpu.memory_space<semaphore_mem>>) src(%arg15 : memref<128x32xf32, #tpu.memory_space<vmem>>) dst(%dma_wait3A_256 : memref<128x32xf32, #tpu.memory_space<hbm>>)
          } else {
          }
          %add3A_244 = arith.addi %select_n3A, %sub3A_237 : i32
          %eq3A_245 = arith.constant 781 : i32
          %eq3A_246 = arith.cmpi eq, %add3A_244, %eq3A_245 : i32
          %convert_element_type3A_247 = arith.extui %eq3A_246 : i1 to i32
          %cond3A_248 = arith.constant 0 : i32
          %cond3A_249 = arith.cmpi ne, %convert_element_type3A_247, %cond3A_248 : i32
          scf.if %cond3A_249 {
            %dma_wait3A_250 = arith.constant 96 : i32
            %dma_wait3A_251 = arith.constant 0 : i32
            %dma_wait3A_252 = tpu.memref_slice %arg15[%dma_wait3A_250, %dma_wait3A_251] : memref<128x32xf32, #tpu.memory_space<vmem>> -> memref<32x32xf32, #tpu.memory_space<vmem>>
            %dma_wait3A_253 = arith.constant 99968 : i32
            %dma_wait3A_254 = arith.constant 0 : i32
            %dma_wait3A_255 = tpu.memref_slice %arg7[%dma_wait3A_253, %dma_wait3A_254] : memref<100000x32xf32, #tpu.memory_space<hbm>> -> memref<32x32xf32, #tpu.memory_space<hbm>>
            %dma_wait3A_256 = arith.constant 99968 : i32
            %dma_wait3A_257 = arith.constant 0 : i32
            %dma_wait3A_258 = tpu.memref_slice %arg7[%dma_wait3A_256, %dma_wait3A_257] : memref<100000x32xf32, #tpu.memory_space<hbm>> -> memref<32x32xf32, #tpu.memory_space<hbm>>
            %dma_wait3A_259 = arith.constant 96 : i32
            %dma_wait3A_260 = arith.constant 0 : i32
            %dma_wait3A_261 = tpu.memref_slice %arg15[%dma_wait3A_259, %dma_wait3A_260] : memref<128x32xf32, #tpu.memory_space<vmem>> -> memref<32x32xf32, #tpu.memory_space<vmem>>
            tpu.wait_dma2 semaphore(%arg23 : memref<!tpu.dma_semaphore, #tpu.memory_space<semaphore_mem>>) src(%dma_wait3A_261 : memref<32x32xf32, #tpu.memory_space<vmem>>) dst(%dma_wait3A_258 : memref<32x32xf32, #tpu.memory_space<hbm>>)
          } else {
          }
        } else {
        }
        %add3A_165 = arith.addi %select_n3A, %add3A_142 : i32
        %eq3A_166 = arith.constant 781 : i32
        %eq3A_167 = arith.cmpi eq, %add3A_165, %eq3A_166 : i32
        %mul3A_168 = arith.constant 512 : i32
        %mul3A_169 = arith.muli %mul3A_168, %add3A_165 : i32
        %jit3A_170 = arith.constant 399488 : i32
        %select_n3A_171 = arith.select %eq3A_167, %jit3A_170, %mul3A_169 : i32
        %dma_wait3A = arith.constant 0 : i32
        %dma_wait3A_172 = arith.constant 0 : i32
        %dma_wait3A_173 = tpu.memref_slice %arg12[%dma_wait3A, %dma_wait3A_172] : memref<512x48xf32, #tpu.memory_space<vmem>> -> memref<128x48xf32, #tpu.memory_space<vmem>>
        %dma_wait3A_174 = arith.constant 0 : i32
        %dma_wait3A_175 = tpu.memref_slice %arg8[%dma_wait3A_174] : memref<512xi32, #tpu.memory_space<vmem>> -> memref<128xi32, #tpu.memory_space<vmem>>
        %dma_wait3A_176 = arith.constant 0 : i32
        %dma_wait3A_177 = arith.constant 0 : i32
        %dma_wait3A_178 = tpu.memref_slice %arg2[%dma_wait3A_176, %dma_wait3A_177] : memref<50000x48xf32, #tpu.memory_space<hbm>> -> memref<50000x48xf32, #tpu.memory_space<hbm>>
        tpu.wait_indirect_dma semaphore(%arg19 : memref<!tpu.dma_semaphore, #tpu.memory_space<semaphore_mem>>) src(%dma_wait3A_178 : memref<50000x48xf32, #tpu.memory_space<hbm>>) dst(%dma_wait3A_173 : memref<128x48xf32, #tpu.memory_space<vmem>>)
        %dma_wait3A_179 = arith.constant 128 : i32
        %dma_wait3A_180 = arith.constant 0 : i32
        %dma_wait3A_181 = tpu.memref_slice %arg12[%dma_wait3A_179, %dma_wait3A_180] : memref<512x48xf32, #tpu.memory_space<vmem>> -> memref<128x48xf32, #tpu.memory_space<vmem>>
        %dma_wait3A_182 = arith.constant 128 : i32
        %dma_wait3A_183 = tpu.memref_slice %arg8[%dma_wait3A_182] : memref<512xi32, #tpu.memory_space<vmem>> -> memref<128xi32, #tpu.memory_space<vmem>>
        %dma_wait3A_184 = arith.constant 0 : i32
        %dma_wait3A_185 = arith.constant 0 : i32
        %dma_wait3A_186 = tpu.memref_slice %arg2[%dma_wait3A_184, %dma_wait3A_185] : memref<50000x48xf32, #tpu.memory_space<hbm>> -> memref<50000x48xf32, #tpu.memory_space<hbm>>
        tpu.wait_indirect_dma semaphore(%arg19 : memref<!tpu.dma_semaphore, #tpu.memory_space<semaphore_mem>>) src(%dma_wait3A_186 : memref<50000x48xf32, #tpu.memory_space<hbm>>) dst(%dma_wait3A_181 : memref<128x48xf32, #tpu.memory_space<vmem>>)
        %dma_wait3A_187 = arith.constant 256 : i32
        %dma_wait3A_188 = arith.constant 0 : i32
        %dma_wait3A_189 = tpu.memref_slice %arg12[%dma_wait3A_187, %dma_wait3A_188] : memref<512x48xf32, #tpu.memory_space<vmem>> -> memref<128x48xf32, #tpu.memory_space<vmem>>
        %dma_wait3A_190 = arith.constant 256 : i32
        %dma_wait3A_191 = tpu.memref_slice %arg8[%dma_wait3A_190] : memref<512xi32, #tpu.memory_space<vmem>> -> memref<128xi32, #tpu.memory_space<vmem>>
        %dma_wait3A_192 = arith.constant 0 : i32
        %dma_wait3A_193 = arith.constant 0 : i32
        %dma_wait3A_194 = tpu.memref_slice %arg2[%dma_wait3A_192, %dma_wait3A_193] : memref<50000x48xf32, #tpu.memory_space<hbm>> -> memref<50000x48xf32, #tpu.memory_space<hbm>>
        tpu.wait_indirect_dma semaphore(%arg19 : memref<!tpu.dma_semaphore, #tpu.memory_space<semaphore_mem>>) src(%dma_wait3A_194 : memref<50000x48xf32, #tpu.memory_space<hbm>>) dst(%dma_wait3A_189 : memref<128x48xf32, #tpu.memory_space<vmem>>)
        %dma_wait3A_195 = arith.constant 384 : i32
        %dma_wait3A_196 = arith.constant 0 : i32
        %dma_wait3A_197 = tpu.memref_slice %arg12[%dma_wait3A_195, %dma_wait3A_196] : memref<512x48xf32, #tpu.memory_space<vmem>> -> memref<128x48xf32, #tpu.memory_space<vmem>>
        %dma_wait3A_198 = arith.constant 384 : i32
        %dma_wait3A_199 = tpu.memref_slice %arg8[%dma_wait3A_198] : memref<512xi32, #tpu.memory_space<vmem>> -> memref<128xi32, #tpu.memory_space<vmem>>
        %dma_wait3A_200 = arith.constant 0 : i32
        %dma_wait3A_201 = arith.constant 0 : i32
        %dma_wait3A_202 = tpu.memref_slice %arg2[%dma_wait3A_200, %dma_wait3A_201] : memref<50000x48xf32, #tpu.memory_space<hbm>> -> memref<50000x48xf32, #tpu.memory_space<hbm>>
        tpu.wait_indirect_dma semaphore(%arg19 : memref<!tpu.dma_semaphore, #tpu.memory_space<semaphore_mem>>) src(%dma_wait3A_202 : memref<50000x48xf32, #tpu.memory_space<hbm>>) dst(%dma_wait3A_197 : memref<128x48xf32, #tpu.memory_space<vmem>>)
        %dma_wait3A_203 = tpu.memref_slice %arg4[%select_n3A_171] : memref<400000xf32, #tpu.memory_space<hbm>> -> memref<512xf32, #tpu.memory_space<hbm>>
        %dma_wait3A_204 = tpu.memref_slice %arg4[%select_n3A_171] : memref<400000xf32, #tpu.memory_space<hbm>> -> memref<512xf32, #tpu.memory_space<hbm>>
        tpu.wait_dma2 semaphore(%arg19 : memref<!tpu.dma_semaphore, #tpu.memory_space<semaphore_mem>>) src(%dma_wait3A_204 : memref<512xf32, #tpu.memory_space<hbm>>) dst(%arg10 : memref<512xf32, #tpu.memory_space<vmem>>)
        %scan3A_205 = arith.constant 0 : i32
        %scan3A_206 = arith.constant 0 : i32
        %scan3A_207 = arith.constant 8 : i32
        %scan3A_208 = arith.addi %scan3A_206, %scan3A_207 : i32
        %scan3A_209 = arith.constant 2 : i32
        %scan3A_210 = scf.for %scan3A_236 = %scan3A_206 to %scan3A_208 step %scan3A_209 iter_args(%scan3A_237 = %scan3A_205) -> (i32)  : i32 {
          %mul3A_238 = arith.constant 16 : i32
          %mul3A_239 = arith.muli %scan3A_236, %mul3A_238 : i32
          %add3A_240 = vector.broadcast %mul3A_239 : i32 to vector<16xi32>
          %add3A_241 = arith.addi %add3A_240, %iota3A : vector<16xi32>
          %mul3A_242 = arith.constant 4 : i32
          %mul3A_243 = vector.broadcast %mul3A_242 : i32 to vector<16xi32>
          %mul3A_244 = arith.muli %mul3A_243, %add3A_241 : vector<16xi32>
          %add3A_245 = arith.constant 0 : i32
          %add3A_246 = vector.broadcast %add3A_245 : i32 to vector<16xi32>
          %add3A_247 = arith.addi %mul3A_244, %add3A_246 : vector<16xi32>
          %gather3A = tpu.vector_load_idx %arg10[%add3A_247] : memref<512xf32, #tpu.memory_space<vmem>>[vector<16xi32>], vector<16xf32>,
          %add3A_248 = arith.constant 1 : i32
          %add3A_249 = vector.broadcast %add3A_248 : i32 to vector<16xi32>
          %add3A_250 = arith.addi %mul3A_244, %add3A_249 : vector<16xi32>
          %gather3A_251 = tpu.vector_load_idx %arg10[%add3A_250] : memref<512xf32, #tpu.memory_space<vmem>>[vector<16xi32>], vector<16xf32>,
          %add3A_252 = arith.constant 2 : i32
          %add3A_253 = vector.broadcast %add3A_252 : i32 to vector<16xi32>
          %add3A_254 = arith.addi %mul3A_244, %add3A_253 : vector<16xi32>
          %gather3A_255 = tpu.vector_load_idx %arg10[%add3A_254] : memref<512xf32, #tpu.memory_space<vmem>>[vector<16xi32>], vector<16xf32>,
          %add3A_256 = arith.constant 3 : i32
          %add3A_257 = vector.broadcast %add3A_256 : i32 to vector<16xi32>
          %add3A_258 = arith.addi %mul3A_244, %add3A_257 : vector<16xi32>
          %gather3A_259 = tpu.vector_load_idx %arg10[%add3A_258] : memref<512xf32, #tpu.memory_space<vmem>>[vector<16xi32>], vector<16xf32>,
          %max3A_260 = arith.maximumf %gather3A, %gather3A_251 : vector<16xf32>
          %max3A_261 = arith.maximumf %gather3A_255, %gather3A_259 : vector<16xf32>
          %max3A_262 = arith.maximumf %max3A_260, %max3A_261 : vector<16xf32>
          %add3A_263 = arith.constant 0 : i32
          %add3A_264 = vector.broadcast %add3A_263 : i32 to vector<16xi32>
          %add3A_265 = arith.addi %mul3A_244, %add3A_264 : vector<16xi32>
          %broadcast_in_dim3A_266 = arith.constant 40 : i32
          %broadcast_in_dim3A_267 = vector.broadcast %broadcast_in_dim3A_266 : i32 to vector<16xi32>
          %gather3A_268 = tpu.vector_load_idx %arg12[%add3A_265, %broadcast_in_dim3A_267] : memref<512x48xf32, #tpu.memory_space<vmem>>[vector<16xi32>, vector<16xi32>], vector<16xf32>,
          %broadcast_in_dim3A_269 = arith.constant 32 : i32
          %broadcast_in_dim3A_270 = vector.broadcast %broadcast_in_dim3A_269 : i32 to vector<16xi32>
          %gather3A_271 = tpu.vector_load_idx %arg12[%add3A_265, %broadcast_in_dim3A_270] : memref<512x48xf32, #tpu.memory_space<vmem>>[vector<16xi32>, vector<16xi32>], vector<16xf32>,
          %broadcast_in_dim3A_272 = arith.constant 33 : i32
          %broadcast_in_dim3A_273 = vector.broadcast %broadcast_in_dim3A_272 : i32 to vector<16xi32>
          %gather3A_274 = tpu.vector_load_idx %arg12[%add3A_265, %broadcast_in_dim3A_273] : memref<512x48xf32, #tpu.memory_space<vmem>>[vector<16xi32>, vector<16xi32>], vector<16xf32>,
          %broadcast_in_dim3A_275 = arith.constant 34 : i32
          %broadcast_in_dim3A_276 = vector.broadcast %broadcast_in_dim3A_275 : i32 to vector<16xi32>
          %gather3A_277 = tpu.vector_load_idx %arg12[%add3A_265, %broadcast_in_dim3A_276] : memref<512x48xf32, #tpu.memory_space<vmem>>[vector<16xi32>, vector<16xi32>], vector<16xf32>,
          %broadcast_in_dim3A_278 = arith.constant 35 : i32
          %broadcast_in_dim3A_279 = vector.broadcast %broadcast_in_dim3A_278 : i32 to vector<16xi32>
          %gather3A_280 = tpu.vector_load_idx %arg12[%add3A_265, %broadcast_in_dim3A_279] : memref<512x48xf32, #tpu.memory_space<vmem>>[vector<16xi32>, vector<16xi32>], vector<16xf32>,
          %broadcast_in_dim3A_281 = arith.constant 36 : i32
          %broadcast_in_dim3A_282 = vector.broadcast %broadcast_in_dim3A_281 : i32 to vector<16xi32>
          %gather3A_283 = tpu.vector_load_idx %arg12[%add3A_265, %broadcast_in_dim3A_282] : memref<512x48xf32, #tpu.memory_space<vmem>>[vector<16xi32>, vector<16xi32>], vector<16xf32>,
          %broadcast_in_dim3A_284 = arith.constant 37 : i32
          %broadcast_in_dim3A_285 = vector.broadcast %broadcast_in_dim3A_284 : i32 to vector<16xi32>
          %gather3A_286 = tpu.vector_load_idx %arg12[%add3A_265, %broadcast_in_dim3A_285] : memref<512x48xf32, #tpu.memory_space<vmem>>[vector<16xi32>, vector<16xi32>], vector<16xf32>,
          %broadcast_in_dim3A_287 = arith.constant 38 : i32
          %broadcast_in_dim3A_288 = vector.broadcast %broadcast_in_dim3A_287 : i32 to vector<16xi32>
          %gather3A_289 = tpu.vector_load_idx %arg12[%add3A_265, %broadcast_in_dim3A_288] : memref<512x48xf32, #tpu.memory_space<vmem>>[vector<16xi32>, vector<16xi32>], vector<16xf32>,
          %broadcast_in_dim3A_290 = arith.constant 39 : i32
          %broadcast_in_dim3A_291 = vector.broadcast %broadcast_in_dim3A_290 : i32 to vector<16xi32>
          %gather3A_292 = tpu.vector_load_idx %arg12[%add3A_265, %broadcast_in_dim3A_291] : memref<512x48xf32, #tpu.memory_space<vmem>>[vector<16xi32>, vector<16xi32>], vector<16xf32>,
          %add3A_293 = arith.constant 1 : i32
          %add3A_294 = vector.broadcast %add3A_293 : i32 to vector<16xi32>
          %add3A_295 = arith.addi %mul3A_244, %add3A_294 : vector<16xi32>
          %broadcast_in_dim3A_296 = arith.constant 40 : i32
          %broadcast_in_dim3A_297 = vector.broadcast %broadcast_in_dim3A_296 : i32 to vector<16xi32>
          %gather3A_298 = tpu.vector_load_idx %arg12[%add3A_295, %broadcast_in_dim3A_297] : memref<512x48xf32, #tpu.memory_space<vmem>>[vector<16xi32>, vector<16xi32>], vector<16xf32>,
          %broadcast_in_dim3A_299 = arith.constant 32 : i32
          %broadcast_in_dim3A_300 = vector.broadcast %broadcast_in_dim3A_299 : i32 to vector<16xi32>
          %gather3A_301 = tpu.vector_load_idx %arg12[%add3A_295, %broadcast_in_dim3A_300] : memref<512x48xf32, #tpu.memory_space<vmem>>[vector<16xi32>, vector<16xi32>], vector<16xf32>,
          %max3A_302 = arith.maximumf %gather3A_271, %gather3A_301 : vector<16xf32>
          %broadcast_in_dim3A_303 = arith.constant 33 : i32
          %broadcast_in_dim3A_304 = vector.broadcast %broadcast_in_dim3A_303 : i32 to vector<16xi32>
          %gather3A_305 = tpu.vector_load_idx %arg12[%add3A_295, %broadcast_in_dim3A_304] : memref<512x48xf32, #tpu.memory_space<vmem>>[vector<16xi32>, vector<16xi32>], vector<16xf32>,
          %max3A_306 = arith.maximumf %gather3A_274, %gather3A_305 : vector<16xf32>
          %broadcast_in_dim3A_307 = arith.constant 34 : i32
          %broadcast_in_dim3A_308 = vector.broadcast %broadcast_in_dim3A_307 : i32 to vector<16xi32>
          %gather3A_309 = tpu.vector_load_idx %arg12[%add3A_295, %broadcast_in_dim3A_308] : memref<512x48xf32, #tpu.memory_space<vmem>>[vector<16xi32>, vector<16xi32>], vector<16xf32>,
          %max3A_310 = arith.maximumf %gather3A_277, %gather3A_309 : vector<16xf32>
          %broadcast_in_dim3A_311 = arith.constant 35 : i32
          %broadcast_in_dim3A_312 = vector.broadcast %broadcast_in_dim3A_311 : i32 to vector<16xi32>
          %gather3A_313 = tpu.vector_load_idx %arg12[%add3A_295, %broadcast_in_dim3A_312] : memref<512x48xf32, #tpu.memory_space<vmem>>[vector<16xi32>, vector<16xi32>], vector<16xf32>,
          %max3A_314 = arith.maximumf %gather3A_280, %gather3A_313 : vector<16xf32>
          %broadcast_in_dim3A_315 = arith.constant 36 : i32
          %broadcast_in_dim3A_316 = vector.broadcast %broadcast_in_dim3A_315 : i32 to vector<16xi32>
          %gather3A_317 = tpu.vector_load_idx %arg12[%add3A_295, %broadcast_in_dim3A_316] : memref<512x48xf32, #tpu.memory_space<vmem>>[vector<16xi32>, vector<16xi32>], vector<16xf32>,
          %max3A_318 = arith.maximumf %gather3A_283, %gather3A_317 : vector<16xf32>
          %broadcast_in_dim3A_319 = arith.constant 37 : i32
          %broadcast_in_dim3A_320 = vector.broadcast %broadcast_in_dim3A_319 : i32 to vector<16xi32>
          %gather3A_321 = tpu.vector_load_idx %arg12[%add3A_295, %broadcast_in_dim3A_320] : memref<512x48xf32, #tpu.memory_space<vmem>>[vector<16xi32>, vector<16xi32>], vector<16xf32>,
          %max3A_322 = arith.maximumf %gather3A_286, %gather3A_321 : vector<16xf32>
          %broadcast_in_dim3A_323 = arith.constant 38 : i32
          %broadcast_in_dim3A_324 = vector.broadcast %broadcast_in_dim3A_323 : i32 to vector<16xi32>
          %gather3A_325 = tpu.vector_load_idx %arg12[%add3A_295, %broadcast_in_dim3A_324] : memref<512x48xf32, #tpu.memory_space<vmem>>[vector<16xi32>, vector<16xi32>], vector<16xf32>,
          %max3A_326 = arith.maximumf %gather3A_289, %gather3A_325 : vector<16xf32>
          %broadcast_in_dim3A_327 = arith.constant 39 : i32
          %broadcast_in_dim3A_328 = vector.broadcast %broadcast_in_dim3A_327 : i32 to vector<16xi32>
          %gather3A_329 = tpu.vector_load_idx %arg12[%add3A_295, %broadcast_in_dim3A_328] : memref<512x48xf32, #tpu.memory_space<vmem>>[vector<16xi32>, vector<16xi32>], vector<16xf32>,
          %max3A_330 = arith.maximumf %gather3A_292, %gather3A_329 : vector<16xf32>
          %add3A_331 = arith.constant 2 : i32
          %add3A_332 = vector.broadcast %add3A_331 : i32 to vector<16xi32>
          %add3A_333 = arith.addi %mul3A_244, %add3A_332 : vector<16xi32>
          %broadcast_in_dim3A_334 = arith.constant 40 : i32
          %broadcast_in_dim3A_335 = vector.broadcast %broadcast_in_dim3A_334 : i32 to vector<16xi32>
          %gather3A_336 = tpu.vector_load_idx %arg12[%add3A_333, %broadcast_in_dim3A_335] : memref<512x48xf32, #tpu.memory_space<vmem>>[vector<16xi32>, vector<16xi32>], vector<16xf32>,
          %broadcast_in_dim3A_337 = arith.constant 32 : i32
          %broadcast_in_dim3A_338 = vector.broadcast %broadcast_in_dim3A_337 : i32 to vector<16xi32>
          %gather3A_339 = tpu.vector_load_idx %arg12[%add3A_333, %broadcast_in_dim3A_338] : memref<512x48xf32, #tpu.memory_space<vmem>>[vector<16xi32>, vector<16xi32>], vector<16xf32>,
          %max3A_340 = arith.maximumf %max3A_302, %gather3A_339 : vector<16xf32>
          %broadcast_in_dim3A_341 = arith.constant 33 : i32
          %broadcast_in_dim3A_342 = vector.broadcast %broadcast_in_dim3A_341 : i32 to vector<16xi32>
          %gather3A_343 = tpu.vector_load_idx %arg12[%add3A_333, %broadcast_in_dim3A_342] : memref<512x48xf32, #tpu.memory_space<vmem>>[vector<16xi32>, vector<16xi32>], vector<16xf32>,
          %max3A_344 = arith.maximumf %max3A_306, %gather3A_343 : vector<16xf32>
          %broadcast_in_dim3A_345 = arith.constant 34 : i32
          %broadcast_in_dim3A_346 = vector.broadcast %broadcast_in_dim3A_345 : i32 to vector<16xi32>
          %gather3A_347 = tpu.vector_load_idx %arg12[%add3A_333, %broadcast_in_dim3A_346] : memref<512x48xf32, #tpu.memory_space<vmem>>[vector<16xi32>, vector<16xi32>], vector<16xf32>,
          %max3A_348 = arith.maximumf %max3A_310, %gather3A_347 : vector<16xf32>
          %broadcast_in_dim3A_349 = arith.constant 35 : i32
          %broadcast_in_dim3A_350 = vector.broadcast %broadcast_in_dim3A_349 : i32 to vector<16xi32>
          %gather3A_351 = tpu.vector_load_idx %arg12[%add3A_333, %broadcast_in_dim3A_350] : memref<512x48xf32, #tpu.memory_space<vmem>>[vector<16xi32>, vector<16xi32>], vector<16xf32>,
          %max3A_352 = arith.maximumf %max3A_314, %gather3A_351 : vector<16xf32>
          %broadcast_in_dim3A_353 = arith.constant 36 : i32
          %broadcast_in_dim3A_354 = vector.broadcast %broadcast_in_dim3A_353 : i32 to vector<16xi32>
          %gather3A_355 = tpu.vector_load_idx %arg12[%add3A_333, %broadcast_in_dim3A_354] : memref<512x48xf32, #tpu.memory_space<vmem>>[vector<16xi32>, vector<16xi32>], vector<16xf32>,
          %max3A_356 = arith.maximumf %max3A_318, %gather3A_355 : vector<16xf32>
          %broadcast_in_dim3A_357 = arith.constant 37 : i32
          %broadcast_in_dim3A_358 = vector.broadcast %broadcast_in_dim3A_357 : i32 to vector<16xi32>
          %gather3A_359 = tpu.vector_load_idx %arg12[%add3A_333, %broadcast_in_dim3A_358] : memref<512x48xf32, #tpu.memory_space<vmem>>[vector<16xi32>, vector<16xi32>], vector<16xf32>,
          %max3A_360 = arith.maximumf %max3A_322, %gather3A_359 : vector<16xf32>
          %broadcast_in_dim3A_361 = arith.constant 38 : i32
          %broadcast_in_dim3A_362 = vector.broadcast %broadcast_in_dim3A_361 : i32 to vector<16xi32>
          %gather3A_363 = tpu.vector_load_idx %arg12[%add3A_333, %broadcast_in_dim3A_362] : memref<512x48xf32, #tpu.memory_space<vmem>>[vector<16xi32>, vector<16xi32>], vector<16xf32>,
          %max3A_364 = arith.maximumf %max3A_326, %gather3A_363 : vector<16xf32>
          %broadcast_in_dim3A_365 = arith.constant 39 : i32
          %broadcast_in_dim3A_366 = vector.broadcast %broadcast_in_dim3A_365 : i32 to vector<16xi32>
          %gather3A_367 = tpu.vector_load_idx %arg12[%add3A_333, %broadcast_in_dim3A_366] : memref<512x48xf32, #tpu.memory_space<vmem>>[vector<16xi32>, vector<16xi32>], vector<16xf32>,
          %max3A_368 = arith.maximumf %max3A_330, %gather3A_367 : vector<16xf32>
          %add3A_369 = arith.constant 3 : i32
          %add3A_370 = vector.broadcast %add3A_369 : i32 to vector<16xi32>
          %add3A_371 = arith.addi %mul3A_244, %add3A_370 : vector<16xi32>
          %broadcast_in_dim3A_372 = arith.constant 40 : i32
          %broadcast_in_dim3A_373 = vector.broadcast %broadcast_in_dim3A_372 : i32 to vector<16xi32>
          %gather3A_374 = tpu.vector_load_idx %arg12[%add3A_371, %broadcast_in_dim3A_373] : memref<512x48xf32, #tpu.memory_space<vmem>>[vector<16xi32>, vector<16xi32>], vector<16xf32>,
          %broadcast_in_dim3A_375 = arith.constant 32 : i32
          %broadcast_in_dim3A_376 = vector.broadcast %broadcast_in_dim3A_375 : i32 to vector<16xi32>
          %gather3A_377 = tpu.vector_load_idx %arg12[%add3A_371, %broadcast_in_dim3A_376] : memref<512x48xf32, #tpu.memory_space<vmem>>[vector<16xi32>, vector<16xi32>], vector<16xf32>,
          %max3A_378 = arith.maximumf %max3A_340, %gather3A_377 : vector<16xf32>
          %broadcast_in_dim3A_379 = arith.constant 33 : i32
          %broadcast_in_dim3A_380 = vector.broadcast %broadcast_in_dim3A_379 : i32 to vector<16xi32>
          %gather3A_381 = tpu.vector_load_idx %arg12[%add3A_371, %broadcast_in_dim3A_380] : memref<512x48xf32, #tpu.memory_space<vmem>>[vector<16xi32>, vector<16xi32>], vector<16xf32>,
          %max3A_382 = arith.maximumf %max3A_344, %gather3A_381 : vector<16xf32>
          %broadcast_in_dim3A_383 = arith.constant 34 : i32
          %broadcast_in_dim3A_384 = vector.broadcast %broadcast_in_dim3A_383 : i32 to vector<16xi32>
          %gather3A_385 = tpu.vector_load_idx %arg12[%add3A_371, %broadcast_in_dim3A_384] : memref<512x48xf32, #tpu.memory_space<vmem>>[vector<16xi32>, vector<16xi32>], vector<16xf32>,
          %max3A_386 = arith.maximumf %max3A_348, %gather3A_385 : vector<16xf32>
          %broadcast_in_dim3A_387 = arith.constant 35 : i32
          %broadcast_in_dim3A_388 = vector.broadcast %broadcast_in_dim3A_387 : i32 to vector<16xi32>
          %gather3A_389 = tpu.vector_load_idx %arg12[%add3A_371, %broadcast_in_dim3A_388] : memref<512x48xf32, #tpu.memory_space<vmem>>[vector<16xi32>, vector<16xi32>], vector<16xf32>,
          %max3A_390 = arith.maximumf %max3A_352, %gather3A_389 : vector<16xf32>
          %broadcast_in_dim3A_391 = arith.constant 36 : i32
          %broadcast_in_dim3A_392 = vector.broadcast %broadcast_in_dim3A_391 : i32 to vector<16xi32>
          %gather3A_393 = tpu.vector_load_idx %arg12[%add3A_371, %broadcast_in_dim3A_392] : memref<512x48xf32, #tpu.memory_space<vmem>>[vector<16xi32>, vector<16xi32>], vector<16xf32>,
          %max3A_394 = arith.maximumf %max3A_356, %gather3A_393 : vector<16xf32>
          %broadcast_in_dim3A_395 = arith.constant 37 : i32
          %broadcast_in_dim3A_396 = vector.broadcast %broadcast_in_dim3A_395 : i32 to vector<16xi32>
          %gather3A_397 = tpu.vector_load_idx %arg12[%add3A_371, %broadcast_in_dim3A_396] : memref<512x48xf32, #tpu.memory_space<vmem>>[vector<16xi32>, vector<16xi32>], vector<16xf32>,
          %max3A_398 = arith.maximumf %max3A_360, %gather3A_397 : vector<16xf32>
          %broadcast_in_dim3A_399 = arith.constant 38 : i32
          %broadcast_in_dim3A_400 = vector.broadcast %broadcast_in_dim3A_399 : i32 to vector<16xi32>
          %gather3A_401 = tpu.vector_load_idx %arg12[%add3A_371, %broadcast_in_dim3A_400] : memref<512x48xf32, #tpu.memory_space<vmem>>[vector<16xi32>, vector<16xi32>], vector<16xf32>,
          %max3A_402 = arith.maximumf %max3A_364, %gather3A_401 : vector<16xf32>
          %broadcast_in_dim3A_403 = arith.constant 39 : i32
          %broadcast_in_dim3A_404 = vector.broadcast %broadcast_in_dim3A_403 : i32 to vector<16xi32>
          %gather3A_405 = tpu.vector_load_idx %arg12[%add3A_371, %broadcast_in_dim3A_404] : memref<512x48xf32, #tpu.memory_space<vmem>>[vector<16xi32>, vector<16xi32>], vector<16xf32>,
          %max3A_406 = arith.maximumf %max3A_368, %gather3A_405 : vector<16xf32>
          %mul3A_407 = vector.broadcast %reduce_sum3A_19 : f32 to vector<16xf32>
          %mul3A_408 = arith.mulf %mul3A_407, %max3A_378 : vector<16xf32>
          %mul3A_409 = vector.broadcast %reduce_sum3A_29 : f32 to vector<16xf32>
          %mul3A_410 = arith.mulf %mul3A_409, %max3A_382 : vector<16xf32>
          %add3A_411 = arith.addf %mul3A_408, %mul3A_410 : vector<16xf32>
          %mul3A_412 = vector.broadcast %reduce_sum3A_39 : f32 to vector<16xf32>
          %mul3A_413 = arith.mulf %mul3A_412, %max3A_386 : vector<16xf32>
          %add3A_414 = arith.addf %add3A_411, %mul3A_413 : vector<16xf32>
          %mul3A_415 = vector.broadcast %reduce_sum3A_49 : f32 to vector<16xf32>
          %mul3A_416 = arith.mulf %mul3A_415, %max3A_390 : vector<16xf32>
          %add3A_417 = arith.addf %add3A_414, %mul3A_416 : vector<16xf32>
          %mul3A_418 = vector.broadcast %reduce_sum3A_59 : f32 to vector<16xf32>
          %mul3A_419 = arith.mulf %mul3A_418, %max3A_394 : vector<16xf32>
          %add3A_420 = arith.addf %add3A_417, %mul3A_419 : vector<16xf32>
          %mul3A_421 = vector.broadcast %reduce_sum3A_69 : f32 to vector<16xf32>
          %mul3A_422 = arith.mulf %mul3A_421, %max3A_398 : vector<16xf32>
          %add3A_423 = arith.addf %add3A_420, %mul3A_422 : vector<16xf32>
          %mul3A_424 = vector.broadcast %reduce_sum3A_79 : f32 to vector<16xf32>
          %mul3A_425 = arith.mulf %mul3A_424, %max3A_402 : vector<16xf32>
          %add3A_426 = arith.addf %add3A_423, %mul3A_425 : vector<16xf32>
          %mul3A_427 = vector.broadcast %reduce_sum3A_89 : f32 to vector<16xf32>
          %mul3A_428 = arith.mulf %mul3A_427, %max3A_406 : vector<16xf32>
          %add3A_429 = arith.addf %add3A_426, %mul3A_428 : vector<16xf32>
          %sub3A_430 = vector.broadcast %reduce_sum3A_109 : f32 to vector<16xf32>
          %sub3A_431 = arith.subf %sub3A_430, %add3A_429 : vector<16xf32>
          %mul3A_432 = vector.broadcast %reduce_sum3A_99 : f32 to vector<16xf32>
          %mul3A_433 = arith.mulf %mul3A_432, %max3A_262 : vector<16xf32>
          %sub3A_434 = arith.subf %sub3A_431, %mul3A_433 : vector<16xf32>
          %mul3A_435 = vector.broadcast %reduce_sum3A_119 : f32 to vector<16xf32>
          %mul3A_436 = arith.mulf %mul3A_435, %gather3A : vector<16xf32>
          %add3A_437 = arith.addf %mul3A_436, %gather3A_268 : vector<16xf32>
          %add3A_438 = arith.addf %add3A_437, %sub3A_434 : vector<16xf32>
          %mul3A_439 = arith.constant 16 : i32
          %mul3A_440 = arith.muli %scan3A_236, %mul3A_439 : i32
          %swap3A = arith.constant 0 : i32
          %swap3A_441 = arith.index_cast %swap3A : i32 to index
          %swap3A_442 = arith.index_cast %mul3A_440 : i32 to index
          %swap3A_443 = tpu.vector_load %arg14[%swap3A_441, %swap3A_442] {strides = array<i32>} : memref<4x128xf32, #tpu.memory_space<vmem>>, vector<16xf32>,
          tpu.vector_store %arg14[%swap3A_441, %swap3A_442], %add3A_438 {strides = array<i32>} : memref<4x128xf32, #tpu.memory_space<vmem>>, vector<16xf32>,
          %mul3A_444 = vector.broadcast %reduce_sum3A_119 : f32 to vector<16xf32>
          %mul3A_445 = arith.mulf %mul3A_444, %gather3A_251 : vector<16xf32>
          %add3A_446 = arith.addf %mul3A_445, %gather3A_298 : vector<16xf32>
          %add3A_447 = arith.addf %add3A_446, %sub3A_434 : vector<16xf32>
          %mul3A_448 = arith.constant 16 : i32
          %mul3A_449 = arith.muli %scan3A_236, %mul3A_448 : i32
          %swap3A_450 = arith.constant 1 : i32
          %swap3A_451 = arith.index_cast %swap3A_450 : i32 to index
          %swap3A_452 = arith.index_cast %mul3A_449 : i32 to index
          %swap3A_453 = tpu.vector_load %arg14[%swap3A_451, %swap3A_452] {strides = array<i32>} : memref<4x128xf32, #tpu.memory_space<vmem>>, vector<16xf32>,
          tpu.vector_store %arg14[%swap3A_451, %swap3A_452], %add3A_447 {strides = array<i32>} : memref<4x128xf32, #tpu.memory_space<vmem>>, vector<16xf32>,
          %mul3A_454 = vector.broadcast %reduce_sum3A_119 : f32 to vector<16xf32>
          %mul3A_455 = arith.mulf %mul3A_454, %gather3A_255 : vector<16xf32>
          %add3A_456 = arith.addf %mul3A_455, %gather3A_336 : vector<16xf32>
          %add3A_457 = arith.addf %add3A_456, %sub3A_434 : vector<16xf32>
          %mul3A_458 = arith.constant 16 : i32
          %mul3A_459 = arith.muli %scan3A_236, %mul3A_458 : i32
          %swap3A_460 = arith.constant 2 : i32
          %swap3A_461 = arith.index_cast %swap3A_460 : i32 to index
          %swap3A_462 = arith.index_cast %mul3A_459 : i32 to index
          %swap3A_463 = tpu.vector_load %arg14[%swap3A_461, %swap3A_462] {strides = array<i32>} : memref<4x128xf32, #tpu.memory_space<vmem>>, vector<16xf32>,
          tpu.vector_store %arg14[%swap3A_461, %swap3A_462], %add3A_457 {strides = array<i32>} : memref<4x128xf32, #tpu.memory_space<vmem>>, vector<16xf32>,
          %mul3A_464 = vector.broadcast %reduce_sum3A_119 : f32 to vector<16xf32>
          %mul3A_465 = arith.mulf %mul3A_464, %gather3A_259 : vector<16xf32>
          %add3A_466 = arith.addf %mul3A_465, %gather3A_374 : vector<16xf32>
          %add3A_467 = arith.addf %add3A_466, %sub3A_434 : vector<16xf32>
          %mul3A_468 = arith.constant 16 : i32
          %mul3A_469 = arith.muli %scan3A_236, %mul3A_468 : i32
          %swap3A_470 = arith.constant 3 : i32
          %swap3A_471 = arith.index_cast %swap3A_470 : i32 to index
          %swap3A_472 = arith.index_cast %mul3A_469 : i32 to index
          %swap3A_473 = tpu.vector_load %arg14[%swap3A_471, %swap3A_472] {strides = array<i32>} : memref<4x128xf32, #tpu.memory_space<vmem>>, vector<16xf32>,
          tpu.vector_store %arg14[%swap3A_471, %swap3A_472], %add3A_467 {strides = array<i32>} : memref<4x128xf32, #tpu.memory_space<vmem>>, vector<16xf32>,
          %scan3A_474 = arith.constant 0 : i32
          %scan3A_475 = arith.constant 1 : i32
          %scan3A_476 = arith.addi %scan3A_236, %scan3A_475 : i32
          %mul3A_477 = arith.constant 16 : i32
          %mul3A_478 = arith.muli %scan3A_476, %mul3A_477 : i32
          %add3A_479 = vector.broadcast %mul3A_478 : i32 to vector<16xi32>
          %add3A_480 = arith.addi %add3A_479, %iota3A : vector<16xi32>
          %mul3A_481 = arith.constant 4 : i32
          %mul3A_482 = vector.broadcast %mul3A_481 : i32 to vector<16xi32>
          %mul3A_483 = arith.muli %mul3A_482, %add3A_480 : vector<16xi32>
          %add3A_484 = arith.constant 0 : i32
          %add3A_485 = vector.broadcast %add3A_484 : i32 to vector<16xi32>
          %add3A_486 = arith.addi %mul3A_483, %add3A_485 : vector<16xi32>
          %gather3A_487 = tpu.vector_load_idx %arg10[%add3A_486] : memref<512xf32, #tpu.memory_space<vmem>>[vector<16xi32>], vector<16xf32>,
          %add3A_488 = arith.constant 1 : i32
          %add3A_489 = vector.broadcast %add3A_488 : i32 to vector<16xi32>
          %add3A_490 = arith.addi %mul3A_483, %add3A_489 : vector<16xi32>
          %gather3A_491 = tpu.vector_load_idx %arg10[%add3A_490] : memref<512xf32, #tpu.memory_space<vmem>>[vector<16xi32>], vector<16xf32>,
          %add3A_492 = arith.constant 2 : i32
          %add3A_493 = vector.broadcast %add3A_492 : i32 to vector<16xi32>
          %add3A_494 = arith.addi %mul3A_483, %add3A_493 : vector<16xi32>
          %gather3A_495 = tpu.vector_load_idx %arg10[%add3A_494] : memref<512xf32, #tpu.memory_space<vmem>>[vector<16xi32>], vector<16xf32>,
          %add3A_496 = arith.constant 3 : i32
          %add3A_497 = vector.broadcast %add3A_496 : i32 to vector<16xi32>
          %add3A_498 = arith.addi %mul3A_483, %add3A_497 : vector<16xi32>
          %gather3A_499 = tpu.vector_load_idx %arg10[%add3A_498] : memref<512xf32, #tpu.memory_space<vmem>>[vector<16xi32>], vector<16xf32>,
          %max3A_500 = arith.maximumf %gather3A_487, %gather3A_491 : vector<16xf32>
          %max3A_501 = arith.maximumf %gather3A_495, %gather3A_499 : vector<16xf32>
          %max3A_502 = arith.maximumf %max3A_500, %max3A_501 : vector<16xf32>
          %add3A_503 = arith.constant 0 : i32
          %add3A_504 = vector.broadcast %add3A_503 : i32 to vector<16xi32>
          %add3A_505 = arith.addi %mul3A_483, %add3A_504 : vector<16xi32>
          %broadcast_in_dim3A_506 = arith.constant 40 : i32
          %broadcast_in_dim3A_507 = vector.broadcast %broadcast_in_dim3A_506 : i32 to vector<16xi32>
          %gather3A_508 = tpu.vector_load_idx %arg12[%add3A_505, %broadcast_in_dim3A_507] : memref<512x48xf32, #tpu.memory_space<vmem>>[vector<16xi32>, vector<16xi32>], vector<16xf32>,
          %broadcast_in_dim3A_509 = arith.constant 32 : i32
          %broadcast_in_dim3A_510 = vector.broadcast %broadcast_in_dim3A_509 : i32 to vector<16xi32>
          %gather3A_511 = tpu.vector_load_idx %arg12[%add3A_505, %broadcast_in_dim3A_510] : memref<512x48xf32, #tpu.memory_space<vmem>>[vector<16xi32>, vector<16xi32>], vector<16xf32>,
          %broadcast_in_dim3A_512 = arith.constant 33 : i32
          %broadcast_in_dim3A_513 = vector.broadcast %broadcast_in_dim3A_512 : i32 to vector<16xi32>
          %gather3A_514 = tpu.vector_load_idx %arg12[%add3A_505, %broadcast_in_dim3A_513] : memref<512x48xf32, #tpu.memory_space<vmem>>[vector<16xi32>, vector<16xi32>], vector<16xf32>,
          %broadcast_in_dim3A_515 = arith.constant 34 : i32
          %broadcast_in_dim3A_516 = vector.broadcast %broadcast_in_dim3A_515 : i32 to vector<16xi32>
          %gather3A_517 = tpu.vector_load_idx %arg12[%add3A_505, %broadcast_in_dim3A_516] : memref<512x48xf32, #tpu.memory_space<vmem>>[vector<16xi32>, vector<16xi32>], vector<16xf32>,
          %broadcast_in_dim3A_518 = arith.constant 35 : i32
          %broadcast_in_dim3A_519 = vector.broadcast %broadcast_in_dim3A_518 : i32 to vector<16xi32>
          %gather3A_520 = tpu.vector_load_idx %arg12[%add3A_505, %broadcast_in_dim3A_519] : memref<512x48xf32, #tpu.memory_space<vmem>>[vector<16xi32>, vector<16xi32>], vector<16xf32>,
          %broadcast_in_dim3A_521 = arith.constant 36 : i32
          %broadcast_in_dim3A_522 = vector.broadcast %broadcast_in_dim3A_521 : i32 to vector<16xi32>
          %gather3A_523 = tpu.vector_load_idx %arg12[%add3A_505, %broadcast_in_dim3A_522] : memref<512x48xf32, #tpu.memory_space<vmem>>[vector<16xi32>, vector<16xi32>], vector<16xf32>,
          %broadcast_in_dim3A_524 = arith.constant 37 : i32
          %broadcast_in_dim3A_525 = vector.broadcast %broadcast_in_dim3A_524 : i32 to vector<16xi32>
          %gather3A_526 = tpu.vector_load_idx %arg12[%add3A_505, %broadcast_in_dim3A_525] : memref<512x48xf32, #tpu.memory_space<vmem>>[vector<16xi32>, vector<16xi32>], vector<16xf32>,
          %broadcast_in_dim3A_527 = arith.constant 38 : i32
          %broadcast_in_dim3A_528 = vector.broadcast %broadcast_in_dim3A_527 : i32 to vector<16xi32>
          %gather3A_529 = tpu.vector_load_idx %arg12[%add3A_505, %broadcast_in_dim3A_528] : memref<512x48xf32, #tpu.memory_space<vmem>>[vector<16xi32>, vector<16xi32>], vector<16xf32>,
          %broadcast_in_dim3A_530 = arith.constant 39 : i32
          %broadcast_in_dim3A_531 = vector.broadcast %broadcast_in_dim3A_530 : i32 to vector<16xi32>
          %gather3A_532 = tpu.vector_load_idx %arg12[%add3A_505, %broadcast_in_dim3A_531] : memref<512x48xf32, #tpu.memory_space<vmem>>[vector<16xi32>, vector<16xi32>], vector<16xf32>,
          %add3A_533 = arith.constant 1 : i32
          %add3A_534 = vector.broadcast %add3A_533 : i32 to vector<16xi32>
          %add3A_535 = arith.addi %mul3A_483, %add3A_534 : vector<16xi32>
          %broadcast_in_dim3A_536 = arith.constant 40 : i32
          %broadcast_in_dim3A_537 = vector.broadcast %broadcast_in_dim3A_536 : i32 to vector<16xi32>
          %gather3A_538 = tpu.vector_load_idx %arg12[%add3A_535, %broadcast_in_dim3A_537] : memref<512x48xf32, #tpu.memory_space<vmem>>[vector<16xi32>, vector<16xi32>], vector<16xf32>,
          %broadcast_in_dim3A_539 = arith.constant 32 : i32
          %broadcast_in_dim3A_540 = vector.broadcast %broadcast_in_dim3A_539 : i32 to vector<16xi32>
          %gather3A_541 = tpu.vector_load_idx %arg12[%add3A_535, %broadcast_in_dim3A_540] : memref<512x48xf32, #tpu.memory_space<vmem>>[vector<16xi32>, vector<16xi32>], vector<16xf32>,
          %max3A_542 = arith.maximumf %gather3A_511, %gather3A_541 : vector<16xf32>
          %broadcast_in_dim3A_543 = arith.constant 33 : i32
          %broadcast_in_dim3A_544 = vector.broadcast %broadcast_in_dim3A_543 : i32 to vector<16xi32>
          %gather3A_545 = tpu.vector_load_idx %arg12[%add3A_535, %broadcast_in_dim3A_544] : memref<512x48xf32, #tpu.memory_space<vmem>>[vector<16xi32>, vector<16xi32>], vector<16xf32>,
          %max3A_546 = arith.maximumf %gather3A_514, %gather3A_545 : vector<16xf32>
          %broadcast_in_dim3A_547 = arith.constant 34 : i32
          %broadcast_in_dim3A_548 = vector.broadcast %broadcast_in_dim3A_547 : i32 to vector<16xi32>
          %gather3A_549 = tpu.vector_load_idx %arg12[%add3A_535, %broadcast_in_dim3A_548] : memref<512x48xf32, #tpu.memory_space<vmem>>[vector<16xi32>, vector<16xi32>], vector<16xf32>,
          %max3A_550 = arith.maximumf %gather3A_517, %gather3A_549 : vector<16xf32>
          %broadcast_in_dim3A_551 = arith.constant 35 : i32
          %broadcast_in_dim3A_552 = vector.broadcast %broadcast_in_dim3A_551 : i32 to vector<16xi32>
          %gather3A_553 = tpu.vector_load_idx %arg12[%add3A_535, %broadcast_in_dim3A_552] : memref<512x48xf32, #tpu.memory_space<vmem>>[vector<16xi32>, vector<16xi32>], vector<16xf32>,
          %max3A_554 = arith.maximumf %gather3A_520, %gather3A_553 : vector<16xf32>
          %broadcast_in_dim3A_555 = arith.constant 36 : i32
          %broadcast_in_dim3A_556 = vector.broadcast %broadcast_in_dim3A_555 : i32 to vector<16xi32>
          %gather3A_557 = tpu.vector_load_idx %arg12[%add3A_535, %broadcast_in_dim3A_556] : memref<512x48xf32, #tpu.memory_space<vmem>>[vector<16xi32>, vector<16xi32>], vector<16xf32>,
          %max3A_558 = arith.maximumf %gather3A_523, %gather3A_557 : vector<16xf32>
          %broadcast_in_dim3A_559 = arith.constant 37 : i32
          %broadcast_in_dim3A_560 = vector.broadcast %broadcast_in_dim3A_559 : i32 to vector<16xi32>
          %gather3A_561 = tpu.vector_load_idx %arg12[%add3A_535, %broadcast_in_dim3A_560] : memref<512x48xf32, #tpu.memory_space<vmem>>[vector<16xi32>, vector<16xi32>], vector<16xf32>,
          %max3A_562 = arith.maximumf %gather3A_526, %gather3A_561 : vector<16xf32>
          %broadcast_in_dim3A_563 = arith.constant 38 : i32
          %broadcast_in_dim3A_564 = vector.broadcast %broadcast_in_dim3A_563 : i32 to vector<16xi32>
          %gather3A_565 = tpu.vector_load_idx %arg12[%add3A_535, %broadcast_in_dim3A_564] : memref<512x48xf32, #tpu.memory_space<vmem>>[vector<16xi32>, vector<16xi32>], vector<16xf32>,
          %max3A_566 = arith.maximumf %gather3A_529, %gather3A_565 : vector<16xf32>
          %broadcast_in_dim3A_567 = arith.constant 39 : i32
          %broadcast_in_dim3A_568 = vector.broadcast %broadcast_in_dim3A_567 : i32 to vector<16xi32>
          %gather3A_569 = tpu.vector_load_idx %arg12[%add3A_535, %broadcast_in_dim3A_568] : memref<512x48xf32, #tpu.memory_space<vmem>>[vector<16xi32>, vector<16xi32>], vector<16xf32>,
          %max3A_570 = arith.maximumf %gather3A_532, %gather3A_569 : vector<16xf32>
          %add3A_571 = arith.constant 2 : i32
          %add3A_572 = vector.broadcast %add3A_571 : i32 to vector<16xi32>
          %add3A_573 = arith.addi %mul3A_483, %add3A_572 : vector<16xi32>
          %broadcast_in_dim3A_574 = arith.constant 40 : i32
          %broadcast_in_dim3A_575 = vector.broadcast %broadcast_in_dim3A_574 : i32 to vector<16xi32>
          %gather3A_576 = tpu.vector_load_idx %arg12[%add3A_573, %broadcast_in_dim3A_575] : memref<512x48xf32, #tpu.memory_space<vmem>>[vector<16xi32>, vector<16xi32>], vector<16xf32>,
          %broadcast_in_dim3A_577 = arith.constant 32 : i32
          %broadcast_in_dim3A_578 = vector.broadcast %broadcast_in_dim3A_577 : i32 to vector<16xi32>
          %gather3A_579 = tpu.vector_load_idx %arg12[%add3A_573, %broadcast_in_dim3A_578] : memref<512x48xf32, #tpu.memory_space<vmem>>[vector<16xi32>, vector<16xi32>], vector<16xf32>,
          %max3A_580 = arith.maximumf %max3A_542, %gather3A_579 : vector<16xf32>
          %broadcast_in_dim3A_581 = arith.constant 33 : i32
          %broadcast_in_dim3A_582 = vector.broadcast %broadcast_in_dim3A_581 : i32 to vector<16xi32>
          %gather3A_583 = tpu.vector_load_idx %arg12[%add3A_573, %broadcast_in_dim3A_582] : memref<512x48xf32, #tpu.memory_space<vmem>>[vector<16xi32>, vector<16xi32>], vector<16xf32>,
          %max3A_584 = arith.maximumf %max3A_546, %gather3A_583 : vector<16xf32>
          %broadcast_in_dim3A_585 = arith.constant 34 : i32
          %broadcast_in_dim3A_586 = vector.broadcast %broadcast_in_dim3A_585 : i32 to vector<16xi32>
          %gather3A_587 = tpu.vector_load_idx %arg12[%add3A_573, %broadcast_in_dim3A_586] : memref<512x48xf32, #tpu.memory_space<vmem>>[vector<16xi32>, vector<16xi32>], vector<16xf32>,
          %max3A_588 = arith.maximumf %max3A_550, %gather3A_587 : vector<16xf32>
          %broadcast_in_dim3A_589 = arith.constant 35 : i32
          %broadcast_in_dim3A_590 = vector.broadcast %broadcast_in_dim3A_589 : i32 to vector<16xi32>
          %gather3A_591 = tpu.vector_load_idx %arg12[%add3A_573, %broadcast_in_dim3A_590] : memref<512x48xf32, #tpu.memory_space<vmem>>[vector<16xi32>, vector<16xi32>], vector<16xf32>,
          %max3A_592 = arith.maximumf %max3A_554, %gather3A_591 : vector<16xf32>
          %broadcast_in_dim3A_593 = arith.constant 36 : i32
          %broadcast_in_dim3A_594 = vector.broadcast %broadcast_in_dim3A_593 : i32 to vector<16xi32>
          %gather3A_595 = tpu.vector_load_idx %arg12[%add3A_573, %broadcast_in_dim3A_594] : memref<512x48xf32, #tpu.memory_space<vmem>>[vector<16xi32>, vector<16xi32>], vector<16xf32>,
          %max3A_596 = arith.maximumf %max3A_558, %gather3A_595 : vector<16xf32>
          %broadcast_in_dim3A_597 = arith.constant 37 : i32
          %broadcast_in_dim3A_598 = vector.broadcast %broadcast_in_dim3A_597 : i32 to vector<16xi32>
          %gather3A_599 = tpu.vector_load_idx %arg12[%add3A_573, %broadcast_in_dim3A_598] : memref<512x48xf32, #tpu.memory_space<vmem>>[vector<16xi32>, vector<16xi32>], vector<16xf32>,
          %max3A_600 = arith.maximumf %max3A_562, %gather3A_599 : vector<16xf32>
          %broadcast_in_dim3A_601 = arith.constant 38 : i32
          %broadcast_in_dim3A_602 = vector.broadcast %broadcast_in_dim3A_601 : i32 to vector<16xi32>
          %gather3A_603 = tpu.vector_load_idx %arg12[%add3A_573, %broadcast_in_dim3A_602] : memref<512x48xf32, #tpu.memory_space<vmem>>[vector<16xi32>, vector<16xi32>], vector<16xf32>,
          %max3A_604 = arith.maximumf %max3A_566, %gather3A_603 : vector<16xf32>
          %broadcast_in_dim3A_605 = arith.constant 39 : i32
          %broadcast_in_dim3A_606 = vector.broadcast %broadcast_in_dim3A_605 : i32 to vector<16xi32>
          %gather3A_607 = tpu.vector_load_idx %arg12[%add3A_573, %broadcast_in_dim3A_606] : memref<512x48xf32, #tpu.memory_space<vmem>>[vector<16xi32>, vector<16xi32>], vector<16xf32>,
          %max3A_608 = arith.maximumf %max3A_570, %gather3A_607 : vector<16xf32>
          %add3A_609 = arith.constant 3 : i32
          %add3A_610 = vector.broadcast %add3A_609 : i32 to vector<16xi32>
          %add3A_611 = arith.addi %mul3A_483, %add3A_610 : vector<16xi32>
          %broadcast_in_dim3A_612 = arith.constant 40 : i32
          %broadcast_in_dim3A_613 = vector.broadcast %broadcast_in_dim3A_612 : i32 to vector<16xi32>
          %gather3A_614 = tpu.vector_load_idx %arg12[%add3A_611, %broadcast_in_dim3A_613] : memref<512x48xf32, #tpu.memory_space<vmem>>[vector<16xi32>, vector<16xi32>], vector<16xf32>,
          %broadcast_in_dim3A_615 = arith.constant 32 : i32
          %broadcast_in_dim3A_616 = vector.broadcast %broadcast_in_dim3A_615 : i32 to vector<16xi32>
          %gather3A_617 = tpu.vector_load_idx %arg12[%add3A_611, %broadcast_in_dim3A_616] : memref<512x48xf32, #tpu.memory_space<vmem>>[vector<16xi32>, vector<16xi32>], vector<16xf32>,
          %max3A_618 = arith.maximumf %max3A_580, %gather3A_617 : vector<16xf32>
          %broadcast_in_dim3A_619 = arith.constant 33 : i32
          %broadcast_in_dim3A_620 = vector.broadcast %broadcast_in_dim3A_619 : i32 to vector<16xi32>
          %gather3A_621 = tpu.vector_load_idx %arg12[%add3A_611, %broadcast_in_dim3A_620] : memref<512x48xf32, #tpu.memory_space<vmem>>[vector<16xi32>, vector<16xi32>], vector<16xf32>,
          %max3A_622 = arith.maximumf %max3A_584, %gather3A_621 : vector<16xf32>
          %broadcast_in_dim3A_623 = arith.constant 34 : i32
          %broadcast_in_dim3A_624 = vector.broadcast %broadcast_in_dim3A_623 : i32 to vector<16xi32>
          %gather3A_625 = tpu.vector_load_idx %arg12[%add3A_611, %broadcast_in_dim3A_624] : memref<512x48xf32, #tpu.memory_space<vmem>>[vector<16xi32>, vector<16xi32>], vector<16xf32>,
          %max3A_626 = arith.maximumf %max3A_588, %gather3A_625 : vector<16xf32>
          %broadcast_in_dim3A_627 = arith.constant 35 : i32
          %broadcast_in_dim3A_628 = vector.broadcast %broadcast_in_dim3A_627 : i32 to vector<16xi32>
          %gather3A_629 = tpu.vector_load_idx %arg12[%add3A_611, %broadcast_in_dim3A_628] : memref<512x48xf32, #tpu.memory_space<vmem>>[vector<16xi32>, vector<16xi32>], vector<16xf32>,
          %max3A_630 = arith.maximumf %max3A_592, %gather3A_629 : vector<16xf32>
          %broadcast_in_dim3A_631 = arith.constant 36 : i32
          %broadcast_in_dim3A_632 = vector.broadcast %broadcast_in_dim3A_631 : i32 to vector<16xi32>
          %gather3A_633 = tpu.vector_load_idx %arg12[%add3A_611, %broadcast_in_dim3A_632] : memref<512x48xf32, #tpu.memory_space<vmem>>[vector<16xi32>, vector<16xi32>], vector<16xf32>,
          %max3A_634 = arith.maximumf %max3A_596, %gather3A_633 : vector<16xf32>
          %broadcast_in_dim3A_635 = arith.constant 37 : i32
          %broadcast_in_dim3A_636 = vector.broadcast %broadcast_in_dim3A_635 : i32 to vector<16xi32>
          %gather3A_637 = tpu.vector_load_idx %arg12[%add3A_611, %broadcast_in_dim3A_636] : memref<512x48xf32, #tpu.memory_space<vmem>>[vector<16xi32>, vector<16xi32>], vector<16xf32>,
          %max3A_638 = arith.maximumf %max3A_600, %gather3A_637 : vector<16xf32>
          %broadcast_in_dim3A_639 = arith.constant 38 : i32
          %broadcast_in_dim3A_640 = vector.broadcast %broadcast_in_dim3A_639 : i32 to vector<16xi32>
          %gather3A_641 = tpu.vector_load_idx %arg12[%add3A_611, %broadcast_in_dim3A_640] : memref<512x48xf32, #tpu.memory_space<vmem>>[vector<16xi32>, vector<16xi32>], vector<16xf32>,
          %max3A_642 = arith.maximumf %max3A_604, %gather3A_641 : vector<16xf32>
          %broadcast_in_dim3A_643 = arith.constant 39 : i32
          %broadcast_in_dim3A_644 = vector.broadcast %broadcast_in_dim3A_643 : i32 to vector<16xi32>
          %gather3A_645 = tpu.vector_load_idx %arg12[%add3A_611, %broadcast_in_dim3A_644] : memref<512x48xf32, #tpu.memory_space<vmem>>[vector<16xi32>, vector<16xi32>], vector<16xf32>,
          %max3A_646 = arith.maximumf %max3A_608, %gather3A_645 : vector<16xf32>
          %mul3A_647 = vector.broadcast %reduce_sum3A_19 : f32 to vector<16xf32>
          %mul3A_648 = arith.mulf %mul3A_647, %max3A_618 : vector<16xf32>
          %mul3A_649 = vector.broadcast %reduce_sum3A_29 : f32 to vector<16xf32>
          %mul3A_650 = arith.mulf %mul3A_649, %max3A_622 : vector<16xf32>
          %add3A_651 = arith.addf %mul3A_648, %mul3A_650 : vector<16xf32>
          %mul3A_652 = vector.broadcast %reduce_sum3A_39 : f32 to vector<16xf32>
          %mul3A_653 = arith.mulf %mul3A_652, %max3A_626 : vector<16xf32>
          %add3A_654 = arith.addf %add3A_651, %mul3A_653 : vector<16xf32>
          %mul3A_655 = vector.broadcast %reduce_sum3A_49 : f32 to vector<16xf32>
          %mul3A_656 = arith.mulf %mul3A_655, %max3A_630 : vector<16xf32>
          %add3A_657 = arith.addf %add3A_654, %mul3A_656 : vector<16xf32>
          %mul3A_658 = vector.broadcast %reduce_sum3A_59 : f32 to vector<16xf32>
          %mul3A_659 = arith.mulf %mul3A_658, %max3A_634 : vector<16xf32>
          %add3A_660 = arith.addf %add3A_657, %mul3A_659 : vector<16xf32>
          %mul3A_661 = vector.broadcast %reduce_sum3A_69 : f32 to vector<16xf32>
          %mul3A_662 = arith.mulf %mul3A_661, %max3A_638 : vector<16xf32>
          %add3A_663 = arith.addf %add3A_660, %mul3A_662 : vector<16xf32>
          %mul3A_664 = vector.broadcast %reduce_sum3A_79 : f32 to vector<16xf32>
          %mul3A_665 = arith.mulf %mul3A_664, %max3A_642 : vector<16xf32>
          %add3A_666 = arith.addf %add3A_663, %mul3A_665 : vector<16xf32>
          %mul3A_667 = vector.broadcast %reduce_sum3A_89 : f32 to vector<16xf32>
          %mul3A_668 = arith.mulf %mul3A_667, %max3A_646 : vector<16xf32>
          %add3A_669 = arith.addf %add3A_666, %mul3A_668 : vector<16xf32>
          %sub3A_670 = vector.broadcast %reduce_sum3A_109 : f32 to vector<16xf32>
          %sub3A_671 = arith.subf %sub3A_670, %add3A_669 : vector<16xf32>
          %mul3A_672 = vector.broadcast %reduce_sum3A_99 : f32 to vector<16xf32>
          %mul3A_673 = arith.mulf %mul3A_672, %max3A_502 : vector<16xf32>
          %sub3A_674 = arith.subf %sub3A_671, %mul3A_673 : vector<16xf32>
          %mul3A_675 = vector.broadcast %reduce_sum3A_119 : f32 to vector<16xf32>
          %mul3A_676 = arith.mulf %mul3A_675, %gather3A_487 : vector<16xf32>
          %add3A_677 = arith.addf %mul3A_676, %gather3A_508 : vector<16xf32>
          %add3A_678 = arith.addf %add3A_677, %sub3A_674 : vector<16xf32>
          %mul3A_679 = arith.constant 16 : i32
          %mul3A_680 = arith.muli %scan3A_476, %mul3A_679 : i32
          %swap3A_681 = arith.constant 0 : i32
          %swap3A_682 = arith.index_cast %swap3A_681 : i32 to index
          %swap3A_683 = arith.index_cast %mul3A_680 : i32 to index
          %swap3A_684 = tpu.vector_load %arg14[%swap3A_682, %swap3A_683] {strides = array<i32>} : memref<4x128xf32, #tpu.memory_space<vmem>>, vector<16xf32>,
          tpu.vector_store %arg14[%swap3A_682, %swap3A_683], %add3A_678 {strides = array<i32>} : memref<4x128xf32, #tpu.memory_space<vmem>>, vector<16xf32>,
          %mul3A_685 = vector.broadcast %reduce_sum3A_119 : f32 to vector<16xf32>
          %mul3A_686 = arith.mulf %mul3A_685, %gather3A_491 : vector<16xf32>
          %add3A_687 = arith.addf %mul3A_686, %gather3A_538 : vector<16xf32>
          %add3A_688 = arith.addf %add3A_687, %sub3A_674 : vector<16xf32>
          %mul3A_689 = arith.constant 16 : i32
          %mul3A_690 = arith.muli %scan3A_476, %mul3A_689 : i32
          %swap3A_691 = arith.constant 1 : i32
          %swap3A_692 = arith.index_cast %swap3A_691 : i32 to index
          %swap3A_693 = arith.index_cast %mul3A_690 : i32 to index
          %swap3A_694 = tpu.vector_load %arg14[%swap3A_692, %swap3A_693] {strides = array<i32>} : memref<4x128xf32, #tpu.memory_space<vmem>>, vector<16xf32>,
          tpu.vector_store %arg14[%swap3A_692, %swap3A_693], %add3A_688 {strides = array<i32>} : memref<4x128xf32, #tpu.memory_space<vmem>>, vector<16xf32>,
          %mul3A_695 = vector.broadcast %reduce_sum3A_119 : f32 to vector<16xf32>
          %mul3A_696 = arith.mulf %mul3A_695, %gather3A_495 : vector<16xf32>
          %add3A_697 = arith.addf %mul3A_696, %gather3A_576 : vector<16xf32>
          %add3A_698 = arith.addf %add3A_697, %sub3A_674 : vector<16xf32>
          %mul3A_699 = arith.constant 16 : i32
          %mul3A_700 = arith.muli %scan3A_476, %mul3A_699 : i32
          %swap3A_701 = arith.constant 2 : i32
          %swap3A_702 = arith.index_cast %swap3A_701 : i32 to index
          %swap3A_703 = arith.index_cast %mul3A_700 : i32 to index
          %swap3A_704 = tpu.vector_load %arg14[%swap3A_702, %swap3A_703] {strides = array<i32>} : memref<4x128xf32, #tpu.memory_space<vmem>>, vector<16xf32>,
          tpu.vector_store %arg14[%swap3A_702, %swap3A_703], %add3A_698 {strides = array<i32>} : memref<4x128xf32, #tpu.memory_space<vmem>>, vector<16xf32>,
          %mul3A_705 = vector.broadcast %reduce_sum3A_119 : f32 to vector<16xf32>
          %mul3A_706 = arith.mulf %mul3A_705, %gather3A_499 : vector<16xf32>
          %add3A_707 = arith.addf %mul3A_706, %gather3A_614 : vector<16xf32>
          %add3A_708 = arith.addf %add3A_707, %sub3A_674 : vector<16xf32>
          %mul3A_709 = arith.constant 16 : i32
          %mul3A_710 = arith.muli %scan3A_476, %mul3A_709 : i32
          %swap3A_711 = arith.constant 3 : i32
          %swap3A_712 = arith.index_cast %swap3A_711 : i32 to index
          %swap3A_713 = arith.index_cast %mul3A_710 : i32 to index
          %swap3A_714 = tpu.vector_load %arg14[%swap3A_712, %swap3A_713] {strides = array<i32>} : memref<4x128xf32, #tpu.memory_space<vmem>>, vector<16xf32>,
          tpu.vector_store %arg14[%swap3A_712, %swap3A_713], %add3A_708 {strides = array<i32>} : memref<4x128xf32, #tpu.memory_space<vmem>>, vector<16xf32>,
          %scan3A_715 = arith.constant 0 : i32
          scf.yield %scan3A_715 : i32
        }
        %scan3A_211 = arith.constant 8 : i32
        %scan3A_212 = arith.constant 0 : i32
        %scan3A_213 = arith.constant 0 : i32
        %scan3A_214 = arith.constant 128 : i32
        %scan3A_215 = arith.addi %scan3A_213, %scan3A_214 : i32
        %scan3A_216 = arith.constant 4 : i32
        %scan3A_217 = scf.for %scan3A_236 = %scan3A_213 to %scan3A_215 step %scan3A_216 iter_args(%scan3A_237 = %scan3A_212) -> (i32)  : i32 {
          %mul3A_238 = arith.constant 4 : i32
          %mul3A_239 = arith.muli %mul3A_238, %scan3A_236 : i32
          %add3A_240 = arith.constant 0 : i32
          %add3A_241 = arith.addi %mul3A_239, %add3A_240 : i32
          %broadcast_in_dim3A_242 = arith.constant 0 : i32
          %broadcast_in_dim3A_243 = vector.broadcast %broadcast_in_dim3A_242 : i32 to vector<16xi32>
          %broadcast_in_dim3A_244 = vector.broadcast %scan3A_236 : i32 to vector<16xi32>
          %gather3A = tpu.vector_load_idx %arg14[%broadcast_in_dim3A_243, %broadcast_in_dim3A_244] : memref<4x128xf32, #tpu.memory_space<vmem>>[vector<16xi32>, vector<16xi32>], vector<16xf32>,
          %get3A_245 = arith.index_cast %add3A_241 : i32 to index
          %get3A_246 = arith.constant 0 : index
          %get3A_247 = tpu.vector_load %arg12[%get3A_245, %get3A_246] {strides = array<i32>} : memref<512x48xf32, #tpu.memory_space<vmem>>, vector<16xf32>,
          %mul3A_248 = arith.mulf %gather3A, %get3A_247 : vector<16xf32>
          %add3A_249 = arith.addf %get3A_121, %mul3A_248 : vector<16xf32>
          %get3A_250 = arith.index_cast %add3A_241 : i32 to index
          %get3A_251 = arith.constant 16 : index
          %get3A_252 = tpu.vector_load %arg12[%get3A_250, %get3A_251] {strides = array<i32>} : memref<512x48xf32, #tpu.memory_space<vmem>>, vector<16xf32>,
          %mul3A_253 = arith.mulf %gather3A, %get3A_252 : vector<16xf32>
          %add3A_254 = arith.addf %get3A_123, %mul3A_253 : vector<16xf32>
          %mul3A_255 = arith.constant 4 : i32
          %mul3A_256 = arith.muli %mul3A_255, %scan3A_236 : i32
          %add3A_257 = arith.constant 1 : i32
          %add3A_258 = arith.addi %mul3A_256, %add3A_257 : i32
          %broadcast_in_dim3A_259 = arith.constant 1 : i32
          %broadcast_in_dim3A_260 = vector.broadcast %broadcast_in_dim3A_259 : i32 to vector<16xi32>
          %broadcast_in_dim3A_261 = vector.broadcast %scan3A_236 : i32 to vector<16xi32>
          %gather3A_262 = tpu.vector_load_idx %arg14[%broadcast_in_dim3A_260, %broadcast_in_dim3A_261] : memref<4x128xf32, #tpu.memory_space<vmem>>[vector<16xi32>, vector<16xi32>], vector<16xf32>,
          %get3A_263 = arith.index_cast %add3A_258 : i32 to index
          %get3A_264 = arith.constant 0 : index
          %get3A_265 = tpu.vector_load %arg12[%get3A_263, %get3A_264] {strides = array<i32>} : memref<512x48xf32, #tpu.memory_space<vmem>>, vector<16xf32>,
          %mul3A_266 = arith.mulf %gather3A_262, %get3A_265 : vector<16xf32>
          %add3A_267 = arith.addf %add3A_249, %mul3A_266 : vector<16xf32>
          %get3A_268 = arith.index_cast %add3A_258 : i32 to index
          %get3A_269 = arith.constant 16 : index
          %get3A_270 = tpu.vector_load %arg12[%get3A_268, %get3A_269] {strides = array<i32>} : memref<512x48xf32, #tpu.memory_space<vmem>>, vector<16xf32>,
          %mul3A_271 = arith.mulf %gather3A_262, %get3A_270 : vector<16xf32>
          %add3A_272 = arith.addf %add3A_254, %mul3A_271 : vector<16xf32>
          %mul3A_273 = arith.constant 4 : i32
          %mul3A_274 = arith.muli %mul3A_273, %scan3A_236 : i32
          %add3A_275 = arith.constant 2 : i32
          %add3A_276 = arith.addi %mul3A_274, %add3A_275 : i32
          %broadcast_in_dim3A_277 = arith.constant 2 : i32
          %broadcast_in_dim3A_278 = vector.broadcast %broadcast_in_dim3A_277 : i32 to vector<16xi32>
          %broadcast_in_dim3A_279 = vector.broadcast %scan3A_236 : i32 to vector<16xi32>
          %gather3A_280 = tpu.vector_load_idx %arg14[%broadcast_in_dim3A_278, %broadcast_in_dim3A_279] : memref<4x128xf32, #tpu.memory_space<vmem>>[vector<16xi32>, vector<16xi32>], vector<16xf32>,
          %get3A_281 = arith.index_cast %add3A_276 : i32 to index
          %get3A_282 = arith.constant 0 : index
          %get3A_283 = tpu.vector_load %arg12[%get3A_281, %get3A_282] {strides = array<i32>} : memref<512x48xf32, #tpu.memory_space<vmem>>, vector<16xf32>,
          %mul3A_284 = arith.mulf %gather3A_280, %get3A_283 : vector<16xf32>
          %add3A_285 = arith.addf %add3A_267, %mul3A_284 : vector<16xf32>
          %get3A_286 = arith.index_cast %add3A_276 : i32 to index
          %get3A_287 = arith.constant 16 : index
          %get3A_288 = tpu.vector_load %arg12[%get3A_286, %get3A_287] {strides = array<i32>} : memref<512x48xf32, #tpu.memory_space<vmem>>, vector<16xf32>,
          %mul3A_289 = arith.mulf %gather3A_280, %get3A_288 : vector<16xf32>
          %add3A_290 = arith.addf %add3A_272, %mul3A_289 : vector<16xf32>
          %mul3A_291 = arith.constant 4 : i32
          %mul3A_292 = arith.muli %mul3A_291, %scan3A_236 : i32
          %add3A_293 = arith.constant 3 : i32
          %add3A_294 = arith.addi %mul3A_292, %add3A_293 : i32
          %broadcast_in_dim3A_295 = arith.constant 3 : i32
          %broadcast_in_dim3A_296 = vector.broadcast %broadcast_in_dim3A_295 : i32 to vector<16xi32>
          %broadcast_in_dim3A_297 = vector.broadcast %scan3A_236 : i32 to vector<16xi32>
          %gather3A_298 = tpu.vector_load_idx %arg14[%broadcast_in_dim3A_296, %broadcast_in_dim3A_297] : memref<4x128xf32, #tpu.memory_space<vmem>>[vector<16xi32>, vector<16xi32>], vector<16xf32>,
          %get3A_299 = arith.index_cast %add3A_294 : i32 to index
          %get3A_300 = arith.constant 0 : index
          %get3A_301 = tpu.vector_load %arg12[%get3A_299, %get3A_300] {strides = array<i32>} : memref<512x48xf32, #tpu.memory_space<vmem>>, vector<16xf32>,
          %mul3A_302 = arith.mulf %gather3A_298, %get3A_301 : vector<16xf32>
          %add3A_303 = arith.addf %add3A_285, %mul3A_302 : vector<16xf32>
          %get3A_304 = arith.index_cast %add3A_294 : i32 to index
          %get3A_305 = arith.constant 16 : index
          %get3A_306 = tpu.vector_load %arg12[%get3A_304, %get3A_305] {strides = array<i32>} : memref<512x48xf32, #tpu.memory_space<vmem>>, vector<16xf32>,
          %mul3A_307 = arith.mulf %gather3A_298, %get3A_306 : vector<16xf32>
          %add3A_308 = arith.addf %add3A_290, %mul3A_307 : vector<16xf32>
          %swap3A = arith.index_cast %scan3A_236 : i32 to index
          %swap3A_309 = arith.constant 0 : index
          %swap3A_310 = tpu.vector_load %arg15[%swap3A, %swap3A_309] {strides = array<i32>} : memref<128x32xf32, #tpu.memory_space<vmem>>, vector<16xf32>,
          tpu.vector_store %arg15[%swap3A, %swap3A_309], %add3A_303 {strides = array<i32>} : memref<128x32xf32, #tpu.memory_space<vmem>>, vector<16xf32>,
          %swap3A_311 = arith.index_cast %scan3A_236 : i32 to index
          %swap3A_312 = arith.constant 16 : index
          %swap3A_313 = tpu.vector_load %arg15[%swap3A_311, %swap3A_312] {strides = array<i32>} : memref<128x32xf32, #tpu.memory_space<vmem>>, vector<16xf32>,
          tpu.vector_store %arg15[%swap3A_311, %swap3A_312], %add3A_308 {strides = array<i32>} : memref<128x32xf32, #tpu.memory_space<vmem>>, vector<16xf32>,
          %scan3A_314 = arith.constant 0 : i32
          %scan3A_315 = arith.constant 1 : i32
          %scan3A_316 = arith.addi %scan3A_236, %scan3A_315 : i32
          %mul3A_317 = arith.constant 4 : i32
          %mul3A_318 = arith.muli %mul3A_317, %scan3A_316 : i32
          %add3A_319 = arith.constant 0 : i32
          %add3A_320 = arith.addi %mul3A_318, %add3A_319 : i32
          %broadcast_in_dim3A_321 = arith.constant 0 : i32
          %broadcast_in_dim3A_322 = vector.broadcast %broadcast_in_dim3A_321 : i32 to vector<16xi32>
          %broadcast_in_dim3A_323 = vector.broadcast %scan3A_316 : i32 to vector<16xi32>
          %gather3A_324 = tpu.vector_load_idx %arg14[%broadcast_in_dim3A_322, %broadcast_in_dim3A_323] : memref<4x128xf32, #tpu.memory_space<vmem>>[vector<16xi32>, vector<16xi32>], vector<16xf32>,
          %get3A_325 = arith.index_cast %add3A_320 : i32 to index
          %get3A_326 = arith.constant 0 : index
          %get3A_327 = tpu.vector_load %arg12[%get3A_325, %get3A_326] {strides = array<i32>} : memref<512x48xf32, #tpu.memory_space<vmem>>, vector<16xf32>,
          %mul3A_328 = arith.mulf %gather3A_324, %get3A_327 : vector<16xf32>
          %add3A_329 = arith.addf %get3A_121, %mul3A_328 : vector<16xf32>
          %get3A_330 = arith.index_cast %add3A_320 : i32 to index
          %get3A_331 = arith.constant 16 : index
          %get3A_332 = tpu.vector_load %arg12[%get3A_330, %get3A_331] {strides = array<i32>} : memref<512x48xf32, #tpu.memory_space<vmem>>, vector<16xf32>,
          %mul3A_333 = arith.mulf %gather3A_324, %get3A_332 : vector<16xf32>
          %add3A_334 = arith.addf %get3A_123, %mul3A_333 : vector<16xf32>
          %mul3A_335 = arith.constant 4 : i32
          %mul3A_336 = arith.muli %mul3A_335, %scan3A_316 : i32
          %add3A_337 = arith.constant 1 : i32
          %add3A_338 = arith.addi %mul3A_336, %add3A_337 : i32
          %broadcast_in_dim3A_339 = arith.constant 1 : i32
          %broadcast_in_dim3A_340 = vector.broadcast %broadcast_in_dim3A_339 : i32 to vector<16xi32>
          %broadcast_in_dim3A_341 = vector.broadcast %scan3A_316 : i32 to vector<16xi32>
          %gather3A_342 = tpu.vector_load_idx %arg14[%broadcast_in_dim3A_340, %broadcast_in_dim3A_341] : memref<4x128xf32, #tpu.memory_space<vmem>>[vector<16xi32>, vector<16xi32>], vector<16xf32>,
          %get3A_343 = arith.index_cast %add3A_338 : i32 to index
          %get3A_344 = arith.constant 0 : index
          %get3A_345 = tpu.vector_load %arg12[%get3A_343, %get3A_344] {strides = array<i32>} : memref<512x48xf32, #tpu.memory_space<vmem>>, vector<16xf32>,
          %mul3A_346 = arith.mulf %gather3A_342, %get3A_345 : vector<16xf32>
          %add3A_347 = arith.addf %add3A_329, %mul3A_346 : vector<16xf32>
          %get3A_348 = arith.index_cast %add3A_338 : i32 to index
          %get3A_349 = arith.constant 16 : index
          %get3A_350 = tpu.vector_load %arg12[%get3A_348, %get3A_349] {strides = array<i32>} : memref<512x48xf32, #tpu.memory_space<vmem>>, vector<16xf32>,
          %mul3A_351 = arith.mulf %gather3A_342, %get3A_350 : vector<16xf32>
          %add3A_352 = arith.addf %add3A_334, %mul3A_351 : vector<16xf32>
          %mul3A_353 = arith.constant 4 : i32
          %mul3A_354 = arith.muli %mul3A_353, %scan3A_316 : i32
          %add3A_355 = arith.constant 2 : i32
          %add3A_356 = arith.addi %mul3A_354, %add3A_355 : i32
          %broadcast_in_dim3A_357 = arith.constant 2 : i32
          %broadcast_in_dim3A_358 = vector.broadcast %broadcast_in_dim3A_357 : i32 to vector<16xi32>
          %broadcast_in_dim3A_359 = vector.broadcast %scan3A_316 : i32 to vector<16xi32>
          %gather3A_360 = tpu.vector_load_idx %arg14[%broadcast_in_dim3A_358, %broadcast_in_dim3A_359] : memref<4x128xf32, #tpu.memory_space<vmem>>[vector<16xi32>, vector<16xi32>], vector<16xf32>,
          %get3A_361 = arith.index_cast %add3A_356 : i32 to index
          %get3A_362 = arith.constant 0 : index
          %get3A_363 = tpu.vector_load %arg12[%get3A_361, %get3A_362] {strides = array<i32>} : memref<512x48xf32, #tpu.memory_space<vmem>>, vector<16xf32>,
          %mul3A_364 = arith.mulf %gather3A_360, %get3A_363 : vector<16xf32>
          %add3A_365 = arith.addf %add3A_347, %mul3A_364 : vector<16xf32>
          %get3A_366 = arith.index_cast %add3A_356 : i32 to index
          %get3A_367 = arith.constant 16 : index
          %get3A_368 = tpu.vector_load %arg12[%get3A_366, %get3A_367] {strides = array<i32>} : memref<512x48xf32, #tpu.memory_space<vmem>>, vector<16xf32>,
          %mul3A_369 = arith.mulf %gather3A_360, %get3A_368 : vector<16xf32>
          %add3A_370 = arith.addf %add3A_352, %mul3A_369 : vector<16xf32>
          %mul3A_371 = arith.constant 4 : i32
          %mul3A_372 = arith.muli %mul3A_371, %scan3A_316 : i32
          %add3A_373 = arith.constant 3 : i32
          %add3A_374 = arith.addi %mul3A_372, %add3A_373 : i32
          %broadcast_in_dim3A_375 = arith.constant 3 : i32
          %broadcast_in_dim3A_376 = vector.broadcast %broadcast_in_dim3A_375 : i32 to vector<16xi32>
          %broadcast_in_dim3A_377 = vector.broadcast %scan3A_316 : i32 to vector<16xi32>
          %gather3A_378 = tpu.vector_load_idx %arg14[%broadcast_in_dim3A_376, %broadcast_in_dim3A_377] : memref<4x128xf32, #tpu.memory_space<vmem>>[vector<16xi32>, vector<16xi32>], vector<16xf32>,
          %get3A_379 = arith.index_cast %add3A_374 : i32 to index
          %get3A_380 = arith.constant 0 : index
          %get3A_381 = tpu.vector_load %arg12[%get3A_379, %get3A_380] {strides = array<i32>} : memref<512x48xf32, #tpu.memory_space<vmem>>, vector<16xf32>,
          %mul3A_382 = arith.mulf %gather3A_378, %get3A_381 : vector<16xf32>
          %add3A_383 = arith.addf %add3A_365, %mul3A_382 : vector<16xf32>
          %get3A_384 = arith.index_cast %add3A_374 : i32 to index
          %get3A_385 = arith.constant 16 : index
          %get3A_386 = tpu.vector_load %arg12[%get3A_384, %get3A_385] {strides = array<i32>} : memref<512x48xf32, #tpu.memory_space<vmem>>, vector<16xf32>,
          %mul3A_387 = arith.mulf %gather3A_378, %get3A_386 : vector<16xf32>
          %add3A_388 = arith.addf %add3A_370, %mul3A_387 : vector<16xf32>
          %swap3A_389 = arith.index_cast %scan3A_316 : i32 to index
          %swap3A_390 = arith.constant 0 : index
          %swap3A_391 = tpu.vector_load %arg15[%swap3A_389, %swap3A_390] {strides = array<i32>} : memref<128x32xf32, #tpu.memory_space<vmem>>, vector<16xf32>,
          tpu.vector_store %arg15[%swap3A_389, %swap3A_390], %add3A_383 {strides = array<i32>} : memref<128x32xf32, #tpu.memory_space<vmem>>, vector<16xf32>,
          %swap3A_392 = arith.index_cast %scan3A_316 : i32 to index
          %swap3A_393 = arith.constant 16 : index
          %swap3A_394 = tpu.vector_load %arg15[%swap3A_392, %swap3A_393] {strides = array<i32>} : memref<128x32xf32, #tpu.memory_space<vmem>>, vector<16xf32>,
          tpu.vector_store %arg15[%swap3A_392, %swap3A_393], %add3A_388 {strides = array<i32>} : memref<128x32xf32, #tpu.memory_space<vmem>>, vector<16xf32>,
          %scan3A_395 = arith.constant 0 : i32
          %scan3A_396 = arith.constant 2 : i32
          %scan3A_397 = arith.addi %scan3A_236, %scan3A_396 : i32
          %mul3A_398 = arith.constant 4 : i32
          %mul3A_399 = arith.muli %mul3A_398, %scan3A_397 : i32
          %add3A_400 = arith.constant 0 : i32
          %add3A_401 = arith.addi %mul3A_399, %add3A_400 : i32
          %broadcast_in_dim3A_402 = arith.constant 0 : i32
          %broadcast_in_dim3A_403 = vector.broadcast %broadcast_in_dim3A_402 : i32 to vector<16xi32>
          %broadcast_in_dim3A_404 = vector.broadcast %scan3A_397 : i32 to vector<16xi32>
          %gather3A_405 = tpu.vector_load_idx %arg14[%broadcast_in_dim3A_403, %broadcast_in_dim3A_404] : memref<4x128xf32, #tpu.memory_space<vmem>>[vector<16xi32>, vector<16xi32>], vector<16xf32>,
          %get3A_406 = arith.index_cast %add3A_401 : i32 to index
          %get3A_407 = arith.constant 0 : index
          %get3A_408 = tpu.vector_load %arg12[%get3A_406, %get3A_407] {strides = array<i32>} : memref<512x48xf32, #tpu.memory_space<vmem>>, vector<16xf32>,
          %mul3A_409 = arith.mulf %gather3A_405, %get3A_408 : vector<16xf32>
          %add3A_410 = arith.addf %get3A_121, %mul3A_409 : vector<16xf32>
          %get3A_411 = arith.index_cast %add3A_401 : i32 to index
          %get3A_412 = arith.constant 16 : index
          %get3A_413 = tpu.vector_load %arg12[%get3A_411, %get3A_412] {strides = array<i32>} : memref<512x48xf32, #tpu.memory_space<vmem>>, vector<16xf32>,
          %mul3A_414 = arith.mulf %gather3A_405, %get3A_413 : vector<16xf32>
          %add3A_415 = arith.addf %get3A_123, %mul3A_414 : vector<16xf32>
          %mul3A_416 = arith.constant 4 : i32
          %mul3A_417 = arith.muli %mul3A_416, %scan3A_397 : i32
          %add3A_418 = arith.constant 1 : i32
          %add3A_419 = arith.addi %mul3A_417, %add3A_418 : i32
          %broadcast_in_dim3A_420 = arith.constant 1 : i32
          %broadcast_in_dim3A_421 = vector.broadcast %broadcast_in_dim3A_420 : i32 to vector<16xi32>
          %broadcast_in_dim3A_422 = vector.broadcast %scan3A_397 : i32 to vector<16xi32>
          %gather3A_423 = tpu.vector_load_idx %arg14[%broadcast_in_dim3A_421, %broadcast_in_dim3A_422] : memref<4x128xf32, #tpu.memory_space<vmem>>[vector<16xi32>, vector<16xi32>], vector<16xf32>,
          %get3A_424 = arith.index_cast %add3A_419 : i32 to index
          %get3A_425 = arith.constant 0 : index
          %get3A_426 = tpu.vector_load %arg12[%get3A_424, %get3A_425] {strides = array<i32>} : memref<512x48xf32, #tpu.memory_space<vmem>>, vector<16xf32>,
          %mul3A_427 = arith.mulf %gather3A_423, %get3A_426 : vector<16xf32>
          %add3A_428 = arith.addf %add3A_410, %mul3A_427 : vector<16xf32>
          %get3A_429 = arith.index_cast %add3A_419 : i32 to index
          %get3A_430 = arith.constant 16 : index
          %get3A_431 = tpu.vector_load %arg12[%get3A_429, %get3A_430] {strides = array<i32>} : memref<512x48xf32, #tpu.memory_space<vmem>>, vector<16xf32>,
          %mul3A_432 = arith.mulf %gather3A_423, %get3A_431 : vector<16xf32>
          %add3A_433 = arith.addf %add3A_415, %mul3A_432 : vector<16xf32>
          %mul3A_434 = arith.constant 4 : i32
          %mul3A_435 = arith.muli %mul3A_434, %scan3A_397 : i32
          %add3A_436 = arith.constant 2 : i32
          %add3A_437 = arith.addi %mul3A_435, %add3A_436 : i32
          %broadcast_in_dim3A_438 = arith.constant 2 : i32
          %broadcast_in_dim3A_439 = vector.broadcast %broadcast_in_dim3A_438 : i32 to vector<16xi32>
          %broadcast_in_dim3A_440 = vector.broadcast %scan3A_397 : i32 to vector<16xi32>
          %gather3A_441 = tpu.vector_load_idx %arg14[%broadcast_in_dim3A_439, %broadcast_in_dim3A_440] : memref<4x128xf32, #tpu.memory_space<vmem>>[vector<16xi32>, vector<16xi32>], vector<16xf32>,
          %get3A_442 = arith.index_cast %add3A_437 : i32 to index
          %get3A_443 = arith.constant 0 : index
          %get3A_444 = tpu.vector_load %arg12[%get3A_442, %get3A_443] {strides = array<i32>} : memref<512x48xf32, #tpu.memory_space<vmem>>, vector<16xf32>,
          %mul3A_445 = arith.mulf %gather3A_441, %get3A_444 : vector<16xf32>
          %add3A_446 = arith.addf %add3A_428, %mul3A_445 : vector<16xf32>
          %get3A_447 = arith.index_cast %add3A_437 : i32 to index
          %get3A_448 = arith.constant 16 : index
          %get3A_449 = tpu.vector_load %arg12[%get3A_447, %get3A_448] {strides = array<i32>} : memref<512x48xf32, #tpu.memory_space<vmem>>, vector<16xf32>,
          %mul3A_450 = arith.mulf %gather3A_441, %get3A_449 : vector<16xf32>
          %add3A_451 = arith.addf %add3A_433, %mul3A_450 : vector<16xf32>
          %mul3A_452 = arith.constant 4 : i32
          %mul3A_453 = arith.muli %mul3A_452, %scan3A_397 : i32
          %add3A_454 = arith.constant 3 : i32
          %add3A_455 = arith.addi %mul3A_453, %add3A_454 : i32
          %broadcast_in_dim3A_456 = arith.constant 3 : i32
          %broadcast_in_dim3A_457 = vector.broadcast %broadcast_in_dim3A_456 : i32 to vector<16xi32>
          %broadcast_in_dim3A_458 = vector.broadcast %scan3A_397 : i32 to vector<16xi32>
          %gather3A_459 = tpu.vector_load_idx %arg14[%broadcast_in_dim3A_457, %broadcast_in_dim3A_458] : memref<4x128xf32, #tpu.memory_space<vmem>>[vector<16xi32>, vector<16xi32>], vector<16xf32>,
          %get3A_460 = arith.index_cast %add3A_455 : i32 to index
          %get3A_461 = arith.constant 0 : index
          %get3A_462 = tpu.vector_load %arg12[%get3A_460, %get3A_461] {strides = array<i32>} : memref<512x48xf32, #tpu.memory_space<vmem>>, vector<16xf32>,
          %mul3A_463 = arith.mulf %gather3A_459, %get3A_462 : vector<16xf32>
          %add3A_464 = arith.addf %add3A_446, %mul3A_463 : vector<16xf32>
          %get3A_465 = arith.index_cast %add3A_455 : i32 to index
          %get3A_466 = arith.constant 16 : index
          %get3A_467 = tpu.vector_load %arg12[%get3A_465, %get3A_466] {strides = array<i32>} : memref<512x48xf32, #tpu.memory_space<vmem>>, vector<16xf32>,
          %mul3A_468 = arith.mulf %gather3A_459, %get3A_467 : vector<16xf32>
          %add3A_469 = arith.addf %add3A_451, %mul3A_468 : vector<16xf32>
          %swap3A_470 = arith.index_cast %scan3A_397 : i32 to index
          %swap3A_471 = arith.constant 0 : index
          %swap3A_472 = tpu.vector_load %arg15[%swap3A_470, %swap3A_471] {strides = array<i32>} : memref<128x32xf32, #tpu.memory_space<vmem>>, vector<16xf32>,
          tpu.vector_store %arg15[%swap3A_470, %swap3A_471], %add3A_464 {strides = array<i32>} : memref<128x32xf32, #tpu.memory_space<vmem>>, vector<16xf32>,
          %swap3A_473 = arith.index_cast %scan3A_397 : i32 to index
          %swap3A_474 = arith.constant 16 : index
          %swap3A_475 = tpu.vector_load %arg15[%swap3A_473, %swap3A_474] {strides = array<i32>} : memref<128x32xf32, #tpu.memory_space<vmem>>, vector<16xf32>,
          tpu.vector_store %arg15[%swap3A_473, %swap3A_474], %add3A_469 {strides = array<i32>} : memref<128x32xf32, #tpu.memory_space<vmem>>, vector<16xf32>,
          %scan3A_476 = arith.constant 0 : i32
          %scan3A_477 = arith.constant 3 : i32
          %scan3A_478 = arith.addi %scan3A_236, %scan3A_477 : i32
          %mul3A_479 = arith.constant 4 : i32
          %mul3A_480 = arith.muli %mul3A_479, %scan3A_478 : i32
          %add3A_481 = arith.constant 0 : i32
          %add3A_482 = arith.addi %mul3A_480, %add3A_481 : i32
          %broadcast_in_dim3A_483 = arith.constant 0 : i32
          %broadcast_in_dim3A_484 = vector.broadcast %broadcast_in_dim3A_483 : i32 to vector<16xi32>
          %broadcast_in_dim3A_485 = vector.broadcast %scan3A_478 : i32 to vector<16xi32>
          %gather3A_486 = tpu.vector_load_idx %arg14[%broadcast_in_dim3A_484, %broadcast_in_dim3A_485] : memref<4x128xf32, #tpu.memory_space<vmem>>[vector<16xi32>, vector<16xi32>], vector<16xf32>,
          %get3A_487 = arith.index_cast %add3A_482 : i32 to index
          %get3A_488 = arith.constant 0 : index
          %get3A_489 = tpu.vector_load %arg12[%get3A_487, %get3A_488] {strides = array<i32>} : memref<512x48xf32, #tpu.memory_space<vmem>>, vector<16xf32>,
          %mul3A_490 = arith.mulf %gather3A_486, %get3A_489 : vector<16xf32>
          %add3A_491 = arith.addf %get3A_121, %mul3A_490 : vector<16xf32>
          %get3A_492 = arith.index_cast %add3A_482 : i32 to index
          %get3A_493 = arith.constant 16 : index
          %get3A_494 = tpu.vector_load %arg12[%get3A_492, %get3A_493] {strides = array<i32>} : memref<512x48xf32, #tpu.memory_space<vmem>>, vector<16xf32>,
          %mul3A_495 = arith.mulf %gather3A_486, %get3A_494 : vector<16xf32>
          %add3A_496 = arith.addf %get3A_123, %mul3A_495 : vector<16xf32>
          %mul3A_497 = arith.constant 4 : i32
          %mul3A_498 = arith.muli %mul3A_497, %scan3A_478 : i32
          %add3A_499 = arith.constant 1 : i32
          %add3A_500 = arith.addi %mul3A_498, %add3A_499 : i32
          %broadcast_in_dim3A_501 = arith.constant 1 : i32
          %broadcast_in_dim3A_502 = vector.broadcast %broadcast_in_dim3A_501 : i32 to vector<16xi32>
          %broadcast_in_dim3A_503 = vector.broadcast %scan3A_478 : i32 to vector<16xi32>
          %gather3A_504 = tpu.vector_load_idx %arg14[%broadcast_in_dim3A_502, %broadcast_in_dim3A_503] : memref<4x128xf32, #tpu.memory_space<vmem>>[vector<16xi32>, vector<16xi32>], vector<16xf32>,
          %get3A_505 = arith.index_cast %add3A_500 : i32 to index
          %get3A_506 = arith.constant 0 : index
          %get3A_507 = tpu.vector_load %arg12[%get3A_505, %get3A_506] {strides = array<i32>} : memref<512x48xf32, #tpu.memory_space<vmem>>, vector<16xf32>,
          %mul3A_508 = arith.mulf %gather3A_504, %get3A_507 : vector<16xf32>
          %add3A_509 = arith.addf %add3A_491, %mul3A_508 : vector<16xf32>
          %get3A_510 = arith.index_cast %add3A_500 : i32 to index
          %get3A_511 = arith.constant 16 : index
          %get3A_512 = tpu.vector_load %arg12[%get3A_510, %get3A_511] {strides = array<i32>} : memref<512x48xf32, #tpu.memory_space<vmem>>, vector<16xf32>,
          %mul3A_513 = arith.mulf %gather3A_504, %get3A_512 : vector<16xf32>
          %add3A_514 = arith.addf %add3A_496, %mul3A_513 : vector<16xf32>
          %mul3A_515 = arith.constant 4 : i32
          %mul3A_516 = arith.muli %mul3A_515, %scan3A_478 : i32
          %add3A_517 = arith.constant 2 : i32
          %add3A_518 = arith.addi %mul3A_516, %add3A_517 : i32
          %broadcast_in_dim3A_519 = arith.constant 2 : i32
          %broadcast_in_dim3A_520 = vector.broadcast %broadcast_in_dim3A_519 : i32 to vector<16xi32>
          %broadcast_in_dim3A_521 = vector.broadcast %scan3A_478 : i32 to vector<16xi32>
          %gather3A_522 = tpu.vector_load_idx %arg14[%broadcast_in_dim3A_520, %broadcast_in_dim3A_521] : memref<4x128xf32, #tpu.memory_space<vmem>>[vector<16xi32>, vector<16xi32>], vector<16xf32>,
          %get3A_523 = arith.index_cast %add3A_518 : i32 to index
          %get3A_524 = arith.constant 0 : index
          %get3A_525 = tpu.vector_load %arg12[%get3A_523, %get3A_524] {strides = array<i32>} : memref<512x48xf32, #tpu.memory_space<vmem>>, vector<16xf32>,
          %mul3A_526 = arith.mulf %gather3A_522, %get3A_525 : vector<16xf32>
          %add3A_527 = arith.addf %add3A_509, %mul3A_526 : vector<16xf32>
          %get3A_528 = arith.index_cast %add3A_518 : i32 to index
          %get3A_529 = arith.constant 16 : index
          %get3A_530 = tpu.vector_load %arg12[%get3A_528, %get3A_529] {strides = array<i32>} : memref<512x48xf32, #tpu.memory_space<vmem>>, vector<16xf32>,
          %mul3A_531 = arith.mulf %gather3A_522, %get3A_530 : vector<16xf32>
          %add3A_532 = arith.addf %add3A_514, %mul3A_531 : vector<16xf32>
          %mul3A_533 = arith.constant 4 : i32
          %mul3A_534 = arith.muli %mul3A_533, %scan3A_478 : i32
          %add3A_535 = arith.constant 3 : i32
          %add3A_536 = arith.addi %mul3A_534, %add3A_535 : i32
          %broadcast_in_dim3A_537 = arith.constant 3 : i32
          %broadcast_in_dim3A_538 = vector.broadcast %broadcast_in_dim3A_537 : i32 to vector<16xi32>
          %broadcast_in_dim3A_539 = vector.broadcast %scan3A_478 : i32 to vector<16xi32>
          %gather3A_540 = tpu.vector_load_idx %arg14[%broadcast_in_dim3A_538, %broadcast_in_dim3A_539] : memref<4x128xf32, #tpu.memory_space<vmem>>[vector<16xi32>, vector<16xi32>], vector<16xf32>,
          %get3A_541 = arith.index_cast %add3A_536 : i32 to index
          %get3A_542 = arith.constant 0 : index
          %get3A_543 = tpu.vector_load %arg12[%get3A_541, %get3A_542] {strides = array<i32>} : memref<512x48xf32, #tpu.memory_space<vmem>>, vector<16xf32>,
          %mul3A_544 = arith.mulf %gather3A_540, %get3A_543 : vector<16xf32>
          %add3A_545 = arith.addf %add3A_527, %mul3A_544 : vector<16xf32>
          %get3A_546 = arith.index_cast %add3A_536 : i32 to index
          %get3A_547 = arith.constant 16 : index
          %get3A_548 = tpu.vector_load %arg12[%get3A_546, %get3A_547] {strides = array<i32>} : memref<512x48xf32, #tpu.memory_space<vmem>>, vector<16xf32>,
          %mul3A_549 = arith.mulf %gather3A_540, %get3A_548 : vector<16xf32>
          %add3A_550 = arith.addf %add3A_532, %mul3A_549 : vector<16xf32>
          %swap3A_551 = arith.index_cast %scan3A_478 : i32 to index
          %swap3A_552 = arith.constant 0 : index
          %swap3A_553 = tpu.vector_load %arg15[%swap3A_551, %swap3A_552] {strides = array<i32>} : memref<128x32xf32, #tpu.memory_space<vmem>>, vector<16xf32>,
          tpu.vector_store %arg15[%swap3A_551, %swap3A_552], %add3A_545 {strides = array<i32>} : memref<128x32xf32, #tpu.memory_space<vmem>>, vector<16xf32>,
          %swap3A_554 = arith.index_cast %scan3A_478 : i32 to index
          %swap3A_555 = arith.constant 16 : index
          %swap3A_556 = tpu.vector_load %arg15[%swap3A_554, %swap3A_555] {strides = array<i32>} : memref<128x32xf32, #tpu.memory_space<vmem>>, vector<16xf32>,
          tpu.vector_store %arg15[%swap3A_554, %swap3A_555], %add3A_550 {strides = array<i32>} : memref<128x32xf32, #tpu.memory_space<vmem>>, vector<16xf32>,
          %scan3A_557 = arith.constant 0 : i32
          scf.yield %scan3A_557 : i32
        }
        %scan3A_218 = arith.constant 128 : i32
        %add3A_219 = arith.constant 2 : i32
        %add3A_220 = arith.addi %add3A_142, %add3A_219 : i32
        %lt3A_221 = arith.cmpi slt, %add3A_220, %select_n3A_10 : i32
        %convert_element_type3A_222 = arith.extui %lt3A_221 : i1 to i32
        %cond3A_223 = arith.constant 0 : i32
        %cond3A_224 = arith.cmpi ne, %convert_element_type3A_222, %cond3A_223 : i32
        scf.if %cond3A_224 {
          %add3A_236 = arith.constant 2 : i32
          %add3A_237 = arith.addi %add3A_142, %add3A_236 : i32
          %add3A_238 = arith.addi %select_n3A, %add3A_237 : i32
          %eq3A_239 = arith.constant 781 : i32
          %eq3A_240 = arith.cmpi eq, %add3A_238, %eq3A_239 : i32
          %mul3A_241 = arith.constant 512 : i32
          %mul3A_242 = arith.muli %mul3A_241, %add3A_238 : i32
          %jit3A_243 = arith.constant 399488 : i32
          %select_n3A_244 = arith.select %eq3A_240, %jit3A_243, %mul3A_242 : i32
          %dma_start3A = tpu.memref_slice %arg3[%select_n3A_244] : memref<400000xi32, #tpu.memory_space<hbm>> -> memref<512xi32, #tpu.memory_space<hbm>>
          %dma_start3A_245 = tpu.memref_slice %arg3[%select_n3A_244] : memref<400000xi32, #tpu.memory_space<hbm>> -> memref<512xi32, #tpu.memory_space<hbm>>
          tpu.enqueue_dma source(%dma_start3A_245 : memref<512xi32, #tpu.memory_space<hbm>>) target(%arg8 : memref<512xi32, #tpu.memory_space<vmem>>) target_semaphore(%arg21 : memref<!tpu.dma_semaphore, #tpu.memory_space<semaphore_mem>>)
        } else {
        }
        %add3A_225 = arith.addi %select_n3A, %add3A_142 : i32
        %ne3A = arith.constant 781 : i32
        %ne3A_226 = arith.cmpi ne, %add3A_225, %ne3A : i32
        %convert_element_type3A_227 = arith.extui %ne3A_226 : i1 to i32
        %cond3A_228 = arith.constant 0 : i32
        %cond3A_229 = arith.cmpi ne, %convert_element_type3A_227, %cond3A_228 : i32
        scf.if %cond3A_229 {
          %add3A_236 = arith.addi %select_n3A, %add3A_142 : i32
          %mul3A_237 = arith.constant 128 : i32
          %mul3A_238 = arith.muli %add3A_236, %mul3A_237 : i32
          %dma_start3A = arith.constant 0 : i32
          %dma_start3A_239 = tpu.memref_slice %arg7[%mul3A_238, %dma_start3A] : memref<100000x32xf32, #tpu.memory_space<hbm>> -> memref<128x32xf32, #tpu.memory_space<hbm>>
          %dma_start3A_240 = arith.constant 0 : i32
          %dma_start3A_241 = tpu.memref_slice %arg7[%mul3A_238, %dma_start3A_240] : memref<100000x32xf32, #tpu.memory_space<hbm>> -> memref<128x32xf32, #tpu.memory_space<hbm>>
          tpu.enqueue_dma source(%arg15 : memref<128x32xf32, #tpu.memory_space<vmem>>) target(%dma_start3A_241 : memref<128x32xf32, #tpu.memory_space<hbm>>) target_semaphore(%arg23 : memref<!tpu.dma_semaphore, #tpu.memory_space<semaphore_mem>>)
        } else {
        }
        %add3A_230 = arith.addi %select_n3A, %add3A_142 : i32
        %eq3A_231 = arith.constant 781 : i32
        %eq3A_232 = arith.cmpi eq, %add3A_230, %eq3A_231 : i32
        %convert_element_type3A_233 = arith.extui %eq3A_232 : i1 to i32
        %cond3A_234 = arith.constant 0 : i32
        %cond3A_235 = arith.cmpi ne, %convert_element_type3A_233, %cond3A_234 : i32
        scf.if %cond3A_235 {
          %dma_start3A = arith.constant 96 : i32
          %dma_start3A_236 = arith.constant 0 : i32
          %dma_start3A_237 = tpu.memref_slice %arg15[%dma_start3A, %dma_start3A_236] : memref<128x32xf32, #tpu.memory_space<vmem>> -> memref<32x32xf32, #tpu.memory_space<vmem>>
          %dma_start3A_238 = arith.constant 99968 : i32
          %dma_start3A_239 = arith.constant 0 : i32
          %dma_start3A_240 = tpu.memref_slice %arg7[%dma_start3A_238, %dma_start3A_239] : memref<100000x32xf32, #tpu.memory_space<hbm>> -> memref<32x32xf32, #tpu.memory_space<hbm>>
          %dma_start3A_241 = arith.constant 99968 : i32
          %dma_start3A_242 = arith.constant 0 : i32
          %dma_start3A_243 = tpu.memref_slice %arg7[%dma_start3A_241, %dma_start3A_242] : memref<100000x32xf32, #tpu.memory_space<hbm>> -> memref<32x32xf32, #tpu.memory_space<hbm>>
          %dma_start3A_244 = arith.constant 96 : i32
          %dma_start3A_245 = arith.constant 0 : i32
          %dma_start3A_246 = tpu.memref_slice %arg15[%dma_start3A_244, %dma_start3A_245] : memref<128x32xf32, #tpu.memory_space<vmem>> -> memref<32x32xf32, #tpu.memory_space<vmem>>
          tpu.enqueue_dma source(%dma_start3A_246 : memref<32x32xf32, #tpu.memory_space<vmem>>) target(%dma_start3A_243 : memref<32x32xf32, #tpu.memory_space<hbm>>) target_semaphore(%arg23 : memref<!tpu.dma_semaphore, #tpu.memory_space<semaphore_mem>>)
        } else {
        }
      } else {
      }
      %mul3A_146 = arith.constant 2 : i32
      %mul3A_147 = arith.muli %mul3A_146, %scan3A_137 : i32
      %add3A_148 = arith.constant 1 : i32
      %add3A_149 = arith.addi %mul3A_147, %add3A_148 : i32
      %lt3A_150 = arith.cmpi slt, %add3A_149, %select_n3A_10 : i32
      %convert_element_type3A_151 = arith.extui %lt3A_150 : i1 to i32
      %cond3A_152 = arith.constant 0 : i32
      %cond3A_153 = arith.cmpi ne, %convert_element_type3A_151, %cond3A_152 : i32
      scf.if %cond3A_153 {
        %add3A_155 = arith.constant 1 : i32
        %add3A_156 = arith.addi %add3A_149, %add3A_155 : i32
        %lt3A_157 = arith.cmpi slt, %add3A_156, %select_n3A_10 : i32
        %convert_element_type3A_158 = arith.extui %lt3A_157 : i1 to i32
        %cond3A_159 = arith.constant 0 : i32
        %cond3A_160 = arith.cmpi ne, %convert_element_type3A_158, %cond3A_159 : i32
        scf.if %cond3A_160 {
          %add3A_236 = arith.constant 1 : i32
          %add3A_237 = arith.addi %add3A_149, %add3A_236 : i32
          %add3A_238 = arith.addi %select_n3A, %add3A_237 : i32
          %eq3A_239 = arith.constant 781 : i32
          %eq3A_240 = arith.cmpi eq, %add3A_238, %eq3A_239 : i32
          %mul3A_241 = arith.constant 512 : i32
          %mul3A_242 = arith.muli %mul3A_241, %add3A_238 : i32
          %jit3A_243 = arith.constant 399488 : i32
          %select_n3A_244 = arith.select %eq3A_240, %jit3A_243, %mul3A_242 : i32
          %dma_wait3A_245 = tpu.memref_slice %arg3[%select_n3A_244] : memref<400000xi32, #tpu.memory_space<hbm>> -> memref<512xi32, #tpu.memory_space<hbm>>
          %dma_wait3A_246 = tpu.memref_slice %arg3[%select_n3A_244] : memref<400000xi32, #tpu.memory_space<hbm>> -> memref<512xi32, #tpu.memory_space<hbm>>
          tpu.wait_dma2 semaphore(%arg21 : memref<!tpu.dma_semaphore, #tpu.memory_space<semaphore_mem>>) src(%dma_wait3A_246 : memref<512xi32, #tpu.memory_space<hbm>>) dst(%arg8 : memref<512xi32, #tpu.memory_space<vmem>>)
          %add3A_247 = arith.constant 1 : i32
          %add3A_248 = arith.addi %add3A_149, %add3A_247 : i32
          %add3A_249 = arith.addi %select_n3A, %add3A_248 : i32
          %eq3A_250 = arith.constant 781 : i32
          %eq3A_251 = arith.cmpi eq, %add3A_249, %eq3A_250 : i32
          %mul3A_252 = arith.constant 512 : i32
          %mul3A_253 = arith.muli %mul3A_252, %add3A_249 : i32
          %jit3A_254 = arith.constant 399488 : i32
          %select_n3A_255 = arith.select %eq3A_251, %jit3A_254, %mul3A_253 : i32
          %dma_start3A = arith.constant 0 : i32
          %dma_start3A_256 = arith.constant 0 : i32
          %dma_start3A_257 = tpu.memref_slice %arg12[%dma_start3A, %dma_start3A_256] : memref<512x48xf32, #tpu.memory_space<vmem>> -> memref<128x48xf32, #tpu.memory_space<vmem>>
          %dma_start3A_258 = arith.constant 0 : i32
          %dma_start3A_259 = tpu.memref_slice %arg8[%dma_start3A_258] : memref<512xi32, #tpu.memory_space<vmem>> -> memref<128xi32, #tpu.memory_space<vmem>>
          %dma_start3A_260 = arith.constant 0 : i32
          %dma_start3A_261 = arith.constant 0 : i32
          %dma_start3A_262 = tpu.memref_slice %arg2[%dma_start3A_260, %dma_start3A_261] : memref<50000x48xf32, #tpu.memory_space<hbm>> -> memref<50000x48xf32, #tpu.memory_space<hbm>>
          tpu.enqueue_indirect_dma source(%dma_start3A_262 : memref<50000x48xf32, #tpu.memory_space<hbm>>) target(%dma_start3A_257 : memref<128x48xf32, #tpu.memory_space<vmem>>) offsets(%dma_start3A_259 : memref<128xi32, #tpu.memory_space<vmem>>) semaphore(%arg19 : memref<!tpu.dma_semaphore, #tpu.memory_space<semaphore_mem>>)
          %dma_start3A_263 = arith.constant 128 : i32
          %dma_start3A_264 = arith.constant 0 : i32
          %dma_start3A_265 = tpu.memref_slice %arg12[%dma_start3A_263, %dma_start3A_264] : memref<512x48xf32, #tpu.memory_space<vmem>> -> memref<128x48xf32, #tpu.memory_space<vmem>>
          %dma_start3A_266 = arith.constant 128 : i32
          %dma_start3A_267 = tpu.memref_slice %arg8[%dma_start3A_266] : memref<512xi32, #tpu.memory_space<vmem>> -> memref<128xi32, #tpu.memory_space<vmem>>
          %dma_start3A_268 = arith.constant 0 : i32
          %dma_start3A_269 = arith.constant 0 : i32
          %dma_start3A_270 = tpu.memref_slice %arg2[%dma_start3A_268, %dma_start3A_269] : memref<50000x48xf32, #tpu.memory_space<hbm>> -> memref<50000x48xf32, #tpu.memory_space<hbm>>
          tpu.enqueue_indirect_dma source(%dma_start3A_270 : memref<50000x48xf32, #tpu.memory_space<hbm>>) target(%dma_start3A_265 : memref<128x48xf32, #tpu.memory_space<vmem>>) offsets(%dma_start3A_267 : memref<128xi32, #tpu.memory_space<vmem>>) semaphore(%arg19 : memref<!tpu.dma_semaphore, #tpu.memory_space<semaphore_mem>>)
          %dma_start3A_271 = arith.constant 256 : i32
          %dma_start3A_272 = arith.constant 0 : i32
          %dma_start3A_273 = tpu.memref_slice %arg12[%dma_start3A_271, %dma_start3A_272] : memref<512x48xf32, #tpu.memory_space<vmem>> -> memref<128x48xf32, #tpu.memory_space<vmem>>
          %dma_start3A_274 = arith.constant 256 : i32
          %dma_start3A_275 = tpu.memref_slice %arg8[%dma_start3A_274] : memref<512xi32, #tpu.memory_space<vmem>> -> memref<128xi32, #tpu.memory_space<vmem>>
          %dma_start3A_276 = arith.constant 0 : i32
          %dma_start3A_277 = arith.constant 0 : i32
          %dma_start3A_278 = tpu.memref_slice %arg2[%dma_start3A_276, %dma_start3A_277] : memref<50000x48xf32, #tpu.memory_space<hbm>> -> memref<50000x48xf32, #tpu.memory_space<hbm>>
          tpu.enqueue_indirect_dma source(%dma_start3A_278 : memref<50000x48xf32, #tpu.memory_space<hbm>>) target(%dma_start3A_273 : memref<128x48xf32, #tpu.memory_space<vmem>>) offsets(%dma_start3A_275 : memref<128xi32, #tpu.memory_space<vmem>>) semaphore(%arg19 : memref<!tpu.dma_semaphore, #tpu.memory_space<semaphore_mem>>)
          %dma_start3A_279 = arith.constant 384 : i32
          %dma_start3A_280 = arith.constant 0 : i32
          %dma_start3A_281 = tpu.memref_slice %arg12[%dma_start3A_279, %dma_start3A_280] : memref<512x48xf32, #tpu.memory_space<vmem>> -> memref<128x48xf32, #tpu.memory_space<vmem>>
          %dma_start3A_282 = arith.constant 384 : i32
          %dma_start3A_283 = tpu.memref_slice %arg8[%dma_start3A_282] : memref<512xi32, #tpu.memory_space<vmem>> -> memref<128xi32, #tpu.memory_space<vmem>>
          %dma_start3A_284 = arith.constant 0 : i32
          %dma_start3A_285 = arith.constant 0 : i32
          %dma_start3A_286 = tpu.memref_slice %arg2[%dma_start3A_284, %dma_start3A_285] : memref<50000x48xf32, #tpu.memory_space<hbm>> -> memref<50000x48xf32, #tpu.memory_space<hbm>>
          tpu.enqueue_indirect_dma source(%dma_start3A_286 : memref<50000x48xf32, #tpu.memory_space<hbm>>) target(%dma_start3A_281 : memref<128x48xf32, #tpu.memory_space<vmem>>) offsets(%dma_start3A_283 : memref<128xi32, #tpu.memory_space<vmem>>) semaphore(%arg19 : memref<!tpu.dma_semaphore, #tpu.memory_space<semaphore_mem>>)
          %dma_start3A_287 = tpu.memref_slice %arg4[%select_n3A_255] : memref<400000xf32, #tpu.memory_space<hbm>> -> memref<512xf32, #tpu.memory_space<hbm>>
          %dma_start3A_288 = tpu.memref_slice %arg4[%select_n3A_255] : memref<400000xf32, #tpu.memory_space<hbm>> -> memref<512xf32, #tpu.memory_space<hbm>>
          tpu.enqueue_dma source(%dma_start3A_288 : memref<512xf32, #tpu.memory_space<hbm>>) target(%arg10 : memref<512xf32, #tpu.memory_space<vmem>>) target_semaphore(%arg19 : memref<!tpu.dma_semaphore, #tpu.memory_space<semaphore_mem>>)
        } else {
        }
        %ge3A = arith.constant 2 : i32
        %ge3A_161 = arith.cmpi sge, %add3A_149, %ge3A : i32
        %convert_element_type3A_162 = arith.extui %ge3A_161 : i1 to i32
        %cond3A_163 = arith.constant 0 : i32
        %cond3A_164 = arith.cmpi ne, %convert_element_type3A_162, %cond3A_163 : i32
        scf.if %cond3A_164 {
          %sub3A_236 = arith.constant 2 : i32
          %sub3A_237 = arith.subi %add3A_149, %sub3A_236 : i32
          %add3A_238 = arith.addi %select_n3A, %sub3A_237 : i32
          %ne3A_239 = arith.constant 781 : i32
          %ne3A_240 = arith.cmpi ne, %add3A_238, %ne3A_239 : i32
          %convert_element_type3A_241 = arith.extui %ne3A_240 : i1 to i32
          %cond3A_242 = arith.constant 0 : i32
          %cond3A_243 = arith.cmpi ne, %convert_element_type3A_241, %cond3A_242 : i32
          scf.if %cond3A_243 {
            %add3A_250 = arith.addi %select_n3A, %sub3A_237 : i32
            %mul3A_251 = arith.constant 128 : i32
            %mul3A_252 = arith.muli %add3A_250, %mul3A_251 : i32
            %dma_wait3A_253 = arith.constant 0 : i32
            %dma_wait3A_254 = tpu.memref_slice %arg7[%mul3A_252, %dma_wait3A_253] : memref<100000x32xf32, #tpu.memory_space<hbm>> -> memref<128x32xf32, #tpu.memory_space<hbm>>
            %dma_wait3A_255 = arith.constant 0 : i32
            %dma_wait3A_256 = tpu.memref_slice %arg7[%mul3A_252, %dma_wait3A_255] : memref<100000x32xf32, #tpu.memory_space<hbm>> -> memref<128x32xf32, #tpu.memory_space<hbm>>
            tpu.wait_dma2 semaphore(%arg24 : memref<!tpu.dma_semaphore, #tpu.memory_space<semaphore_mem>>) src(%arg16 : memref<128x32xf32, #tpu.memory_space<vmem>>) dst(%dma_wait3A_256 : memref<128x32xf32, #tpu.memory_space<hbm>>)
          } else {
          }
          %add3A_244 = arith.addi %select_n3A, %sub3A_237 : i32
          %eq3A_245 = arith.constant 781 : i32
          %eq3A_246 = arith.cmpi eq, %add3A_244, %eq3A_245 : i32
          %convert_element_type3A_247 = arith.extui %eq3A_246 : i1 to i32
          %cond3A_248 = arith.constant 0 : i32
          %cond3A_249 = arith.cmpi ne, %convert_element_type3A_247, %cond3A_248 : i32
          scf.if %cond3A_249 {
            %dma_wait3A_250 = arith.constant 96 : i32
            %dma_wait3A_251 = arith.constant 0 : i32
            %dma_wait3A_252 = tpu.memref_slice %arg16[%dma_wait3A_250, %dma_wait3A_251] : memref<128x32xf32, #tpu.memory_space<vmem>> -> memref<32x32xf32, #tpu.memory_space<vmem>>
            %dma_wait3A_253 = arith.constant 99968 : i32
            %dma_wait3A_254 = arith.constant 0 : i32
            %dma_wait3A_255 = tpu.memref_slice %arg7[%dma_wait3A_253, %dma_wait3A_254] : memref<100000x32xf32, #tpu.memory_space<hbm>> -> memref<32x32xf32, #tpu.memory_space<hbm>>
            %dma_wait3A_256 = arith.constant 99968 : i32
            %dma_wait3A_257 = arith.constant 0 : i32
            %dma_wait3A_258 = tpu.memref_slice %arg7[%dma_wait3A_256, %dma_wait3A_257] : memref<100000x32xf32, #tpu.memory_space<hbm>> -> memref<32x32xf32, #tpu.memory_space<hbm>>
            %dma_wait3A_259 = arith.constant 96 : i32
            %dma_wait3A_260 = arith.constant 0 : i32
            %dma_wait3A_261 = tpu.memref_slice %arg16[%dma_wait3A_259, %dma_wait3A_260] : memref<128x32xf32, #tpu.memory_space<vmem>> -> memref<32x32xf32, #tpu.memory_space<vmem>>
            tpu.wait_dma2 semaphore(%arg24 : memref<!tpu.dma_semaphore, #tpu.memory_space<semaphore_mem>>) src(%dma_wait3A_261 : memref<32x32xf32, #tpu.memory_space<vmem>>) dst(%dma_wait3A_258 : memref<32x32xf32, #tpu.memory_space<hbm>>)
          } else {
          }
        } else {
        }
        %add3A_165 = arith.addi %select_n3A, %add3A_149 : i32
        %eq3A_166 = arith.constant 781 : i32
        %eq3A_167 = arith.cmpi eq, %add3A_165, %eq3A_166 : i32
        %mul3A_168 = arith.constant 512 : i32
        %mul3A_169 = arith.muli %mul3A_168, %add3A_165 : i32
        %jit3A_170 = arith.constant 399488 : i32
        %select_n3A_171 = arith.select %eq3A_167, %jit3A_170, %mul3A_169 : i32
        %dma_wait3A = arith.constant 0 : i32
        %dma_wait3A_172 = arith.constant 0 : i32
        %dma_wait3A_173 = tpu.memref_slice %arg13[%dma_wait3A, %dma_wait3A_172] : memref<512x48xf32, #tpu.memory_space<vmem>> -> memref<128x48xf32, #tpu.memory_space<vmem>>
        %dma_wait3A_174 = arith.constant 0 : i32
        %dma_wait3A_175 = tpu.memref_slice %arg9[%dma_wait3A_174] : memref<512xi32, #tpu.memory_space<vmem>> -> memref<128xi32, #tpu.memory_space<vmem>>
        %dma_wait3A_176 = arith.constant 0 : i32
        %dma_wait3A_177 = arith.constant 0 : i32
        %dma_wait3A_178 = tpu.memref_slice %arg2[%dma_wait3A_176, %dma_wait3A_177] : memref<50000x48xf32, #tpu.memory_space<hbm>> -> memref<50000x48xf32, #tpu.memory_space<hbm>>
        tpu.wait_indirect_dma semaphore(%arg20 : memref<!tpu.dma_semaphore, #tpu.memory_space<semaphore_mem>>) src(%dma_wait3A_178 : memref<50000x48xf32, #tpu.memory_space<hbm>>) dst(%dma_wait3A_173 : memref<128x48xf32, #tpu.memory_space<vmem>>)
        %dma_wait3A_179 = arith.constant 128 : i32
        %dma_wait3A_180 = arith.constant 0 : i32
        %dma_wait3A_181 = tpu.memref_slice %arg13[%dma_wait3A_179, %dma_wait3A_180] : memref<512x48xf32, #tpu.memory_space<vmem>> -> memref<128x48xf32, #tpu.memory_space<vmem>>
        %dma_wait3A_182 = arith.constant 128 : i32
        %dma_wait3A_183 = tpu.memref_slice %arg9[%dma_wait3A_182] : memref<512xi32, #tpu.memory_space<vmem>> -> memref<128xi32, #tpu.memory_space<vmem>>
        %dma_wait3A_184 = arith.constant 0 : i32
        %dma_wait3A_185 = arith.constant 0 : i32
        %dma_wait3A_186 = tpu.memref_slice %arg2[%dma_wait3A_184, %dma_wait3A_185] : memref<50000x48xf32, #tpu.memory_space<hbm>> -> memref<50000x48xf32, #tpu.memory_space<hbm>>
        tpu.wait_indirect_dma semaphore(%arg20 : memref<!tpu.dma_semaphore, #tpu.memory_space<semaphore_mem>>) src(%dma_wait3A_186 : memref<50000x48xf32, #tpu.memory_space<hbm>>) dst(%dma_wait3A_181 : memref<128x48xf32, #tpu.memory_space<vmem>>)
        %dma_wait3A_187 = arith.constant 256 : i32
        %dma_wait3A_188 = arith.constant 0 : i32
        %dma_wait3A_189 = tpu.memref_slice %arg13[%dma_wait3A_187, %dma_wait3A_188] : memref<512x48xf32, #tpu.memory_space<vmem>> -> memref<128x48xf32, #tpu.memory_space<vmem>>
        %dma_wait3A_190 = arith.constant 256 : i32
        %dma_wait3A_191 = tpu.memref_slice %arg9[%dma_wait3A_190] : memref<512xi32, #tpu.memory_space<vmem>> -> memref<128xi32, #tpu.memory_space<vmem>>
        %dma_wait3A_192 = arith.constant 0 : i32
        %dma_wait3A_193 = arith.constant 0 : i32
        %dma_wait3A_194 = tpu.memref_slice %arg2[%dma_wait3A_192, %dma_wait3A_193] : memref<50000x48xf32, #tpu.memory_space<hbm>> -> memref<50000x48xf32, #tpu.memory_space<hbm>>
        tpu.wait_indirect_dma semaphore(%arg20 : memref<!tpu.dma_semaphore, #tpu.memory_space<semaphore_mem>>) src(%dma_wait3A_194 : memref<50000x48xf32, #tpu.memory_space<hbm>>) dst(%dma_wait3A_189 : memref<128x48xf32, #tpu.memory_space<vmem>>)
        %dma_wait3A_195 = arith.constant 384 : i32
        %dma_wait3A_196 = arith.constant 0 : i32
        %dma_wait3A_197 = tpu.memref_slice %arg13[%dma_wait3A_195, %dma_wait3A_196] : memref<512x48xf32, #tpu.memory_space<vmem>> -> memref<128x48xf32, #tpu.memory_space<vmem>>
        %dma_wait3A_198 = arith.constant 384 : i32
        %dma_wait3A_199 = tpu.memref_slice %arg9[%dma_wait3A_198] : memref<512xi32, #tpu.memory_space<vmem>> -> memref<128xi32, #tpu.memory_space<vmem>>
        %dma_wait3A_200 = arith.constant 0 : i32
        %dma_wait3A_201 = arith.constant 0 : i32
        %dma_wait3A_202 = tpu.memref_slice %arg2[%dma_wait3A_200, %dma_wait3A_201] : memref<50000x48xf32, #tpu.memory_space<hbm>> -> memref<50000x48xf32, #tpu.memory_space<hbm>>
        tpu.wait_indirect_dma semaphore(%arg20 : memref<!tpu.dma_semaphore, #tpu.memory_space<semaphore_mem>>) src(%dma_wait3A_202 : memref<50000x48xf32, #tpu.memory_space<hbm>>) dst(%dma_wait3A_197 : memref<128x48xf32, #tpu.memory_space<vmem>>)
        %dma_wait3A_203 = tpu.memref_slice %arg4[%select_n3A_171] : memref<400000xf32, #tpu.memory_space<hbm>> -> memref<512xf32, #tpu.memory_space<hbm>>
        %dma_wait3A_204 = tpu.memref_slice %arg4[%select_n3A_171] : memref<400000xf32, #tpu.memory_space<hbm>> -> memref<512xf32, #tpu.memory_space<hbm>>
        tpu.wait_dma2 semaphore(%arg20 : memref<!tpu.dma_semaphore, #tpu.memory_space<semaphore_mem>>) src(%dma_wait3A_204 : memref<512xf32, #tpu.memory_space<hbm>>) dst(%arg11 : memref<512xf32, #tpu.memory_space<vmem>>)
        %scan3A_205 = arith.constant 0 : i32
        %scan3A_206 = arith.constant 0 : i32
        %scan3A_207 = arith.constant 8 : i32
        %scan3A_208 = arith.addi %scan3A_206, %scan3A_207 : i32
        %scan3A_209 = arith.constant 2 : i32
        %scan3A_210 = scf.for %scan3A_236 = %scan3A_206 to %scan3A_208 step %scan3A_209 iter_args(%scan3A_237 = %scan3A_205) -> (i32)  : i32 {
          %mul3A_238 = arith.constant 16 : i32
          %mul3A_239 = arith.muli %scan3A_236, %mul3A_238 : i32
          %add3A_240 = vector.broadcast %mul3A_239 : i32 to vector<16xi32>
          %add3A_241 = arith.addi %add3A_240, %iota3A : vector<16xi32>
          %mul3A_242 = arith.constant 4 : i32
          %mul3A_243 = vector.broadcast %mul3A_242 : i32 to vector<16xi32>
          %mul3A_244 = arith.muli %mul3A_243, %add3A_241 : vector<16xi32>
          %add3A_245 = arith.constant 0 : i32
          %add3A_246 = vector.broadcast %add3A_245 : i32 to vector<16xi32>
          %add3A_247 = arith.addi %mul3A_244, %add3A_246 : vector<16xi32>
          %gather3A = tpu.vector_load_idx %arg11[%add3A_247] : memref<512xf32, #tpu.memory_space<vmem>>[vector<16xi32>], vector<16xf32>,
          %add3A_248 = arith.constant 1 : i32
          %add3A_249 = vector.broadcast %add3A_248 : i32 to vector<16xi32>
          %add3A_250 = arith.addi %mul3A_244, %add3A_249 : vector<16xi32>
          %gather3A_251 = tpu.vector_load_idx %arg11[%add3A_250] : memref<512xf32, #tpu.memory_space<vmem>>[vector<16xi32>], vector<16xf32>,
          %add3A_252 = arith.constant 2 : i32
          %add3A_253 = vector.broadcast %add3A_252 : i32 to vector<16xi32>
          %add3A_254 = arith.addi %mul3A_244, %add3A_253 : vector<16xi32>
          %gather3A_255 = tpu.vector_load_idx %arg11[%add3A_254] : memref<512xf32, #tpu.memory_space<vmem>>[vector<16xi32>], vector<16xf32>,
          %add3A_256 = arith.constant 3 : i32
          %add3A_257 = vector.broadcast %add3A_256 : i32 to vector<16xi32>
          %add3A_258 = arith.addi %mul3A_244, %add3A_257 : vector<16xi32>
          %gather3A_259 = tpu.vector_load_idx %arg11[%add3A_258] : memref<512xf32, #tpu.memory_space<vmem>>[vector<16xi32>], vector<16xf32>,
          %max3A_260 = arith.maximumf %gather3A, %gather3A_251 : vector<16xf32>
          %max3A_261 = arith.maximumf %gather3A_255, %gather3A_259 : vector<16xf32>
          %max3A_262 = arith.maximumf %max3A_260, %max3A_261 : vector<16xf32>
          %add3A_263 = arith.constant 0 : i32
          %add3A_264 = vector.broadcast %add3A_263 : i32 to vector<16xi32>
          %add3A_265 = arith.addi %mul3A_244, %add3A_264 : vector<16xi32>
          %broadcast_in_dim3A_266 = arith.constant 40 : i32
          %broadcast_in_dim3A_267 = vector.broadcast %broadcast_in_dim3A_266 : i32 to vector<16xi32>
          %gather3A_268 = tpu.vector_load_idx %arg13[%add3A_265, %broadcast_in_dim3A_267] : memref<512x48xf32, #tpu.memory_space<vmem>>[vector<16xi32>, vector<16xi32>], vector<16xf32>,
          %broadcast_in_dim3A_269 = arith.constant 32 : i32
          %broadcast_in_dim3A_270 = vector.broadcast %broadcast_in_dim3A_269 : i32 to vector<16xi32>
          %gather3A_271 = tpu.vector_load_idx %arg13[%add3A_265, %broadcast_in_dim3A_270] : memref<512x48xf32, #tpu.memory_space<vmem>>[vector<16xi32>, vector<16xi32>], vector<16xf32>,
          %broadcast_in_dim3A_272 = arith.constant 33 : i32
          %broadcast_in_dim3A_273 = vector.broadcast %broadcast_in_dim3A_272 : i32 to vector<16xi32>
          %gather3A_274 = tpu.vector_load_idx %arg13[%add3A_265, %broadcast_in_dim3A_273] : memref<512x48xf32, #tpu.memory_space<vmem>>[vector<16xi32>, vector<16xi32>], vector<16xf32>,
          %broadcast_in_dim3A_275 = arith.constant 34 : i32
          %broadcast_in_dim3A_276 = vector.broadcast %broadcast_in_dim3A_275 : i32 to vector<16xi32>
          %gather3A_277 = tpu.vector_load_idx %arg13[%add3A_265, %broadcast_in_dim3A_276] : memref<512x48xf32, #tpu.memory_space<vmem>>[vector<16xi32>, vector<16xi32>], vector<16xf32>,
          %broadcast_in_dim3A_278 = arith.constant 35 : i32
          %broadcast_in_dim3A_279 = vector.broadcast %broadcast_in_dim3A_278 : i32 to vector<16xi32>
          %gather3A_280 = tpu.vector_load_idx %arg13[%add3A_265, %broadcast_in_dim3A_279] : memref<512x48xf32, #tpu.memory_space<vmem>>[vector<16xi32>, vector<16xi32>], vector<16xf32>,
          %broadcast_in_dim3A_281 = arith.constant 36 : i32
          %broadcast_in_dim3A_282 = vector.broadcast %broadcast_in_dim3A_281 : i32 to vector<16xi32>
          %gather3A_283 = tpu.vector_load_idx %arg13[%add3A_265, %broadcast_in_dim3A_282] : memref<512x48xf32, #tpu.memory_space<vmem>>[vector<16xi32>, vector<16xi32>], vector<16xf32>,
          %broadcast_in_dim3A_284 = arith.constant 37 : i32
          %broadcast_in_dim3A_285 = vector.broadcast %broadcast_in_dim3A_284 : i32 to vector<16xi32>
          %gather3A_286 = tpu.vector_load_idx %arg13[%add3A_265, %broadcast_in_dim3A_285] : memref<512x48xf32, #tpu.memory_space<vmem>>[vector<16xi32>, vector<16xi32>], vector<16xf32>,
          %broadcast_in_dim3A_287 = arith.constant 38 : i32
          %broadcast_in_dim3A_288 = vector.broadcast %broadcast_in_dim3A_287 : i32 to vector<16xi32>
          %gather3A_289 = tpu.vector_load_idx %arg13[%add3A_265, %broadcast_in_dim3A_288] : memref<512x48xf32, #tpu.memory_space<vmem>>[vector<16xi32>, vector<16xi32>], vector<16xf32>,
          %broadcast_in_dim3A_290 = arith.constant 39 : i32
          %broadcast_in_dim3A_291 = vector.broadcast %broadcast_in_dim3A_290 : i32 to vector<16xi32>
          %gather3A_292 = tpu.vector_load_idx %arg13[%add3A_265, %broadcast_in_dim3A_291] : memref<512x48xf32, #tpu.memory_space<vmem>>[vector<16xi32>, vector<16xi32>], vector<16xf32>,
          %add3A_293 = arith.constant 1 : i32
          %add3A_294 = vector.broadcast %add3A_293 : i32 to vector<16xi32>
          %add3A_295 = arith.addi %mul3A_244, %add3A_294 : vector<16xi32>
          %broadcast_in_dim3A_296 = arith.constant 40 : i32
          %broadcast_in_dim3A_297 = vector.broadcast %broadcast_in_dim3A_296 : i32 to vector<16xi32>
          %gather3A_298 = tpu.vector_load_idx %arg13[%add3A_295, %broadcast_in_dim3A_297] : memref<512x48xf32, #tpu.memory_space<vmem>>[vector<16xi32>, vector<16xi32>], vector<16xf32>,
          %broadcast_in_dim3A_299 = arith.constant 32 : i32
          %broadcast_in_dim3A_300 = vector.broadcast %broadcast_in_dim3A_299 : i32 to vector<16xi32>
          %gather3A_301 = tpu.vector_load_idx %arg13[%add3A_295, %broadcast_in_dim3A_300] : memref<512x48xf32, #tpu.memory_space<vmem>>[vector<16xi32>, vector<16xi32>], vector<16xf32>,
          %max3A_302 = arith.maximumf %gather3A_271, %gather3A_301 : vector<16xf32>
          %broadcast_in_dim3A_303 = arith.constant 33 : i32
          %broadcast_in_dim3A_304 = vector.broadcast %broadcast_in_dim3A_303 : i32 to vector<16xi32>
          %gather3A_305 = tpu.vector_load_idx %arg13[%add3A_295, %broadcast_in_dim3A_304] : memref<512x48xf32, #tpu.memory_space<vmem>>[vector<16xi32>, vector<16xi32>], vector<16xf32>,
          %max3A_306 = arith.maximumf %gather3A_274, %gather3A_305 : vector<16xf32>
          %broadcast_in_dim3A_307 = arith.constant 34 : i32
          %broadcast_in_dim3A_308 = vector.broadcast %broadcast_in_dim3A_307 : i32 to vector<16xi32>
          %gather3A_309 = tpu.vector_load_idx %arg13[%add3A_295, %broadcast_in_dim3A_308] : memref<512x48xf32, #tpu.memory_space<vmem>>[vector<16xi32>, vector<16xi32>], vector<16xf32>,
          %max3A_310 = arith.maximumf %gather3A_277, %gather3A_309 : vector<16xf32>
          %broadcast_in_dim3A_311 = arith.constant 35 : i32
          %broadcast_in_dim3A_312 = vector.broadcast %broadcast_in_dim3A_311 : i32 to vector<16xi32>
          %gather3A_313 = tpu.vector_load_idx %arg13[%add3A_295, %broadcast_in_dim3A_312] : memref<512x48xf32, #tpu.memory_space<vmem>>[vector<16xi32>, vector<16xi32>], vector<16xf32>,
          %max3A_314 = arith.maximumf %gather3A_280, %gather3A_313 : vector<16xf32>
          %broadcast_in_dim3A_315 = arith.constant 36 : i32
          %broadcast_in_dim3A_316 = vector.broadcast %broadcast_in_dim3A_315 : i32 to vector<16xi32>
          %gather3A_317 = tpu.vector_load_idx %arg13[%add3A_295, %broadcast_in_dim3A_316] : memref<512x48xf32, #tpu.memory_space<vmem>>[vector<16xi32>, vector<16xi32>], vector<16xf32>,
          %max3A_318 = arith.maximumf %gather3A_283, %gather3A_317 : vector<16xf32>
          %broadcast_in_dim3A_319 = arith.constant 37 : i32
          %broadcast_in_dim3A_320 = vector.broadcast %broadcast_in_dim3A_319 : i32 to vector<16xi32>
          %gather3A_321 = tpu.vector_load_idx %arg13[%add3A_295, %broadcast_in_dim3A_320] : memref<512x48xf32, #tpu.memory_space<vmem>>[vector<16xi32>, vector<16xi32>], vector<16xf32>,
          %max3A_322 = arith.maximumf %gather3A_286, %gather3A_321 : vector<16xf32>
          %broadcast_in_dim3A_323 = arith.constant 38 : i32
          %broadcast_in_dim3A_324 = vector.broadcast %broadcast_in_dim3A_323 : i32 to vector<16xi32>
          %gather3A_325 = tpu.vector_load_idx %arg13[%add3A_295, %broadcast_in_dim3A_324] : memref<512x48xf32, #tpu.memory_space<vmem>>[vector<16xi32>, vector<16xi32>], vector<16xf32>,
          %max3A_326 = arith.maximumf %gather3A_289, %gather3A_325 : vector<16xf32>
          %broadcast_in_dim3A_327 = arith.constant 39 : i32
          %broadcast_in_dim3A_328 = vector.broadcast %broadcast_in_dim3A_327 : i32 to vector<16xi32>
          %gather3A_329 = tpu.vector_load_idx %arg13[%add3A_295, %broadcast_in_dim3A_328] : memref<512x48xf32, #tpu.memory_space<vmem>>[vector<16xi32>, vector<16xi32>], vector<16xf32>,
          %max3A_330 = arith.maximumf %gather3A_292, %gather3A_329 : vector<16xf32>
          %add3A_331 = arith.constant 2 : i32
          %add3A_332 = vector.broadcast %add3A_331 : i32 to vector<16xi32>
          %add3A_333 = arith.addi %mul3A_244, %add3A_332 : vector<16xi32>
          %broadcast_in_dim3A_334 = arith.constant 40 : i32
          %broadcast_in_dim3A_335 = vector.broadcast %broadcast_in_dim3A_334 : i32 to vector<16xi32>
          %gather3A_336 = tpu.vector_load_idx %arg13[%add3A_333, %broadcast_in_dim3A_335] : memref<512x48xf32, #tpu.memory_space<vmem>>[vector<16xi32>, vector<16xi32>], vector<16xf32>,
          %broadcast_in_dim3A_337 = arith.constant 32 : i32
          %broadcast_in_dim3A_338 = vector.broadcast %broadcast_in_dim3A_337 : i32 to vector<16xi32>
          %gather3A_339 = tpu.vector_load_idx %arg13[%add3A_333, %broadcast_in_dim3A_338] : memref<512x48xf32, #tpu.memory_space<vmem>>[vector<16xi32>, vector<16xi32>], vector<16xf32>,
          %max3A_340 = arith.maximumf %max3A_302, %gather3A_339 : vector<16xf32>
          %broadcast_in_dim3A_341 = arith.constant 33 : i32
          %broadcast_in_dim3A_342 = vector.broadcast %broadcast_in_dim3A_341 : i32 to vector<16xi32>
          %gather3A_343 = tpu.vector_load_idx %arg13[%add3A_333, %broadcast_in_dim3A_342] : memref<512x48xf32, #tpu.memory_space<vmem>>[vector<16xi32>, vector<16xi32>], vector<16xf32>,
          %max3A_344 = arith.maximumf %max3A_306, %gather3A_343 : vector<16xf32>
          %broadcast_in_dim3A_345 = arith.constant 34 : i32
          %broadcast_in_dim3A_346 = vector.broadcast %broadcast_in_dim3A_345 : i32 to vector<16xi32>
          %gather3A_347 = tpu.vector_load_idx %arg13[%add3A_333, %broadcast_in_dim3A_346] : memref<512x48xf32, #tpu.memory_space<vmem>>[vector<16xi32>, vector<16xi32>], vector<16xf32>,
          %max3A_348 = arith.maximumf %max3A_310, %gather3A_347 : vector<16xf32>
          %broadcast_in_dim3A_349 = arith.constant 35 : i32
          %broadcast_in_dim3A_350 = vector.broadcast %broadcast_in_dim3A_349 : i32 to vector<16xi32>
          %gather3A_351 = tpu.vector_load_idx %arg13[%add3A_333, %broadcast_in_dim3A_350] : memref<512x48xf32, #tpu.memory_space<vmem>>[vector<16xi32>, vector<16xi32>], vector<16xf32>,
          %max3A_352 = arith.maximumf %max3A_314, %gather3A_351 : vector<16xf32>
          %broadcast_in_dim3A_353 = arith.constant 36 : i32
          %broadcast_in_dim3A_354 = vector.broadcast %broadcast_in_dim3A_353 : i32 to vector<16xi32>
          %gather3A_355 = tpu.vector_load_idx %arg13[%add3A_333, %broadcast_in_dim3A_354] : memref<512x48xf32, #tpu.memory_space<vmem>>[vector<16xi32>, vector<16xi32>], vector<16xf32>,
          %max3A_356 = arith.maximumf %max3A_318, %gather3A_355 : vector<16xf32>
          %broadcast_in_dim3A_357 = arith.constant 37 : i32
          %broadcast_in_dim3A_358 = vector.broadcast %broadcast_in_dim3A_357 : i32 to vector<16xi32>
          %gather3A_359 = tpu.vector_load_idx %arg13[%add3A_333, %broadcast_in_dim3A_358] : memref<512x48xf32, #tpu.memory_space<vmem>>[vector<16xi32>, vector<16xi32>], vector<16xf32>,
          %max3A_360 = arith.maximumf %max3A_322, %gather3A_359 : vector<16xf32>
          %broadcast_in_dim3A_361 = arith.constant 38 : i32
          %broadcast_in_dim3A_362 = vector.broadcast %broadcast_in_dim3A_361 : i32 to vector<16xi32>
          %gather3A_363 = tpu.vector_load_idx %arg13[%add3A_333, %broadcast_in_dim3A_362] : memref<512x48xf32, #tpu.memory_space<vmem>>[vector<16xi32>, vector<16xi32>], vector<16xf32>,
          %max3A_364 = arith.maximumf %max3A_326, %gather3A_363 : vector<16xf32>
          %broadcast_in_dim3A_365 = arith.constant 39 : i32
          %broadcast_in_dim3A_366 = vector.broadcast %broadcast_in_dim3A_365 : i32 to vector<16xi32>
          %gather3A_367 = tpu.vector_load_idx %arg13[%add3A_333, %broadcast_in_dim3A_366] : memref<512x48xf32, #tpu.memory_space<vmem>>[vector<16xi32>, vector<16xi32>], vector<16xf32>,
          %max3A_368 = arith.maximumf %max3A_330, %gather3A_367 : vector<16xf32>
          %add3A_369 = arith.constant 3 : i32
          %add3A_370 = vector.broadcast %add3A_369 : i32 to vector<16xi32>
          %add3A_371 = arith.addi %mul3A_244, %add3A_370 : vector<16xi32>
          %broadcast_in_dim3A_372 = arith.constant 40 : i32
          %broadcast_in_dim3A_373 = vector.broadcast %broadcast_in_dim3A_372 : i32 to vector<16xi32>
          %gather3A_374 = tpu.vector_load_idx %arg13[%add3A_371, %broadcast_in_dim3A_373] : memref<512x48xf32, #tpu.memory_space<vmem>>[vector<16xi32>, vector<16xi32>], vector<16xf32>,
          %broadcast_in_dim3A_375 = arith.constant 32 : i32
          %broadcast_in_dim3A_376 = vector.broadcast %broadcast_in_dim3A_375 : i32 to vector<16xi32>
          %gather3A_377 = tpu.vector_load_idx %arg13[%add3A_371, %broadcast_in_dim3A_376] : memref<512x48xf32, #tpu.memory_space<vmem>>[vector<16xi32>, vector<16xi32>], vector<16xf32>,
          %max3A_378 = arith.maximumf %max3A_340, %gather3A_377 : vector<16xf32>
          %broadcast_in_dim3A_379 = arith.constant 33 : i32
          %broadcast_in_dim3A_380 = vector.broadcast %broadcast_in_dim3A_379 : i32 to vector<16xi32>
          %gather3A_381 = tpu.vector_load_idx %arg13[%add3A_371, %broadcast_in_dim3A_380] : memref<512x48xf32, #tpu.memory_space<vmem>>[vector<16xi32>, vector<16xi32>], vector<16xf32>,
          %max3A_382 = arith.maximumf %max3A_344, %gather3A_381 : vector<16xf32>
          %broadcast_in_dim3A_383 = arith.constant 34 : i32
          %broadcast_in_dim3A_384 = vector.broadcast %broadcast_in_dim3A_383 : i32 to vector<16xi32>
          %gather3A_385 = tpu.vector_load_idx %arg13[%add3A_371, %broadcast_in_dim3A_384] : memref<512x48xf32, #tpu.memory_space<vmem>>[vector<16xi32>, vector<16xi32>], vector<16xf32>,
          %max3A_386 = arith.maximumf %max3A_348, %gather3A_385 : vector<16xf32>
          %broadcast_in_dim3A_387 = arith.constant 35 : i32
          %broadcast_in_dim3A_388 = vector.broadcast %broadcast_in_dim3A_387 : i32 to vector<16xi32>
          %gather3A_389 = tpu.vector_load_idx %arg13[%add3A_371, %broadcast_in_dim3A_388] : memref<512x48xf32, #tpu.memory_space<vmem>>[vector<16xi32>, vector<16xi32>], vector<16xf32>,
          %max3A_390 = arith.maximumf %max3A_352, %gather3A_389 : vector<16xf32>
          %broadcast_in_dim3A_391 = arith.constant 36 : i32
          %broadcast_in_dim3A_392 = vector.broadcast %broadcast_in_dim3A_391 : i32 to vector<16xi32>
          %gather3A_393 = tpu.vector_load_idx %arg13[%add3A_371, %broadcast_in_dim3A_392] : memref<512x48xf32, #tpu.memory_space<vmem>>[vector<16xi32>, vector<16xi32>], vector<16xf32>,
          %max3A_394 = arith.maximumf %max3A_356, %gather3A_393 : vector<16xf32>
          %broadcast_in_dim3A_395 = arith.constant 37 : i32
          %broadcast_in_dim3A_396 = vector.broadcast %broadcast_in_dim3A_395 : i32 to vector<16xi32>
          %gather3A_397 = tpu.vector_load_idx %arg13[%add3A_371, %broadcast_in_dim3A_396] : memref<512x48xf32, #tpu.memory_space<vmem>>[vector<16xi32>, vector<16xi32>], vector<16xf32>,
          %max3A_398 = arith.maximumf %max3A_360, %gather3A_397 : vector<16xf32>
          %broadcast_in_dim3A_399 = arith.constant 38 : i32
          %broadcast_in_dim3A_400 = vector.broadcast %broadcast_in_dim3A_399 : i32 to vector<16xi32>
          %gather3A_401 = tpu.vector_load_idx %arg13[%add3A_371, %broadcast_in_dim3A_400] : memref<512x48xf32, #tpu.memory_space<vmem>>[vector<16xi32>, vector<16xi32>], vector<16xf32>,
          %max3A_402 = arith.maximumf %max3A_364, %gather3A_401 : vector<16xf32>
          %broadcast_in_dim3A_403 = arith.constant 39 : i32
          %broadcast_in_dim3A_404 = vector.broadcast %broadcast_in_dim3A_403 : i32 to vector<16xi32>
          %gather3A_405 = tpu.vector_load_idx %arg13[%add3A_371, %broadcast_in_dim3A_404] : memref<512x48xf32, #tpu.memory_space<vmem>>[vector<16xi32>, vector<16xi32>], vector<16xf32>,
          %max3A_406 = arith.maximumf %max3A_368, %gather3A_405 : vector<16xf32>
          %mul3A_407 = vector.broadcast %reduce_sum3A_19 : f32 to vector<16xf32>
          %mul3A_408 = arith.mulf %mul3A_407, %max3A_378 : vector<16xf32>
          %mul3A_409 = vector.broadcast %reduce_sum3A_29 : f32 to vector<16xf32>
          %mul3A_410 = arith.mulf %mul3A_409, %max3A_382 : vector<16xf32>
          %add3A_411 = arith.addf %mul3A_408, %mul3A_410 : vector<16xf32>
          %mul3A_412 = vector.broadcast %reduce_sum3A_39 : f32 to vector<16xf32>
          %mul3A_413 = arith.mulf %mul3A_412, %max3A_386 : vector<16xf32>
          %add3A_414 = arith.addf %add3A_411, %mul3A_413 : vector<16xf32>
          %mul3A_415 = vector.broadcast %reduce_sum3A_49 : f32 to vector<16xf32>
          %mul3A_416 = arith.mulf %mul3A_415, %max3A_390 : vector<16xf32>
          %add3A_417 = arith.addf %add3A_414, %mul3A_416 : vector<16xf32>
          %mul3A_418 = vector.broadcast %reduce_sum3A_59 : f32 to vector<16xf32>
          %mul3A_419 = arith.mulf %mul3A_418, %max3A_394 : vector<16xf32>
          %add3A_420 = arith.addf %add3A_417, %mul3A_419 : vector<16xf32>
          %mul3A_421 = vector.broadcast %reduce_sum3A_69 : f32 to vector<16xf32>
          %mul3A_422 = arith.mulf %mul3A_421, %max3A_398 : vector<16xf32>
          %add3A_423 = arith.addf %add3A_420, %mul3A_422 : vector<16xf32>
          %mul3A_424 = vector.broadcast %reduce_sum3A_79 : f32 to vector<16xf32>
          %mul3A_425 = arith.mulf %mul3A_424, %max3A_402 : vector<16xf32>
          %add3A_426 = arith.addf %add3A_423, %mul3A_425 : vector<16xf32>
          %mul3A_427 = vector.broadcast %reduce_sum3A_89 : f32 to vector<16xf32>
          %mul3A_428 = arith.mulf %mul3A_427, %max3A_406 : vector<16xf32>
          %add3A_429 = arith.addf %add3A_426, %mul3A_428 : vector<16xf32>
          %sub3A_430 = vector.broadcast %reduce_sum3A_109 : f32 to vector<16xf32>
          %sub3A_431 = arith.subf %sub3A_430, %add3A_429 : vector<16xf32>
          %mul3A_432 = vector.broadcast %reduce_sum3A_99 : f32 to vector<16xf32>
          %mul3A_433 = arith.mulf %mul3A_432, %max3A_262 : vector<16xf32>
          %sub3A_434 = arith.subf %sub3A_431, %mul3A_433 : vector<16xf32>
          %mul3A_435 = vector.broadcast %reduce_sum3A_119 : f32 to vector<16xf32>
          %mul3A_436 = arith.mulf %mul3A_435, %gather3A : vector<16xf32>
          %add3A_437 = arith.addf %mul3A_436, %gather3A_268 : vector<16xf32>
          %add3A_438 = arith.addf %add3A_437, %sub3A_434 : vector<16xf32>
          %mul3A_439 = arith.constant 16 : i32
          %mul3A_440 = arith.muli %scan3A_236, %mul3A_439 : i32
          %swap3A = arith.constant 0 : i32
          %swap3A_441 = arith.index_cast %swap3A : i32 to index
          %swap3A_442 = arith.index_cast %mul3A_440 : i32 to index
          %swap3A_443 = tpu.vector_load %arg14[%swap3A_441, %swap3A_442] {strides = array<i32>} : memref<4x128xf32, #tpu.memory_space<vmem>>, vector<16xf32>,
          tpu.vector_store %arg14[%swap3A_441, %swap3A_442], %add3A_438 {strides = array<i32>} : memref<4x128xf32, #tpu.memory_space<vmem>>, vector<16xf32>,
          %mul3A_444 = vector.broadcast %reduce_sum3A_119 : f32 to vector<16xf32>
          %mul3A_445 = arith.mulf %mul3A_444, %gather3A_251 : vector<16xf32>
          %add3A_446 = arith.addf %mul3A_445, %gather3A_298 : vector<16xf32>
          %add3A_447 = arith.addf %add3A_446, %sub3A_434 : vector<16xf32>
          %mul3A_448 = arith.constant 16 : i32
          %mul3A_449 = arith.muli %scan3A_236, %mul3A_448 : i32
          %swap3A_450 = arith.constant 1 : i32
          %swap3A_451 = arith.index_cast %swap3A_450 : i32 to index
          %swap3A_452 = arith.index_cast %mul3A_449 : i32 to index
          %swap3A_453 = tpu.vector_load %arg14[%swap3A_451, %swap3A_452] {strides = array<i32>} : memref<4x128xf32, #tpu.memory_space<vmem>>, vector<16xf32>,
          tpu.vector_store %arg14[%swap3A_451, %swap3A_452], %add3A_447 {strides = array<i32>} : memref<4x128xf32, #tpu.memory_space<vmem>>, vector<16xf32>,
          %mul3A_454 = vector.broadcast %reduce_sum3A_119 : f32 to vector<16xf32>
          %mul3A_455 = arith.mulf %mul3A_454, %gather3A_255 : vector<16xf32>
          %add3A_456 = arith.addf %mul3A_455, %gather3A_336 : vector<16xf32>
          %add3A_457 = arith.addf %add3A_456, %sub3A_434 : vector<16xf32>
          %mul3A_458 = arith.constant 16 : i32
          %mul3A_459 = arith.muli %scan3A_236, %mul3A_458 : i32
          %swap3A_460 = arith.constant 2 : i32
          %swap3A_461 = arith.index_cast %swap3A_460 : i32 to index
          %swap3A_462 = arith.index_cast %mul3A_459 : i32 to index
          %swap3A_463 = tpu.vector_load %arg14[%swap3A_461, %swap3A_462] {strides = array<i32>} : memref<4x128xf32, #tpu.memory_space<vmem>>, vector<16xf32>,
          tpu.vector_store %arg14[%swap3A_461, %swap3A_462], %add3A_457 {strides = array<i32>} : memref<4x128xf32, #tpu.memory_space<vmem>>, vector<16xf32>,
          %mul3A_464 = vector.broadcast %reduce_sum3A_119 : f32 to vector<16xf32>
          %mul3A_465 = arith.mulf %mul3A_464, %gather3A_259 : vector<16xf32>
          %add3A_466 = arith.addf %mul3A_465, %gather3A_374 : vector<16xf32>
          %add3A_467 = arith.addf %add3A_466, %sub3A_434 : vector<16xf32>
          %mul3A_468 = arith.constant 16 : i32
          %mul3A_469 = arith.muli %scan3A_236, %mul3A_468 : i32
          %swap3A_470 = arith.constant 3 : i32
          %swap3A_471 = arith.index_cast %swap3A_470 : i32 to index
          %swap3A_472 = arith.index_cast %mul3A_469 : i32 to index
          %swap3A_473 = tpu.vector_load %arg14[%swap3A_471, %swap3A_472] {strides = array<i32>} : memref<4x128xf32, #tpu.memory_space<vmem>>, vector<16xf32>,
          tpu.vector_store %arg14[%swap3A_471, %swap3A_472], %add3A_467 {strides = array<i32>} : memref<4x128xf32, #tpu.memory_space<vmem>>, vector<16xf32>,
          %scan3A_474 = arith.constant 0 : i32
          %scan3A_475 = arith.constant 1 : i32
          %scan3A_476 = arith.addi %scan3A_236, %scan3A_475 : i32
          %mul3A_477 = arith.constant 16 : i32
          %mul3A_478 = arith.muli %scan3A_476, %mul3A_477 : i32
          %add3A_479 = vector.broadcast %mul3A_478 : i32 to vector<16xi32>
          %add3A_480 = arith.addi %add3A_479, %iota3A : vector<16xi32>
          %mul3A_481 = arith.constant 4 : i32
          %mul3A_482 = vector.broadcast %mul3A_481 : i32 to vector<16xi32>
          %mul3A_483 = arith.muli %mul3A_482, %add3A_480 : vector<16xi32>
          %add3A_484 = arith.constant 0 : i32
          %add3A_485 = vector.broadcast %add3A_484 : i32 to vector<16xi32>
          %add3A_486 = arith.addi %mul3A_483, %add3A_485 : vector<16xi32>
          %gather3A_487 = tpu.vector_load_idx %arg11[%add3A_486] : memref<512xf32, #tpu.memory_space<vmem>>[vector<16xi32>], vector<16xf32>,
          %add3A_488 = arith.constant 1 : i32
          %add3A_489 = vector.broadcast %add3A_488 : i32 to vector<16xi32>
          %add3A_490 = arith.addi %mul3A_483, %add3A_489 : vector<16xi32>
          %gather3A_491 = tpu.vector_load_idx %arg11[%add3A_490] : memref<512xf32, #tpu.memory_space<vmem>>[vector<16xi32>], vector<16xf32>,
          %add3A_492 = arith.constant 2 : i32
          %add3A_493 = vector.broadcast %add3A_492 : i32 to vector<16xi32>
          %add3A_494 = arith.addi %mul3A_483, %add3A_493 : vector<16xi32>
          %gather3A_495 = tpu.vector_load_idx %arg11[%add3A_494] : memref<512xf32, #tpu.memory_space<vmem>>[vector<16xi32>], vector<16xf32>,
          %add3A_496 = arith.constant 3 : i32
          %add3A_497 = vector.broadcast %add3A_496 : i32 to vector<16xi32>
          %add3A_498 = arith.addi %mul3A_483, %add3A_497 : vector<16xi32>
          %gather3A_499 = tpu.vector_load_idx %arg11[%add3A_498] : memref<512xf32, #tpu.memory_space<vmem>>[vector<16xi32>], vector<16xf32>,
          %max3A_500 = arith.maximumf %gather3A_487, %gather3A_491 : vector<16xf32>
          %max3A_501 = arith.maximumf %gather3A_495, %gather3A_499 : vector<16xf32>
          %max3A_502 = arith.maximumf %max3A_500, %max3A_501 : vector<16xf32>
          %add3A_503 = arith.constant 0 : i32
          %add3A_504 = vector.broadcast %add3A_503 : i32 to vector<16xi32>
          %add3A_505 = arith.addi %mul3A_483, %add3A_504 : vector<16xi32>
          %broadcast_in_dim3A_506 = arith.constant 40 : i32
          %broadcast_in_dim3A_507 = vector.broadcast %broadcast_in_dim3A_506 : i32 to vector<16xi32>
          %gather3A_508 = tpu.vector_load_idx %arg13[%add3A_505, %broadcast_in_dim3A_507] : memref<512x48xf32, #tpu.memory_space<vmem>>[vector<16xi32>, vector<16xi32>], vector<16xf32>,
          %broadcast_in_dim3A_509 = arith.constant 32 : i32
          %broadcast_in_dim3A_510 = vector.broadcast %broadcast_in_dim3A_509 : i32 to vector<16xi32>
          %gather3A_511 = tpu.vector_load_idx %arg13[%add3A_505, %broadcast_in_dim3A_510] : memref<512x48xf32, #tpu.memory_space<vmem>>[vector<16xi32>, vector<16xi32>], vector<16xf32>,
          %broadcast_in_dim3A_512 = arith.constant 33 : i32
          %broadcast_in_dim3A_513 = vector.broadcast %broadcast_in_dim3A_512 : i32 to vector<16xi32>
          %gather3A_514 = tpu.vector_load_idx %arg13[%add3A_505, %broadcast_in_dim3A_513] : memref<512x48xf32, #tpu.memory_space<vmem>>[vector<16xi32>, vector<16xi32>], vector<16xf32>,
          %broadcast_in_dim3A_515 = arith.constant 34 : i32
          %broadcast_in_dim3A_516 = vector.broadcast %broadcast_in_dim3A_515 : i32 to vector<16xi32>
          %gather3A_517 = tpu.vector_load_idx %arg13[%add3A_505, %broadcast_in_dim3A_516] : memref<512x48xf32, #tpu.memory_space<vmem>>[vector<16xi32>, vector<16xi32>], vector<16xf32>,
          %broadcast_in_dim3A_518 = arith.constant 35 : i32
          %broadcast_in_dim3A_519 = vector.broadcast %broadcast_in_dim3A_518 : i32 to vector<16xi32>
          %gather3A_520 = tpu.vector_load_idx %arg13[%add3A_505, %broadcast_in_dim3A_519] : memref<512x48xf32, #tpu.memory_space<vmem>>[vector<16xi32>, vector<16xi32>], vector<16xf32>,
          %broadcast_in_dim3A_521 = arith.constant 36 : i32
          %broadcast_in_dim3A_522 = vector.broadcast %broadcast_in_dim3A_521 : i32 to vector<16xi32>
          %gather3A_523 = tpu.vector_load_idx %arg13[%add3A_505, %broadcast_in_dim3A_522] : memref<512x48xf32, #tpu.memory_space<vmem>>[vector<16xi32>, vector<16xi32>], vector<16xf32>,
          %broadcast_in_dim3A_524 = arith.constant 37 : i32
          %broadcast_in_dim3A_525 = vector.broadcast %broadcast_in_dim3A_524 : i32 to vector<16xi32>
          %gather3A_526 = tpu.vector_load_idx %arg13[%add3A_505, %broadcast_in_dim3A_525] : memref<512x48xf32, #tpu.memory_space<vmem>>[vector<16xi32>, vector<16xi32>], vector<16xf32>,
          %broadcast_in_dim3A_527 = arith.constant 38 : i32
          %broadcast_in_dim3A_528 = vector.broadcast %broadcast_in_dim3A_527 : i32 to vector<16xi32>
          %gather3A_529 = tpu.vector_load_idx %arg13[%add3A_505, %broadcast_in_dim3A_528] : memref<512x48xf32, #tpu.memory_space<vmem>>[vector<16xi32>, vector<16xi32>], vector<16xf32>,
          %broadcast_in_dim3A_530 = arith.constant 39 : i32
          %broadcast_in_dim3A_531 = vector.broadcast %broadcast_in_dim3A_530 : i32 to vector<16xi32>
          %gather3A_532 = tpu.vector_load_idx %arg13[%add3A_505, %broadcast_in_dim3A_531] : memref<512x48xf32, #tpu.memory_space<vmem>>[vector<16xi32>, vector<16xi32>], vector<16xf32>,
          %add3A_533 = arith.constant 1 : i32
          %add3A_534 = vector.broadcast %add3A_533 : i32 to vector<16xi32>
          %add3A_535 = arith.addi %mul3A_483, %add3A_534 : vector<16xi32>
          %broadcast_in_dim3A_536 = arith.constant 40 : i32
          %broadcast_in_dim3A_537 = vector.broadcast %broadcast_in_dim3A_536 : i32 to vector<16xi32>
          %gather3A_538 = tpu.vector_load_idx %arg13[%add3A_535, %broadcast_in_dim3A_537] : memref<512x48xf32, #tpu.memory_space<vmem>>[vector<16xi32>, vector<16xi32>], vector<16xf32>,
          %broadcast_in_dim3A_539 = arith.constant 32 : i32
          %broadcast_in_dim3A_540 = vector.broadcast %broadcast_in_dim3A_539 : i32 to vector<16xi32>
          %gather3A_541 = tpu.vector_load_idx %arg13[%add3A_535, %broadcast_in_dim3A_540] : memref<512x48xf32, #tpu.memory_space<vmem>>[vector<16xi32>, vector<16xi32>], vector<16xf32>,
          %max3A_542 = arith.maximumf %gather3A_511, %gather3A_541 : vector<16xf32>
          %broadcast_in_dim3A_543 = arith.constant 33 : i32
          %broadcast_in_dim3A_544 = vector.broadcast %broadcast_in_dim3A_543 : i32 to vector<16xi32>
          %gather3A_545 = tpu.vector_load_idx %arg13[%add3A_535, %broadcast_in_dim3A_544] : memref<512x48xf32, #tpu.memory_space<vmem>>[vector<16xi32>, vector<16xi32>], vector<16xf32>,
          %max3A_546 = arith.maximumf %gather3A_514, %gather3A_545 : vector<16xf32>
          %broadcast_in_dim3A_547 = arith.constant 34 : i32
          %broadcast_in_dim3A_548 = vector.broadcast %broadcast_in_dim3A_547 : i32 to vector<16xi32>
          %gather3A_549 = tpu.vector_load_idx %arg13[%add3A_535, %broadcast_in_dim3A_548] : memref<512x48xf32, #tpu.memory_space<vmem>>[vector<16xi32>, vector<16xi32>], vector<16xf32>,
          %max3A_550 = arith.maximumf %gather3A_517, %gather3A_549 : vector<16xf32>
          %broadcast_in_dim3A_551 = arith.constant 35 : i32
          %broadcast_in_dim3A_552 = vector.broadcast %broadcast_in_dim3A_551 : i32 to vector<16xi32>
          %gather3A_553 = tpu.vector_load_idx %arg13[%add3A_535, %broadcast_in_dim3A_552] : memref<512x48xf32, #tpu.memory_space<vmem>>[vector<16xi32>, vector<16xi32>], vector<16xf32>,
          %max3A_554 = arith.maximumf %gather3A_520, %gather3A_553 : vector<16xf32>
          %broadcast_in_dim3A_555 = arith.constant 36 : i32
          %broadcast_in_dim3A_556 = vector.broadcast %broadcast_in_dim3A_555 : i32 to vector<16xi32>
          %gather3A_557 = tpu.vector_load_idx %arg13[%add3A_535, %broadcast_in_dim3A_556] : memref<512x48xf32, #tpu.memory_space<vmem>>[vector<16xi32>, vector<16xi32>], vector<16xf32>,
          %max3A_558 = arith.maximumf %gather3A_523, %gather3A_557 : vector<16xf32>
          %broadcast_in_dim3A_559 = arith.constant 37 : i32
          %broadcast_in_dim3A_560 = vector.broadcast %broadcast_in_dim3A_559 : i32 to vector<16xi32>
          %gather3A_561 = tpu.vector_load_idx %arg13[%add3A_535, %broadcast_in_dim3A_560] : memref<512x48xf32, #tpu.memory_space<vmem>>[vector<16xi32>, vector<16xi32>], vector<16xf32>,
          %max3A_562 = arith.maximumf %gather3A_526, %gather3A_561 : vector<16xf32>
          %broadcast_in_dim3A_563 = arith.constant 38 : i32
          %broadcast_in_dim3A_564 = vector.broadcast %broadcast_in_dim3A_563 : i32 to vector<16xi32>
          %gather3A_565 = tpu.vector_load_idx %arg13[%add3A_535, %broadcast_in_dim3A_564] : memref<512x48xf32, #tpu.memory_space<vmem>>[vector<16xi32>, vector<16xi32>], vector<16xf32>,
          %max3A_566 = arith.maximumf %gather3A_529, %gather3A_565 : vector<16xf32>
          %broadcast_in_dim3A_567 = arith.constant 39 : i32
          %broadcast_in_dim3A_568 = vector.broadcast %broadcast_in_dim3A_567 : i32 to vector<16xi32>
          %gather3A_569 = tpu.vector_load_idx %arg13[%add3A_535, %broadcast_in_dim3A_568] : memref<512x48xf32, #tpu.memory_space<vmem>>[vector<16xi32>, vector<16xi32>], vector<16xf32>,
          %max3A_570 = arith.maximumf %gather3A_532, %gather3A_569 : vector<16xf32>
          %add3A_571 = arith.constant 2 : i32
          %add3A_572 = vector.broadcast %add3A_571 : i32 to vector<16xi32>
          %add3A_573 = arith.addi %mul3A_483, %add3A_572 : vector<16xi32>
          %broadcast_in_dim3A_574 = arith.constant 40 : i32
          %broadcast_in_dim3A_575 = vector.broadcast %broadcast_in_dim3A_574 : i32 to vector<16xi32>
          %gather3A_576 = tpu.vector_load_idx %arg13[%add3A_573, %broadcast_in_dim3A_575] : memref<512x48xf32, #tpu.memory_space<vmem>>[vector<16xi32>, vector<16xi32>], vector<16xf32>,
          %broadcast_in_dim3A_577 = arith.constant 32 : i32
          %broadcast_in_dim3A_578 = vector.broadcast %broadcast_in_dim3A_577 : i32 to vector<16xi32>
          %gather3A_579 = tpu.vector_load_idx %arg13[%add3A_573, %broadcast_in_dim3A_578] : memref<512x48xf32, #tpu.memory_space<vmem>>[vector<16xi32>, vector<16xi32>], vector<16xf32>,
          %max3A_580 = arith.maximumf %max3A_542, %gather3A_579 : vector<16xf32>
          %broadcast_in_dim3A_581 = arith.constant 33 : i32
          %broadcast_in_dim3A_582 = vector.broadcast %broadcast_in_dim3A_581 : i32 to vector<16xi32>
          %gather3A_583 = tpu.vector_load_idx %arg13[%add3A_573, %broadcast_in_dim3A_582] : memref<512x48xf32, #tpu.memory_space<vmem>>[vector<16xi32>, vector<16xi32>], vector<16xf32>,
          %max3A_584 = arith.maximumf %max3A_546, %gather3A_583 : vector<16xf32>
          %broadcast_in_dim3A_585 = arith.constant 34 : i32
          %broadcast_in_dim3A_586 = vector.broadcast %broadcast_in_dim3A_585 : i32 to vector<16xi32>
          %gather3A_587 = tpu.vector_load_idx %arg13[%add3A_573, %broadcast_in_dim3A_586] : memref<512x48xf32, #tpu.memory_space<vmem>>[vector<16xi32>, vector<16xi32>], vector<16xf32>,
          %max3A_588 = arith.maximumf %max3A_550, %gather3A_587 : vector<16xf32>
          %broadcast_in_dim3A_589 = arith.constant 35 : i32
          %broadcast_in_dim3A_590 = vector.broadcast %broadcast_in_dim3A_589 : i32 to vector<16xi32>
          %gather3A_591 = tpu.vector_load_idx %arg13[%add3A_573, %broadcast_in_dim3A_590] : memref<512x48xf32, #tpu.memory_space<vmem>>[vector<16xi32>, vector<16xi32>], vector<16xf32>,
          %max3A_592 = arith.maximumf %max3A_554, %gather3A_591 : vector<16xf32>
          %broadcast_in_dim3A_593 = arith.constant 36 : i32
          %broadcast_in_dim3A_594 = vector.broadcast %broadcast_in_dim3A_593 : i32 to vector<16xi32>
          %gather3A_595 = tpu.vector_load_idx %arg13[%add3A_573, %broadcast_in_dim3A_594] : memref<512x48xf32, #tpu.memory_space<vmem>>[vector<16xi32>, vector<16xi32>], vector<16xf32>,
          %max3A_596 = arith.maximumf %max3A_558, %gather3A_595 : vector<16xf32>
          %broadcast_in_dim3A_597 = arith.constant 37 : i32
          %broadcast_in_dim3A_598 = vector.broadcast %broadcast_in_dim3A_597 : i32 to vector<16xi32>
          %gather3A_599 = tpu.vector_load_idx %arg13[%add3A_573, %broadcast_in_dim3A_598] : memref<512x48xf32, #tpu.memory_space<vmem>>[vector<16xi32>, vector<16xi32>], vector<16xf32>,
          %max3A_600 = arith.maximumf %max3A_562, %gather3A_599 : vector<16xf32>
          %broadcast_in_dim3A_601 = arith.constant 38 : i32
          %broadcast_in_dim3A_602 = vector.broadcast %broadcast_in_dim3A_601 : i32 to vector<16xi32>
          %gather3A_603 = tpu.vector_load_idx %arg13[%add3A_573, %broadcast_in_dim3A_602] : memref<512x48xf32, #tpu.memory_space<vmem>>[vector<16xi32>, vector<16xi32>], vector<16xf32>,
          %max3A_604 = arith.maximumf %max3A_566, %gather3A_603 : vector<16xf32>
          %broadcast_in_dim3A_605 = arith.constant 39 : i32
          %broadcast_in_dim3A_606 = vector.broadcast %broadcast_in_dim3A_605 : i32 to vector<16xi32>
          %gather3A_607 = tpu.vector_load_idx %arg13[%add3A_573, %broadcast_in_dim3A_606] : memref<512x48xf32, #tpu.memory_space<vmem>>[vector<16xi32>, vector<16xi32>], vector<16xf32>,
          %max3A_608 = arith.maximumf %max3A_570, %gather3A_607 : vector<16xf32>
          %add3A_609 = arith.constant 3 : i32
          %add3A_610 = vector.broadcast %add3A_609 : i32 to vector<16xi32>
          %add3A_611 = arith.addi %mul3A_483, %add3A_610 : vector<16xi32>
          %broadcast_in_dim3A_612 = arith.constant 40 : i32
          %broadcast_in_dim3A_613 = vector.broadcast %broadcast_in_dim3A_612 : i32 to vector<16xi32>
          %gather3A_614 = tpu.vector_load_idx %arg13[%add3A_611, %broadcast_in_dim3A_613] : memref<512x48xf32, #tpu.memory_space<vmem>>[vector<16xi32>, vector<16xi32>], vector<16xf32>,
          %broadcast_in_dim3A_615 = arith.constant 32 : i32
          %broadcast_in_dim3A_616 = vector.broadcast %broadcast_in_dim3A_615 : i32 to vector<16xi32>
          %gather3A_617 = tpu.vector_load_idx %arg13[%add3A_611, %broadcast_in_dim3A_616] : memref<512x48xf32, #tpu.memory_space<vmem>>[vector<16xi32>, vector<16xi32>], vector<16xf32>,
          %max3A_618 = arith.maximumf %max3A_580, %gather3A_617 : vector<16xf32>
          %broadcast_in_dim3A_619 = arith.constant 33 : i32
          %broadcast_in_dim3A_620 = vector.broadcast %broadcast_in_dim3A_619 : i32 to vector<16xi32>
          %gather3A_621 = tpu.vector_load_idx %arg13[%add3A_611, %broadcast_in_dim3A_620] : memref<512x48xf32, #tpu.memory_space<vmem>>[vector<16xi32>, vector<16xi32>], vector<16xf32>,
          %max3A_622 = arith.maximumf %max3A_584, %gather3A_621 : vector<16xf32>
          %broadcast_in_dim3A_623 = arith.constant 34 : i32
          %broadcast_in_dim3A_624 = vector.broadcast %broadcast_in_dim3A_623 : i32 to vector<16xi32>
          %gather3A_625 = tpu.vector_load_idx %arg13[%add3A_611, %broadcast_in_dim3A_624] : memref<512x48xf32, #tpu.memory_space<vmem>>[vector<16xi32>, vector<16xi32>], vector<16xf32>,
          %max3A_626 = arith.maximumf %max3A_588, %gather3A_625 : vector<16xf32>
          %broadcast_in_dim3A_627 = arith.constant 35 : i32
          %broadcast_in_dim3A_628 = vector.broadcast %broadcast_in_dim3A_627 : i32 to vector<16xi32>
          %gather3A_629 = tpu.vector_load_idx %arg13[%add3A_611, %broadcast_in_dim3A_628] : memref<512x48xf32, #tpu.memory_space<vmem>>[vector<16xi32>, vector<16xi32>], vector<16xf32>,
          %max3A_630 = arith.maximumf %max3A_592, %gather3A_629 : vector<16xf32>
          %broadcast_in_dim3A_631 = arith.constant 36 : i32
          %broadcast_in_dim3A_632 = vector.broadcast %broadcast_in_dim3A_631 : i32 to vector<16xi32>
          %gather3A_633 = tpu.vector_load_idx %arg13[%add3A_611, %broadcast_in_dim3A_632] : memref<512x48xf32, #tpu.memory_space<vmem>>[vector<16xi32>, vector<16xi32>], vector<16xf32>,
          %max3A_634 = arith.maximumf %max3A_596, %gather3A_633 : vector<16xf32>
          %broadcast_in_dim3A_635 = arith.constant 37 : i32
          %broadcast_in_dim3A_636 = vector.broadcast %broadcast_in_dim3A_635 : i32 to vector<16xi32>
          %gather3A_637 = tpu.vector_load_idx %arg13[%add3A_611, %broadcast_in_dim3A_636] : memref<512x48xf32, #tpu.memory_space<vmem>>[vector<16xi32>, vector<16xi32>], vector<16xf32>,
          %max3A_638 = arith.maximumf %max3A_600, %gather3A_637 : vector<16xf32>
          %broadcast_in_dim3A_639 = arith.constant 38 : i32
          %broadcast_in_dim3A_640 = vector.broadcast %broadcast_in_dim3A_639 : i32 to vector<16xi32>
          %gather3A_641 = tpu.vector_load_idx %arg13[%add3A_611, %broadcast_in_dim3A_640] : memref<512x48xf32, #tpu.memory_space<vmem>>[vector<16xi32>, vector<16xi32>], vector<16xf32>,
          %max3A_642 = arith.maximumf %max3A_604, %gather3A_641 : vector<16xf32>
          %broadcast_in_dim3A_643 = arith.constant 39 : i32
          %broadcast_in_dim3A_644 = vector.broadcast %broadcast_in_dim3A_643 : i32 to vector<16xi32>
          %gather3A_645 = tpu.vector_load_idx %arg13[%add3A_611, %broadcast_in_dim3A_644] : memref<512x48xf32, #tpu.memory_space<vmem>>[vector<16xi32>, vector<16xi32>], vector<16xf32>,
          %max3A_646 = arith.maximumf %max3A_608, %gather3A_645 : vector<16xf32>
          %mul3A_647 = vector.broadcast %reduce_sum3A_19 : f32 to vector<16xf32>
          %mul3A_648 = arith.mulf %mul3A_647, %max3A_618 : vector<16xf32>
          %mul3A_649 = vector.broadcast %reduce_sum3A_29 : f32 to vector<16xf32>
          %mul3A_650 = arith.mulf %mul3A_649, %max3A_622 : vector<16xf32>
          %add3A_651 = arith.addf %mul3A_648, %mul3A_650 : vector<16xf32>
          %mul3A_652 = vector.broadcast %reduce_sum3A_39 : f32 to vector<16xf32>
          %mul3A_653 = arith.mulf %mul3A_652, %max3A_626 : vector<16xf32>
          %add3A_654 = arith.addf %add3A_651, %mul3A_653 : vector<16xf32>
          %mul3A_655 = vector.broadcast %reduce_sum3A_49 : f32 to vector<16xf32>
          %mul3A_656 = arith.mulf %mul3A_655, %max3A_630 : vector<16xf32>
          %add3A_657 = arith.addf %add3A_654, %mul3A_656 : vector<16xf32>
          %mul3A_658 = vector.broadcast %reduce_sum3A_59 : f32 to vector<16xf32>
          %mul3A_659 = arith.mulf %mul3A_658, %max3A_634 : vector<16xf32>
          %add3A_660 = arith.addf %add3A_657, %mul3A_659 : vector<16xf32>
          %mul3A_661 = vector.broadcast %reduce_sum3A_69 : f32 to vector<16xf32>
          %mul3A_662 = arith.mulf %mul3A_661, %max3A_638 : vector<16xf32>
          %add3A_663 = arith.addf %add3A_660, %mul3A_662 : vector<16xf32>
          %mul3A_664 = vector.broadcast %reduce_sum3A_79 : f32 to vector<16xf32>
          %mul3A_665 = arith.mulf %mul3A_664, %max3A_642 : vector<16xf32>
          %add3A_666 = arith.addf %add3A_663, %mul3A_665 : vector<16xf32>
          %mul3A_667 = vector.broadcast %reduce_sum3A_89 : f32 to vector<16xf32>
          %mul3A_668 = arith.mulf %mul3A_667, %max3A_646 : vector<16xf32>
          %add3A_669 = arith.addf %add3A_666, %mul3A_668 : vector<16xf32>
          %sub3A_670 = vector.broadcast %reduce_sum3A_109 : f32 to vector<16xf32>
          %sub3A_671 = arith.subf %sub3A_670, %add3A_669 : vector<16xf32>
          %mul3A_672 = vector.broadcast %reduce_sum3A_99 : f32 to vector<16xf32>
          %mul3A_673 = arith.mulf %mul3A_672, %max3A_502 : vector<16xf32>
          %sub3A_674 = arith.subf %sub3A_671, %mul3A_673 : vector<16xf32>
          %mul3A_675 = vector.broadcast %reduce_sum3A_119 : f32 to vector<16xf32>
          %mul3A_676 = arith.mulf %mul3A_675, %gather3A_487 : vector<16xf32>
          %add3A_677 = arith.addf %mul3A_676, %gather3A_508 : vector<16xf32>
          %add3A_678 = arith.addf %add3A_677, %sub3A_674 : vector<16xf32>
          %mul3A_679 = arith.constant 16 : i32
          %mul3A_680 = arith.muli %scan3A_476, %mul3A_679 : i32
          %swap3A_681 = arith.constant 0 : i32
          %swap3A_682 = arith.index_cast %swap3A_681 : i32 to index
          %swap3A_683 = arith.index_cast %mul3A_680 : i32 to index
          %swap3A_684 = tpu.vector_load %arg14[%swap3A_682, %swap3A_683] {strides = array<i32>} : memref<4x128xf32, #tpu.memory_space<vmem>>, vector<16xf32>,
          tpu.vector_store %arg14[%swap3A_682, %swap3A_683], %add3A_678 {strides = array<i32>} : memref<4x128xf32, #tpu.memory_space<vmem>>, vector<16xf32>,
          %mul3A_685 = vector.broadcast %reduce_sum3A_119 : f32 to vector<16xf32>
          %mul3A_686 = arith.mulf %mul3A_685, %gather3A_491 : vector<16xf32>
          %add3A_687 = arith.addf %mul3A_686, %gather3A_538 : vector<16xf32>
          %add3A_688 = arith.addf %add3A_687, %sub3A_674 : vector<16xf32>
          %mul3A_689 = arith.constant 16 : i32
          %mul3A_690 = arith.muli %scan3A_476, %mul3A_689 : i32
          %swap3A_691 = arith.constant 1 : i32
          %swap3A_692 = arith.index_cast %swap3A_691 : i32 to index
          %swap3A_693 = arith.index_cast %mul3A_690 : i32 to index
          %swap3A_694 = tpu.vector_load %arg14[%swap3A_692, %swap3A_693] {strides = array<i32>} : memref<4x128xf32, #tpu.memory_space<vmem>>, vector<16xf32>,
          tpu.vector_store %arg14[%swap3A_692, %swap3A_693], %add3A_688 {strides = array<i32>} : memref<4x128xf32, #tpu.memory_space<vmem>>, vector<16xf32>,
          %mul3A_695 = vector.broadcast %reduce_sum3A_119 : f32 to vector<16xf32>
          %mul3A_696 = arith.mulf %mul3A_695, %gather3A_495 : vector<16xf32>
          %add3A_697 = arith.addf %mul3A_696, %gather3A_576 : vector<16xf32>
          %add3A_698 = arith.addf %add3A_697, %sub3A_674 : vector<16xf32>
          %mul3A_699 = arith.constant 16 : i32
          %mul3A_700 = arith.muli %scan3A_476, %mul3A_699 : i32
          %swap3A_701 = arith.constant 2 : i32
          %swap3A_702 = arith.index_cast %swap3A_701 : i32 to index
          %swap3A_703 = arith.index_cast %mul3A_700 : i32 to index
          %swap3A_704 = tpu.vector_load %arg14[%swap3A_702, %swap3A_703] {strides = array<i32>} : memref<4x128xf32, #tpu.memory_space<vmem>>, vector<16xf32>,
          tpu.vector_store %arg14[%swap3A_702, %swap3A_703], %add3A_698 {strides = array<i32>} : memref<4x128xf32, #tpu.memory_space<vmem>>, vector<16xf32>,
          %mul3A_705 = vector.broadcast %reduce_sum3A_119 : f32 to vector<16xf32>
          %mul3A_706 = arith.mulf %mul3A_705, %gather3A_499 : vector<16xf32>
          %add3A_707 = arith.addf %mul3A_706, %gather3A_614 : vector<16xf32>
          %add3A_708 = arith.addf %add3A_707, %sub3A_674 : vector<16xf32>
          %mul3A_709 = arith.constant 16 : i32
          %mul3A_710 = arith.muli %scan3A_476, %mul3A_709 : i32
          %swap3A_711 = arith.constant 3 : i32
          %swap3A_712 = arith.index_cast %swap3A_711 : i32 to index
          %swap3A_713 = arith.index_cast %mul3A_710 : i32 to index
          %swap3A_714 = tpu.vector_load %arg14[%swap3A_712, %swap3A_713] {strides = array<i32>} : memref<4x128xf32, #tpu.memory_space<vmem>>, vector<16xf32>,
          tpu.vector_store %arg14[%swap3A_712, %swap3A_713], %add3A_708 {strides = array<i32>} : memref<4x128xf32, #tpu.memory_space<vmem>>, vector<16xf32>,
          %scan3A_715 = arith.constant 0 : i32
          scf.yield %scan3A_715 : i32
        }
        %scan3A_211 = arith.constant 8 : i32
        %scan3A_212 = arith.constant 0 : i32
        %scan3A_213 = arith.constant 0 : i32
        %scan3A_214 = arith.constant 128 : i32
        %scan3A_215 = arith.addi %scan3A_213, %scan3A_214 : i32
        %scan3A_216 = arith.constant 4 : i32
        %scan3A_217 = scf.for %scan3A_236 = %scan3A_213 to %scan3A_215 step %scan3A_216 iter_args(%scan3A_237 = %scan3A_212) -> (i32)  : i32 {
          %mul3A_238 = arith.constant 4 : i32
          %mul3A_239 = arith.muli %mul3A_238, %scan3A_236 : i32
          %add3A_240 = arith.constant 0 : i32
          %add3A_241 = arith.addi %mul3A_239, %add3A_240 : i32
          %broadcast_in_dim3A_242 = arith.constant 0 : i32
          %broadcast_in_dim3A_243 = vector.broadcast %broadcast_in_dim3A_242 : i32 to vector<16xi32>
          %broadcast_in_dim3A_244 = vector.broadcast %scan3A_236 : i32 to vector<16xi32>
          %gather3A = tpu.vector_load_idx %arg14[%broadcast_in_dim3A_243, %broadcast_in_dim3A_244] : memref<4x128xf32, #tpu.memory_space<vmem>>[vector<16xi32>, vector<16xi32>], vector<16xf32>,
          %get3A_245 = arith.index_cast %add3A_241 : i32 to index
          %get3A_246 = arith.constant 0 : index
          %get3A_247 = tpu.vector_load %arg13[%get3A_245, %get3A_246] {strides = array<i32>} : memref<512x48xf32, #tpu.memory_space<vmem>>, vector<16xf32>,
          %mul3A_248 = arith.mulf %gather3A, %get3A_247 : vector<16xf32>
          %add3A_249 = arith.addf %get3A_121, %mul3A_248 : vector<16xf32>
          %get3A_250 = arith.index_cast %add3A_241 : i32 to index
          %get3A_251 = arith.constant 16 : index
          %get3A_252 = tpu.vector_load %arg13[%get3A_250, %get3A_251] {strides = array<i32>} : memref<512x48xf32, #tpu.memory_space<vmem>>, vector<16xf32>,
          %mul3A_253 = arith.mulf %gather3A, %get3A_252 : vector<16xf32>
          %add3A_254 = arith.addf %get3A_123, %mul3A_253 : vector<16xf32>
          %mul3A_255 = arith.constant 4 : i32
          %mul3A_256 = arith.muli %mul3A_255, %scan3A_236 : i32
          %add3A_257 = arith.constant 1 : i32
          %add3A_258 = arith.addi %mul3A_256, %add3A_257 : i32
          %broadcast_in_dim3A_259 = arith.constant 1 : i32
          %broadcast_in_dim3A_260 = vector.broadcast %broadcast_in_dim3A_259 : i32 to vector<16xi32>
          %broadcast_in_dim3A_261 = vector.broadcast %scan3A_236 : i32 to vector<16xi32>
          %gather3A_262 = tpu.vector_load_idx %arg14[%broadcast_in_dim3A_260, %broadcast_in_dim3A_261] : memref<4x128xf32, #tpu.memory_space<vmem>>[vector<16xi32>, vector<16xi32>], vector<16xf32>,
          %get3A_263 = arith.index_cast %add3A_258 : i32 to index
          %get3A_264 = arith.constant 0 : index
          %get3A_265 = tpu.vector_load %arg13[%get3A_263, %get3A_264] {strides = array<i32>} : memref<512x48xf32, #tpu.memory_space<vmem>>, vector<16xf32>,
          %mul3A_266 = arith.mulf %gather3A_262, %get3A_265 : vector<16xf32>
          %add3A_267 = arith.addf %add3A_249, %mul3A_266 : vector<16xf32>
          %get3A_268 = arith.index_cast %add3A_258 : i32 to index
          %get3A_269 = arith.constant 16 : index
          %get3A_270 = tpu.vector_load %arg13[%get3A_268, %get3A_269] {strides = array<i32>} : memref<512x48xf32, #tpu.memory_space<vmem>>, vector<16xf32>,
          %mul3A_271 = arith.mulf %gather3A_262, %get3A_270 : vector<16xf32>
          %add3A_272 = arith.addf %add3A_254, %mul3A_271 : vector<16xf32>
          %mul3A_273 = arith.constant 4 : i32
          %mul3A_274 = arith.muli %mul3A_273, %scan3A_236 : i32
          %add3A_275 = arith.constant 2 : i32
          %add3A_276 = arith.addi %mul3A_274, %add3A_275 : i32
          %broadcast_in_dim3A_277 = arith.constant 2 : i32
          %broadcast_in_dim3A_278 = vector.broadcast %broadcast_in_dim3A_277 : i32 to vector<16xi32>
          %broadcast_in_dim3A_279 = vector.broadcast %scan3A_236 : i32 to vector<16xi32>
          %gather3A_280 = tpu.vector_load_idx %arg14[%broadcast_in_dim3A_278, %broadcast_in_dim3A_279] : memref<4x128xf32, #tpu.memory_space<vmem>>[vector<16xi32>, vector<16xi32>], vector<16xf32>,
          %get3A_281 = arith.index_cast %add3A_276 : i32 to index
          %get3A_282 = arith.constant 0 : index
          %get3A_283 = tpu.vector_load %arg13[%get3A_281, %get3A_282] {strides = array<i32>} : memref<512x48xf32, #tpu.memory_space<vmem>>, vector<16xf32>,
          %mul3A_284 = arith.mulf %gather3A_280, %get3A_283 : vector<16xf32>
          %add3A_285 = arith.addf %add3A_267, %mul3A_284 : vector<16xf32>
          %get3A_286 = arith.index_cast %add3A_276 : i32 to index
          %get3A_287 = arith.constant 16 : index
          %get3A_288 = tpu.vector_load %arg13[%get3A_286, %get3A_287] {strides = array<i32>} : memref<512x48xf32, #tpu.memory_space<vmem>>, vector<16xf32>,
          %mul3A_289 = arith.mulf %gather3A_280, %get3A_288 : vector<16xf32>
          %add3A_290 = arith.addf %add3A_272, %mul3A_289 : vector<16xf32>
          %mul3A_291 = arith.constant 4 : i32
          %mul3A_292 = arith.muli %mul3A_291, %scan3A_236 : i32
          %add3A_293 = arith.constant 3 : i32
          %add3A_294 = arith.addi %mul3A_292, %add3A_293 : i32
          %broadcast_in_dim3A_295 = arith.constant 3 : i32
          %broadcast_in_dim3A_296 = vector.broadcast %broadcast_in_dim3A_295 : i32 to vector<16xi32>
          %broadcast_in_dim3A_297 = vector.broadcast %scan3A_236 : i32 to vector<16xi32>
          %gather3A_298 = tpu.vector_load_idx %arg14[%broadcast_in_dim3A_296, %broadcast_in_dim3A_297] : memref<4x128xf32, #tpu.memory_space<vmem>>[vector<16xi32>, vector<16xi32>], vector<16xf32>,
          %get3A_299 = arith.index_cast %add3A_294 : i32 to index
          %get3A_300 = arith.constant 0 : index
          %get3A_301 = tpu.vector_load %arg13[%get3A_299, %get3A_300] {strides = array<i32>} : memref<512x48xf32, #tpu.memory_space<vmem>>, vector<16xf32>,
          %mul3A_302 = arith.mulf %gather3A_298, %get3A_301 : vector<16xf32>
          %add3A_303 = arith.addf %add3A_285, %mul3A_302 : vector<16xf32>
          %get3A_304 = arith.index_cast %add3A_294 : i32 to index
          %get3A_305 = arith.constant 16 : index
          %get3A_306 = tpu.vector_load %arg13[%get3A_304, %get3A_305] {strides = array<i32>} : memref<512x48xf32, #tpu.memory_space<vmem>>, vector<16xf32>,
          %mul3A_307 = arith.mulf %gather3A_298, %get3A_306 : vector<16xf32>
          %add3A_308 = arith.addf %add3A_290, %mul3A_307 : vector<16xf32>
          %swap3A = arith.index_cast %scan3A_236 : i32 to index
          %swap3A_309 = arith.constant 0 : index
          %swap3A_310 = tpu.vector_load %arg16[%swap3A, %swap3A_309] {strides = array<i32>} : memref<128x32xf32, #tpu.memory_space<vmem>>, vector<16xf32>,
          tpu.vector_store %arg16[%swap3A, %swap3A_309], %add3A_303 {strides = array<i32>} : memref<128x32xf32, #tpu.memory_space<vmem>>, vector<16xf32>,
          %swap3A_311 = arith.index_cast %scan3A_236 : i32 to index
          %swap3A_312 = arith.constant 16 : index
          %swap3A_313 = tpu.vector_load %arg16[%swap3A_311, %swap3A_312] {strides = array<i32>} : memref<128x32xf32, #tpu.memory_space<vmem>>, vector<16xf32>,
          tpu.vector_store %arg16[%swap3A_311, %swap3A_312], %add3A_308 {strides = array<i32>} : memref<128x32xf32, #tpu.memory_space<vmem>>, vector<16xf32>,
          %scan3A_314 = arith.constant 0 : i32
          %scan3A_315 = arith.constant 1 : i32
          %scan3A_316 = arith.addi %scan3A_236, %scan3A_315 : i32
          %mul3A_317 = arith.constant 4 : i32
          %mul3A_318 = arith.muli %mul3A_317, %scan3A_316 : i32
          %add3A_319 = arith.constant 0 : i32
          %add3A_320 = arith.addi %mul3A_318, %add3A_319 : i32
          %broadcast_in_dim3A_321 = arith.constant 0 : i32
          %broadcast_in_dim3A_322 = vector.broadcast %broadcast_in_dim3A_321 : i32 to vector<16xi32>
          %broadcast_in_dim3A_323 = vector.broadcast %scan3A_316 : i32 to vector<16xi32>
          %gather3A_324 = tpu.vector_load_idx %arg14[%broadcast_in_dim3A_322, %broadcast_in_dim3A_323] : memref<4x128xf32, #tpu.memory_space<vmem>>[vector<16xi32>, vector<16xi32>], vector<16xf32>,
          %get3A_325 = arith.index_cast %add3A_320 : i32 to index
          %get3A_326 = arith.constant 0 : index
          %get3A_327 = tpu.vector_load %arg13[%get3A_325, %get3A_326] {strides = array<i32>} : memref<512x48xf32, #tpu.memory_space<vmem>>, vector<16xf32>,
          %mul3A_328 = arith.mulf %gather3A_324, %get3A_327 : vector<16xf32>
          %add3A_329 = arith.addf %get3A_121, %mul3A_328 : vector<16xf32>
          %get3A_330 = arith.index_cast %add3A_320 : i32 to index
          %get3A_331 = arith.constant 16 : index
          %get3A_332 = tpu.vector_load %arg13[%get3A_330, %get3A_331] {strides = array<i32>} : memref<512x48xf32, #tpu.memory_space<vmem>>, vector<16xf32>,
          %mul3A_333 = arith.mulf %gather3A_324, %get3A_332 : vector<16xf32>
          %add3A_334 = arith.addf %get3A_123, %mul3A_333 : vector<16xf32>
          %mul3A_335 = arith.constant 4 : i32
          %mul3A_336 = arith.muli %mul3A_335, %scan3A_316 : i32
          %add3A_337 = arith.constant 1 : i32
          %add3A_338 = arith.addi %mul3A_336, %add3A_337 : i32
          %broadcast_in_dim3A_339 = arith.constant 1 : i32
          %broadcast_in_dim3A_340 = vector.broadcast %broadcast_in_dim3A_339 : i32 to vector<16xi32>
          %broadcast_in_dim3A_341 = vector.broadcast %scan3A_316 : i32 to vector<16xi32>
          %gather3A_342 = tpu.vector_load_idx %arg14[%broadcast_in_dim3A_340, %broadcast_in_dim3A_341] : memref<4x128xf32, #tpu.memory_space<vmem>>[vector<16xi32>, vector<16xi32>], vector<16xf32>,
          %get3A_343 = arith.index_cast %add3A_338 : i32 to index
          %get3A_344 = arith.constant 0 : index
          %get3A_345 = tpu.vector_load %arg13[%get3A_343, %get3A_344] {strides = array<i32>} : memref<512x48xf32, #tpu.memory_space<vmem>>, vector<16xf32>,
          %mul3A_346 = arith.mulf %gather3A_342, %get3A_345 : vector<16xf32>
          %add3A_347 = arith.addf %add3A_329, %mul3A_346 : vector<16xf32>
          %get3A_348 = arith.index_cast %add3A_338 : i32 to index
          %get3A_349 = arith.constant 16 : index
          %get3A_350 = tpu.vector_load %arg13[%get3A_348, %get3A_349] {strides = array<i32>} : memref<512x48xf32, #tpu.memory_space<vmem>>, vector<16xf32>,
          %mul3A_351 = arith.mulf %gather3A_342, %get3A_350 : vector<16xf32>
          %add3A_352 = arith.addf %add3A_334, %mul3A_351 : vector<16xf32>
          %mul3A_353 = arith.constant 4 : i32
          %mul3A_354 = arith.muli %mul3A_353, %scan3A_316 : i32
          %add3A_355 = arith.constant 2 : i32
          %add3A_356 = arith.addi %mul3A_354, %add3A_355 : i32
          %broadcast_in_dim3A_357 = arith.constant 2 : i32
          %broadcast_in_dim3A_358 = vector.broadcast %broadcast_in_dim3A_357 : i32 to vector<16xi32>
          %broadcast_in_dim3A_359 = vector.broadcast %scan3A_316 : i32 to vector<16xi32>
          %gather3A_360 = tpu.vector_load_idx %arg14[%broadcast_in_dim3A_358, %broadcast_in_dim3A_359] : memref<4x128xf32, #tpu.memory_space<vmem>>[vector<16xi32>, vector<16xi32>], vector<16xf32>,
          %get3A_361 = arith.index_cast %add3A_356 : i32 to index
          %get3A_362 = arith.constant 0 : index
          %get3A_363 = tpu.vector_load %arg13[%get3A_361, %get3A_362] {strides = array<i32>} : memref<512x48xf32, #tpu.memory_space<vmem>>, vector<16xf32>,
          %mul3A_364 = arith.mulf %gather3A_360, %get3A_363 : vector<16xf32>
          %add3A_365 = arith.addf %add3A_347, %mul3A_364 : vector<16xf32>
          %get3A_366 = arith.index_cast %add3A_356 : i32 to index
          %get3A_367 = arith.constant 16 : index
          %get3A_368 = tpu.vector_load %arg13[%get3A_366, %get3A_367] {strides = array<i32>} : memref<512x48xf32, #tpu.memory_space<vmem>>, vector<16xf32>,
          %mul3A_369 = arith.mulf %gather3A_360, %get3A_368 : vector<16xf32>
          %add3A_370 = arith.addf %add3A_352, %mul3A_369 : vector<16xf32>
          %mul3A_371 = arith.constant 4 : i32
          %mul3A_372 = arith.muli %mul3A_371, %scan3A_316 : i32
          %add3A_373 = arith.constant 3 : i32
          %add3A_374 = arith.addi %mul3A_372, %add3A_373 : i32
          %broadcast_in_dim3A_375 = arith.constant 3 : i32
          %broadcast_in_dim3A_376 = vector.broadcast %broadcast_in_dim3A_375 : i32 to vector<16xi32>
          %broadcast_in_dim3A_377 = vector.broadcast %scan3A_316 : i32 to vector<16xi32>
          %gather3A_378 = tpu.vector_load_idx %arg14[%broadcast_in_dim3A_376, %broadcast_in_dim3A_377] : memref<4x128xf32, #tpu.memory_space<vmem>>[vector<16xi32>, vector<16xi32>], vector<16xf32>,
          %get3A_379 = arith.index_cast %add3A_374 : i32 to index
          %get3A_380 = arith.constant 0 : index
          %get3A_381 = tpu.vector_load %arg13[%get3A_379, %get3A_380] {strides = array<i32>} : memref<512x48xf32, #tpu.memory_space<vmem>>, vector<16xf32>,
          %mul3A_382 = arith.mulf %gather3A_378, %get3A_381 : vector<16xf32>
          %add3A_383 = arith.addf %add3A_365, %mul3A_382 : vector<16xf32>
          %get3A_384 = arith.index_cast %add3A_374 : i32 to index
          %get3A_385 = arith.constant 16 : index
          %get3A_386 = tpu.vector_load %arg13[%get3A_384, %get3A_385] {strides = array<i32>} : memref<512x48xf32, #tpu.memory_space<vmem>>, vector<16xf32>,
          %mul3A_387 = arith.mulf %gather3A_378, %get3A_386 : vector<16xf32>
          %add3A_388 = arith.addf %add3A_370, %mul3A_387 : vector<16xf32>
          %swap3A_389 = arith.index_cast %scan3A_316 : i32 to index
          %swap3A_390 = arith.constant 0 : index
          %swap3A_391 = tpu.vector_load %arg16[%swap3A_389, %swap3A_390] {strides = array<i32>} : memref<128x32xf32, #tpu.memory_space<vmem>>, vector<16xf32>,
          tpu.vector_store %arg16[%swap3A_389, %swap3A_390], %add3A_383 {strides = array<i32>} : memref<128x32xf32, #tpu.memory_space<vmem>>, vector<16xf32>,
          %swap3A_392 = arith.index_cast %scan3A_316 : i32 to index
          %swap3A_393 = arith.constant 16 : index
          %swap3A_394 = tpu.vector_load %arg16[%swap3A_392, %swap3A_393] {strides = array<i32>} : memref<128x32xf32, #tpu.memory_space<vmem>>, vector<16xf32>,
          tpu.vector_store %arg16[%swap3A_392, %swap3A_393], %add3A_388 {strides = array<i32>} : memref<128x32xf32, #tpu.memory_space<vmem>>, vector<16xf32>,
          %scan3A_395 = arith.constant 0 : i32
          %scan3A_396 = arith.constant 2 : i32
          %scan3A_397 = arith.addi %scan3A_236, %scan3A_396 : i32
          %mul3A_398 = arith.constant 4 : i32
          %mul3A_399 = arith.muli %mul3A_398, %scan3A_397 : i32
          %add3A_400 = arith.constant 0 : i32
          %add3A_401 = arith.addi %mul3A_399, %add3A_400 : i32
          %broadcast_in_dim3A_402 = arith.constant 0 : i32
          %broadcast_in_dim3A_403 = vector.broadcast %broadcast_in_dim3A_402 : i32 to vector<16xi32>
          %broadcast_in_dim3A_404 = vector.broadcast %scan3A_397 : i32 to vector<16xi32>
          %gather3A_405 = tpu.vector_load_idx %arg14[%broadcast_in_dim3A_403, %broadcast_in_dim3A_404] : memref<4x128xf32, #tpu.memory_space<vmem>>[vector<16xi32>, vector<16xi32>], vector<16xf32>,
          %get3A_406 = arith.index_cast %add3A_401 : i32 to index
          %get3A_407 = arith.constant 0 : index
          %get3A_408 = tpu.vector_load %arg13[%get3A_406, %get3A_407] {strides = array<i32>} : memref<512x48xf32, #tpu.memory_space<vmem>>, vector<16xf32>,
          %mul3A_409 = arith.mulf %gather3A_405, %get3A_408 : vector<16xf32>
          %add3A_410 = arith.addf %get3A_121, %mul3A_409 : vector<16xf32>
          %get3A_411 = arith.index_cast %add3A_401 : i32 to index
          %get3A_412 = arith.constant 16 : index
          %get3A_413 = tpu.vector_load %arg13[%get3A_411, %get3A_412] {strides = array<i32>} : memref<512x48xf32, #tpu.memory_space<vmem>>, vector<16xf32>,
          %mul3A_414 = arith.mulf %gather3A_405, %get3A_413 : vector<16xf32>
          %add3A_415 = arith.addf %get3A_123, %mul3A_414 : vector<16xf32>
          %mul3A_416 = arith.constant 4 : i32
          %mul3A_417 = arith.muli %mul3A_416, %scan3A_397 : i32
          %add3A_418 = arith.constant 1 : i32
          %add3A_419 = arith.addi %mul3A_417, %add3A_418 : i32
          %broadcast_in_dim3A_420 = arith.constant 1 : i32
          %broadcast_in_dim3A_421 = vector.broadcast %broadcast_in_dim3A_420 : i32 to vector<16xi32>
          %broadcast_in_dim3A_422 = vector.broadcast %scan3A_397 : i32 to vector<16xi32>
          %gather3A_423 = tpu.vector_load_idx %arg14[%broadcast_in_dim3A_421, %broadcast_in_dim3A_422] : memref<4x128xf32, #tpu.memory_space<vmem>>[vector<16xi32>, vector<16xi32>], vector<16xf32>,
          %get3A_424 = arith.index_cast %add3A_419 : i32 to index
          %get3A_425 = arith.constant 0 : index
          %get3A_426 = tpu.vector_load %arg13[%get3A_424, %get3A_425] {strides = array<i32>} : memref<512x48xf32, #tpu.memory_space<vmem>>, vector<16xf32>,
          %mul3A_427 = arith.mulf %gather3A_423, %get3A_426 : vector<16xf32>
          %add3A_428 = arith.addf %add3A_410, %mul3A_427 : vector<16xf32>
          %get3A_429 = arith.index_cast %add3A_419 : i32 to index
          %get3A_430 = arith.constant 16 : index
          %get3A_431 = tpu.vector_load %arg13[%get3A_429, %get3A_430] {strides = array<i32>} : memref<512x48xf32, #tpu.memory_space<vmem>>, vector<16xf32>,
          %mul3A_432 = arith.mulf %gather3A_423, %get3A_431 : vector<16xf32>
          %add3A_433 = arith.addf %add3A_415, %mul3A_432 : vector<16xf32>
          %mul3A_434 = arith.constant 4 : i32
          %mul3A_435 = arith.muli %mul3A_434, %scan3A_397 : i32
          %add3A_436 = arith.constant 2 : i32
          %add3A_437 = arith.addi %mul3A_435, %add3A_436 : i32
          %broadcast_in_dim3A_438 = arith.constant 2 : i32
          %broadcast_in_dim3A_439 = vector.broadcast %broadcast_in_dim3A_438 : i32 to vector<16xi32>
          %broadcast_in_dim3A_440 = vector.broadcast %scan3A_397 : i32 to vector<16xi32>
          %gather3A_441 = tpu.vector_load_idx %arg14[%broadcast_in_dim3A_439, %broadcast_in_dim3A_440] : memref<4x128xf32, #tpu.memory_space<vmem>>[vector<16xi32>, vector<16xi32>], vector<16xf32>,
          %get3A_442 = arith.index_cast %add3A_437 : i32 to index
          %get3A_443 = arith.constant 0 : index
          %get3A_444 = tpu.vector_load %arg13[%get3A_442, %get3A_443] {strides = array<i32>} : memref<512x48xf32, #tpu.memory_space<vmem>>, vector<16xf32>,
          %mul3A_445 = arith.mulf %gather3A_441, %get3A_444 : vector<16xf32>
          %add3A_446 = arith.addf %add3A_428, %mul3A_445 : vector<16xf32>
          %get3A_447 = arith.index_cast %add3A_437 : i32 to index
          %get3A_448 = arith.constant 16 : index
          %get3A_449 = tpu.vector_load %arg13[%get3A_447, %get3A_448] {strides = array<i32>} : memref<512x48xf32, #tpu.memory_space<vmem>>, vector<16xf32>,
          %mul3A_450 = arith.mulf %gather3A_441, %get3A_449 : vector<16xf32>
          %add3A_451 = arith.addf %add3A_433, %mul3A_450 : vector<16xf32>
          %mul3A_452 = arith.constant 4 : i32
          %mul3A_453 = arith.muli %mul3A_452, %scan3A_397 : i32
          %add3A_454 = arith.constant 3 : i32
          %add3A_455 = arith.addi %mul3A_453, %add3A_454 : i32
          %broadcast_in_dim3A_456 = arith.constant 3 : i32
          %broadcast_in_dim3A_457 = vector.broadcast %broadcast_in_dim3A_456 : i32 to vector<16xi32>
          %broadcast_in_dim3A_458 = vector.broadcast %scan3A_397 : i32 to vector<16xi32>
          %gather3A_459 = tpu.vector_load_idx %arg14[%broadcast_in_dim3A_457, %broadcast_in_dim3A_458] : memref<4x128xf32, #tpu.memory_space<vmem>>[vector<16xi32>, vector<16xi32>], vector<16xf32>,
          %get3A_460 = arith.index_cast %add3A_455 : i32 to index
          %get3A_461 = arith.constant 0 : index
          %get3A_462 = tpu.vector_load %arg13[%get3A_460, %get3A_461] {strides = array<i32>} : memref<512x48xf32, #tpu.memory_space<vmem>>, vector<16xf32>,
          %mul3A_463 = arith.mulf %gather3A_459, %get3A_462 : vector<16xf32>
          %add3A_464 = arith.addf %add3A_446, %mul3A_463 : vector<16xf32>
          %get3A_465 = arith.index_cast %add3A_455 : i32 to index
          %get3A_466 = arith.constant 16 : index
          %get3A_467 = tpu.vector_load %arg13[%get3A_465, %get3A_466] {strides = array<i32>} : memref<512x48xf32, #tpu.memory_space<vmem>>, vector<16xf32>,
          %mul3A_468 = arith.mulf %gather3A_459, %get3A_467 : vector<16xf32>
          %add3A_469 = arith.addf %add3A_451, %mul3A_468 : vector<16xf32>
          %swap3A_470 = arith.index_cast %scan3A_397 : i32 to index
          %swap3A_471 = arith.constant 0 : index
          %swap3A_472 = tpu.vector_load %arg16[%swap3A_470, %swap3A_471] {strides = array<i32>} : memref<128x32xf32, #tpu.memory_space<vmem>>, vector<16xf32>,
          tpu.vector_store %arg16[%swap3A_470, %swap3A_471], %add3A_464 {strides = array<i32>} : memref<128x32xf32, #tpu.memory_space<vmem>>, vector<16xf32>,
          %swap3A_473 = arith.index_cast %scan3A_397 : i32 to index
          %swap3A_474 = arith.constant 16 : index
          %swap3A_475 = tpu.vector_load %arg16[%swap3A_473, %swap3A_474] {strides = array<i32>} : memref<128x32xf32, #tpu.memory_space<vmem>>, vector<16xf32>,
          tpu.vector_store %arg16[%swap3A_473, %swap3A_474], %add3A_469 {strides = array<i32>} : memref<128x32xf32, #tpu.memory_space<vmem>>, vector<16xf32>,
          %scan3A_476 = arith.constant 0 : i32
          %scan3A_477 = arith.constant 3 : i32
          %scan3A_478 = arith.addi %scan3A_236, %scan3A_477 : i32
          %mul3A_479 = arith.constant 4 : i32
          %mul3A_480 = arith.muli %mul3A_479, %scan3A_478 : i32
          %add3A_481 = arith.constant 0 : i32
          %add3A_482 = arith.addi %mul3A_480, %add3A_481 : i32
          %broadcast_in_dim3A_483 = arith.constant 0 : i32
          %broadcast_in_dim3A_484 = vector.broadcast %broadcast_in_dim3A_483 : i32 to vector<16xi32>
          %broadcast_in_dim3A_485 = vector.broadcast %scan3A_478 : i32 to vector<16xi32>
          %gather3A_486 = tpu.vector_load_idx %arg14[%broadcast_in_dim3A_484, %broadcast_in_dim3A_485] : memref<4x128xf32, #tpu.memory_space<vmem>>[vector<16xi32>, vector<16xi32>], vector<16xf32>,
          %get3A_487 = arith.index_cast %add3A_482 : i32 to index
          %get3A_488 = arith.constant 0 : index
          %get3A_489 = tpu.vector_load %arg13[%get3A_487, %get3A_488] {strides = array<i32>} : memref<512x48xf32, #tpu.memory_space<vmem>>, vector<16xf32>,
          %mul3A_490 = arith.mulf %gather3A_486, %get3A_489 : vector<16xf32>
          %add3A_491 = arith.addf %get3A_121, %mul3A_490 : vector<16xf32>
          %get3A_492 = arith.index_cast %add3A_482 : i32 to index
          %get3A_493 = arith.constant 16 : index
          %get3A_494 = tpu.vector_load %arg13[%get3A_492, %get3A_493] {strides = array<i32>} : memref<512x48xf32, #tpu.memory_space<vmem>>, vector<16xf32>,
          %mul3A_495 = arith.mulf %gather3A_486, %get3A_494 : vector<16xf32>
          %add3A_496 = arith.addf %get3A_123, %mul3A_495 : vector<16xf32>
          %mul3A_497 = arith.constant 4 : i32
          %mul3A_498 = arith.muli %mul3A_497, %scan3A_478 : i32
          %add3A_499 = arith.constant 1 : i32
          %add3A_500 = arith.addi %mul3A_498, %add3A_499 : i32
          %broadcast_in_dim3A_501 = arith.constant 1 : i32
          %broadcast_in_dim3A_502 = vector.broadcast %broadcast_in_dim3A_501 : i32 to vector<16xi32>
          %broadcast_in_dim3A_503 = vector.broadcast %scan3A_478 : i32 to vector<16xi32>
          %gather3A_504 = tpu.vector_load_idx %arg14[%broadcast_in_dim3A_502, %broadcast_in_dim3A_503] : memref<4x128xf32, #tpu.memory_space<vmem>>[vector<16xi32>, vector<16xi32>], vector<16xf32>,
          %get3A_505 = arith.index_cast %add3A_500 : i32 to index
          %get3A_506 = arith.constant 0 : index
          %get3A_507 = tpu.vector_load %arg13[%get3A_505, %get3A_506] {strides = array<i32>} : memref<512x48xf32, #tpu.memory_space<vmem>>, vector<16xf32>,
          %mul3A_508 = arith.mulf %gather3A_504, %get3A_507 : vector<16xf32>
          %add3A_509 = arith.addf %add3A_491, %mul3A_508 : vector<16xf32>
          %get3A_510 = arith.index_cast %add3A_500 : i32 to index
          %get3A_511 = arith.constant 16 : index
          %get3A_512 = tpu.vector_load %arg13[%get3A_510, %get3A_511] {strides = array<i32>} : memref<512x48xf32, #tpu.memory_space<vmem>>, vector<16xf32>,
          %mul3A_513 = arith.mulf %gather3A_504, %get3A_512 : vector<16xf32>
          %add3A_514 = arith.addf %add3A_496, %mul3A_513 : vector<16xf32>
          %mul3A_515 = arith.constant 4 : i32
          %mul3A_516 = arith.muli %mul3A_515, %scan3A_478 : i32
          %add3A_517 = arith.constant 2 : i32
          %add3A_518 = arith.addi %mul3A_516, %add3A_517 : i32
          %broadcast_in_dim3A_519 = arith.constant 2 : i32
          %broadcast_in_dim3A_520 = vector.broadcast %broadcast_in_dim3A_519 : i32 to vector<16xi32>
          %broadcast_in_dim3A_521 = vector.broadcast %scan3A_478 : i32 to vector<16xi32>
          %gather3A_522 = tpu.vector_load_idx %arg14[%broadcast_in_dim3A_520, %broadcast_in_dim3A_521] : memref<4x128xf32, #tpu.memory_space<vmem>>[vector<16xi32>, vector<16xi32>], vector<16xf32>,
          %get3A_523 = arith.index_cast %add3A_518 : i32 to index
          %get3A_524 = arith.constant 0 : index
          %get3A_525 = tpu.vector_load %arg13[%get3A_523, %get3A_524] {strides = array<i32>} : memref<512x48xf32, #tpu.memory_space<vmem>>, vector<16xf32>,
          %mul3A_526 = arith.mulf %gather3A_522, %get3A_525 : vector<16xf32>
          %add3A_527 = arith.addf %add3A_509, %mul3A_526 : vector<16xf32>
          %get3A_528 = arith.index_cast %add3A_518 : i32 to index
          %get3A_529 = arith.constant 16 : index
          %get3A_530 = tpu.vector_load %arg13[%get3A_528, %get3A_529] {strides = array<i32>} : memref<512x48xf32, #tpu.memory_space<vmem>>, vector<16xf32>,
          %mul3A_531 = arith.mulf %gather3A_522, %get3A_530 : vector<16xf32>
          %add3A_532 = arith.addf %add3A_514, %mul3A_531 : vector<16xf32>
          %mul3A_533 = arith.constant 4 : i32
          %mul3A_534 = arith.muli %mul3A_533, %scan3A_478 : i32
          %add3A_535 = arith.constant 3 : i32
          %add3A_536 = arith.addi %mul3A_534, %add3A_535 : i32
          %broadcast_in_dim3A_537 = arith.constant 3 : i32
          %broadcast_in_dim3A_538 = vector.broadcast %broadcast_in_dim3A_537 : i32 to vector<16xi32>
          %broadcast_in_dim3A_539 = vector.broadcast %scan3A_478 : i32 to vector<16xi32>
          %gather3A_540 = tpu.vector_load_idx %arg14[%broadcast_in_dim3A_538, %broadcast_in_dim3A_539] : memref<4x128xf32, #tpu.memory_space<vmem>>[vector<16xi32>, vector<16xi32>], vector<16xf32>,
          %get3A_541 = arith.index_cast %add3A_536 : i32 to index
          %get3A_542 = arith.constant 0 : index
          %get3A_543 = tpu.vector_load %arg13[%get3A_541, %get3A_542] {strides = array<i32>} : memref<512x48xf32, #tpu.memory_space<vmem>>, vector<16xf32>,
          %mul3A_544 = arith.mulf %gather3A_540, %get3A_543 : vector<16xf32>
          %add3A_545 = arith.addf %add3A_527, %mul3A_544 : vector<16xf32>
          %get3A_546 = arith.index_cast %add3A_536 : i32 to index
          %get3A_547 = arith.constant 16 : index
          %get3A_548 = tpu.vector_load %arg13[%get3A_546, %get3A_547] {strides = array<i32>} : memref<512x48xf32, #tpu.memory_space<vmem>>, vector<16xf32>,
          %mul3A_549 = arith.mulf %gather3A_540, %get3A_548 : vector<16xf32>
          %add3A_550 = arith.addf %add3A_532, %mul3A_549 : vector<16xf32>
          %swap3A_551 = arith.index_cast %scan3A_478 : i32 to index
          %swap3A_552 = arith.constant 0 : index
          %swap3A_553 = tpu.vector_load %arg16[%swap3A_551, %swap3A_552] {strides = array<i32>} : memref<128x32xf32, #tpu.memory_space<vmem>>, vector<16xf32>,
          tpu.vector_store %arg16[%swap3A_551, %swap3A_552], %add3A_545 {strides = array<i32>} : memref<128x32xf32, #tpu.memory_space<vmem>>, vector<16xf32>,
          %swap3A_554 = arith.index_cast %scan3A_478 : i32 to index
          %swap3A_555 = arith.constant 16 : index
          %swap3A_556 = tpu.vector_load %arg16[%swap3A_554, %swap3A_555] {strides = array<i32>} : memref<128x32xf32, #tpu.memory_space<vmem>>, vector<16xf32>,
          tpu.vector_store %arg16[%swap3A_554, %swap3A_555], %add3A_550 {strides = array<i32>} : memref<128x32xf32, #tpu.memory_space<vmem>>, vector<16xf32>,
          %scan3A_557 = arith.constant 0 : i32
          scf.yield %scan3A_557 : i32
        }
        %scan3A_218 = arith.constant 128 : i32
        %add3A_219 = arith.constant 2 : i32
        %add3A_220 = arith.addi %add3A_149, %add3A_219 : i32
        %lt3A_221 = arith.cmpi slt, %add3A_220, %select_n3A_10 : i32
        %convert_element_type3A_222 = arith.extui %lt3A_221 : i1 to i32
        %cond3A_223 = arith.constant 0 : i32
        %cond3A_224 = arith.cmpi ne, %convert_element_type3A_222, %cond3A_223 : i32
        scf.if %cond3A_224 {
          %add3A_236 = arith.constant 2 : i32
          %add3A_237 = arith.addi %add3A_149, %add3A_236 : i32
          %add3A_238 = arith.addi %select_n3A, %add3A_237 : i32
          %eq3A_239 = arith.constant 781 : i32
          %eq3A_240 = arith.cmpi eq, %add3A_238, %eq3A_239 : i32
          %mul3A_241 = arith.constant 512 : i32
          %mul3A_242 = arith.muli %mul3A_241, %add3A_238 : i32
          %jit3A_243 = arith.constant 399488 : i32
          %select_n3A_244 = arith.select %eq3A_240, %jit3A_243, %mul3A_242 : i32
          %dma_start3A = tpu.memref_slice %arg3[%select_n3A_244] : memref<400000xi32, #tpu.memory_space<hbm>> -> memref<512xi32, #tpu.memory_space<hbm>>
          %dma_start3A_245 = tpu.memref_slice %arg3[%select_n3A_244] : memref<400000xi32, #tpu.memory_space<hbm>> -> memref<512xi32, #tpu.memory_space<hbm>>
          tpu.enqueue_dma source(%dma_start3A_245 : memref<512xi32, #tpu.memory_space<hbm>>) target(%arg9 : memref<512xi32, #tpu.memory_space<vmem>>) target_semaphore(%arg22 : memref<!tpu.dma_semaphore, #tpu.memory_space<semaphore_mem>>)
        } else {
        }
        %add3A_225 = arith.addi %select_n3A, %add3A_149 : i32
        %ne3A = arith.constant 781 : i32
        %ne3A_226 = arith.cmpi ne, %add3A_225, %ne3A : i32
        %convert_element_type3A_227 = arith.extui %ne3A_226 : i1 to i32
        %cond3A_228 = arith.constant 0 : i32
        %cond3A_229 = arith.cmpi ne, %convert_element_type3A_227, %cond3A_228 : i32
        scf.if %cond3A_229 {
          %add3A_236 = arith.addi %select_n3A, %add3A_149 : i32
          %mul3A_237 = arith.constant 128 : i32
          %mul3A_238 = arith.muli %add3A_236, %mul3A_237 : i32
          %dma_start3A = arith.constant 0 : i32
          %dma_start3A_239 = tpu.memref_slice %arg7[%mul3A_238, %dma_start3A] : memref<100000x32xf32, #tpu.memory_space<hbm>> -> memref<128x32xf32, #tpu.memory_space<hbm>>
          %dma_start3A_240 = arith.constant 0 : i32
          %dma_start3A_241 = tpu.memref_slice %arg7[%mul3A_238, %dma_start3A_240] : memref<100000x32xf32, #tpu.memory_space<hbm>> -> memref<128x32xf32, #tpu.memory_space<hbm>>
          tpu.enqueue_dma source(%arg16 : memref<128x32xf32, #tpu.memory_space<vmem>>) target(%dma_start3A_241 : memref<128x32xf32, #tpu.memory_space<hbm>>) target_semaphore(%arg24 : memref<!tpu.dma_semaphore, #tpu.memory_space<semaphore_mem>>)
        } else {
        }
        %add3A_230 = arith.addi %select_n3A, %add3A_149 : i32
        %eq3A_231 = arith.constant 781 : i32
        %eq3A_232 = arith.cmpi eq, %add3A_230, %eq3A_231 : i32
        %convert_element_type3A_233 = arith.extui %eq3A_232 : i1 to i32
        %cond3A_234 = arith.constant 0 : i32
        %cond3A_235 = arith.cmpi ne, %convert_element_type3A_233, %cond3A_234 : i32
        scf.if %cond3A_235 {
          %dma_start3A = arith.constant 96 : i32
          %dma_start3A_236 = arith.constant 0 : i32
          %dma_start3A_237 = tpu.memref_slice %arg16[%dma_start3A, %dma_start3A_236] : memref<128x32xf32, #tpu.memory_space<vmem>> -> memref<32x32xf32, #tpu.memory_space<vmem>>
          %dma_start3A_238 = arith.constant 99968 : i32
          %dma_start3A_239 = arith.constant 0 : i32
          %dma_start3A_240 = tpu.memref_slice %arg7[%dma_start3A_238, %dma_start3A_239] : memref<100000x32xf32, #tpu.memory_space<hbm>> -> memref<32x32xf32, #tpu.memory_space<hbm>>
          %dma_start3A_241 = arith.constant 99968 : i32
          %dma_start3A_242 = arith.constant 0 : i32
          %dma_start3A_243 = tpu.memref_slice %arg7[%dma_start3A_241, %dma_start3A_242] : memref<100000x32xf32, #tpu.memory_space<hbm>> -> memref<32x32xf32, #tpu.memory_space<hbm>>
          %dma_start3A_244 = arith.constant 96 : i32
          %dma_start3A_245 = arith.constant 0 : i32
          %dma_start3A_246 = tpu.memref_slice %arg16[%dma_start3A_244, %dma_start3A_245] : memref<128x32xf32, #tpu.memory_space<vmem>> -> memref<32x32xf32, #tpu.memory_space<vmem>>
          tpu.enqueue_dma source(%dma_start3A_246 : memref<32x32xf32, #tpu.memory_space<vmem>>) target(%dma_start3A_243 : memref<32x32xf32, #tpu.memory_space<hbm>>) target_semaphore(%arg24 : memref<!tpu.dma_semaphore, #tpu.memory_space<semaphore_mem>>)
        } else {
        }
      } else {
      }
      %scan3A_154 = arith.constant 0 : i32
      scf.yield %scan3A_154 : i32
    }
    %scan3A_131 = arith.constant 16 : i32
    %gt3A_132 = arith.constant 0 : i32
    %gt3A_133 = arith.cmpi sgt, %select_n3A_10, %gt3A_132 : i32
    %convert_element_type3A_134 = arith.extui %gt3A_133 : i1 to i32
    %cond3A_135 = arith.constant 0 : i32
    %cond3A_136 = arith.cmpi ne, %convert_element_type3A_134, %cond3A_135 : i32
    scf.if %cond3A_136 {
      %sub3A_137 = arith.constant 2 : i32
      %sub3A_138 = arith.subi %select_n3A_10, %sub3A_137 : i32
      %add3A_139 = arith.addi %select_n3A, %sub3A_138 : i32
      %ne3A = arith.constant 781 : i32
      %ne3A_140 = arith.cmpi ne, %add3A_139, %ne3A : i32
      %convert_element_type3A_141 = arith.extui %ne3A_140 : i1 to i32
      %cond3A_142 = arith.constant 0 : i32
      %cond3A_143 = arith.cmpi ne, %convert_element_type3A_141, %cond3A_142 : i32
      scf.if %cond3A_143 {
        %add3A_164 = arith.addi %select_n3A, %sub3A_138 : i32
        %mul3A_165 = arith.constant 128 : i32
        %mul3A_166 = arith.muli %add3A_164, %mul3A_165 : i32
        %dma_wait3A = arith.constant 0 : i32
        %dma_wait3A_167 = tpu.memref_slice %arg7[%mul3A_166, %dma_wait3A] : memref<100000x32xf32, #tpu.memory_space<hbm>> -> memref<128x32xf32, #tpu.memory_space<hbm>>
        %dma_wait3A_168 = arith.constant 0 : i32
        %dma_wait3A_169 = tpu.memref_slice %arg7[%mul3A_166, %dma_wait3A_168] : memref<100000x32xf32, #tpu.memory_space<hbm>> -> memref<128x32xf32, #tpu.memory_space<hbm>>
        tpu.wait_dma2 semaphore(%arg23 : memref<!tpu.dma_semaphore, #tpu.memory_space<semaphore_mem>>) src(%arg15 : memref<128x32xf32, #tpu.memory_space<vmem>>) dst(%dma_wait3A_169 : memref<128x32xf32, #tpu.memory_space<hbm>>)
      } else {
      }
      %add3A_144 = arith.addi %select_n3A, %sub3A_138 : i32
      %eq3A_145 = arith.constant 781 : i32
      %eq3A_146 = arith.cmpi eq, %add3A_144, %eq3A_145 : i32
      %convert_element_type3A_147 = arith.extui %eq3A_146 : i1 to i32
      %cond3A_148 = arith.constant 0 : i32
      %cond3A_149 = arith.cmpi ne, %convert_element_type3A_147, %cond3A_148 : i32
      scf.if %cond3A_149 {
        %dma_wait3A = arith.constant 96 : i32
        %dma_wait3A_164 = arith.constant 0 : i32
        %dma_wait3A_165 = tpu.memref_slice %arg15[%dma_wait3A, %dma_wait3A_164] : memref<128x32xf32, #tpu.memory_space<vmem>> -> memref<32x32xf32, #tpu.memory_space<vmem>>
        %dma_wait3A_166 = arith.constant 99968 : i32
        %dma_wait3A_167 = arith.constant 0 : i32
        %dma_wait3A_168 = tpu.memref_slice %arg7[%dma_wait3A_166, %dma_wait3A_167] : memref<100000x32xf32, #tpu.memory_space<hbm>> -> memref<32x32xf32, #tpu.memory_space<hbm>>
        %dma_wait3A_169 = arith.constant 99968 : i32
        %dma_wait3A_170 = arith.constant 0 : i32
        %dma_wait3A_171 = tpu.memref_slice %arg7[%dma_wait3A_169, %dma_wait3A_170] : memref<100000x32xf32, #tpu.memory_space<hbm>> -> memref<32x32xf32, #tpu.memory_space<hbm>>
        %dma_wait3A_172 = arith.constant 96 : i32
        %dma_wait3A_173 = arith.constant 0 : i32
        %dma_wait3A_174 = tpu.memref_slice %arg15[%dma_wait3A_172, %dma_wait3A_173] : memref<128x32xf32, #tpu.memory_space<vmem>> -> memref<32x32xf32, #tpu.memory_space<vmem>>
        tpu.wait_dma2 semaphore(%arg23 : memref<!tpu.dma_semaphore, #tpu.memory_space<semaphore_mem>>) src(%dma_wait3A_174 : memref<32x32xf32, #tpu.memory_space<vmem>>) dst(%dma_wait3A_171 : memref<32x32xf32, #tpu.memory_space<hbm>>)
      } else {
      }
      %sub3A_150 = arith.constant 1 : i32
      %sub3A_151 = arith.subi %select_n3A_10, %sub3A_150 : i32
      %add3A_152 = arith.addi %select_n3A, %sub3A_151 : i32
      %ne3A_153 = arith.constant 781 : i32
      %ne3A_154 = arith.cmpi ne, %add3A_152, %ne3A_153 : i32
      %convert_element_type3A_155 = arith.extui %ne3A_154 : i1 to i32
      %cond3A_156 = arith.constant 0 : i32
      %cond3A_157 = arith.cmpi ne, %convert_element_type3A_155, %cond3A_156 : i32
      scf.if %cond3A_157 {
        %add3A_164 = arith.addi %select_n3A, %sub3A_151 : i32
        %mul3A_165 = arith.constant 128 : i32
        %mul3A_166 = arith.muli %add3A_164, %mul3A_165 : i32
        %dma_wait3A = arith.constant 0 : i32
        %dma_wait3A_167 = tpu.memref_slice %arg7[%mul3A_166, %dma_wait3A] : memref<100000x32xf32, #tpu.memory_space<hbm>> -> memref<128x32xf32, #tpu.memory_space<hbm>>
        %dma_wait3A_168 = arith.constant 0 : i32
        %dma_wait3A_169 = tpu.memref_slice %arg7[%mul3A_166, %dma_wait3A_168] : memref<100000x32xf32, #tpu.memory_space<hbm>> -> memref<128x32xf32, #tpu.memory_space<hbm>>
        tpu.wait_dma2 semaphore(%arg24 : memref<!tpu.dma_semaphore, #tpu.memory_space<semaphore_mem>>) src(%arg16 : memref<128x32xf32, #tpu.memory_space<vmem>>) dst(%dma_wait3A_169 : memref<128x32xf32, #tpu.memory_space<hbm>>)
      } else {
      }
      %add3A_158 = arith.addi %select_n3A, %sub3A_151 : i32
      %eq3A_159 = arith.constant 781 : i32
      %eq3A_160 = arith.cmpi eq, %add3A_158, %eq3A_159 : i32
      %convert_element_type3A_161 = arith.extui %eq3A_160 : i1 to i32
      %cond3A_162 = arith.constant 0 : i32
      %cond3A_163 = arith.cmpi ne, %convert_element_type3A_161, %cond3A_162 : i32
      scf.if %cond3A_163 {
        %dma_wait3A = arith.constant 96 : i32
        %dma_wait3A_164 = arith.constant 0 : i32
        %dma_wait3A_165 = tpu.memref_slice %arg16[%dma_wait3A, %dma_wait3A_164] : memref<128x32xf32, #tpu.memory_space<vmem>> -> memref<32x32xf32, #tpu.memory_space<vmem>>
        %dma_wait3A_166 = arith.constant 99968 : i32
        %dma_wait3A_167 = arith.constant 0 : i32
        %dma_wait3A_168 = tpu.memref_slice %arg7[%dma_wait3A_166, %dma_wait3A_167] : memref<100000x32xf32, #tpu.memory_space<hbm>> -> memref<32x32xf32, #tpu.memory_space<hbm>>
        %dma_wait3A_169 = arith.constant 99968 : i32
        %dma_wait3A_170 = arith.constant 0 : i32
        %dma_wait3A_171 = tpu.memref_slice %arg7[%dma_wait3A_169, %dma_wait3A_170] : memref<100000x32xf32, #tpu.memory_space<hbm>> -> memref<32x32xf32, #tpu.memory_space<hbm>>
        %dma_wait3A_172 = arith.constant 96 : i32
        %dma_wait3A_173 = arith.constant 0 : i32
        %dma_wait3A_174 = tpu.memref_slice %arg16[%dma_wait3A_172, %dma_wait3A_173] : memref<128x32xf32, #tpu.memory_space<vmem>> -> memref<32x32xf32, #tpu.memory_space<vmem>>
        tpu.wait_dma2 semaphore(%arg24 : memref<!tpu.dma_semaphore, #tpu.memory_space<semaphore_mem>>) src(%dma_wait3A_174 : memref<32x32xf32, #tpu.memory_space<vmem>>) dst(%dma_wait3A_171 : memref<32x32xf32, #tpu.memory_space<hbm>>)
      } else {
      }
    } else {
    }
    return
  }
}

module attributes {stable_mosaic.version = 14 : i64} {
  func.func @_tc_stats0(%arg0: i32, %arg1: memref<5000x128xf32, #tpu.memory_space<vmem>>, %arg2: memref<128x128xf32, #tpu.memory_space<vmem>>, %arg3: memref<2x128xf32, #tpu.memory_space<vmem>>, %arg4: memref<2x128xf32, #tpu.memory_space<vmem>>) attributes {dimension_semantics = [#tpu.dimension_semantics<arbitrary>], iteration_bounds = array<i64: 10>, scalar_prefetch = 0 : i64, scratch_operands = 1 : i64, tpu.core_type = #tpu.core_type<tc>, window_params = [{transform_indices = @transform_0, window_bounds = array<i64: 5000, 128>}, {pipeline_mode = #tpu.pipeline_mode<synchronous>, transform_indices = @transform_1, window_bounds = array<i64: 128, 128>}, {pipeline_mode = #tpu.pipeline_mode<synchronous>, transform_indices = @transform_2, window_bounds = array<i64: 2, 128>}]} {
    %get3A = arith.constant 0 : index
    %get3A_0 = arith.constant 0 : index
    %get3A_1 = vector.load %arg1[%get3A, %get3A_0] : memref<5000x128xf32, #tpu.memory_space<vmem>>, vector<5000x128xf32>
    %eq3A = arith.constant 0 : i32
    %eq3A_2 = arith.cmpi eq, %arg0, %eq3A : i32
    %convert_element_type3A = arith.extui %eq3A_2 : i1 to i32
    %cond3A = arith.constant 0 : i32
    %cond3A_3 = arith.cmpi ne, %convert_element_type3A, %cond3A : i32
    scf.if %cond3A_3 {
      %broadcast_in_dim3A_18 = arith.constant 0.000000e+00 : f32
      %broadcast_in_dim3A_19 = vector.broadcast %broadcast_in_dim3A_18 : f32 to vector<2x128xf32>
      %swap3A_20 = arith.constant 0 : index
      %swap3A_21 = arith.constant 0 : index
      %swap3A_22 = vector.load %arg4[%swap3A_20, %swap3A_21] : memref<2x128xf32, #tpu.memory_space<vmem>>, vector<2x128xf32>
      tpu.vector_store %arg4[%swap3A_20, %swap3A_21], %broadcast_in_dim3A_19 {strides = array<i32>} : memref<2x128xf32, #tpu.memory_space<vmem>>, vector<2x128xf32>,
    } else {
    }
    %get3A_4 = arith.constant 0 : index
    %get3A_5 = arith.constant 0 : index
    %get3A_6 = vector.load %arg4[%get3A_4, %get3A_5] : memref<2x128xf32, #tpu.memory_space<vmem>>, vector<2x128xf32>
    %reduce_sum3A = arith.constant dense<0.000000e+00> : vector<128xf32>
    %reduce_sum3A_7 = vector.multi_reduction <add>, %get3A_1, %reduce_sum3A [0] : vector<5000x128xf32> to vector<128xf32>
    %broadcast_in_dim3A = vector.shape_cast %reduce_sum3A_7 : vector<128xf32> to vector<1x128xf32>
    %mul3A = arith.mulf %get3A_1, %get3A_1 : vector<5000x128xf32>
    %reduce_sum3A_8 = arith.constant dense<0.000000e+00> : vector<128xf32>
    %reduce_sum3A_9 = vector.multi_reduction <add>, %mul3A, %reduce_sum3A_8 [0] : vector<5000x128xf32> to vector<128xf32>
    %broadcast_in_dim3A_10 = vector.shape_cast %reduce_sum3A_9 : vector<128xf32> to vector<1x128xf32>
    %concatenate3A = tpu.concatenate %broadcast_in_dim3A, %broadcast_in_dim3A_10 in 0 : vector<1x128xf32>, vector<1x128xf32> -> vector<2x128xf32>
    %add3A = arith.addf %get3A_6, %concatenate3A : vector<2x128xf32>
    %swap3A = arith.constant 0 : index
    %swap3A_11 = arith.constant 0 : index
    %swap3A_12 = vector.load %arg4[%swap3A, %swap3A_11] : memref<2x128xf32, #tpu.memory_space<vmem>>, vector<2x128xf32>
    tpu.vector_store %arg4[%swap3A, %swap3A_11], %add3A {strides = array<i32>} : memref<2x128xf32, #tpu.memory_space<vmem>>, vector<2x128xf32>,
    %eq3A_13 = arith.constant 9 : i32
    %eq3A_14 = arith.cmpi eq, %arg0, %eq3A_13 : i32
    %convert_element_type3A_15 = arith.extui %eq3A_14 : i1 to i32
    %cond3A_16 = arith.constant 0 : i32
    %cond3A_17 = arith.cmpi ne, %convert_element_type3A_15, %cond3A_16 : i32
    scf.if %cond3A_17 {
      %get3A_18 = arith.constant 0 : index
      %get3A_19 = arith.constant 0 : index
      %get3A_20 = vector.load %arg4[%get3A_18, %get3A_19] : memref<2x128xf32, #tpu.memory_space<vmem>>, vector<2x128xf32>
      %get3A_21 = arith.constant 0 : index
      %get3A_22 = arith.constant 0 : index
      %get3A_23 = vector.load %arg2[%get3A_21, %get3A_22] : memref<128x128xf32, #tpu.memory_space<vmem>>, vector<128x128xf32>
      %slice3A = vector.extract_strided_slice %get3A_20 {offsets = [0, 0], sizes = [1, 128], strides = [1, 1]} : vector<2x128xf32> to vector<1x128xf32>
      %dot_general3A = arith.constant dense<0.000000e+00> : vector<1x128xf32>
      %dot_general3A_24 = tpu.matmul %slice3A, %get3A_23, %dot_general3A {dimension_numbers = #tpu.dot_dimension_numbers<[1], [0], [0], [1], [0, 0, 1, 1], [], []>, transpose_lhs_hint = false} : vector<1x128xf32>, vector<128x128xf32>, vector<1x128xf32> -> vector<1x128xf32>
      %slice3A_25 = vector.extract_strided_slice %get3A_20 {offsets = [1, 0], sizes = [1, 128], strides = [1, 1]} : vector<2x128xf32> to vector<1x128xf32>
      %dot_general3A_26 = arith.constant dense<0.000000e+00> : vector<1x128xf32>
      %dot_general3A_27 = tpu.matmul %slice3A_25, %get3A_23, %dot_general3A_26 {dimension_numbers = #tpu.dot_dimension_numbers<[1], [0], [0], [1], [0, 0, 1, 1], [], []>, transpose_lhs_hint = false} : vector<1x128xf32>, vector<128x128xf32>, vector<1x128xf32> -> vector<1x128xf32>
      %mul3A_28 = arith.mulf %dot_general3A_24, %dot_general3A_24 : vector<1x128xf32>
      %sub3A = arith.subf %dot_general3A_27, %mul3A_28 : vector<1x128xf32>
      %add3A_29 = arith.constant 9.99999974E-6 : f32
      %add3A_30 = vector.broadcast %add3A_29 : f32 to vector<1x128xf32>
      %add3A_31 = arith.addf %sub3A, %add3A_30 : vector<1x128xf32>
      %rsqrt3A = math.rsqrt %add3A_31 : vector<1x128xf32>
      %concatenate3A_32 = tpu.concatenate %dot_general3A_24, %rsqrt3A in 0 : vector<1x128xf32>, vector<1x128xf32> -> vector<2x128xf32>
      %swap3A_33 = arith.constant 0 : index
      %swap3A_34 = arith.constant 0 : index
      %swap3A_35 = vector.load %arg3[%swap3A_33, %swap3A_34] : memref<2x128xf32, #tpu.memory_space<vmem>>, vector<2x128xf32>
      tpu.vector_store %arg3[%swap3A_33, %swap3A_34], %concatenate3A_32 {strides = array<i32>} : memref<2x128xf32, #tpu.memory_space<vmem>>, vector<2x128xf32>,
    } else {
    }
    return
  }
  func.func @transform_0(%arg0: i32) -> (i32, i32) {
    %c0_i32 = arith.constant 0 : i32
    %c0_i32_0 = arith.constant 0 : i32
    return %arg0, %c0_i32 : i32, i32
  }
  func.func @transform_1(%arg0: i32) -> (i32, i32) {
    %c0_i32 = arith.constant 0 : i32
    %c0_i32_0 = arith.constant 0 : i32
    %c0_i32_1 = arith.constant 0 : i32
    return %c0_i32, %c0_i32_0 : i32, i32
  }
  func.func @transform_2(%arg0: i32) -> (i32, i32) {
    %c0_i32 = arith.constant 0 : i32
    %c0_i32_0 = arith.constant 0 : i32
    %c0_i32_1 = arith.constant 0 : i32
    return %c0_i32, %c0_i32_0 : i32, i32
  }
}

module attributes {stable_mosaic.version = 14 : i64} {
  func.func @_tc_stage0(%arg0: i32, %arg1: memref<5000x128xf32, #tpu.memory_space<vmem>>, %arg2: memref<2x128xf32, #tpu.memory_space<vmem>>, %arg3: memref<1x128xf32, #tpu.memory_space<vmem>>, %arg4: memref<1x128xf32, #tpu.memory_space<vmem>>, %arg5: memref<128x128xf32, #tpu.memory_space<vmem>>, %arg6: memref<32x128xf32, #tpu.memory_space<vmem>>, %arg7: memref<128x128xf32, #tpu.memory_space<vmem>>, %arg8: memref<5000x128xf32, #tpu.memory_space<vmem>>, %arg9: memref<5000x32xf32, #tpu.memory_space<vmem>>, %arg10: memref<2x128xf32, #tpu.memory_space<vmem>>, %arg11: memref<2x128xf32, #tpu.memory_space<vmem>>) attributes {dimension_semantics = [#tpu.dimension_semantics<arbitrary>], iteration_bounds = array<i64: 10>, scalar_prefetch = 0 : i64, scratch_operands = 1 : i64, tpu.core_type = #tpu.core_type<tc>, window_params = [{transform_indices = @transform_0, window_bounds = array<i64: 5000, 128>}, {pipeline_mode = #tpu.pipeline_mode<synchronous>, transform_indices = @transform_1, window_bounds = array<i64: 2, 128>}, {pipeline_mode = #tpu.pipeline_mode<synchronous>, transform_indices = @transform_2, window_bounds = array<i64: 1, 128>}, {pipeline_mode = #tpu.pipeline_mode<synchronous>, transform_indices = @transform_3, window_bounds = array<i64: 1, 128>}, {pipeline_mode = #tpu.pipeline_mode<synchronous>, transform_indices = @transform_4, window_bounds = array<i64: 128, 128>}, {pipeline_mode = #tpu.pipeline_mode<synchronous>, transform_indices = @transform_5, window_bounds = array<i64: 32, 128>}, {pipeline_mode = #tpu.pipeline_mode<synchronous>, transform_indices = @transform_6, window_bounds = array<i64: 128, 128>}, {transform_indices = @transform_7, window_bounds = array<i64: 5000, 128>}, {transform_indices = @transform_8, window_bounds = array<i64: 5000, 32>}, {pipeline_mode = #tpu.pipeline_mode<synchronous>, transform_indices = @transform_9, window_bounds = array<i64: 2, 128>}]} {
    %get3A = arith.constant 0 : index
    %get3A_0 = arith.constant 0 : index
    %get3A_1 = vector.load %arg1[%get3A, %get3A_0] : memref<5000x128xf32, #tpu.memory_space<vmem>>, vector<5000x128xf32>
    %get3A_2 = arith.constant 0 : index
    %get3A_3 = arith.constant 0 : index
    %get3A_4 = vector.load %arg6[%get3A_2, %get3A_3] : memref<32x128xf32, #tpu.memory_space<vmem>>, vector<32x128xf32>
    %dot_general3A = arith.constant dense<0.000000e+00> : vector<5000x32xf32>
    %dot_general3A_5 = tpu.matmul %get3A_1, %get3A_4, %dot_general3A {dimension_numbers = #tpu.dot_dimension_numbers<[1], [1], [0], [0], [0, 0, 1, 0], [], []>, transpose_lhs_hint = false} : vector<5000x128xf32>, vector<32x128xf32>, vector<5000x32xf32> -> vector<5000x32xf32>
    %swap3A = arith.constant 0 : index
    %swap3A_6 = arith.constant 0 : index
    %swap3A_7 = vector.load %arg9[%swap3A, %swap3A_6] : memref<5000x32xf32, #tpu.memory_space<vmem>>, vector<5000x32xf32>
    tpu.vector_store %arg9[%swap3A, %swap3A_6], %dot_general3A_5 {strides = array<i32>} : memref<5000x32xf32, #tpu.memory_space<vmem>>, vector<5000x32xf32>,
    %get3A_8 = arith.constant 0 : index
    %get3A_9 = arith.constant 0 : index
    %get3A_10 = vector.load %arg2[%get3A_8, %get3A_9] : memref<2x128xf32, #tpu.memory_space<vmem>>, vector<1x128xf32>
    %sub3A = vector.broadcast %get3A_10 : vector<1x128xf32> to vector<5000x128xf32>
    %sub3A_11 = arith.subf %get3A_1, %sub3A : vector<5000x128xf32>
    %get3A_12 = arith.constant 1 : index
    %get3A_13 = arith.constant 0 : index
    %get3A_14 = vector.load %arg2[%get3A_12, %get3A_13] : memref<2x128xf32, #tpu.memory_space<vmem>>, vector<1x128xf32>
    %mul3A = vector.broadcast %get3A_14 : vector<1x128xf32> to vector<5000x128xf32>
    %mul3A_15 = arith.mulf %sub3A_11, %mul3A : vector<5000x128xf32>
    %get3A_16 = arith.constant 0 : index
    %get3A_17 = arith.constant 0 : index
    %get3A_18 = vector.load %arg3[%get3A_16, %get3A_17] : memref<1x128xf32, #tpu.memory_space<vmem>>, vector<1x128xf32>
    %mul3A_19 = vector.broadcast %get3A_18 : vector<1x128xf32> to vector<5000x128xf32>
    %mul3A_20 = arith.mulf %mul3A_15, %mul3A_19 : vector<5000x128xf32>
    %get3A_21 = arith.constant 0 : index
    %get3A_22 = arith.constant 0 : index
    %get3A_23 = vector.load %arg4[%get3A_21, %get3A_22] : memref<1x128xf32, #tpu.memory_space<vmem>>, vector<1x128xf32>
    %add3A = vector.broadcast %get3A_23 : vector<1x128xf32> to vector<5000x128xf32>
    %add3A_24 = arith.addf %mul3A_20, %add3A : vector<5000x128xf32>
    %max3A = arith.constant 0.000000e+00 : f32
    %max3A_25 = vector.broadcast %max3A : f32 to vector<5000x128xf32>
    %max3A_26 = arith.maximumf %add3A_24, %max3A_25 : vector<5000x128xf32>
    %get3A_27 = arith.constant 0 : index
    %get3A_28 = arith.constant 0 : index
    %get3A_29 = vector.load %arg5[%get3A_27, %get3A_28] : memref<128x128xf32, #tpu.memory_space<vmem>>, vector<128x128xf32>
    %dot_general3A_30 = arith.constant dense<0.000000e+00> : vector<5000x128xf32>
    %dot_general3A_31 = tpu.matmul %max3A_26, %get3A_29, %dot_general3A_30 {dimension_numbers = #tpu.dot_dimension_numbers<[1], [1], [0], [0], [0, 0, 1, 0], [], []>, transpose_lhs_hint = false} : vector<5000x128xf32>, vector<128x128xf32>, vector<5000x128xf32> -> vector<5000x128xf32>
    %swap3A_32 = arith.constant 0 : index
    %swap3A_33 = arith.constant 0 : index
    %swap3A_34 = vector.load %arg8[%swap3A_32, %swap3A_33] : memref<5000x128xf32, #tpu.memory_space<vmem>>, vector<5000x128xf32>
    tpu.vector_store %arg8[%swap3A_32, %swap3A_33], %dot_general3A_31 {strides = array<i32>} : memref<5000x128xf32, #tpu.memory_space<vmem>>, vector<5000x128xf32>,
    %eq3A = arith.constant 0 : i32
    %eq3A_35 = arith.cmpi eq, %arg0, %eq3A : i32
    %convert_element_type3A = arith.extui %eq3A_35 : i1 to i32
    %cond3A = arith.constant 0 : i32
    %cond3A_36 = arith.cmpi ne, %convert_element_type3A, %cond3A : i32
    scf.if %cond3A_36 {
      %broadcast_in_dim3A_54 = arith.constant 0.000000e+00 : f32
      %broadcast_in_dim3A_55 = vector.broadcast %broadcast_in_dim3A_54 : f32 to vector<2x128xf32>
      %swap3A_56 = arith.constant 0 : index
      %swap3A_57 = arith.constant 0 : index
      %swap3A_58 = vector.load %arg11[%swap3A_56, %swap3A_57] : memref<2x128xf32, #tpu.memory_space<vmem>>, vector<2x128xf32>
      tpu.vector_store %arg11[%swap3A_56, %swap3A_57], %broadcast_in_dim3A_55 {strides = array<i32>} : memref<2x128xf32, #tpu.memory_space<vmem>>, vector<2x128xf32>,
    } else {
    }
    %get3A_37 = arith.constant 0 : index
    %get3A_38 = arith.constant 0 : index
    %get3A_39 = vector.load %arg11[%get3A_37, %get3A_38] : memref<2x128xf32, #tpu.memory_space<vmem>>, vector<2x128xf32>
    %reduce_sum3A = arith.constant dense<0.000000e+00> : vector<128xf32>
    %reduce_sum3A_40 = vector.multi_reduction <add>, %dot_general3A_31, %reduce_sum3A [0] : vector<5000x128xf32> to vector<128xf32>
    %broadcast_in_dim3A = vector.shape_cast %reduce_sum3A_40 : vector<128xf32> to vector<1x128xf32>
    %mul3A_41 = arith.mulf %dot_general3A_31, %dot_general3A_31 : vector<5000x128xf32>
    %reduce_sum3A_42 = arith.constant dense<0.000000e+00> : vector<128xf32>
    %reduce_sum3A_43 = vector.multi_reduction <add>, %mul3A_41, %reduce_sum3A_42 [0] : vector<5000x128xf32> to vector<128xf32>
    %broadcast_in_dim3A_44 = vector.shape_cast %reduce_sum3A_43 : vector<128xf32> to vector<1x128xf32>
    %concatenate3A = tpu.concatenate %broadcast_in_dim3A, %broadcast_in_dim3A_44 in 0 : vector<1x128xf32>, vector<1x128xf32> -> vector<2x128xf32>
    %add3A_45 = arith.addf %get3A_39, %concatenate3A : vector<2x128xf32>
    %swap3A_46 = arith.constant 0 : index
    %swap3A_47 = arith.constant 0 : index
    %swap3A_48 = vector.load %arg11[%swap3A_46, %swap3A_47] : memref<2x128xf32, #tpu.memory_space<vmem>>, vector<2x128xf32>
    tpu.vector_store %arg11[%swap3A_46, %swap3A_47], %add3A_45 {strides = array<i32>} : memref<2x128xf32, #tpu.memory_space<vmem>>, vector<2x128xf32>,
    %eq3A_49 = arith.constant 9 : i32
    %eq3A_50 = arith.cmpi eq, %arg0, %eq3A_49 : i32
    %convert_element_type3A_51 = arith.extui %eq3A_50 : i1 to i32
    %cond3A_52 = arith.constant 0 : i32
    %cond3A_53 = arith.cmpi ne, %convert_element_type3A_51, %cond3A_52 : i32
    scf.if %cond3A_53 {
      %get3A_54 = arith.constant 0 : index
      %get3A_55 = arith.constant 0 : index
      %get3A_56 = vector.load %arg11[%get3A_54, %get3A_55] : memref<2x128xf32, #tpu.memory_space<vmem>>, vector<2x128xf32>
      %get3A_57 = arith.constant 0 : index
      %get3A_58 = arith.constant 0 : index
      %get3A_59 = vector.load %arg7[%get3A_57, %get3A_58] : memref<128x128xf32, #tpu.memory_space<vmem>>, vector<128x128xf32>
      %slice3A = vector.extract_strided_slice %get3A_56 {offsets = [0, 0], sizes = [1, 128], strides = [1, 1]} : vector<2x128xf32> to vector<1x128xf32>
      %dot_general3A_60 = arith.constant dense<0.000000e+00> : vector<1x128xf32>
      %dot_general3A_61 = tpu.matmul %slice3A, %get3A_59, %dot_general3A_60 {dimension_numbers = #tpu.dot_dimension_numbers<[1], [0], [0], [1], [0, 0, 1, 1], [], []>, transpose_lhs_hint = false} : vector<1x128xf32>, vector<128x128xf32>, vector<1x128xf32> -> vector<1x128xf32>
      %slice3A_62 = vector.extract_strided_slice %get3A_56 {offsets = [1, 0], sizes = [1, 128], strides = [1, 1]} : vector<2x128xf32> to vector<1x128xf32>
      %dot_general3A_63 = arith.constant dense<0.000000e+00> : vector<1x128xf32>
      %dot_general3A_64 = tpu.matmul %slice3A_62, %get3A_59, %dot_general3A_63 {dimension_numbers = #tpu.dot_dimension_numbers<[1], [0], [0], [1], [0, 0, 1, 1], [], []>, transpose_lhs_hint = false} : vector<1x128xf32>, vector<128x128xf32>, vector<1x128xf32> -> vector<1x128xf32>
      %mul3A_65 = arith.mulf %dot_general3A_61, %dot_general3A_61 : vector<1x128xf32>
      %sub3A_66 = arith.subf %dot_general3A_64, %mul3A_65 : vector<1x128xf32>
      %add3A_67 = arith.constant 9.99999974E-6 : f32
      %add3A_68 = vector.broadcast %add3A_67 : f32 to vector<1x128xf32>
      %add3A_69 = arith.addf %sub3A_66, %add3A_68 : vector<1x128xf32>
      %rsqrt3A = math.rsqrt %add3A_69 : vector<1x128xf32>
      %concatenate3A_70 = tpu.concatenate %dot_general3A_61, %rsqrt3A in 0 : vector<1x128xf32>, vector<1x128xf32> -> vector<2x128xf32>
      %swap3A_71 = arith.constant 0 : index
      %swap3A_72 = arith.constant 0 : index
      %swap3A_73 = vector.load %arg10[%swap3A_71, %swap3A_72] : memref<2x128xf32, #tpu.memory_space<vmem>>, vector<2x128xf32>
      tpu.vector_store %arg10[%swap3A_71, %swap3A_72], %concatenate3A_70 {strides = array<i32>} : memref<2x128xf32, #tpu.memory_space<vmem>>, vector<2x128xf32>,
    } else {
    }
    return
  }
  func.func @transform_0(%arg0: i32) -> (i32, i32) {
    %c0_i32 = arith.constant 0 : i32
    %c0_i32_0 = arith.constant 0 : i32
    return %arg0, %c0_i32 : i32, i32
  }
  func.func @transform_1(%arg0: i32) -> (i32, i32) {
    %c0_i32 = arith.constant 0 : i32
    %c0_i32_0 = arith.constant 0 : i32
    %c0_i32_1 = arith.constant 0 : i32
    return %c0_i32, %c0_i32_0 : i32, i32
  }
  func.func @transform_2(%arg0: i32) -> (i32, i32) {
    %c0_i32 = arith.constant 0 : i32
    %c0_i32_0 = arith.constant 0 : i32
    %c0_i32_1 = arith.constant 0 : i32
    return %c0_i32, %c0_i32_0 : i32, i32
  }
  func.func @transform_3(%arg0: i32) -> (i32, i32) {
    %c0_i32 = arith.constant 0 : i32
    %c0_i32_0 = arith.constant 0 : i32
    %c0_i32_1 = arith.constant 0 : i32
    return %c0_i32, %c0_i32_0 : i32, i32
  }
  func.func @transform_4(%arg0: i32) -> (i32, i32) {
    %c0_i32 = arith.constant 0 : i32
    %c0_i32_0 = arith.constant 0 : i32
    %c0_i32_1 = arith.constant 0 : i32
    return %c0_i32, %c0_i32_0 : i32, i32
  }
  func.func @transform_5(%arg0: i32) -> (i32, i32) {
    %c0_i32 = arith.constant 0 : i32
    %c0_i32_0 = arith.constant 0 : i32
    %c0_i32_1 = arith.constant 0 : i32
    return %c0_i32, %c0_i32_0 : i32, i32
  }
  func.func @transform_6(%arg0: i32) -> (i32, i32) {
    %c0_i32 = arith.constant 0 : i32
    %c0_i32_0 = arith.constant 0 : i32
    %c0_i32_1 = arith.constant 0 : i32
    return %c0_i32, %c0_i32_0 : i32, i32
  }
  func.func @transform_7(%arg0: i32) -> (i32, i32) {
    %c0_i32 = arith.constant 0 : i32
    %c0_i32_0 = arith.constant 0 : i32
    return %arg0, %c0_i32 : i32, i32
  }
  func.func @transform_8(%arg0: i32) -> (i32, i32) {
    %c0_i32 = arith.constant 0 : i32
    %c0_i32_0 = arith.constant 0 : i32
    return %arg0, %c0_i32 : i32, i32
  }
  func.func @transform_9(%arg0: i32) -> (i32, i32) {
    %c0_i32 = arith.constant 0 : i32
    %c0_i32_0 = arith.constant 0 : i32
    %c0_i32_1 = arith.constant 0 : i32
    return %c0_i32, %c0_i32_0 : i32, i32
  }
}

module attributes {stable_mosaic.version = 14 : i64} {
  func.func @_tc_stage1(%arg0: i32, %arg1: memref<5000x128xf32, #tpu.memory_space<vmem>>, %arg2: memref<2x128xf32, #tpu.memory_space<vmem>>, %arg3: memref<1x128xf32, #tpu.memory_space<vmem>>, %arg4: memref<1x128xf32, #tpu.memory_space<vmem>>, %arg5: memref<64x128xf32, #tpu.memory_space<vmem>>, %arg6: memref<64x64xf32, #tpu.memory_space<vmem>>, %arg7: memref<5000x64xf32, #tpu.memory_space<vmem>>, %arg8: memref<2x64xf32, #tpu.memory_space<vmem>>, %arg9: memref<2x64xf32, #tpu.memory_space<vmem>>) attributes {dimension_semantics = [#tpu.dimension_semantics<arbitrary>], iteration_bounds = array<i64: 10>, scalar_prefetch = 0 : i64, scratch_operands = 1 : i64, tpu.core_type = #tpu.core_type<tc>, window_params = [{transform_indices = @transform_0, window_bounds = array<i64: 5000, 128>}, {pipeline_mode = #tpu.pipeline_mode<synchronous>, transform_indices = @transform_1, window_bounds = array<i64: 2, 128>}, {pipeline_mode = #tpu.pipeline_mode<synchronous>, transform_indices = @transform_2, window_bounds = array<i64: 1, 128>}, {pipeline_mode = #tpu.pipeline_mode<synchronous>, transform_indices = @transform_3, window_bounds = array<i64: 1, 128>}, {pipeline_mode = #tpu.pipeline_mode<synchronous>, transform_indices = @transform_4, window_bounds = array<i64: 64, 128>}, {pipeline_mode = #tpu.pipeline_mode<synchronous>, transform_indices = @transform_5, window_bounds = array<i64: 64, 64>}, {transform_indices = @transform_6, window_bounds = array<i64: 5000, 64>}, {pipeline_mode = #tpu.pipeline_mode<synchronous>, transform_indices = @transform_7, window_bounds = array<i64: 2, 64>}]} {
    %get3A = arith.constant 0 : index
    %get3A_0 = arith.constant 0 : index
    %get3A_1 = vector.load %arg1[%get3A, %get3A_0] : memref<5000x128xf32, #tpu.memory_space<vmem>>, vector<5000x128xf32>
    %get3A_2 = arith.constant 0 : index
    %get3A_3 = arith.constant 0 : index
    %get3A_4 = vector.load %arg2[%get3A_2, %get3A_3] : memref<2x128xf32, #tpu.memory_space<vmem>>, vector<1x128xf32>
    %sub3A = vector.broadcast %get3A_4 : vector<1x128xf32> to vector<5000x128xf32>
    %sub3A_5 = arith.subf %get3A_1, %sub3A : vector<5000x128xf32>
    %get3A_6 = arith.constant 1 : index
    %get3A_7 = arith.constant 0 : index
    %get3A_8 = vector.load %arg2[%get3A_6, %get3A_7] : memref<2x128xf32, #tpu.memory_space<vmem>>, vector<1x128xf32>
    %mul3A = vector.broadcast %get3A_8 : vector<1x128xf32> to vector<5000x128xf32>
    %mul3A_9 = arith.mulf %sub3A_5, %mul3A : vector<5000x128xf32>
    %get3A_10 = arith.constant 0 : index
    %get3A_11 = arith.constant 0 : index
    %get3A_12 = vector.load %arg3[%get3A_10, %get3A_11] : memref<1x128xf32, #tpu.memory_space<vmem>>, vector<1x128xf32>
    %mul3A_13 = vector.broadcast %get3A_12 : vector<1x128xf32> to vector<5000x128xf32>
    %mul3A_14 = arith.mulf %mul3A_9, %mul3A_13 : vector<5000x128xf32>
    %get3A_15 = arith.constant 0 : index
    %get3A_16 = arith.constant 0 : index
    %get3A_17 = vector.load %arg4[%get3A_15, %get3A_16] : memref<1x128xf32, #tpu.memory_space<vmem>>, vector<1x128xf32>
    %add3A = vector.broadcast %get3A_17 : vector<1x128xf32> to vector<5000x128xf32>
    %add3A_18 = arith.addf %mul3A_14, %add3A : vector<5000x128xf32>
    %max3A = arith.constant 0.000000e+00 : f32
    %max3A_19 = vector.broadcast %max3A : f32 to vector<5000x128xf32>
    %max3A_20 = arith.maximumf %add3A_18, %max3A_19 : vector<5000x128xf32>
    %get3A_21 = arith.constant 0 : index
    %get3A_22 = arith.constant 0 : index
    %get3A_23 = vector.load %arg5[%get3A_21, %get3A_22] : memref<64x128xf32, #tpu.memory_space<vmem>>, vector<64x128xf32>
    %dot_general3A = arith.constant dense<0.000000e+00> : vector<5000x64xf32>
    %dot_general3A_24 = tpu.matmul %max3A_20, %get3A_23, %dot_general3A {dimension_numbers = #tpu.dot_dimension_numbers<[1], [1], [0], [0], [0, 0, 1, 0], [], []>, transpose_lhs_hint = false} : vector<5000x128xf32>, vector<64x128xf32>, vector<5000x64xf32> -> vector<5000x64xf32>
    %swap3A = arith.constant 0 : index
    %swap3A_25 = arith.constant 0 : index
    %swap3A_26 = vector.load %arg7[%swap3A, %swap3A_25] : memref<5000x64xf32, #tpu.memory_space<vmem>>, vector<5000x64xf32>
    tpu.vector_store %arg7[%swap3A, %swap3A_25], %dot_general3A_24 {strides = array<i32>} : memref<5000x64xf32, #tpu.memory_space<vmem>>, vector<5000x64xf32>,
    %eq3A = arith.constant 0 : i32
    %eq3A_27 = arith.cmpi eq, %arg0, %eq3A : i32
    %convert_element_type3A = arith.extui %eq3A_27 : i1 to i32
    %cond3A = arith.constant 0 : i32
    %cond3A_28 = arith.cmpi ne, %convert_element_type3A, %cond3A : i32
    scf.if %cond3A_28 {
      %broadcast_in_dim3A_46 = arith.constant 0.000000e+00 : f32
      %broadcast_in_dim3A_47 = vector.broadcast %broadcast_in_dim3A_46 : f32 to vector<2x64xf32>
      %swap3A_48 = arith.constant 0 : index
      %swap3A_49 = arith.constant 0 : index
      %swap3A_50 = vector.load %arg9[%swap3A_48, %swap3A_49] : memref<2x64xf32, #tpu.memory_space<vmem>>, vector<2x64xf32>
      tpu.vector_store %arg9[%swap3A_48, %swap3A_49], %broadcast_in_dim3A_47 {strides = array<i32>} : memref<2x64xf32, #tpu.memory_space<vmem>>, vector<2x64xf32>,
    } else {
    }
    %get3A_29 = arith.constant 0 : index
    %get3A_30 = arith.constant 0 : index
    %get3A_31 = vector.load %arg9[%get3A_29, %get3A_30] : memref<2x64xf32, #tpu.memory_space<vmem>>, vector<2x64xf32>
    %reduce_sum3A = arith.constant dense<0.000000e+00> : vector<64xf32>
    %reduce_sum3A_32 = vector.multi_reduction <add>, %dot_general3A_24, %reduce_sum3A [0] : vector<5000x64xf32> to vector<64xf32>
    %broadcast_in_dim3A = vector.shape_cast %reduce_sum3A_32 : vector<64xf32> to vector<1x64xf32>
    %mul3A_33 = arith.mulf %dot_general3A_24, %dot_general3A_24 : vector<5000x64xf32>
    %reduce_sum3A_34 = arith.constant dense<0.000000e+00> : vector<64xf32>
    %reduce_sum3A_35 = vector.multi_reduction <add>, %mul3A_33, %reduce_sum3A_34 [0] : vector<5000x64xf32> to vector<64xf32>
    %broadcast_in_dim3A_36 = vector.shape_cast %reduce_sum3A_35 : vector<64xf32> to vector<1x64xf32>
    %concatenate3A = tpu.concatenate %broadcast_in_dim3A, %broadcast_in_dim3A_36 in 0 : vector<1x64xf32>, vector<1x64xf32> -> vector<2x64xf32>
    %add3A_37 = arith.addf %get3A_31, %concatenate3A : vector<2x64xf32>
    %swap3A_38 = arith.constant 0 : index
    %swap3A_39 = arith.constant 0 : index
    %swap3A_40 = vector.load %arg9[%swap3A_38, %swap3A_39] : memref<2x64xf32, #tpu.memory_space<vmem>>, vector<2x64xf32>
    tpu.vector_store %arg9[%swap3A_38, %swap3A_39], %add3A_37 {strides = array<i32>} : memref<2x64xf32, #tpu.memory_space<vmem>>, vector<2x64xf32>,
    %eq3A_41 = arith.constant 9 : i32
    %eq3A_42 = arith.cmpi eq, %arg0, %eq3A_41 : i32
    %convert_element_type3A_43 = arith.extui %eq3A_42 : i1 to i32
    %cond3A_44 = arith.constant 0 : i32
    %cond3A_45 = arith.cmpi ne, %convert_element_type3A_43, %cond3A_44 : i32
    scf.if %cond3A_45 {
      %get3A_46 = arith.constant 0 : index
      %get3A_47 = arith.constant 0 : index
      %get3A_48 = vector.load %arg9[%get3A_46, %get3A_47] : memref<2x64xf32, #tpu.memory_space<vmem>>, vector<2x64xf32>
      %get3A_49 = arith.constant 0 : index
      %get3A_50 = arith.constant 0 : index
      %get3A_51 = vector.load %arg6[%get3A_49, %get3A_50] : memref<64x64xf32, #tpu.memory_space<vmem>>, vector<64x64xf32>
      %slice3A = vector.extract_strided_slice %get3A_48 {offsets = [0, 0], sizes = [1, 64], strides = [1, 1]} : vector<2x64xf32> to vector<1x64xf32>
      %dot_general3A_52 = arith.constant dense<0.000000e+00> : vector<1x64xf32>
      %dot_general3A_53 = tpu.matmul %slice3A, %get3A_51, %dot_general3A_52 {dimension_numbers = #tpu.dot_dimension_numbers<[1], [0], [0], [1], [0, 0, 1, 1], [], []>, transpose_lhs_hint = false} : vector<1x64xf32>, vector<64x64xf32>, vector<1x64xf32> -> vector<1x64xf32>
      %slice3A_54 = vector.extract_strided_slice %get3A_48 {offsets = [1, 0], sizes = [1, 64], strides = [1, 1]} : vector<2x64xf32> to vector<1x64xf32>
      %dot_general3A_55 = arith.constant dense<0.000000e+00> : vector<1x64xf32>
      %dot_general3A_56 = tpu.matmul %slice3A_54, %get3A_51, %dot_general3A_55 {dimension_numbers = #tpu.dot_dimension_numbers<[1], [0], [0], [1], [0, 0, 1, 1], [], []>, transpose_lhs_hint = false} : vector<1x64xf32>, vector<64x64xf32>, vector<1x64xf32> -> vector<1x64xf32>
      %mul3A_57 = arith.mulf %dot_general3A_53, %dot_general3A_53 : vector<1x64xf32>
      %sub3A_58 = arith.subf %dot_general3A_56, %mul3A_57 : vector<1x64xf32>
      %add3A_59 = arith.constant 9.99999974E-6 : f32
      %add3A_60 = vector.broadcast %add3A_59 : f32 to vector<1x64xf32>
      %add3A_61 = arith.addf %sub3A_58, %add3A_60 : vector<1x64xf32>
      %rsqrt3A = math.rsqrt %add3A_61 : vector<1x64xf32>
      %concatenate3A_62 = tpu.concatenate %dot_general3A_53, %rsqrt3A in 0 : vector<1x64xf32>, vector<1x64xf32> -> vector<2x64xf32>
      %swap3A_63 = arith.constant 0 : index
      %swap3A_64 = arith.constant 0 : index
      %swap3A_65 = vector.load %arg8[%swap3A_63, %swap3A_64] : memref<2x64xf32, #tpu.memory_space<vmem>>, vector<2x64xf32>
      tpu.vector_store %arg8[%swap3A_63, %swap3A_64], %concatenate3A_62 {strides = array<i32>} : memref<2x64xf32, #tpu.memory_space<vmem>>, vector<2x64xf32>,
    } else {
    }
    return
  }
  func.func @transform_0(%arg0: i32) -> (i32, i32) {
    %c0_i32 = arith.constant 0 : i32
    %c0_i32_0 = arith.constant 0 : i32
    return %arg0, %c0_i32 : i32, i32
  }
  func.func @transform_1(%arg0: i32) -> (i32, i32) {
    %c0_i32 = arith.constant 0 : i32
    %c0_i32_0 = arith.constant 0 : i32
    %c0_i32_1 = arith.constant 0 : i32
    return %c0_i32, %c0_i32_0 : i32, i32
  }
  func.func @transform_2(%arg0: i32) -> (i32, i32) {
    %c0_i32 = arith.constant 0 : i32
    %c0_i32_0 = arith.constant 0 : i32
    %c0_i32_1 = arith.constant 0 : i32
    return %c0_i32, %c0_i32_0 : i32, i32
  }
  func.func @transform_3(%arg0: i32) -> (i32, i32) {
    %c0_i32 = arith.constant 0 : i32
    %c0_i32_0 = arith.constant 0 : i32
    %c0_i32_1 = arith.constant 0 : i32
    return %c0_i32, %c0_i32_0 : i32, i32
  }
  func.func @transform_4(%arg0: i32) -> (i32, i32) {
    %c0_i32 = arith.constant 0 : i32
    %c0_i32_0 = arith.constant 0 : i32
    %c0_i32_1 = arith.constant 0 : i32
    return %c0_i32, %c0_i32_0 : i32, i32
  }
  func.func @transform_5(%arg0: i32) -> (i32, i32) {
    %c0_i32 = arith.constant 0 : i32
    %c0_i32_0 = arith.constant 0 : i32
    %c0_i32_1 = arith.constant 0 : i32
    return %c0_i32, %c0_i32_0 : i32, i32
  }
  func.func @transform_6(%arg0: i32) -> (i32, i32) {
    %c0_i32 = arith.constant 0 : i32
    %c0_i32_0 = arith.constant 0 : i32
    return %arg0, %c0_i32 : i32, i32
  }
  func.func @transform_7(%arg0: i32) -> (i32, i32) {
    %c0_i32 = arith.constant 0 : i32
    %c0_i32_0 = arith.constant 0 : i32
    %c0_i32_1 = arith.constant 0 : i32
    return %c0_i32, %c0_i32_0 : i32, i32
  }
}

module attributes {stable_mosaic.version = 14 : i64} {
  func.func @_tc_stage2(%arg0: i32, %arg1: memref<5000x64xf32, #tpu.memory_space<vmem>>, %arg2: memref<5000x32xf32, #tpu.memory_space<vmem>>, %arg3: memref<2x64xf32, #tpu.memory_space<vmem>>, %arg4: memref<1x64xf32, #tpu.memory_space<vmem>>, %arg5: memref<1x64xf32, #tpu.memory_space<vmem>>, %arg6: memref<16x64xf32, #tpu.memory_space<vmem>>, %arg7: memref<5000x48xf32, #tpu.memory_space<vmem>>) attributes {dimension_semantics = [#tpu.dimension_semantics<arbitrary>], iteration_bounds = array<i64: 10>, scalar_prefetch = 0 : i64, scratch_operands = 0 : i64, tpu.core_type = #tpu.core_type<tc>, window_params = [{transform_indices = @transform_0, window_bounds = array<i64: 5000, 64>}, {transform_indices = @transform_1, window_bounds = array<i64: 5000, 32>}, {pipeline_mode = #tpu.pipeline_mode<synchronous>, transform_indices = @transform_2, window_bounds = array<i64: 2, 64>}, {pipeline_mode = #tpu.pipeline_mode<synchronous>, transform_indices = @transform_3, window_bounds = array<i64: 1, 64>}, {pipeline_mode = #tpu.pipeline_mode<synchronous>, transform_indices = @transform_4, window_bounds = array<i64: 1, 64>}, {pipeline_mode = #tpu.pipeline_mode<synchronous>, transform_indices = @transform_5, window_bounds = array<i64: 16, 64>}, {transform_indices = @transform_6, window_bounds = array<i64: 5000, 48>}]} {
    %get3A = arith.constant 0 : index
    %get3A_0 = arith.constant 0 : index
    %get3A_1 = vector.load %arg1[%get3A, %get3A_0] : memref<5000x64xf32, #tpu.memory_space<vmem>>, vector<5000x64xf32>
    %get3A_2 = arith.constant 0 : index
    %get3A_3 = arith.constant 0 : index
    %get3A_4 = vector.load %arg3[%get3A_2, %get3A_3] : memref<2x64xf32, #tpu.memory_space<vmem>>, vector<1x64xf32>
    %sub3A = vector.broadcast %get3A_4 : vector<1x64xf32> to vector<5000x64xf32>
    %sub3A_5 = arith.subf %get3A_1, %sub3A : vector<5000x64xf32>
    %get3A_6 = arith.constant 1 : index
    %get3A_7 = arith.constant 0 : index
    %get3A_8 = vector.load %arg3[%get3A_6, %get3A_7] : memref<2x64xf32, #tpu.memory_space<vmem>>, vector<1x64xf32>
    %mul3A = vector.broadcast %get3A_8 : vector<1x64xf32> to vector<5000x64xf32>
    %mul3A_9 = arith.mulf %sub3A_5, %mul3A : vector<5000x64xf32>
    %get3A_10 = arith.constant 0 : index
    %get3A_11 = arith.constant 0 : index
    %get3A_12 = vector.load %arg4[%get3A_10, %get3A_11] : memref<1x64xf32, #tpu.memory_space<vmem>>, vector<1x64xf32>
    %mul3A_13 = vector.broadcast %get3A_12 : vector<1x64xf32> to vector<5000x64xf32>
    %mul3A_14 = arith.mulf %mul3A_9, %mul3A_13 : vector<5000x64xf32>
    %get3A_15 = arith.constant 0 : index
    %get3A_16 = arith.constant 0 : index
    %get3A_17 = vector.load %arg5[%get3A_15, %get3A_16] : memref<1x64xf32, #tpu.memory_space<vmem>>, vector<1x64xf32>
    %add3A = vector.broadcast %get3A_17 : vector<1x64xf32> to vector<5000x64xf32>
    %add3A_18 = arith.addf %mul3A_14, %add3A : vector<5000x64xf32>
    %max3A = arith.constant 0.000000e+00 : f32
    %max3A_19 = vector.broadcast %max3A : f32 to vector<5000x64xf32>
    %max3A_20 = arith.maximumf %add3A_18, %max3A_19 : vector<5000x64xf32>
    %get3A_21 = arith.constant 0 : index
    %get3A_22 = arith.constant 0 : index
    %get3A_23 = vector.load %arg6[%get3A_21, %get3A_22] : memref<16x64xf32, #tpu.memory_space<vmem>>, vector<16x64xf32>
    %dot_general3A = arith.constant dense<0.000000e+00> : vector<5000x16xf32>
    %dot_general3A_24 = tpu.matmul %max3A_20, %get3A_23, %dot_general3A {dimension_numbers = #tpu.dot_dimension_numbers<[1], [1], [0], [0], [0, 0, 1, 0], [], []>, transpose_lhs_hint = false} : vector<5000x64xf32>, vector<16x64xf32>, vector<5000x16xf32> -> vector<5000x16xf32>
    %get3A_25 = arith.constant 0 : index
    %get3A_26 = arith.constant 0 : index
    %get3A_27 = vector.load %arg2[%get3A_25, %get3A_26] : memref<5000x32xf32, #tpu.memory_space<vmem>>, vector<5000x32xf32>
    %swap3A = arith.constant 0 : index
    %swap3A_28 = arith.constant 0 : index
    %swap3A_29 = vector.load %arg7[%swap3A, %swap3A_28] : memref<5000x48xf32, #tpu.memory_space<vmem>>, vector<5000x32xf32>
    tpu.vector_store %arg7[%swap3A, %swap3A_28], %get3A_27 {strides = array<i32>} : memref<5000x48xf32, #tpu.memory_space<vmem>>, vector<5000x32xf32>,
    %swap3A_30 = arith.constant 0 : index
    %swap3A_31 = arith.constant 32 : index
    %swap3A_32 = vector.load %arg7[%swap3A_30, %swap3A_31] : memref<5000x48xf32, #tpu.memory_space<vmem>>, vector<5000x16xf32>
    tpu.vector_store %arg7[%swap3A_30, %swap3A_31], %dot_general3A_24 {strides = array<i32>} : memref<5000x48xf32, #tpu.memory_space<vmem>>, vector<5000x16xf32>,
    return
  }
  func.func @transform_0(%arg0: i32) -> (i32, i32) {
    %c0_i32 = arith.constant 0 : i32
    %c0_i32_0 = arith.constant 0 : i32
    return %arg0, %c0_i32 : i32, i32
  }
  func.func @transform_1(%arg0: i32) -> (i32, i32) {
    %c0_i32 = arith.constant 0 : i32
    %c0_i32_0 = arith.constant 0 : i32
    return %arg0, %c0_i32 : i32, i32
  }
  func.func @transform_2(%arg0: i32) -> (i32, i32) {
    %c0_i32 = arith.constant 0 : i32
    %c0_i32_0 = arith.constant 0 : i32
    %c0_i32_1 = arith.constant 0 : i32
    return %c0_i32, %c0_i32_0 : i32, i32
  }
  func.func @transform_3(%arg0: i32) -> (i32, i32) {
    %c0_i32 = arith.constant 0 : i32
    %c0_i32_0 = arith.constant 0 : i32
    %c0_i32_1 = arith.constant 0 : i32
    return %c0_i32, %c0_i32_0 : i32, i32
  }
  func.func @transform_4(%arg0: i32) -> (i32, i32) {
    %c0_i32 = arith.constant 0 : i32
    %c0_i32_0 = arith.constant 0 : i32
    %c0_i32_1 = arith.constant 0 : i32
    return %c0_i32, %c0_i32_0 : i32, i32
  }
  func.func @transform_5(%arg0: i32) -> (i32, i32) {
    %c0_i32 = arith.constant 0 : i32
    %c0_i32_0 = arith.constant 0 : i32
    %c0_i32_1 = arith.constant 0 : i32
    return %c0_i32, %c0_i32_0 : i32, i32
  }
  func.func @transform_6(%arg0: i32) -> (i32, i32) {
    %c0_i32 = arith.constant 0 : i32
    %c0_i32_0 = arith.constant 0 : i32
    return %arg0, %c0_i32 : i32, i32
  }
}

</mosaic_0001>

<sc_bundles>
// kernel: kernel.7.cloned.1.call-start
scs
__scs_entry_jumppad:
0x0: {  	(pc) =	sbr.rel $0x88, $3  }
0x1: {  	(tag) =	ssettag $0x0;
	lr =	simm.s32 $0x1  }
0x2: {  	[smem:$0x3F8F] =	sst lr;
	_ =	strace $0xD0000000  }
0x3: {  	_ = 	snop  }
0x4: {  	_ = 	snop  }
0x5: {  	_ = 	snop  }
0x6: {  	_ = 	snop  }
0x7: {  	_ = 	snop  }
__scs_overlays_trampoline_lowered:
0x8: {  	[smem:$0x3F9E] =	sst s0  }
0x9: {  	[smem:$0x3F9F] =	sst s1  }
0xa: {  	[smem:$0x3FA0] =	sst s2  }
0xb: {  	[smem:$0x3FA1] =	sst s3  }
0xc: {  	[smem:$0x3FA2] =	sst s4  }
0xd: {  	[smem:$0x3FA3] =	sst s5  }
0xe: {  	[smem:$0x3FA4] =	sst s6  }
0xf: {  	[smem:$0x3FA5] =	sst s7  }
0x10: {  	[smem:$0x3FA6] =	sst s8  }
0x11: {  	[smem:$0x3FA7] =	sst s9;
	s0 =	simm.s32 @!p0 $0x0  }
0x12: {  	s1 =	sld [smem:$0x3F8D];
	s0 =	simm.s32 @p0 $0x1  }
0x13: {  	[smem:$0x3FA8] =	sst s0;
	s0 =	simm.s32 @!p1 $0x0  }
0x14: {  	s2 =	sld [smem:$0x3F8C];
	s0 =	simm.s32 @p1 $0x1  }
0x15: {  	[smem:$0x3FA9] =	sst s0;
	s0 =	simm.s32 @!p2 $0x0  }
0x16: {  	s3 =	sld [smem:$0x3FDB];
	s0 =	simm.s32 @p2 $0x1  }
0x17: {  	s4 =	simm.s32 $0x1BF5;
	[smem:$0x3FAB] =	sst s0  }
0x18: {  	s0 =	sld [smem:$0x3F8E];
	_ =	swait.ge [sflag:s4], $0x0  }
0x19: {  	s7 =	sld [smem:$0x3F8F]  }
0x1a: {  	s8 =	sadd.s32 $0xFFFFE003, lr  }
0x1b: {  	s9 =	sadd.s32 $0xFFFFFEF7, lr;
	s5 =	simm.s32 $0xFFFFFFFF;
	p2 =	slt.u32 s8, $0xFFFFF086  }
0x1c: {  	p1 =	slt.u32 s9, $0xF7A;
	s5 =	simm.s32 @!p2 $0x0  }
0x1d: {  	s5 =	simm.s32 @p1 $0x1;
	p0 =	seq.s32 s7, s2  }
0x1e: {  	s7 =	smul.u32 @!p0 $0xF7A, s2;
	p2 =	seq.s32 @!p0 s5, $0x0  }
0x1f: {  	s9 =	smul.u32 $0xF7A, s1;
	s8 =	simm.s32 @!p0 $0x1BF5;
	p2 =	por !p2, p0  }
0x20: {  	[sflag:s8] =	ssyncset.s32 @!p0 $0xFFFFF086;
	s6 =	sadd.s32 @!p0 s3, s7;
	s7 =	simm.s32 @!p0 $0x108  }
0x21: {  	s3 =	sadd.s32 s3, s9;
	s6 =	sadd.s32 @!p0 $0x88, s6;
	s7 =	simm.s32 @p2 $0x1082  }
0x22: {  	[simem:s7], [sflag:s8] =	dma.local @!p0 [hbm:s6], $0xF7A  }
0x23: {  	s9 =	sor.u32 $0xD0000000, s2;
	s6 =	simm.s32 $0x108;
	_ =	swait.ge @!p0 [sflag:s8], $0x0  }
0x24: {  	s3 =	sadd.s32 $0x88, s3;
	s6 =	simm.s32 @!p1 $0x1082;
	[sflag:s4] =	ssyncset.s32 $0xFFFFF086  }
0x25: {  	[simem:s6], [sflag:s4] =	dma.local [hbm:s3], $0xF7A  }
0x26: {  	[smem:$0x3F8F] =	sst s1;
	(tag) =	ssettag s2;
	_ =	strace s9  }
0x27: {  	s1 =	sld [smem:$0x3F9F]  }
0x28: {  	s2 =	sld [smem:$0x3FA0]  }
0x29: {  	s4 =	sld [smem:$0x3FA2]  }
0x2a: {  	p0 =	seq.s32 s5, $0x0;
	s5 =	sld [smem:$0x3FA3]  }
0x2b: {  	s6 =	sld [smem:$0x3FA4]  }
0x2c: {  	s7 =	sld [smem:$0x3FA5]  }
0x2d: {  	s3 =	simm.s32 $0x108;
	s8 =	sld [smem:$0x3FA6]  }
0x2e: {  	s3 =	simm.s32 @!p0 $0x1082;
	s9 =	sld [smem:$0x3FA7]  }
0x2f: {  	lr =	sadd.s32 s0, s3;
	s0 =	sld [smem:$0x3F9E]  }
0x30: {  	s3 =	sld [smem:$0x3FA1]  }
0x31: {  	[smem:$0x3FAA] =	sst s10  }
0x32: {  	s10 =	sld [smem:$0x3FA8];
	_ =	sdelay $0x3  }
0x33: {  	p0 =	seq.s32 s10, $0x1;
	s10 =	sld [smem:$0x3FAA];
	_ =	sdelay $0x3  }
0x34: {  	[smem:$0x3FAA] =	sst s10  }
0x35: {  	s10 =	sld [smem:$0x3FA9];
	_ =	sdelay $0x3  }
0x36: {  	p1 =	seq.s32 s10, $0x1;
	s10 =	sld [smem:$0x3FAA];
	_ =	sdelay $0x3  }
0x37: {  	[smem:$0x3FAA] =	sst s10  }
0x38: {  	s10 =	sld [smem:$0x3FAB]  }
0x39: {  	_ = 	snop;
	(pc) =	sbr.ind lr, $3  }
0x3a: {  	_ = 	snop  }
0x3b: {  	_ = 	snop  }
0x3c: {  	p2 =	seq.s32 s10, $0x1;
	s10 =	sld [smem:$0x3FAA]  }
0x3d: {  	_ =	shalt  }
0x3e: {  	_ =	shalt  }
0x3f: {  	_ =	shalt  }
0x40: {  	_ =	shalt  }
0x41: {  	_ =	shalt  }
0x42: {  	_ =	shalt  }
0x43: {  	_ =	shalt  }
0x44: {  	_ =	shalt  }
0x45: {  	_ =	shalt  }
0x46: {  	_ =	shalt  }
0x47: {  	_ =	shalt  }
0x48: {  	_ =	shalt  }
0x49: {  	_ =	shalt  }
0x4a: {  	_ =	shalt  }
0x4b: {  	_ =	shalt  }
0x4c: {  	_ =	shalt  }
0x4d: {  	_ =	shalt  }
0x4e: {  	_ =	shalt  }
0x4f: {  	_ =	shalt  }
0x50: {  	_ =	shalt  }
0x51: {  	_ =	shalt  }
0x52: {  	_ =	shalt  }
0x53: {  	_ =	shalt  }
0x54: {  	_ =	shalt  }
0x55: {  	_ =	shalt  }
0x56: {  	_ =	shalt  }
0x57: {  	_ =	shalt  }
0x58: {  	_ =	shalt  }
0x59: {  	_ =	shalt  }
0x5a: {  	_ =	shalt  }
0x5b: {  	_ =	shalt  }
0x5c: {  	_ =	shalt  }
0x5d: {  	_ =	shalt  }
0x5e: {  	_ =	shalt  }
0x5f: {  	_ =	shalt  }
0x60: {  	_ =	shalt  }
0x61: {  	_ =	shalt  }
0x62: {  	_ =	shalt  }
0x63: {  	_ =	shalt  }
0x64: {  	_ =	shalt  }
0x65: {  	_ =	shalt  }
0x66: {  	_ =	shalt  }
0x67: {  	_ =	shalt  }
0x68: {  	_ =	shalt  }
0x69: {  	_ =	shalt  }
0x6a: {  	_ =	shalt  }
0x6b: {  	_ =	shalt  }
0x6c: {  	_ =	shalt  }
0x6d: {  	_ =	shalt  }
0x6e: {  	_ =	shalt  }
0x6f: {  	_ =	shalt  }
0x70: {  	_ =	shalt  }
0x71: {  	_ =	shalt  }
0x72: {  	_ =	shalt  }
0x73: {  	_ =	shalt  }
0x74: {  	_ =	shalt  }
0x75: {  	_ =	shalt  }
0x76: {  	_ =	shalt  }
0x77: {  	_ =	shalt  }
0x78: {  	_ =	shalt  }
0x79: {  	_ =	shalt  }
0x7a: {  	_ =	shalt  }
0x7b: {  	_ =	shalt  }
0x7c: {  	_ =	shalt  }
0x7d: {  	_ =	shalt  }
0x7e: {  	_ =	shalt  }
0x7f: {  	_ =	shalt  }
0x80: {  	_ =	shalt  }
0x81: {  	_ =	shalt  }
0x82: {  	_ =	shalt  }
0x83: {  	_ =	shalt  }
0x84: {  	_ =	shalt  }
0x85: {  	_ =	shalt  }
0x86: {  	_ =	shalt  }
0x87: {  	_ =	shalt  }
.Lfunc_end0:
.L_simem_size_0:
called_computation_lowered:
.L_overlay_start_0:
0x88: {  	s2 =	sld [smem:$0x3FD9]  }
0x89: {  	s3 =	sld [smem:$0x3FFE];
	_ =	sdelay $0x1  }
0x8a: {  	s1 =	srdreg.scid  }
0x8b: {  	s0 =	sand.u32 $0x1, s1  }
0x8c: {  	s17 =	sshll.u32 s0, $0xA;
	s2 =	sadd.s32 s3, s2  }
0x8d: {  	s2 =	sadd.s32 s2, s17  }
0x8e: {  	[smem:$0x3FB6] =	sst s2  }
0x8f: {  	_ = 	snop  }
0x90: {  	s2 =	sld [smem:$0x3FB8]  }
0x91: {  	s18 =	sld [smem:$0x3FD0];
	(tm) =	ssettm $0x1  }
0x92: {  	s4 =	sld [smem:$0x3FFB];
	_ =	sdelay $0x3  }
0x93: {  	_ =	strace s4  }
0x94: {  	s4 =	sld [smem:$0x3FFC];
	_ =	sdelay $0x3  }
0x95: {  	_ =	strace s4  }
0x96: {  	s4 =	sld [smem:$0x3FFD];
	_ =	sdelay $0x3  }
0x97: {  	_ =	strace s4  }
0x98: {  	_ =	strace $0x8FFFFFFF  }
0x99: {  	s19 =	sld [smem:$0x3FDB];
	_ =	sdelay $0x1  }
0x9a: {  	s5 =	simm.s32 $_scs_section_size  }
0x9b: {  	s6 =	simm.s32 $_size__tile_overlayer_lowered;
	s7 =	simm.s32 $_tile_overlayer_lowered  }
0x9c: {  	s22 =	simm.s32 $0x1BFF;
	s21 =	sshll.u32 s7, $0x1;
	s4 =	sadd.s32 s5, s19  }
0x9d: {  	s8 =	simm.s32 $0x0;
	s20 =	sshll.u32 s6, $0x1;
	s6 =	sadd.s32 s21, s4  }
0x9e: {  	[timem:s8], [sflag:s22] =	dma.local [hbm:s6], s20  }
0x9f: {  	_ =	swait.ge [sflag:s22], s20  }
0xa0: {  	s5 =	ssub.s32 $0x0, s20;
	[sflag:s22] =	ssyncset.done $0x0  }
0xa1: {  	[sflag:s22] =	ssyncadd.s32 s5;
	_ =	sdelay $0x1  }
0xa2: {  	s23 =	simm.s32 $0x1B8B  }
0xa3: {  	_ =	swait.ge [sflag:s23], $0x1  }
0xa4: {  	[sflag:s23] =	ssyncset.done $0x0  }
0xa5: {  	s25 =	simm.s32 $0x1B8E;
	s24 =	sld [smem:$0x3FFE];
	[sflag:s23] =	ssyncadd.s32 $0xFFFFFFFF  }
0xa6: {  	s26 =	simm.s32 $execute0_lowered;
	[smem:$0x3FD2] =	sst s25  }
0xa7: {  	s6 =	sshll.u32 s26, $0x1;
	_ =	strace $0x80000046;
	[dreg:$0x1] =	wrdreg $0xFFFFFFFF  }
0xa8: {  	s28 =	simm.s32 $_size_execute0_lowered;
	s4 =	sadd.s32 s4, s6;
	[dreg:$0x0] =	wrdreg $0x0  }
0xa9: {  	s6 =	sshll.u32 s28, $0x1;
	[dreg:$0x2] =	wrdreg s4  }
0xaa: {  	[dreg:$0x3] =	wrdreg s6  }
0xab: {  	[dreg:$0x4] =	wrdreg $0xC0  }
0xac: {  	_ =	task [dreg:s8], $0x5FFFF  }
0xad: {  	[dreg:$0x1] =	wrdreg $0xFFFFFFFF  }
0xae: {  	[dreg:$0x0] =	wrdreg $0x60  }
0xaf: {  	[dreg:$0x2] =	wrdreg s24  }
0xb0: {  	[dreg:$0x3] =	wrdreg s2  }
0xb1: {  	[dreg:$0x4] =	wrdreg s18  }
0xb2: {  	[dreg:$0x5] =	wrdreg $0x9  }
0xb3: {  	_ =	task.clear_ibuf [dreg:s8], $0x6FFFF;
	_ =	strace $0x90000046  }
0xb4: {  	s29 =	simm.s32 $0x9;
	_ =	strace $0x80000048  }
0xb5: {  	_ =	swait.ge [sflag:s29], $0x1  }
0xb6: {  	[sflag:s29] =	ssyncadd.s32 $0xFFFFFFFF  }
0xb7: {  	_ =	strace $0x90000048  }
0xb8: {  	_ =	sfence  }
0xb9: {  	s30 =	sld [smem:$0x0];
	_ =	sdelay $0x2  }
0xba: {  	s31 =	sshll.u32 s1, $0xD;
	s1 =	sshrl.u32 s1, $0x2  }
0xbb: {  	s3 =	sand.u32 $0x4000, s31;
	s1 =	sadd.s32 s1, s30  }
0xbc: {  	s0 =	sor.u32 s3, s0;
	s1 =	sshll.u32 s1, $0x11  }
0xbd: {  	s0 =	sor.u32 s1, s0  }
0xbe: {  	s0 =	sadd.s32 $0x8F2B, s0  }
0xbf: {  	[sflag:s0] =	ssyncadd.remote.s32 $0x1  }
0xc0: {  	_ =	sfence.sel $0xFFFF  }
0xc1: {  	[dreg:$0x0] =	wrdreg $0xFFFFFFFF;
	(pc) =	sbr.abs _section_cstart, $3  }
0xc2: {  	[dreg:$0x1] =	wrdreg $0xFFFFFFFF  }
0xc3: {  	_ =	task.clear_ibuf [dreg:s8], $0x2FFFF;
	_ =	strace $0x9FFFFFFF  }
0xc4: {  	(tm) =	ssettm $0x7FFFFFFF  }
0xc5: {  	_ =	shalt  }
tec
execute0_lowered:
.L_overlay_start_1:
0x0: {  	(tag) =	ssettag $0x1  }
0x1: {  	s0 =	rddreg [dreg:$0x0]  }
0x2: {  	s2 =	rddreg [dreg:$0x2];
	s4 =	simm.s32 $0x0;
	s8 =	stileid.u32  }
0x3: {  	s1 =	srdreg.scid;
	s18 =	simm.s32 $0x7;
	s20 =	simm.s32 $0x1  }
0x4: {  	s21 =	simm.s32 $0x400;
	s22 =	simm.s32 $0x800;
	s23 =	simm.s32 $0xC800  }
0x5: {  	s24 =	simm.s32 $0xCA00;
	s25 =	simm.s32 $0x2;
	s28 =	simm.s32 $0x6800  }
0x6: {  	s29 =	simm.s32 $0x0;
	[smem:$0x7FF] =	sst s4;
	s5 =	sadd.s32 $0xC5E00, s0  }
0x7: {  	s3 =	smul.u32 $0x12, s8;
	s6 =	sadd.s32 $0xEE00, s0;
	s7 =	sadd.s32 $0x2A00, s0  }
0x8: {  	s1 =	sand.u32 $0x1, s1;
	s9 =	sshll.u32 s8, $0x5;
	s0 =	sadd.s32 $0x2800, s0  }
0x9: {  	s15 =	sadd.s32 $0x61A00, s2;
	_ =	strace $0x80000047;
	s26 =	ssub.s32 $0x2, s1  }
0xa: {  	p0 =	seq.s32 s1, $0x0;
	s8 =	sor.u32 $0x200, s3;
	s1 =	sshrl.u32 s26, $0x1  }
0xb: {  	[dreg:$0x4] =	wrdreg s0;
	s8 =	smov.u32 @p0 s9;
	s0 =	ssub.s32 s26, s1  }
0xc: {  	s26 =	simm.s32 $0x600;
	s30 =	ssub.s32 $0x30E, s8;
	s9 =	sshll.u32 s8, $0x6  }
0xd: {  	p1 =	seq.s32 s8, $0x30C;
	s14 =	sadd.s32 $0xFFFFFFFF, s8;
	s10 =	smin.u32 s30, $0x12  }
0xe: {  	s16 =	smax.u32 s0, $0x1;
	s3 =	sor.u32 $0x40, s9;
	s10 =	simm.s32 @p0 $0x20  }
0xf: {  	s31 =	sadd.s32 s6, s9;
	s1 =	sadd.s32 s8, s10;
	p0 =	seq.s32 s10, $0x0  }
.Ltmp0:
0x10: {  	s12 =	sadd.s32 s7, s9;
	p2 =	seq.s32 @!p0 s1, $0x30F;
	(pc) =	sbr.rel .LBB2_1-.Ltmp0, $4  }
0x11: {  	vm0 =	vmmov $0x1;
	vm1 =	vcmask $0x308;
	vm2 =	vcmask $0x70C;
	s3 =	simm.s32 @p1 $0xC310;
	[dreg:$0x5] =	wrdreg s31;
	p1 =	por !p2, p0  }
0x12: {  	vm3 =	vcmask $0xB10;
	vm4 =	vcmask $0xF14;
	vm5 =	vcmask $0x1318;
	s13 =	sadd.s32 s6, s3;
	s3 =	sadd.s32 s10, s14;
	s0 =	simm.s32 @!p1 $0x0  }
0x13: {  	vm6 =	vcmask $0x171C;
	vm7 =	vcmask $0x1B20;
	vm8 =	vcmask $0x1F24;
	p4 =	seq.s32 @!p0 s3, $0x30D;
	p2 =	por p2, p0;
	s0 =	simm.s32 @p1 $0x1  }
0x14: {  	vm9 =	vcmask $0x2328;
	vm10 =	vcmask $0x272C;
	v0 =	vlaneseq.u32;
	p3 =	por !p4, p0;
	p4 =	por p4, p0;
	[smem:$0x7FD] =	sst s0  }
.LBB2_13:
0x15: {  	s0 =	sld [smem:$0x7FD];
	_ =	sdelay $0x2  }
0x16: {  	p1 =	seq.s32 s0, $0x1  }
0x17: {  	s0 =	simm.s32 @!p1 $0x5  }
0x18: {  	_ =	swait.ge @!p1 [sflag:s0], $0x400  }
0x19: {  	[sflag:s0] =	ssyncset.done @!p1 $0x0  }
0x1a: {  	[sflag:s0] =	ssyncadd.s32 @!p1 $0xFFFFFC00;
	s0 =	simm.s32 @!p2 $0x5  }
0x1b: {  	_ =	swait.ge @!p2 [sflag:s0], $0x1000  }
0x1c: {  	[sflag:s0] =	ssyncset.done @!p2 $0x0  }
0x1d: {  	s29 =	sadd.s32 $0x1, s29;
	[sflag:s0] =	ssyncadd.s32 @!p2 $0xFFFFF000;
	s0 =	simm.s32 @!p3 $0x6  }
0x1e: {  	p1 =	sne.s32 s29, s16;
	_ =	swait.ge @!p3 [sflag:s0], $0x400  }
.Ltmp1:
0x1f: {  	[sflag:s0] =	ssyncset.done @!p3 $0x0;
	(pc) =	sbr.rel @!p1 .LBB2_14-.Ltmp1, $4  }
0x20: {  	[sflag:s0] =	ssyncadd.s32 @!p3 $0xFFFFFC00;
	s0 =	simm.s32 @!p4 $0x6  }
0x21: {  	_ =	swait.ge @!p4 [sflag:s0], $0x1000  }
0x22: {  	[sflag:s0] =	ssyncset.done @!p4 $0x0  }
0x23: {  	[sflag:s0] =	ssyncadd.s32 @!p4 $0xFFFFF000  }
.LBB2_1:
0x24: {  	s0 =	rddreg [dreg:$0x4];
	s1 =	simm.s32 $0xEA00  }
0x25: {  	[tilespmem:s1], [sflag:$0x7] =	stream.linear.gather [hbm4b:s0+s4], $0x10, $0x38;
	[tilespmem:$0xEA30] =	vst v63  }
0x26: {  	_ =	swait.ge [sflag:s18], $0x10  }
0x27: {  	[sflag:s18] =	ssyncset.done $0x0  }
0x28: {  	[sflag:s18] =	ssyncadd.s32 $0xFFFFFFF0  }
0x29: {  	s31 =	simm.s32 $0xEA10;
	s19 =	rddreg [dreg:$0x1]  }
0x2a: {  	[tilespmem:s31], [sflag:$0x7] =	stream.linear.gather [hbm4b:s19+s4], $0x20, $0x38;
	[tilespmem:$0xEA30] =	vst v63  }
0x2b: {  	_ =	swait.ge [sflag:s18], $0x20  }
0x2c: {  	[sflag:s18] =	ssyncset.done $0x0  }
0x2d: {  	[sflag:s18] =	ssyncadd.s32 $0xFFFFFFE0  }
0x2e: {  	v1 =	vld [tilespmem:$0xEA00];
	_ =	sdelay $0x4  }
0x2f: {  	v2 =	vnsel vm0, $0x0, v1  }
0x30: {  	(xrf2) =	vadd.scan.msk.f32 $0xffff, v2;
	v2 =	vsel vm1, $0x0, v1  }
0x31: {  	(xrf2) =	vadd.scan.msk.f32 $0xffff, v2;
	v2 =	vsel vm2, $0x0, v1  }
0x32: {  	(xrf2) =	vadd.scan.msk.f32 $0xffff, v2;
	v2 =	vsel vm3, $0x0, v1  }
0x33: {  	(xrf2) =	vadd.scan.msk.f32 $0xffff, v2;
	v2 =	vsel vm4, $0x0, v1  }
0x34: {  	(xrf2) =	vadd.scan.msk.f32 $0xffff, v2;
	v2 =	vsel vm5, $0x0, v1  }
0x35: {  	(xrf2) =	vadd.scan.msk.f32 $0xffff, v2;
	v2 =	vsel vm6, $0x0, v1  }
0x36: {  	(xrf2) =	vadd.scan.msk.f32 $0xffff, v2;
	v2 =	vsel vm7, $0x0, v1  }
0x37: {  	(xrf2) =	vadd.scan.msk.f32 $0xffff, v2;
	v2 =	vsel vm8, $0x0, v1  }
0x38: {  	(xrf2) =	vadd.scan.msk.f32 $0xffff, v2;
	v2 =	vsel vm9, $0x0, v1  }
0x39: {  	v1 =	vsel vm10, $0x0, v1;
	(xrf2) =	vadd.scan.msk.f32 $0xffff, v2  }
0x3a: {  	v3, _, _ =	vpop (xrf2);
	(xrf2) =	vadd.scan.msk.f32 $0xffff, v1  }
0x3b: {  	v4, _, _ =	vpop (xrf2)  }
0x3c: {  	v5, _, _ =	vpop (xrf2)  }
0x3d: {  	v6, _, _ =	vpop (xrf2)  }
0x3e: {  	v7, _, _ =	vpop (xrf2)  }
0x3f: {  	v8, _, _ =	vpop (xrf2)  }
0x40: {  	v9, _, _ =	vpop (xrf2)  }
0x41: {  	v10, _, _ =	vpop (xrf2)  }
0x42: {  	s0 =	simm.s32 @!p0 $0x0;
	s1 =	rddreg [dreg:$0x5];
	v2 =	vld [tilespmem:$0xEA20];
	v12, _, _ =	vpop (xrf2)  }
0x43: {  	v1 =	vld [tilespmem:$0xEA10];
	[tilespmem:s0], [sflag:$0x3] =	stream.linear.gather @!p0 [hbm4b:s1+s0], $0x200, $0x38;
	v11, _, _ =	vpop (xrf2)  }
0x44: {  	s1 =	simm.s32 @!p0 $0x3;
	v13, _, _ =	vpop (xrf2)  }
0x45: {  	_ =	swait.ge @!p0 [sflag:s1], $0x200  }
0x46: {  	[sflag:s1] =	ssyncset.done @!p0 $0x0  }
0x47: {  	s3 =	simm.s32 @!p0 $0x800;
	[sflag:s1] =	ssyncadd.s32 @!p0 $0xFFFFFE00;
	s1 =	simm.s32 @!p0 $0x80  }
0x48: {  	[tilespmem:s3], [sflag:$0x1] =	stream.indirect.gather @!p0 [hbm4b:s5+s1], $0x30, s0, s1, $0xb8;
	[tilespmem:$0xEA30] =	vst v63  }
0x49: {  	s3 =	simm.s32 @!p0 $0x2000  }
0x4a: {  	[tilespmem:s3], [sflag:$0x1] =	stream.indirect.gather @!p0 [hbm4b:s5+s1], $0x30, s1, s1, $0xb8;
	[tilespmem:$0xEA30] =	vst v63  }
0x4b: {  	s9 =	simm.s32 @!p0 $0x3800;
	s3 =	simm.s32 @!p0 $0x100  }
0x4c: {  	[tilespmem:s9], [sflag:$0x1] =	stream.indirect.gather @!p0 [hbm4b:s5+s1], $0x30, s3, s1, $0xb8;
	[tilespmem:$0xEA30] =	vst v63  }
0x4d: {  	s3 =	simm.s32 @!p0 $0x180;
	s9 =	simm.s32 @!p0 $0x5000  }
0x4e: {  	v3 =	vbroadcast v3, $0xF;
	[tilespmem:s9], [sflag:$0x1] =	stream.indirect.gather @!p0 [hbm4b:s5+s1], $0x30, s3, s1, $0xb8;
	[tilespmem:$0xEA30] =	vst v63  }
.Ltmp2:
0x4f: {  	v4 =	vbroadcast v4, $0xF;
	v5 =	vbroadcast v5, $0xF;
	(pc) =	sbr.rel .LBB2_2-.Ltmp2, $4  }
0x50: {  	v6 =	vbroadcast v6, $0xF;
	v7 =	vbroadcast v7, $0xF;
	s1 =	simm.s32 @!p0 $0x400  }
0x51: {  	v8 =	vbroadcast v8, $0xF;
	v9 =	vbroadcast v9, $0xF;
	[tilespmem:s1], [sflag:$0x1] =	stream.linear.gather @!p0 [hbm4b:s12+s0], $0x200, $0x38;
	[tilespmem:$0xEA30] =	vst v63  }
0x52: {  	s30 =	simm.s32 $0x0;
	v10 =	vbroadcast v10, $0xF;
	v12 =	vbroadcast v12, $0xF;
	s1 =	simm.s32 @!p0 $0x200  }
0x53: {  	v11 =	vbroadcast v11, $0xF;
	v13 =	vbroadcast v13, $0xF;
	[tilespmem:s1], [sflag:$0x4] =	stream.linear.gather @!p0 [hbm4b:s13+s0], $0x200, $0x38;
	[tilespmem:$0xEA30] =	vst v63  }
.LBB2_12:
0x54: {  	s30 =	sadd.s32 $0x1, s30  }
0x55: {  	p1 =	sne.s32 s30, $0x10  }
.Ltmp3:
0x56: {  	_ = 	snop;
	(pc) =	sbr.rel @!p1 .LBB2_13-.Ltmp3, $1  }
0x57: {  	_ =	sdelay $0x3  }
.LBB2_2:
0x58: {  	s0 =	sshll.u32 s30, $0x1  }
0x59: {  	p6 =	sge.u32 s0, s10  }
.Ltmp4:
0x5a: {  	_ = 	snop;
	(pc) =	sbr.rel @p6 .LBB2_7-.Ltmp4, $3  }
0x5b: {  	_ =	sdelay $0x1  }
0x5c: {  	s31 =	sshllo.u32 s30, $0x1  }
0x5d: {  	p5 =	sge.u32 s31, s10  }
0x5e: {  	s1 =	simm.s32 @!p5 $0x4  }
0x5f: {  	_ =	swait.ge @!p5 [sflag:s1], $0x200  }
0x60: {  	s3 =	simm.s32 @!p5 $0x200;
	[sflag:s1] =	ssyncset.done @!p5 $0x0  }
0x61: {  	s9 =	simm.s32 @!p5 $0x6800;
	[sflag:s1] =	ssyncadd.s32 @!p5 $0xFFFFFE00;
	s1 =	simm.s32 @!p5 $0x80  }
0x62: {  	[tilespmem:s9], [sflag:$0x2] =	stream.indirect.gather @!p5 [hbm4b:s5+s1], $0x30, s3, s1, $0xb8;
	[tilespmem:$0xEA30] =	vst v63  }
0x63: {  	s3 =	simm.s32 @!p5 $0x280;
	s9 =	simm.s32 @!p5 $0x8000  }
0x64: {  	[tilespmem:s9], [sflag:$0x2] =	stream.indirect.gather @!p5 [hbm4b:s5+s1], $0x30, s3, s1, $0xb8;
	[tilespmem:$0xEA30] =	vst v63  }
0x65: {  	s3 =	simm.s32 @!p5 $0x300;
	s9 =	simm.s32 @!p5 $0x9800  }
0x66: {  	[tilespmem:s9], [sflag:$0x2] =	stream.indirect.gather @!p5 [hbm4b:s5+s1], $0x30, s3, s1, $0xb8;
	[tilespmem:$0xEA30] =	vst v63  }
0x67: {  	s3 =	simm.s32 @!p5 $0x380;
	s9 =	simm.s32 @!p5 $0xB000  }
0x68: {  	[tilespmem:s9], [sflag:$0x2] =	stream.indirect.gather @!p5 [hbm4b:s5+s1], $0x30, s3, s1, $0xb8;
	[tilespmem:$0xEA30] =	vst v63  }
0x69: {  	s1 =	sadd.s32 @!p5 s8, s31  }
0x6a: {  	p6 =	seq.s32 @!p5 s1, $0x30D  }
0x6b: {  	s1 =	sshll.u32 @!p5 s1, $0x6;
	p6 =	por !p6, p5  }
0x6c: {  	s3 =	simm.s32 @!p5 $0x0;
	s1 =	simm.s32 @!p6 $0xC310  }
0x6d: {  	s9 =	simm.s32 @!p5 $0x600;
	p6 =	seq.s32 s30, $0x0;
	s1 =	sadd.s32 @!p5 s7, s1  }
0x6e: {  	[tilespmem:s9], [sflag:$0x2] =	stream.linear.gather @!p5 [hbm4b:s1+s3], $0x200, $0x38;
	[tilespmem:$0xEA30] =	vst v63  }
0x6f: {  	s1 =	simm.s32 @!p6 $0x5  }
0x70: {  	_ =	swait.ge @!p6 [sflag:s1], $0x1000  }
0x71: {  	[sflag:s1] =	ssyncset.done @!p6 $0x0  }
0x72: {  	[sflag:s1] =	ssyncadd.s32 @!p6 $0xFFFFF000  }
0x73: {  	_ =	swait.ge [sflag:s20], $0x1800  }
0x74: {  	[sflag:s20] =	ssyncset.done $0x0  }
0x75: {  	[sflag:s20] =	ssyncadd.s32 $0xFFFFE800  }
0x76: {  	_ =	swait.ge [sflag:s20], $0x1800  }
0x77: {  	[sflag:s20] =	ssyncset.done $0x0  }
0x78: {  	[sflag:s20] =	ssyncadd.s32 $0xFFFFE800  }
0x79: {  	_ =	swait.ge [sflag:s20], $0x1800  }
0x7a: {  	[sflag:s20] =	ssyncset.done $0x0  }
0x7b: {  	[sflag:s20] =	ssyncadd.s32 $0xFFFFE800  }
0x7c: {  	_ =	swait.ge [sflag:s20], $0x1800  }
0x7d: {  	[sflag:s20] =	ssyncset.done $0x0  }
0x7e: {  	[sflag:s20] =	ssyncadd.s32 $0xFFFFE800  }
0x7f: {  	_ =	swait.ge [sflag:s20], $0x200  }
0x80: {  	s17 =	simm.s32 $0xC900;
	s19 =	simm.s32 $0x0;
	[sflag:s20] =	ssyncset.done $0x0  }
0x81: {  	s3 =	simm.s32 $0x0;
	s1 =	simm.s32 $0xFFFFFFFE;
	[sflag:s20] =	ssyncadd.s32 $0xFFFFFE00  }
.LBB2_4:
0x82: {  	v14 =	vor.u32 s19, v0  }
0x83: {  	v15 =	vmul.u32 $0xC0, v14  }
0x84: {  	v14 =	vshll.u32 v14, $0x2  }
0x85: {  	v16 =	vor.u32 $0x20, v15  }
0x86: {  	v17 =	vor.u32 $0x21, v15  }
0x87: {  	v18 =	vor.u32 $0x22, v15  }
0x88: {  	v19 =	vor.u32 $0x23, v15  }
0x89: {  	v22 =	vor.u32 $0x1, v14;
	v21 =	vor.u32 $0x24, v15;
	v20 =	vld.idx.msk [tilespmem:v14+s21+$0x0], $0xffff  }
0x8a: {  	v23 =	vor.u32 $0x25, v15;
	v25 =	vmul.u32 $0x30, v22;
	v16 =	vld.idx.msk [tilespmem:v16+s22+$0x0], $0xffff  }
0x8b: {  	v24 =	vor.u32 $0x26, v15;
	v17 =	vld.idx.msk [tilespmem:v17+s22+$0x0], $0xffff  }
0x8c: {  	v27 =	vadd.s32 $0x20, v25;
	v18 =	vld.idx.msk [tilespmem:v18+s22+$0x0], $0xffff  }
0x8d: {  	v28 =	vadd.s32 $0x21, v25;
	v19 =	vld.idx.msk [tilespmem:v19+s22+$0x0], $0xffff  }
0x8e: {  	v29 =	vadd.s32 $0x22, v25;
	v21 =	vld.idx.msk [tilespmem:v21+s22+$0x0], $0xffff  }
0x8f: {  	v30 =	vadd.s32 $0x23, v25;
	v23 =	vld.idx.msk [tilespmem:v23+s22+$0x0], $0xffff  }
0x90: {  	v31 =	vor.u32 $0x2, v14;
	v32 =	vadd.s32 $0x24, v25;
	v24 =	vld.idx.msk [tilespmem:v24+s22+$0x0], $0xffff  }
0x91: {  	v34 =	vmul.u32 $0x30, v31;
	v33 =	vadd.s32 $0x25, v25;
	v27 =	vld.idx.msk [tilespmem:v27+s22+$0x0], $0xffff  }
0x92: {  	v35 =	vadd.s32 $0x26, v25;
	v28 =	vld.idx.msk [tilespmem:v28+s22+$0x0], $0xffff  }
0x93: {  	v36 =	vadd.s32 $0x20, v34;
	v29 =	vld.idx.msk [tilespmem:v29+s22+$0x0], $0xffff  }
0x94: {  	v37 =	vadd.s32 $0x21, v34;
	v14 =	vor.u32 $0x3, v14;
	v30 =	vld.idx.msk [tilespmem:v30+s22+$0x0], $0xffff  }
0x95: {  	v39 =	vadd.s32 $0x22, v34;
	v38 =	vmul.u32 $0x30, v14;
	v32 =	vld.idx.msk [tilespmem:v32+s22+$0x0], $0xffff  }
0x96: {  	v44 =	vadd.s32 $0x23, v34;
	v33 =	vld.idx.msk [tilespmem:v33+s22+$0x0], $0xffff  }
0x97: {  	v40 =	vor.u32 $0x20, v38;
	v35 =	vld.idx.msk [tilespmem:v35+s22+$0x0], $0xffff  }
0x98: {  	v41 =	vor.u32 $0x21, v38;
	v36 =	vld.idx.msk [tilespmem:v36+s22+$0x0], $0xffff  }
0x99: {  	v46 =	vadd.s32 $0x24, v34;
	v37 =	vld.idx.msk [tilespmem:v37+s22+$0x0], $0xffff  }
0x9a: {  	v43 =	vor.u32 $0x22, v38;
	v39 =	vld.idx.msk [tilespmem:v39+s22+$0x0], $0xffff  }
0x9b: {  	v59 =	vadd.s32 $0x26, v34;
	v57 =	vld.idx.msk [tilespmem:v44+s22+$0x0], $0xffff  }
0x9c: {  	v45 =	vor.u32 $0x23, v38;
	v40 =	vld.idx.msk [tilespmem:v40+s22+$0x0], $0xffff  }
0x9d: {  	v42 =	vadd.s32 $0x27, v25;
	v41 =	vld.idx.msk [tilespmem:v41+s22+$0x0], $0xffff  }
0x9e: {  	v26 =	vor.u32 $0x27, v15;
	v22 =	vand.u32 $0x7FFFFFBD, v22;
	v54 =	vor.u32 $0x24, v38;
	v61 =	vld.idx.msk [tilespmem:v46+s22+$0x0], $0xffff  }
0x9f: {  	v55 =	vadd.s32 $0x25, v34;
	v63 =	vadd.s32 $0x27, v34;
	v14 =	vand.u32 $0x7FFFFFBF, v14;
	v56 =	vld.idx.msk [tilespmem:v43+s22+$0x0], $0xffff  }
0xa0: {  	v58 =	vor.u32 $0x25, v38;
	v47 =	vld.idx.msk [tilespmem:v59+s22+$0x0], $0xffff;
	v16 =	vmax.f32 v16, v27;
	v17 =	vmax.f32 v17, v28  }
0xa1: {  	v62 =	vor.u32 $0x26, v38;
	v60 =	vld.idx.msk [tilespmem:v45+s22+$0x0], $0xffff;
	v16 =	vmax.f32 v16, v36;
	v17 =	vmax.f32 v17, v37  }
0xa2: {  	v27 =	vld.idx.msk [tilespmem:v42+s22+$0x0], $0xffff;
	v18 =	vmax.f32 v18, v29;
	v16 =	vmax.f32 v16, v40;
	v17 =	vmax.f32 v17, v41  }
0xa3: {  	v28 =	vld.idx.msk [tilespmem:v54+s22+$0x0], $0xffff;
	v18 =	vmax.f32 v18, v39;
	v16 =	vmul.f32 v16, v3;
	v17 =	vmul.f32 v17, v4  }
0xa4: {  	v19 =	vmax.f32 v19, v30;
	v29 =	vld.idx.msk [tilespmem:v55+s22+$0x0], $0xffff;
	v42 =	vor.u32 $0x27, v38;
	v18 =	vmax.f32 v18, v56  }
0xa5: {  	v43 =	vld.idx.msk [tilespmem:v58+s22+$0x0], $0xffff;
	v19 =	vmax.f32 v19, v57;
	v45 =	vmul.f32 v18, v5;
	v16 =	vadd.f32 v17, v16  }
0xa6: {  	v31 =	vand.u32 $0x7FFFFFBE, v31;
	v48 =	vld.idx.msk [tilespmem:v62+s22+$0x0], $0xffff;
	v46 =	vmax.f32 v21, v32;
	v19 =	vmax.f32 v19, v60  }
0xa7: {  	v26 =	vld.idx.msk [tilespmem:v26+s22+$0x0], $0xffff;
	v18 =	vmax.f32 v46, v61;
	v49 =	vmul.f32 v19, v6;
	v16 =	vadd.f32 v45, v16  }
0xa8: {  	v51 =	vld.idx.msk [tilespmem:v63+s22+$0x0], $0xffff;
	v50 =	vmax.f32 v23, v33;
	v24 =	vmax.f32 v24, v35;
	v18 =	vmax.f32 v18, v28  }
0xa9: {  	v19 =	vmax.f32 v50, v29;
	v52 =	vld.idx.msk [tilespmem:v42+s22+$0x0], $0xffff;
	v53 =	vmul.f32 v18, v7;
	v16 =	vadd.f32 v49, v16  }
0xaa: {  	v15 =	vor.u32 $0x28, v15;
	v14 =	vld.idx.msk [tilespmem:v14+s21+$0x0], $0xffff;
	v21 =	vmax.f32 v24, v47;
	v19 =	vmax.f32 v19, v43  }
0xab: {  	v54 =	vld.idx.msk [tilespmem:v22+s21+$0x0], $0xffff;
	v21 =	vmax.f32 v21, v48;
	v57 =	vmul.f32 v19, v8;
	v16 =	vadd.f32 v53, v16  }
0xac: {  	v55 =	vadd.s32 $0x28, v25;
	v56 =	vld.idx.msk [tilespmem:v31+s21+$0x0], $0xffff;
	v58 =	vmax.f32 v26, v27;
	v60 =	vmul.f32 v21, v9  }
0xad: {  	v61 =	vor.u32 $0x28, v38;
	v19 =	vmax.f32 v58, v51;
	v16 =	vadd.f32 v57, v16  }
0xae: {  	v59 =	vadd.s32 $0x28, v34;
	v19 =	vmax.f32 v19, v52  }
0xaf: {  	v62 =	vmul.f32 v19, v10;
	v16 =	vadd.f32 v60, v16  }
0xb0: {  	v15 =	vld.idx.msk [tilespmem:v15+s22+$0x0], $0xffff  }
0xb1: {  	v63 =	vmax.f32 v20, v54;
	v22 =	vld.idx.msk [tilespmem:v55+s22+$0x0], $0xffff;
	v26 =	vmax.f32 v56, v14;
	v16 =	vadd.f32 v62, v16  }
0xb2: {  	v27 =	vmax.f32 v63, v26;
	v21 =	vld.idx.msk [tilespmem:v61+s22+$0x0], $0xffff  }
0xb3: {  	v20 =	vmul.f32 v20, v13;
	v28 =	vld.idx.msk [tilespmem:v59+s22+$0x0], $0xffff;
	v17 =	vmul.f32 v27, v12;
	v16 =	vsub.f32 v11, v16  }
0xb4: {  	v18 =	vmul.f32 v54, v13  }
0xb5: {  	s9 =	sadd.s32 $0x10, s19;
	v15 =	vadd.f32 v15, v20;
	v14 =	vmul.f32 v14, v13;
	v16 =	vsub.f32 v16, v17  }
0xb6: {  	v30 =	vor.u32 s9, v0;
	v29 =	vmul.f32 v56, v13;
	v18 =	vadd.f32 v22, v18  }
0xb7: {  	v19 =	vmul.u32 $0xC0, v30;
	v14 =	vadd.f32 v21, v14;
	v15 =	vadd.f32 v16, v15  }
0xb8: {  	v20 =	vshll.u32 v30, $0x2;
	v17 =	vadd.f32 v28, v29;
	v18 =	vadd.f32 v16, v18  }
0xb9: {  	v31 =	vor.u32 $0x20, v19;
	v14 =	vadd.f32 v16, v14;
	[tilespmem:s17+$0xFFFFFF00] =	vst v15  }
0xba: {  	v32 =	vor.u32 $0x21, v19;
	v15 =	vadd.f32 v16, v17;
	[tilespmem:s17+$0xFFFFFF80] =	vst v18  }
0xbb: {  	v33 =	vor.u32 $0x24, v19;
	[tilespmem:s17+$0x80] =	vst v14  }
0xbc: {  	v22 =	vor.u32 $0x1, v20;
	v34 =	vor.u32 $0x25, v19;
	[tilespmem:s17+$0x0] =	vst v15  }
0xbd: {  	v25 =	vmul.u32 $0x30, v22;
	v35 =	vor.u32 $0x26, v19;
	v18 =	vld.idx.msk [tilespmem:v20+s21+$0x0], $0xffff  }
0xbe: {  	v36 =	vor.u32 $0x27, v19;
	v17 =	vld.idx.msk [tilespmem:v31+s22+$0x0], $0xffff  }
0xbf: {  	v37 =	vadd.s32 $0x20, v25;
	v16 =	vld.idx.msk [tilespmem:v32+s22+$0x0], $0xffff  }
0xc0: {  	v38 =	vadd.s32 $0x21, v25;
	v21 =	vld.idx.msk [tilespmem:v33+s22+$0x0], $0xffff  }
0xc1: {  	v39 =	vadd.s32 $0x22, v25;
	v23 =	vld.idx.msk [tilespmem:v34+s22+$0x0], $0xffff  }
0xc2: {  	v40 =	vadd.s32 $0x23, v25;
	v24 =	vld.idx.msk [tilespmem:v35+s22+$0x0], $0xffff  }
0xc3: {  	v41 =	vadd.s32 $0x24, v25;
	v26 =	vld.idx.msk [tilespmem:v36+s22+$0x0], $0xffff  }
0xc4: {  	v42 =	vadd.s32 $0x25, v25;
	v27 =	vld.idx.msk [tilespmem:v37+s22+$0x0], $0xffff  }
0xc5: {  	v43 =	vadd.s32 $0x26, v25;
	v28 =	vld.idx.msk [tilespmem:v38+s22+$0x0], $0xffff  }
0xc6: {  	v47 =	vadd.s32 $0xB0, v19;
	v29 =	vld.idx.msk [tilespmem:v39+s22+$0x0], $0xffff  }
0xc7: {  	v48 =	vadd.s32 $0xB1, v19;
	v31 =	vor.u32 $0x2, v20;
	v30 =	vld.idx.msk [tilespmem:v40+s22+$0x0], $0xffff  }
0xc8: {  	v50 =	vadd.s32 $0xB2, v19;
	v32 =	vld.idx.msk [tilespmem:v41+s22+$0x0], $0xffff;
	v34 =	vmul.u32 $0x30, v31  }
0xc9: {  	v52 =	vadd.s32 $0xB3, v19;
	v33 =	vld.idx.msk [tilespmem:v42+s22+$0x0], $0xffff  }
0xca: {  	v35 =	vld.idx.msk [tilespmem:v43+s22+$0x0], $0xffff;
	v44 =	vadd.s32 $0x20, v34  }
0xcb: {  	v39 =	vld.idx.msk [tilespmem:v47+s22+$0x0], $0xffff;
	v45 =	vadd.s32 $0x21, v34  }
0xcc: {  	v15 =	vor.u32 $0x22, v19;
	v40 =	vld.idx.msk [tilespmem:v48+s22+$0x0], $0xffff  }
0xcd: {  	v57 =	vld.idx.msk [tilespmem:v50+s22+$0x0], $0xffff;
	v46 =	vadd.s32 $0x22, v34  }
0xce: {  	v14 =	vor.u32 $0x23, v19;
	v61 =	vld.idx.msk [tilespmem:v52+s22+$0x0], $0xffff  }
0xcf: {  	v49 =	vadd.s32 $0x23, v34;
	v36 =	vld.idx.msk [tilespmem:v44+s22+$0x0], $0xffff  }
0xd0: {  	v53 =	vadd.s32 $0x27, v25;
	v37 =	vld.idx.msk [tilespmem:v45+s22+$0x0], $0xffff  }
0xd1: {  	v51 =	vadd.s32 $0x24, v34;
	v15 =	vld.idx.msk [tilespmem:v15+s22+$0x0], $0xffff  }
0xd2: {  	v55 =	vadd.s32 $0xB4, v19;
	v38 =	vld.idx.msk [tilespmem:v46+s22+$0x0], $0xffff  }
0xd3: {  	v59 =	vadd.s32 $0xB5, v19;
	v63 =	vadd.s32 $0xB6, v19;
	v14 =	vld.idx.msk [tilespmem:v14+s22+$0x0], $0xffff;
	v56 =	vadd.s32 $0x25, v34  }
0xd4: {  	v60 =	vadd.s32 $0x26, v34;
	v17 =	vmax.f32 v17, v27;
	v16 =	vmax.f32 v16, v28;
	v54 =	vld.idx.msk [tilespmem:v49+s22+$0x0], $0xffff  }
0xd5: {  	v62 =	vld.idx.msk [tilespmem:v53+s22+$0x0], $0xffff;
	v44 =	vadd.s32 $0x27, v34;
	v17 =	vmax.f32 v17, v36;
	v16 =	vmax.f32 v16, v37  }
0xd6: {  	v58 =	vld.idx.msk [tilespmem:v51+s22+$0x0], $0xffff;
	v15 =	vmax.f32 v15, v29;
	v17 =	vmax.f32 v17, v39;
	v16 =	vmax.f32 v16, v40  }
0xd7: {  	v41 =	vld.idx.msk [tilespmem:v55+s22+$0x0], $0xffff;
	v15 =	vmax.f32 v15, v38;
	v17 =	vmul.f32 v17, v3;
	v16 =	vmul.f32 v16, v4  }
0xd8: {  	v14 =	vmax.f32 v14, v30;
	v28 =	vld.idx.msk [tilespmem:v56+s22+$0x0], $0xffff;
	v45 =	vadd.s32 $0xB7, v19;
	v15 =	vmax.f32 v15, v57  }
0xd9: {  	v46 =	vld.idx.msk [tilespmem:v59+s22+$0x0], $0xffff;
	v14 =	vmax.f32 v14, v54;
	v15 =	vmul.f32 v15, v5;
	v16 =	vadd.f32 v16, v17  }
0xda: {  	v48 =	vor.u32 $0x3, v20;
	v21 =	vmax.f32 v21, v32;
	v47 =	vld.idx.msk [tilespmem:v60+s22+$0x0], $0xffff;
	v14 =	vmax.f32 v14, v61  }
0xdb: {  	v49 =	vld.idx.msk [tilespmem:v63+s22+$0x0], $0xffff;
	v21 =	vmax.f32 v21, v58;
	v14 =	vmul.f32 v14, v6;
	v15 =	vadd.f32 v15, v16  }
0xdc: {  	v25 =	vadd.s32 $0x28, v25;
	v23 =	vmax.f32 v23, v33;
	v50 =	vld.idx.msk [tilespmem:v44+s22+$0x0], $0xffff;
	v21 =	vmax.f32 v21, v41  }
0xdd: {  	v23 =	vmax.f32 v23, v28;
	v51 =	vld.idx.msk [tilespmem:v45+s22+$0x0], $0xffff;
	v14 =	vadd.f32 v14, v15;
	v15 =	vmul.f32 v21, v7  }
0xde: {  	v52 =	vld.idx.msk [tilespmem:v22+s21+$0x0], $0xffff;
	v53 =	vor.u32 $0x28, v19;
	v24 =	vmax.f32 v24, v35;
	v17 =	vmax.f32 v23, v46  }
0xdf: {  	v54 =	vld.idx.msk [tilespmem:v31+s21+$0x0], $0xffff;
	v24 =	vmax.f32 v24, v47;
	v14 =	vadd.f32 v15, v14;
	v15 =	vmul.f32 v17, v8  }
0xe0: {  	v55 =	vmax.f32 v26, v62;
	v56 =	vadd.s32 $0x28, v34;
	v20 =	vmax.f32 v24, v49;
	v16 =	vld.idx.msk [tilespmem:v48+s21+$0x0], $0xffff  }
0xe1: {  	v17 =	vmax.f32 v55, v50;
	v14 =	vadd.f32 v15, v14;
	v15 =	vmul.f32 v20, v9  }
0xe2: {  	v19 =	vadd.s32 $0xB8, v19;
	v17 =	vmax.f32 v17, v51  }
0xe3: {  	v14 =	vadd.f32 v15, v14;
	v15 =	vmul.f32 v17, v10  }
0xe4: {  	v57 =	vld.idx.msk [tilespmem:v53+s22+$0x0], $0xffff  }
0xe5: {  	v60 =	vld.idx.msk [tilespmem:v25+s22+$0x0], $0xffff;
	v58 =	vmax.f32 v18, v52;
	v59 =	vmax.f32 v54, v16;
	v14 =	vadd.f32 v15, v14  }
0xe6: {  	v61 =	vld.idx.msk [tilespmem:v56+s22+$0x0], $0xffff;
	v15 =	vmax.f32 v58, v59  }
0xe7: {  	v19 =	vld.idx.msk [tilespmem:v19+s22+$0x0], $0xffff;
	v18 =	vmul.f32 v18, v13;
	v15 =	vmul.f32 v15, v12;
	v14 =	vsub.f32 v11, v14  }
0xe8: {  	v21 =	vmul.f32 v52, v13  }
0xe9: {  	v62 =	vmul.f32 v54, v13;
	v14 =	vsub.f32 v14, v15;
	v15 =	vadd.f32 v57, v18  }
0xea: {  	s1 =	sadd.s32 $0x2, s1;
	v63 =	vadd.f32 v60, v21;
	v16 =	vmul.f32 v16, v13  }
0xeb: {  	p6 =	slt.u32 s1, $0x6;
	v17 =	vadd.f32 v61, v62;
	v15 =	vadd.f32 v14, v15  }
.Ltmp5:
0xec: {  	v16 =	vadd.f32 v19, v16;
	v18 =	vadd.f32 v14, v63;
	(pc) =	sbr.rel @p6 .LBB2_4-.Ltmp5, $4  }
0xed: {  	[tilespmem:s17+$0xFFFFFF10] =	vst v15;
	v15 =	vadd.f32 v14, v17  }
0xee: {  	[tilespmem:s17+$0xFFFFFF90] =	vst v18;
	v14 =	vadd.f32 v14, v16  }
0xef: {  	s19 =	sadd.s32 $0x20, s19;
	[tilespmem:s17+$0x10] =	vst v15  }
0xf0: {  	s11 =	simm.s32 $0x980;
	s9 =	simm.s32 $0xCA40;
	[tilespmem:s17+$0x90] =	vst v14;
	s17 =	sadd.s32 $0x20, s17  }
.LBB2_5:
0xf1: {  	v14 =	vmov s3  }
0xf2: {  	v17 =	vld [tilespmem:s11+$0xFFFFFE80];
	v15 =	vand.u32 $0x7C, v14  }
0xf3: {  	v19 =	vld [tilespmem:s11+$0xFFFFFE90];
	v16 =	vor.u32 $0x80, v15  }
0xf4: {  	v20 =	vld [tilespmem:s11+$0xFFFFFEB0]  }
0xf5: {  	v21 =	vld [tilespmem:s11+$0xFFFFFEC0];
	v18 =	vor.u32 $0x100, v15  }
0xf6: {  	v14 =	vld.idx.msk [tilespmem:v14+s23+$0x0], $0xffff  }
0xf7: {  	v22 =	vld [tilespmem:s11+$0xFFFFFEE0];
	v15 =	vor.u32 $0x180, v15  }
0xf8: {  	v16 =	vld.idx.msk [tilespmem:v16+s23+$0x0], $0xffff  }
0xf9: {  	v23 =	vld [tilespmem:s11+$0xFFFFFEF0]  }
0xfa: {  	v18 =	vld.idx.msk [tilespmem:v18+s23+$0x0], $0xffff  }
0xfb: {  	v61 =	vld [tilespmem:s11+$0xFFFFFF10];
	v17 =	vmul.f32 v17, v14  }
0xfc: {  	v15 =	vld.idx.msk [tilespmem:v15+s23+$0x0], $0xffff;
	v14 =	vmul.f32 v19, v14  }
0xfd: {  	v24 =	vld [tilespmem:s11+$0xFFFFFF20];
	v17 =	vadd.f32 v17, v1;
	v20 =	vmul.f32 v20, v16  }
0xfe: {  	v14 =	vadd.f32 v14, v2;
	v16 =	vmul.f32 v21, v16  }
0xff: {  	v62 =	vmul.f32 v22, v18;
	v17 =	vadd.f32 v20, v17  }
0x100: {  	v63 =	vmul.f32 v23, v18;
	v14 =	vadd.f32 v16, v14  }
0x101: {  	s1 =	sadd.s32 $0x1, s3;
	v21 =	vmul.f32 v61, v15;
	v17 =	vadd.f32 v62, v17  }
0x102: {  	v15 =	vmul.f32 v24, v15;
	v22 =	vmov s1;
	v14 =	vadd.f32 v63, v14  }
0x103: {  	v17 =	vadd.f32 v21, v17  }
0x104: {  	v14 =	vadd.f32 v15, v14  }
0x105: {  	[tilespmem:s9+$0xFFFFFFC0] =	vst v17  }
0x106: {  	[tilespmem:s9+$0xFFFFFFD0] =	vst v14  }
0x107: {  	v15 =	vand.u32 $0x7D, v22;
	v14 =	vld.idx.msk [tilespmem:v22+s23+$0x0], $0xffff  }
0x108: {  	v23 =	vor.u32 $0x80, v15;
	v24 =	vld [tilespmem:s11+$0xFFFFFF40]  }
0x109: {  	v26 =	vld [tilespmem:s11+$0xFFFFFF50]  }
0x10a: {  	v25 =	vor.u32 $0x100, v15;
	v27 =	vld [tilespmem:s11+$0xFFFFFF70]  }
0x10b: {  	v28 =	vld [tilespmem:s11+$0xFFFFFF80]  }
0x10c: {  	v15 =	vor.u32 $0x180, v15;
	v29 =	vld [tilespmem:s11+$0xFFFFFFA0]  }
0x10d: {  	v17 =	vld.idx.msk [tilespmem:v23+s23+$0x0], $0xffff  }
0x10e: {  	v30 =	vld [tilespmem:s11+$0xFFFFFFB0]  }
0x10f: {  	v18 =	vld.idx.msk [tilespmem:v25+s23+$0x0], $0xffff  }
0x110: {  	v31 =	vld [tilespmem:s11+$0xFFFFFFD0];
	v16 =	vmul.f32 v24, v14  }
0x111: {  	v15 =	vld.idx.msk [tilespmem:v15+s23+$0x0], $0xffff;
	v14 =	vmul.f32 v26, v14  }
0x112: {  	v32 =	vld [tilespmem:s11+$0xFFFFFFE0];
	v16 =	vadd.f32 v16, v1;
	v20 =	vmul.f32 v27, v17  }
0x113: {  	v14 =	vadd.f32 v14, v2;
	v17 =	vmul.f32 v28, v17  }
0x114: {  	v33 =	vmul.f32 v29, v18;
	v16 =	vadd.f32 v20, v16  }
0x115: {  	v34 =	vmul.f32 v30, v18;
	v14 =	vadd.f32 v17, v14  }
0x116: {  	s17 =	sadd.s32 $0x2, s3;
	v35 =	vmul.f32 v31, v15;
	v16 =	vadd.f32 v33, v16  }
0x117: {  	v36 =	vmov s17;
	v15 =	vmul.f32 v32, v15;
	v14 =	vadd.f32 v34, v14  }
0x118: {  	v16 =	vadd.f32 v35, v16  }
0x119: {  	v14 =	vadd.f32 v15, v14  }
0x11a: {  	[tilespmem:s9+$0xFFFFFFE0] =	vst v16  }
0x11b: {  	[tilespmem:s9+$0xFFFFFFF0] =	vst v14  }
0x11c: {  	v15 =	vand.u32 $0x7E, v36;
	v14 =	vld.idx.msk [tilespmem:v36+s23+$0x0], $0xffff  }
0x11d: {  	v37 =	vor.u32 $0x80, v15;
	v38 =	vld [tilespmem:s11+$0x0]  }
0x11e: {  	v40 =	vld [tilespmem:s11+$0x10]  }
0x11f: {  	v39 =	vor.u32 $0x100, v15;
	v41 =	vld [tilespmem:s11+$0x30]  }
0x120: {  	v42 =	vld [tilespmem:s11+$0x40]  }
0x121: {  	v15 =	vor.u32 $0x180, v15;
	v43 =	vld [tilespmem:s11+$0x60]  }
0x122: {  	v16 =	vld.idx.msk [tilespmem:v37+s23+$0x0], $0xffff  }
0x123: {  	v44 =	vld [tilespmem:s11+$0x70]  }
0x124: {  	v18 =	vld.idx.msk [tilespmem:v39+s23+$0x0], $0xffff  }
0x125: {  	v45 =	vld [tilespmem:s11+$0x90];
	v17 =	vmul.f32 v38, v14  }
0x126: {  	v15 =	vld.idx.msk [tilespmem:v15+s23+$0x0], $0xffff;
	v14 =	vmul.f32 v40, v14  }
0x127: {  	v46 =	vld [tilespmem:s11+$0xA0];
	v17 =	vadd.f32 v17, v1;
	v20 =	vmul.f32 v41, v16  }
0x128: {  	v14 =	vadd.f32 v14, v2;
	v16 =	vmul.f32 v42, v16  }
0x129: {  	v47 =	vmul.f32 v43, v18;
	v17 =	vadd.f32 v20, v17  }
0x12a: {  	v48 =	vmul.f32 v44, v18;
	v14 =	vadd.f32 v16, v14  }
0x12b: {  	s19 =	sadd.s32 $0x3, s3;
	v49 =	vmul.f32 v45, v15;
	v17 =	vadd.f32 v47, v17  }
0x12c: {  	v50 =	vmov s19;
	v15 =	vmul.f32 v46, v15;
	v14 =	vadd.f32 v48, v14  }
0x12d: {  	v17 =	vadd.f32 v49, v17  }
0x12e: {  	v14 =	vadd.f32 v15, v14  }
0x12f: {  	[tilespmem:s9+$0x0] =	vst v17  }
0x130: {  	[tilespmem:s9+$0x10] =	vst v14  }
0x131: {  	v15 =	vand.u32 $0x7F, v50;
	v14 =	vld.idx.msk [tilespmem:v50+s23+$0x0], $0xffff  }
0x132: {  	v51 =	vor.u32 $0x80, v15;
	v52 =	vld [tilespmem:s11+$0xC0]  }
0x133: {  	v54 =	vld [tilespmem:s11+$0xD0]  }
0x134: {  	v53 =	vor.u32 $0x100, v15;
	v55 =	vld [tilespmem:s11+$0xF0]  }
0x135: {  	v56 =	vld [tilespmem:s11+$0x100]  }
0x136: {  	v15 =	vor.u32 $0x180, v15;
	v57 =	vld [tilespmem:s11+$0x120]  }
0x137: {  	v17 =	vld.idx.msk [tilespmem:v51+s23+$0x0], $0xffff  }
0x138: {  	v58 =	vld [tilespmem:s11+$0x130]  }
0x139: {  	v18 =	vld.idx.msk [tilespmem:v53+s23+$0x0], $0xffff  }
0x13a: {  	v59 =	vld [tilespmem:s11+$0x150];
	v16 =	vmul.f32 v52, v14  }
0x13b: {  	v15 =	vld.idx.msk [tilespmem:v15+s23+$0x0], $0xffff;
	v14 =	vmul.f32 v54, v14  }
0x13c: {  	v60 =	vld [tilespmem:s11+$0x160];
	v16 =	vadd.f32 v16, v1;
	v20 =	vmul.f32 v55, v17  }
0x13d: {  	v14 =	vadd.f32 v14, v2;
	v17 =	vmul.f32 v56, v17  }
0x13e: {  	v61 =	vmul.f32 v57, v18;
	v16 =	vadd.f32 v20, v16  }
0x13f: {  	v62 =	vmul.f32 v58, v18;
	v14 =	vadd.f32 v17, v14  }
0x140: {  	p6 =	slt.u32 s3, $0x7C;
	v63 =	vmul.f32 v59, v15;
	v16 =	vadd.f32 v61, v16  }
.Ltmp6:
0x141: {  	v15 =	vmul.f32 v60, v15;
	v14 =	vadd.f32 v62, v14;
	(pc) =	sbr.rel @p6 .LBB2_5-.Ltmp6, $4  }
0x142: {  	v16 =	vadd.f32 v63, v16  }
0x143: {  	v14 =	vadd.f32 v15, v14  }
0x144: {  	[tilespmem:s9+$0x20] =	vst v16  }
0x145: {  	s3 =	sadd.s32 $0x4, s3;
	s11 =	sadd.s32 $0x300, s11;
	[tilespmem:s9+$0x30] =	vst v14;
	s9 =	sadd.s32 $0x80, s9  }
0x146: {  	s1 =	sadd.s32 $0x2, s0  }
0x147: {  	p6 =	sge.u32 s1, s10  }
0x148: {  	s1 =	sadd.s32 @!p6 s8, s1  }
0x149: {  	s3 =	sadd.s32 s8, s0;
	s1 =	sshll.u32 @!p6 s1, $0x6  }
0x14a: {  	s19 =	sshll.u32 s3, $0x9;
	s9 =	simm.s32 @!p6 $0x0;
	s1 =	sadd.s32 @!p6 s6, s1  }
0x14b: {  	[tilespmem:s9], [sflag:$0x3] =	stream.linear.gather @!p6 [hbm4b:s1+s9], $0x200, $0x38;
	[tilespmem:$0xEA30] =	vst v63  }
0x14c: {  	s1 =	sand.u32 $0x1FFFFC00, s19  }
0x14d: {  	s1 =	sadd.s32 s2, s1  }
0x14e: {  	[hbm4b:s1+s4] =	stream.linear.scatter [tilespmem:s24], [sflag:$0x5], $0x1000, $0x38;
	[tilespmem:$0xEA30] =	vst v63  }
.LBB2_7:
.Ltmp7:
0x14f: {  	(pc) =	sbr.rel @p5 .LBB2_12-.Ltmp7, $1  }
0x150: {  	_ =	sdelay $0x3  }
0x151: {  	s1 =	sadd.s32 $0x2, s0  }
0x152: {  	p5 =	sge.u32 s1, s10  }
0x153: {  	s3 =	simm.s32 @!p5 $0x3  }
0x154: {  	_ =	swait.ge @!p5 [sflag:s3], $0x200  }
0x155: {  	s9 =	simm.s32 @!p5 $0x0;
	[sflag:s3] =	ssyncset.done @!p5 $0x0  }
0x156: {  	s11 =	simm.s32 @!p5 $0x800;
	[sflag:s3] =	ssyncadd.s32 @!p5 $0xFFFFFE00;
	s3 =	simm.s32 @!p5 $0x80  }
0x157: {  	[tilespmem:s11], [sflag:$0x1] =	stream.indirect.gather @!p5 [hbm4b:s5+s3], $0x30, s9, s3, $0xb8;
	[tilespmem:$0xEA30] =	vst v63  }
0x158: {  	s11 =	simm.s32 @!p5 $0x2000  }
0x159: {  	[tilespmem:s11], [sflag:$0x1] =	stream.indirect.gather @!p5 [hbm4b:s5+s3], $0x30, s3, s3, $0xb8;
	[tilespmem:$0xEA30] =	vst v63  }
0x15a: {  	s17 =	simm.s32 @!p5 $0x3800;
	s1 =	sadd.s32 @!p5 s8, s1;
	s11 =	simm.s32 @!p5 $0x100  }
0x15b: {  	[tilespmem:s17], [sflag:$0x1] =	stream.indirect.gather @!p5 [hbm4b:s5+s3], $0x30, s11, s3, $0xb8;
	[tilespmem:$0xEA30] =	vst v63  }
0x15c: {  	s1 =	sshll.u32 @!p5 s1, $0x6;
	s11 =	simm.s32 @!p5 $0x180;
	s17 =	simm.s32 @!p5 $0x5000  }
0x15d: {  	[tilespmem:s17], [sflag:$0x1] =	stream.indirect.gather @!p5 [hbm4b:s5+s3], $0x30, s11, s3, $0xb8;
	[tilespmem:$0xEA30] =	vst v63  }
0x15e: {  	s1 =	sadd.s32 @!p5 s7, s1;
	s3 =	simm.s32 @!p5 $0x400  }
0x15f: {  	[tilespmem:s3], [sflag:$0x1] =	stream.linear.gather @!p5 [hbm4b:s1+s9], $0x200, $0x38;
	[tilespmem:$0xEA30] =	vst v63  }
0x160: {  	p5 =	seq.s32 s30, $0x0  }
0x161: {  	s1 =	sadd.s32 @!p5 s0, s14  }
0x162: {  	p6 =	seq.s32 @!p5 s1, $0x30D  }
0x163: {  	p1 =	por !p6, p5  }
0x164: {  	s1 =	simm.s32 @!p1 $0x6  }
0x165: {  	_ =	swait.ge @!p1 [sflag:s1], $0x400  }
0x166: {  	p5 =	por p6, p5;
	[sflag:s1] =	ssyncset.done @!p1 $0x0  }
0x167: {  	[sflag:s1] =	ssyncadd.s32 @!p1 $0xFFFFFC00;
	s1 =	simm.s32 @!p5 $0x6  }
0x168: {  	_ =	swait.ge @!p5 [sflag:s1], $0x1000  }
0x169: {  	[sflag:s1] =	ssyncset.done @!p5 $0x0  }
0x16a: {  	[sflag:s1] =	ssyncadd.s32 @!p5 $0xFFFFF000  }
0x16b: {  	_ =	swait.ge [sflag:s25], $0x1800  }
0x16c: {  	[sflag:s25] =	ssyncset.done $0x0  }
0x16d: {  	[sflag:s25] =	ssyncadd.s32 $0xFFFFE800  }
0x16e: {  	_ =	swait.ge [sflag:s25], $0x1800  }
0x16f: {  	[sflag:s25] =	ssyncset.done $0x0  }
0x170: {  	[sflag:s25] =	ssyncadd.s32 $0xFFFFE800  }
0x171: {  	_ =	swait.ge [sflag:s25], $0x1800  }
0x172: {  	[sflag:s25] =	ssyncset.done $0x0  }
0x173: {  	[sflag:s25] =	ssyncadd.s32 $0xFFFFE800  }
0x174: {  	_ =	swait.ge [sflag:s25], $0x1800  }
0x175: {  	[sflag:s25] =	ssyncset.done $0x0  }
0x176: {  	[sflag:s25] =	ssyncadd.s32 $0xFFFFE800  }
0x177: {  	_ =	swait.ge [sflag:s25], $0x200  }
0x178: {  	s19 =	simm.s32 $0x0;
	s17 =	simm.s32 $0xC900;
	[sflag:s25] =	ssyncset.done $0x0  }
0x179: {  	s3 =	simm.s32 $0x0;
	s1 =	simm.s32 $0xFFFFFFFE;
	[sflag:s25] =	ssyncadd.s32 $0xFFFFFE00  }
.LBB2_9:
0x17a: {  	v14 =	vor.u32 s19, v0  }
0x17b: {  	v15 =	vmul.u32 $0xC0, v14  }
0x17c: {  	v14 =	vshll.u32 v14, $0x2  }
0x17d: {  	v16 =	vor.u32 $0x20, v15  }
0x17e: {  	v17 =	vor.u32 $0x21, v15  }
0x17f: {  	v18 =	vor.u32 $0x22, v15  }
0x180: {  	v19 =	vor.u32 $0x23, v15  }
0x181: {  	v22 =	vor.u32 $0x1, v14;
	v21 =	vor.u32 $0x24, v15;
	v20 =	vld.idx.msk [tilespmem:v14+s26+$0x0], $0xffff  }
0x182: {  	v23 =	vor.u32 $0x25, v15;
	v25 =	vmul.u32 $0x30, v22;
	v16 =	vld.idx.msk [tilespmem:v16+s28+$0x0], $0xffff  }
0x183: {  	v24 =	vor.u32 $0x26, v15;
	v17 =	vld.idx.msk [tilespmem:v17+s28+$0x0], $0xffff  }
0x184: {  	v27 =	vadd.s32 $0x20, v25;
	v18 =	vld.idx.msk [tilespmem:v18+s28+$0x0], $0xffff  }
0x185: {  	v28 =	vadd.s32 $0x21, v25;
	v19 =	vld.idx.msk [tilespmem:v19+s28+$0x0], $0xffff  }
0x186: {  	v29 =	vadd.s32 $0x22, v25;
	v21 =	vld.idx.msk [tilespmem:v21+s28+$0x0], $0xffff  }
0x187: {  	v30 =	vadd.s32 $0x23, v25;
	v23 =	vld.idx.msk [tilespmem:v23+s28+$0x0], $0xffff  }
0x188: {  	v31 =	vor.u32 $0x2, v14;
	v32 =	vadd.s32 $0x24, v25;
	v24 =	vld.idx.msk [tilespmem:v24+s28+$0x0], $0xffff  }
0x189: {  	v34 =	vmul.u32 $0x30, v31;
	v33 =	vadd.s32 $0x25, v25;
	v27 =	vld.idx.msk [tilespmem:v27+s28+$0x0], $0xffff  }
0x18a: {  	v35 =	vadd.s32 $0x26, v25;
	v28 =	vld.idx.msk [tilespmem:v28+s28+$0x0], $0xffff  }
0x18b: {  	v36 =	vadd.s32 $0x20, v34;
	v29 =	vld.idx.msk [tilespmem:v29+s28+$0x0], $0xffff  }
0x18c: {  	v37 =	vadd.s32 $0x21, v34;
	v14 =	vor.u32 $0x3, v14;
	v30 =	vld.idx.msk [tilespmem:v30+s28+$0x0], $0xffff  }
0x18d: {  	v39 =	vadd.s32 $0x22, v34;
	v38 =	vmul.u32 $0x30, v14;
	v32 =	vld.idx.msk [tilespmem:v32+s28+$0x0], $0xffff  }
0x18e: {  	v44 =	vadd.s32 $0x23, v34;
	v33 =	vld.idx.msk [tilespmem:v33+s28+$0x0], $0xffff  }
0x18f: {  	v40 =	vor.u32 $0x20, v38;
	v35 =	vld.idx.msk [tilespmem:v35+s28+$0x0], $0xffff  }
0x190: {  	v41 =	vor.u32 $0x21, v38;
	v36 =	vld.idx.msk [tilespmem:v36+s28+$0x0], $0xffff  }
0x191: {  	v46 =	vadd.s32 $0x24, v34;
	v37 =	vld.idx.msk [tilespmem:v37+s28+$0x0], $0xffff  }
0x192: {  	v43 =	vor.u32 $0x22, v38;
	v39 =	vld.idx.msk [tilespmem:v39+s28+$0x0], $0xffff  }
0x193: {  	v59 =	vadd.s32 $0x26, v34;
	v57 =	vld.idx.msk [tilespmem:v44+s28+$0x0], $0xffff  }
0x194: {  	v45 =	vor.u32 $0x23, v38;
	v40 =	vld.idx.msk [tilespmem:v40+s28+$0x0], $0xffff  }
0x195: {  	v42 =	vadd.s32 $0x27, v25;
	v41 =	vld.idx.msk [tilespmem:v41+s28+$0x0], $0xffff  }
0x196: {  	v26 =	vor.u32 $0x27, v15;
	v22 =	vand.u32 $0x7FFFFFBD, v22;
	v54 =	vor.u32 $0x24, v38;
	v61 =	vld.idx.msk [tilespmem:v46+s28+$0x0], $0xffff  }
0x197: {  	v55 =	vadd.s32 $0x25, v34;
	v63 =	vadd.s32 $0x27, v34;
	v14 =	vand.u32 $0x7FFFFFBF, v14;
	v56 =	vld.idx.msk [tilespmem:v43+s28+$0x0], $0xffff  }
0x198: {  	v58 =	vor.u32 $0x25, v38;
	v47 =	vld.idx.msk [tilespmem:v59+s28+$0x0], $0xffff;
	v16 =	vmax.f32 v16, v27;
	v17 =	vmax.f32 v17, v28  }
0x199: {  	v62 =	vor.u32 $0x26, v38;
	v60 =	vld.idx.msk [tilespmem:v45+s28+$0x0], $0xffff;
	v16 =	vmax.f32 v16, v36;
	v17 =	vmax.f32 v17, v37  }
0x19a: {  	v27 =	vld.idx.msk [tilespmem:v42+s28+$0x0], $0xffff;
	v18 =	vmax.f32 v18, v29;
	v16 =	vmax.f32 v16, v40;
	v17 =	vmax.f32 v17, v41  }
0x19b: {  	v28 =	vld.idx.msk [tilespmem:v54+s28+$0x0], $0xffff;
	v18 =	vmax.f32 v18, v39;
	v16 =	vmul.f32 v16, v3;
	v17 =	vmul.f32 v17, v4  }
0x19c: {  	v19 =	vmax.f32 v19, v30;
	v29 =	vld.idx.msk [tilespmem:v55+s28+$0x0], $0xffff;
	v42 =	vor.u32 $0x27, v38;
	v18 =	vmax.f32 v18, v56  }
0x19d: {  	v43 =	vld.idx.msk [tilespmem:v58+s28+$0x0], $0xffff;
	v19 =	vmax.f32 v19, v57;
	v45 =	vmul.f32 v18, v5;
	v16 =	vadd.f32 v17, v16  }
0x19e: {  	v31 =	vand.u32 $0x7FFFFFBE, v31;
	v48 =	vld.idx.msk [tilespmem:v62+s28+$0x0], $0xffff;
	v46 =	vmax.f32 v21, v32;
	v19 =	vmax.f32 v19, v60  }
0x19f: {  	v26 =	vld.idx.msk [tilespmem:v26+s28+$0x0], $0xffff;
	v18 =	vmax.f32 v46, v61;
	v49 =	vmul.f32 v19, v6;
	v16 =	vadd.f32 v45, v16  }
0x1a0: {  	v51 =	vld.idx.msk [tilespmem:v63+s28+$0x0], $0xffff;
	v50 =	vmax.f32 v23, v33;
	v24 =	vmax.f32 v24, v35;
	v18 =	vmax.f32 v18, v28  }
0x1a1: {  	v19 =	vmax.f32 v50, v29;
	v52 =	vld.idx.msk [tilespmem:v42+s28+$0x0], $0xffff;
	v53 =	vmul.f32 v18, v7;
	v16 =	vadd.f32 v49, v16  }
0x1a2: {  	v15 =	vor.u32 $0x28, v15;
	v14 =	vld.idx.msk [tilespmem:v14+s26+$0x0], $0xffff;
	v21 =	vmax.f32 v24, v47;
	v19 =	vmax.f32 v19, v43  }
0x1a3: {  	v54 =	vld.idx.msk [tilespmem:v22+s26+$0x0], $0xffff;
	v21 =	vmax.f32 v21, v48;
	v57 =	vmul.f32 v19, v8;
	v16 =	vadd.f32 v53, v16  }
0x1a4: {  	v55 =	vadd.s32 $0x28, v25;
	v56 =	vld.idx.msk [tilespmem:v31+s26+$0x0], $0xffff;
	v58 =	vmax.f32 v26, v27;
	v60 =	vmul.f32 v21, v9  }
0x1a5: {  	v61 =	vor.u32 $0x28, v38;
	v19 =	vmax.f32 v58, v51;
	v16 =	vadd.f32 v57, v16  }
0x1a6: {  	v59 =	vadd.s32 $0x28, v34;
	v19 =	vmax.f32 v19, v52  }
0x1a7: {  	v62 =	vmul.f32 v19, v10;
	v16 =	vadd.f32 v60, v16  }
0x1a8: {  	v15 =	vld.idx.msk [tilespmem:v15+s28+$0x0], $0xffff  }
0x1a9: {  	v63 =	vmax.f32 v20, v54;
	v22 =	vld.idx.msk [tilespmem:v55+s28+$0x0], $0xffff;
	v26 =	vmax.f32 v56, v14;
	v16 =	vadd.f32 v62, v16  }
0x1aa: {  	v27 =	vmax.f32 v63, v26;
	v21 =	vld.idx.msk [tilespmem:v61+s28+$0x0], $0xffff  }
0x1ab: {  	v20 =	vmul.f32 v20, v13;
	v28 =	vld.idx.msk [tilespmem:v59+s28+$0x0], $0xffff;
	v17 =	vmul.f32 v27, v12;
	v16 =	vsub.f32 v11, v16  }
0x1ac: {  	v18 =	vmul.f32 v54, v13  }
0x1ad: {  	s9 =	sadd.s32 $0x10, s19;
	v15 =	vadd.f32 v15, v20;
	v14 =	vmul.f32 v14, v13;
	v16 =	vsub.f32 v16, v17  }
0x1ae: {  	v30 =	vor.u32 s9, v0;
	v29 =	vmul.f32 v56, v13;
	v18 =	vadd.f32 v22, v18  }
0x1af: {  	v19 =	vmul.u32 $0xC0, v30;
	v14 =	vadd.f32 v21, v14;
	v15 =	vadd.f32 v16, v15  }
0x1b0: {  	v20 =	vshll.u32 v30, $0x2;
	v17 =	vadd.f32 v28, v29;
	v18 =	vadd.f32 v16, v18  }
0x1b1: {  	v31 =	vor.u32 $0x20, v19;
	v14 =	vadd.f32 v16, v14;
	[tilespmem:s17+$0xFFFFFF00] =	vst v15  }
0x1b2: {  	v32 =	vor.u32 $0x21, v19;
	v15 =	vadd.f32 v16, v17;
	[tilespmem:s17+$0xFFFFFF80] =	vst v18  }
0x1b3: {  	v33 =	vor.u32 $0x24, v19;
	[tilespmem:s17+$0x80] =	vst v14  }
0x1b4: {  	v22 =	vor.u32 $0x1, v20;
	v34 =	vor.u32 $0x25, v19;
	[tilespmem:s17+$0x0] =	vst v15  }
0x1b5: {  	v25 =	vmul.u32 $0x30, v22;
	v35 =	vor.u32 $0x26, v19;
	v18 =	vld.idx.msk [tilespmem:v20+s26+$0x0], $0xffff  }
0x1b6: {  	v36 =	vor.u32 $0x27, v19;
	v17 =	vld.idx.msk [tilespmem:v31+s28+$0x0], $0xffff  }
0x1b7: {  	v37 =	vadd.s32 $0x20, v25;
	v16 =	vld.idx.msk [tilespmem:v32+s28+$0x0], $0xffff  }
0x1b8: {  	v38 =	vadd.s32 $0x21, v25;
	v21 =	vld.idx.msk [tilespmem:v33+s28+$0x0], $0xffff  }
0x1b9: {  	v39 =	vadd.s32 $0x22, v25;
	v23 =	vld.idx.msk [tilespmem:v34+s28+$0x0], $0xffff  }
0x1ba: {  	v40 =	vadd.s32 $0x23, v25;
	v24 =	vld.idx.msk [tilespmem:v35+s28+$0x0], $0xffff  }
0x1bb: {  	v41 =	vadd.s32 $0x24, v25;
	v26 =	vld.idx.msk [tilespmem:v36+s28+$0x0], $0xffff  }
0x1bc: {  	v42 =	vadd.s32 $0x25, v25;
	v27 =	vld.idx.msk [tilespmem:v37+s28+$0x0], $0xffff  }
0x1bd: {  	v43 =	vadd.s32 $0x26, v25;
	v28 =	vld.idx.msk [tilespmem:v38+s28+$0x0], $0xffff  }
0x1be: {  	v47 =	vadd.s32 $0xB0, v19;
	v29 =	vld.idx.msk [tilespmem:v39+s28+$0x0], $0xffff  }
0x1bf: {  	v48 =	vadd.s32 $0xB1, v19;
	v31 =	vor.u32 $0x2, v20;
	v30 =	vld.idx.msk [tilespmem:v40+s28+$0x0], $0xffff  }
0x1c0: {  	v50 =	vadd.s32 $0xB2, v19;
	v32 =	vld.idx.msk [tilespmem:v41+s28+$0x0], $0xffff;
	v34 =	vmul.u32 $0x30, v31  }
0x1c1: {  	v52 =	vadd.s32 $0xB3, v19;
	v33 =	vld.idx.msk [tilespmem:v42+s28+$0x0], $0xffff  }
0x1c2: {  	v35 =	vld.idx.msk [tilespmem:v43+s28+$0x0], $0xffff;
	v44 =	vadd.s32 $0x20, v34  }
0x1c3: {  	v39 =	vld.idx.msk [tilespmem:v47+s28+$0x0], $0xffff;
	v45 =	vadd.s32 $0x21, v34  }
0x1c4: {  	v15 =	vor.u32 $0x22, v19;
	v40 =	vld.idx.msk [tilespmem:v48+s28+$0x0], $0xffff  }
0x1c5: {  	v57 =	vld.idx.msk [tilespmem:v50+s28+$0x0], $0xffff;
	v46 =	vadd.s32 $0x22, v34  }
0x1c6: {  	v14 =	vor.u32 $0x23, v19;
	v61 =	vld.idx.msk [tilespmem:v52+s28+$0x0], $0xffff  }
0x1c7: {  	v49 =	vadd.s32 $0x23, v34;
	v36 =	vld.idx.msk [tilespmem:v44+s28+$0x0], $0xffff  }
0x1c8: {  	v53 =	vadd.s32 $0x27, v25;
	v37 =	vld.idx.msk [tilespmem:v45+s28+$0x0], $0xffff  }
0x1c9: {  	v51 =	vadd.s32 $0x24, v34;
	v15 =	vld.idx.msk [tilespmem:v15+s28+$0x0], $0xffff  }
0x1ca: {  	v55 =	vadd.s32 $0xB4, v19;
	v38 =	vld.idx.msk [tilespmem:v46+s28+$0x0], $0xffff  }
0x1cb: {  	v59 =	vadd.s32 $0xB5, v19;
	v63 =	vadd.s32 $0xB6, v19;
	v14 =	vld.idx.msk [tilespmem:v14+s28+$0x0], $0xffff;
	v56 =	vadd.s32 $0x25, v34  }
0x1cc: {  	v60 =	vadd.s32 $0x26, v34;
	v17 =	vmax.f32 v17, v27;
	v16 =	vmax.f32 v16, v28;
	v54 =	vld.idx.msk [tilespmem:v49+s28+$0x0], $0xffff  }
0x1cd: {  	v62 =	vld.idx.msk [tilespmem:v53+s28+$0x0], $0xffff;
	v44 =	vadd.s32 $0x27, v34;
	v17 =	vmax.f32 v17, v36;
	v16 =	vmax.f32 v16, v37  }
0x1ce: {  	v58 =	vld.idx.msk [tilespmem:v51+s28+$0x0], $0xffff;
	v15 =	vmax.f32 v15, v29;
	v17 =	vmax.f32 v17, v39;
	v16 =	vmax.f32 v16, v40  }
0x1cf: {  	v41 =	vld.idx.msk [tilespmem:v55+s28+$0x0], $0xffff;
	v15 =	vmax.f32 v15, v38;
	v17 =	vmul.f32 v17, v3;
	v16 =	vmul.f32 v16, v4  }
0x1d0: {  	v14 =	vmax.f32 v14, v30;
	v28 =	vld.idx.msk [tilespmem:v56+s28+$0x0], $0xffff;
	v45 =	vadd.s32 $0xB7, v19;
	v15 =	vmax.f32 v15, v57  }
0x1d1: {  	v46 =	vld.idx.msk [tilespmem:v59+s28+$0x0], $0xffff;
	v14 =	vmax.f32 v14, v54;
	v15 =	vmul.f32 v15, v5;
	v16 =	vadd.f32 v16, v17  }
0x1d2: {  	v48 =	vor.u32 $0x3, v20;
	v21 =	vmax.f32 v21, v32;
	v47 =	vld.idx.msk [tilespmem:v60+s28+$0x0], $0xffff;
	v14 =	vmax.f32 v14, v61  }
0x1d3: {  	v49 =	vld.idx.msk [tilespmem:v63+s28+$0x0], $0xffff;
	v21 =	vmax.f32 v21, v58;
	v14 =	vmul.f32 v14, v6;
	v15 =	vadd.f32 v15, v16  }
0x1d4: {  	v25 =	vadd.s32 $0x28, v25;
	v23 =	vmax.f32 v23, v33;
	v50 =	vld.idx.msk [tilespmem:v44+s28+$0x0], $0xffff;
	v21 =	vmax.f32 v21, v41  }
0x1d5: {  	v23 =	vmax.f32 v23, v28;
	v51 =	vld.idx.msk [tilespmem:v45+s28+$0x0], $0xffff;
	v14 =	vadd.f32 v14, v15;
	v15 =	vmul.f32 v21, v7  }
0x1d6: {  	v52 =	vld.idx.msk [tilespmem:v22+s26+$0x0], $0xffff;
	v53 =	vor.u32 $0x28, v19;
	v24 =	vmax.f32 v24, v35;
	v17 =	vmax.f32 v23, v46  }
0x1d7: {  	v54 =	vld.idx.msk [tilespmem:v31+s26+$0x0], $0xffff;
	v24 =	vmax.f32 v24, v47;
	v14 =	vadd.f32 v15, v14;
	v15 =	vmul.f32 v17, v8  }
0x1d8: {  	v55 =	vmax.f32 v26, v62;
	v56 =	vadd.s32 $0x28, v34;
	v20 =	vmax.f32 v24, v49;
	v16 =	vld.idx.msk [tilespmem:v48+s26+$0x0], $0xffff  }
0x1d9: {  	v17 =	vmax.f32 v55, v50;
	v14 =	vadd.f32 v15, v14;
	v15 =	vmul.f32 v20, v9  }
0x1da: {  	v19 =	vadd.s32 $0xB8, v19;
	v17 =	vmax.f32 v17, v51  }
0x1db: {  	v14 =	vadd.f32 v15, v14;
	v15 =	vmul.f32 v17, v10  }
0x1dc: {  	v57 =	vld.idx.msk [tilespmem:v53+s28+$0x0], $0xffff  }
0x1dd: {  	v60 =	vld.idx.msk [tilespmem:v25+s28+$0x0], $0xffff;
	v58 =	vmax.f32 v18, v52;
	v59 =	vmax.f32 v54, v16;
	v14 =	vadd.f32 v15, v14  }
0x1de: {  	v61 =	vld.idx.msk [tilespmem:v56+s28+$0x0], $0xffff;
	v15 =	vmax.f32 v58, v59  }
0x1df: {  	v19 =	vld.idx.msk [tilespmem:v19+s28+$0x0], $0xffff;
	v18 =	vmul.f32 v18, v13;
	v15 =	vmul.f32 v15, v12;
	v14 =	vsub.f32 v11, v14  }
0x1e0: {  	v21 =	vmul.f32 v52, v13  }
0x1e1: {  	v62 =	vmul.f32 v54, v13;
	v14 =	vsub.f32 v14, v15;
	v15 =	vadd.f32 v57, v18  }
0x1e2: {  	s1 =	sadd.s32 $0x2, s1;
	v63 =	vadd.f32 v60, v21;
	v16 =	vmul.f32 v16, v13  }
0x1e3: {  	p1 =	slt.u32 s1, $0x6;
	v17 =	vadd.f32 v61, v62;
	v15 =	vadd.f32 v14, v15  }
.Ltmp8:
0x1e4: {  	v16 =	vadd.f32 v19, v16;
	v18 =	vadd.f32 v14, v63;
	(pc) =	sbr.rel @p1 .LBB2_9-.Ltmp8, $4  }
0x1e5: {  	[tilespmem:s17+$0xFFFFFF10] =	vst v15;
	v15 =	vadd.f32 v14, v17  }
0x1e6: {  	[tilespmem:s17+$0xFFFFFF90] =	vst v18;
	v14 =	vadd.f32 v14, v16  }
0x1e7: {  	s19 =	sadd.s32 $0x20, s19;
	[tilespmem:s17+$0x10] =	vst v15  }
0x1e8: {  	s11 =	simm.s32 $0x6980;
	s9 =	simm.s32 $0xDA40;
	[tilespmem:s17+$0x90] =	vst v14;
	s17 =	sadd.s32 $0x20, s17  }
.LBB2_10:
0x1e9: {  	v14 =	vmov s3  }
0x1ea: {  	v17 =	vld [tilespmem:s11+$0xFFFFFE80];
	v15 =	vand.u32 $0x7C, v14  }
0x1eb: {  	v19 =	vld [tilespmem:s11+$0xFFFFFE90];
	v16 =	vor.u32 $0x80, v15  }
0x1ec: {  	v20 =	vld [tilespmem:s11+$0xFFFFFEB0]  }
0x1ed: {  	v21 =	vld [tilespmem:s11+$0xFFFFFEC0];
	v18 =	vor.u32 $0x100, v15  }
0x1ee: {  	v14 =	vld.idx.msk [tilespmem:v14+s23+$0x0], $0xffff  }
0x1ef: {  	v22 =	vld [tilespmem:s11+$0xFFFFFEE0];
	v15 =	vor.u32 $0x180, v15  }
0x1f0: {  	v16 =	vld.idx.msk [tilespmem:v16+s23+$0x0], $0xffff  }
0x1f1: {  	v23 =	vld [tilespmem:s11+$0xFFFFFEF0]  }
0x1f2: {  	v18 =	vld.idx.msk [tilespmem:v18+s23+$0x0], $0xffff  }
0x1f3: {  	v61 =	vld [tilespmem:s11+$0xFFFFFF10];
	v17 =	vmul.f32 v17, v14  }
0x1f4: {  	v15 =	vld.idx.msk [tilespmem:v15+s23+$0x0], $0xffff;
	v14 =	vmul.f32 v19, v14  }
0x1f5: {  	v24 =	vld [tilespmem:s11+$0xFFFFFF20];
	v17 =	vadd.f32 v17, v1;
	v20 =	vmul.f32 v20, v16  }
0x1f6: {  	v14 =	vadd.f32 v14, v2;
	v16 =	vmul.f32 v21, v16  }
0x1f7: {  	v62 =	vmul.f32 v22, v18;
	v17 =	vadd.f32 v20, v17  }
0x1f8: {  	v63 =	vmul.f32 v23, v18;
	v14 =	vadd.f32 v16, v14  }
0x1f9: {  	s1 =	sadd.s32 $0x1, s3;
	v21 =	vmul.f32 v61, v15;
	v17 =	vadd.f32 v62, v17  }
0x1fa: {  	v15 =	vmul.f32 v24, v15;
	v22 =	vmov s1;
	v14 =	vadd.f32 v63, v14  }
0x1fb: {  	v17 =	vadd.f32 v21, v17  }
0x1fc: {  	v14 =	vadd.f32 v15, v14  }
0x1fd: {  	[tilespmem:s9+$0xFFFFFFC0] =	vst v17  }
0x1fe: {  	[tilespmem:s9+$0xFFFFFFD0] =	vst v14  }
0x1ff: {  	v15 =	vand.u32 $0x7D, v22;
	v14 =	vld.idx.msk [tilespmem:v22+s23+$0x0], $0xffff  }
0x200: {  	v23 =	vor.u32 $0x80, v15;
	v24 =	vld [tilespmem:s11+$0xFFFFFF40]  }
0x201: {  	v26 =	vld [tilespmem:s11+$0xFFFFFF50]  }
0x202: {  	v25 =	vor.u32 $0x100, v15;
	v27 =	vld [tilespmem:s11+$0xFFFFFF70]  }
0x203: {  	v28 =	vld [tilespmem:s11+$0xFFFFFF80]  }
0x204: {  	v15 =	vor.u32 $0x180, v15;
	v29 =	vld [tilespmem:s11+$0xFFFFFFA0]  }
0x205: {  	v17 =	vld.idx.msk [tilespmem:v23+s23+$0x0], $0xffff  }
0x206: {  	v30 =	vld [tilespmem:s11+$0xFFFFFFB0]  }
0x207: {  	v18 =	vld.idx.msk [tilespmem:v25+s23+$0x0], $0xffff  }
0x208: {  	v31 =	vld [tilespmem:s11+$0xFFFFFFD0];
	v16 =	vmul.f32 v24, v14  }
0x209: {  	v15 =	vld.idx.msk [tilespmem:v15+s23+$0x0], $0xffff;
	v14 =	vmul.f32 v26, v14  }
0x20a: {  	v32 =	vld [tilespmem:s11+$0xFFFFFFE0];
	v16 =	vadd.f32 v16, v1;
	v20 =	vmul.f32 v27, v17  }
0x20b: {  	v14 =	vadd.f32 v14, v2;
	v17 =	vmul.f32 v28, v17  }
0x20c: {  	v33 =	vmul.f32 v29, v18;
	v16 =	vadd.f32 v20, v16  }
0x20d: {  	v34 =	vmul.f32 v30, v18;
	v14 =	vadd.f32 v17, v14  }
0x20e: {  	s17 =	sadd.s32 $0x2, s3;
	v35 =	vmul.f32 v31, v15;
	v16 =	vadd.f32 v33, v16  }
0x20f: {  	v36 =	vmov s17;
	v15 =	vmul.f32 v32, v15;
	v14 =	vadd.f32 v34, v14  }
0x210: {  	v16 =	vadd.f32 v35, v16  }
0x211: {  	v14 =	vadd.f32 v15, v14  }
0x212: {  	[tilespmem:s9+$0xFFFFFFE0] =	vst v16  }
0x213: {  	[tilespmem:s9+$0xFFFFFFF0] =	vst v14  }
0x214: {  	v15 =	vand.u32 $0x7E, v36;
	v14 =	vld.idx.msk [tilespmem:v36+s23+$0x0], $0xffff  }
0x215: {  	v37 =	vor.u32 $0x80, v15;
	v38 =	vld [tilespmem:s11+$0x0]  }
0x216: {  	v40 =	vld [tilespmem:s11+$0x10]  }
0x217: {  	v39 =	vor.u32 $0x100, v15;
	v41 =	vld [tilespmem:s11+$0x30]  }
0x218: {  	v42 =	vld [tilespmem:s11+$0x40]  }
0x219: {  	v15 =	vor.u32 $0x180, v15;
	v43 =	vld [tilespmem:s11+$0x60]  }
0x21a: {  	v16 =	vld.idx.msk [tilespmem:v37+s23+$0x0], $0xffff  }
0x21b: {  	v44 =	vld [tilespmem:s11+$0x70]  }
0x21c: {  	v18 =	vld.idx.msk [tilespmem:v39+s23+$0x0], $0xffff  }
0x21d: {  	v45 =	vld [tilespmem:s11+$0x90];
	v17 =	vmul.f32 v38, v14  }
0x21e: {  	v15 =	vld.idx.msk [tilespmem:v15+s23+$0x0], $0xffff;
	v14 =	vmul.f32 v40, v14  }
0x21f: {  	v46 =	vld [tilespmem:s11+$0xA0];
	v17 =	vadd.f32 v17, v1;
	v20 =	vmul.f32 v41, v16  }
0x220: {  	v14 =	vadd.f32 v14, v2;
	v16 =	vmul.f32 v42, v16  }
0x221: {  	v47 =	vmul.f32 v43, v18;
	v17 =	vadd.f32 v20, v17  }
0x222: {  	v48 =	vmul.f32 v44, v18;
	v14 =	vadd.f32 v16, v14  }
0x223: {  	s19 =	sadd.s32 $0x3, s3;
	v49 =	vmul.f32 v45, v15;
	v17 =	vadd.f32 v47, v17  }
0x224: {  	v50 =	vmov s19;
	v15 =	vmul.f32 v46, v15;
	v14 =	vadd.f32 v48, v14  }
0x225: {  	v17 =	vadd.f32 v49, v17  }
0x226: {  	v14 =	vadd.f32 v15, v14  }
0x227: {  	[tilespmem:s9+$0x0] =	vst v17  }
0x228: {  	[tilespmem:s9+$0x10] =	vst v14  }
0x229: {  	v15 =	vand.u32 $0x7F, v50;
	v14 =	vld.idx.msk [tilespmem:v50+s23+$0x0], $0xffff  }
0x22a: {  	v51 =	vor.u32 $0x80, v15;
	v52 =	vld [tilespmem:s11+$0xC0]  }
0x22b: {  	v54 =	vld [tilespmem:s11+$0xD0]  }
0x22c: {  	v53 =	vor.u32 $0x100, v15;
	v55 =	vld [tilespmem:s11+$0xF0]  }
0x22d: {  	v56 =	vld [tilespmem:s11+$0x100]  }
0x22e: {  	v15 =	vor.u32 $0x180, v15;
	v57 =	vld [tilespmem:s11+$0x120]  }
0x22f: {  	v17 =	vld.idx.msk [tilespmem:v51+s23+$0x0], $0xffff  }
0x230: {  	v58 =	vld [tilespmem:s11+$0x130]  }
0x231: {  	v18 =	vld.idx.msk [tilespmem:v53+s23+$0x0], $0xffff  }
0x232: {  	v59 =	vld [tilespmem:s11+$0x150];
	v16 =	vmul.f32 v52, v14  }
0x233: {  	v15 =	vld.idx.msk [tilespmem:v15+s23+$0x0], $0xffff;
	v14 =	vmul.f32 v54, v14  }
0x234: {  	v60 =	vld [tilespmem:s11+$0x160];
	v16 =	vadd.f32 v16, v1;
	v20 =	vmul.f32 v55, v17  }
0x235: {  	v14 =	vadd.f32 v14, v2;
	v17 =	vmul.f32 v56, v17  }
0x236: {  	v61 =	vmul.f32 v57, v18;
	v16 =	vadd.f32 v20, v16  }
0x237: {  	v62 =	vmul.f32 v58, v18;
	v14 =	vadd.f32 v17, v14  }
0x238: {  	p1 =	slt.u32 s3, $0x7C;
	v63 =	vmul.f32 v59, v15;
	v16 =	vadd.f32 v61, v16  }
.Ltmp9:
0x239: {  	v15 =	vmul.f32 v60, v15;
	v14 =	vadd.f32 v62, v14;
	(pc) =	sbr.rel @p1 .LBB2_10-.Ltmp9, $4  }
0x23a: {  	v16 =	vadd.f32 v63, v16  }
0x23b: {  	v14 =	vadd.f32 v15, v14  }
0x23c: {  	[tilespmem:s9+$0x20] =	vst v16  }
0x23d: {  	s3 =	sadd.s32 $0x4, s3;
	s11 =	sadd.s32 $0x300, s11;
	[tilespmem:s9+$0x30] =	vst v14;
	s9 =	sadd.s32 $0x80, s9  }
0x23e: {  	s0 =	sadd.s32 $0x3, s0  }
0x23f: {  	p1 =	sge.u32 s0, s10  }
0x240: {  	s0 =	sadd.s32 @!p1 s8, s0  }
0x241: {  	p5 =	seq.s32 @!p1 s0, $0x30D  }
0x242: {  	s0 =	sshll.u32 @!p1 s0, $0x6;
	p5 =	por !p5, p1  }
0x243: {  	s1 =	sadd.s32 s8, s31;
	s0 =	simm.s32 @!p5 $0xC310  }
0x244: {  	s3 =	simm.s32 @!p1 $0x0;
	s9 =	simm.s32 @!p1 $0x200;
	s0 =	sadd.s32 @!p1 s6, s0  }
0x245: {  	[tilespmem:s9], [sflag:$0x4] =	stream.linear.gather @!p1 [hbm4b:s0+s3], $0x200, $0x38;
	[tilespmem:$0xEA30] =	vst v63  }
0x246: {  	p1 =	seq.s32 s1, $0x30D  }
.Ltmp10:
0x247: {  	s0 =	simm.s32 @p1 $0x0;
	s3 =	simm.s32 @p1 $0xE600;
	(pc) =	sbr.rel .LBB2_12-.Ltmp10, $4  }
0x248: {  	[hbm4b:s15+s0] =	stream.linear.scatter @p1 [tilespmem:s3], [sflag:$0x6], $0x400, $0x38;
	[tilespmem:$0xEA30] =	vst v63  }
0x249: {  	s0 =	sshll.u32 @!p1 s1, $0x9  }
0x24a: {  	s1 =	simm.s32 @!p1 $0x0;
	s3 =	simm.s32 @!p1 $0xDA00;
	s0 =	sadd.s32 @!p1 s2, s0  }
0x24b: {  	[hbm4b:s0+s1] =	stream.linear.scatter @!p1 [tilespmem:s3], [sflag:$0x6], $0x1000, $0x38;
	[tilespmem:$0xEA30] =	vst v63  }
.LBB2_14:
0x24c: {  	_ =	sfence.sel $0x180000  }
0x24d: {  	[bflag:$0x0] =	sbarrier.arrive $0xFFFF  }
0x24e: {  	_ =	strace $0x90000047  }
0x24f: {  	s0 =	stileid.u32;
	[bflag:$0x2] =	sbarrier.arrive $0xFFFF  }
0x250: {  	p0 =	sne.s32 s0, $0x0;
	s0 =	rddreg [dreg:$0x3]  }
0x251: {  	s0 =	sadd.s32 @!p0 $0x100000, s0  }
0x252: {  	[sflag:s0] =	ssyncadd.tile.s32 @!p0 $0x1;
	_ =	shalt  }
.Lfunc_end2:
_tile_overlayer_lowered:
.L_overlay_start_2:
0x253: {  	(tag) =	ssettag $0x2  }
0x254: {  	s0 =	rddreg [dreg:$0x0];
	s2 =	stileid.u32  }
0x255: {  	s1 =	rddreg [dreg:$0x1];
	p0 =	sne.s32 s2, $0x0  }
0x256: {  	s3 =	rddreg [dreg:$0x2];
	[bflag:$0x3] =	sbarrier.arrive $0xFFFF;
	s2 =	simm.s32 @!p0 $0x1C07  }
0x257: {  	[timem:s3], [sflag:s2] =	dma.local @!p0 [hbm:s0], s1  }
0x258: {  	s0 =	simm.s32 @!p0 $0x7  }
0x259: {  	_ =	swait.ge @!p0 [sflag:s0], s1  }
0x25a: {  	s1 =	ssub.s32 @!p0 $0x0, s1;
	[sflag:s0] =	ssyncset.done @!p0 $0x0  }
0x25b: {  	[sflag:s0] =	ssyncadd.s32 @!p0 s1  }
0x25c: {  	[bflag:$0x3] =	sbarrier.arrive $0xFFFF  }
0x25d: {  	_ =	shalt  }

</sc_bundles>
